<compile_context>
chip_gen: v7x
topology: tpu7x:2x2x1
jax: 0.10.2.dev20260603
libtpu: 0.0.44.dev20260713+nightly
codegen_flags: <defaults>
</compile_context>

<pallas_src>
import jax
import jax.numpy as jnp
from jax import lax
from jax.experimental import pallas as pl
from jax.experimental.pallas import tpu as pltpu
from jax.experimental.pallas import tpu_sc as plsc

N = 100000
D = 64
B = 16384
ENTITY_AWARE_COFF = 0.001
EWC_LAMBDA = 100.0

NC = 2
NS = 16
LANES = 16
NW = NC * NS
BPW = B // NW
CH = 128
NCHUNK = BPW // CH
NG = CH // LANES

BLK_M = 16384
GRID_M = (N + BLK_M - 1) // BLK_M
N2 = GRID_M * BLK_M


SH = BLK_M.bit_length() - 1
HALF = BLK_M // 2


def _prep_body(xt_ref, xmt_ref, xrm_ref, ewc_ref):
    i = pl.program_id(0)

    @pl.when(i == 0)
    def _():
        ewc_ref[0, 0] = 0.0

    xt = xt_ref[...]
    d = xt - xmt_ref[...]
    col = lax.broadcasted_iota(jnp.int32, (D, BLK_M), 1)
    d = jnp.where(col < N - i * BLK_M, d, 0.0)
    ewc_ref[0, 0] += (EWC_LAMBDA / 2.0) * 1e-05 * jnp.sum(d * d)
    t = jnp.transpose(xt)
    xrm_ref[:, :D] = t[: BLK_M // 2]
    xrm_ref[:, D:] = t[BLK_M // 2:]


def _prep(xt, xmt):
    return pl.pallas_call(
        _prep_body,
        grid=(GRID_M,),
        in_specs=[
            pl.BlockSpec((D, BLK_M), lambda i: (0, i)),
            pl.BlockSpec((D, BLK_M), lambda i: (0, i)),
        ],
        out_specs=(
            pl.BlockSpec((BLK_M // 2, 2 * D), lambda i: (i, 0)),
            pl.BlockSpec(memory_space=pltpu.SMEM),
        ),
        out_shape=(
            jax.ShapeDtypeStruct((N2 // 2, 2 * D), jnp.float32),
            jax.ShapeDtypeStruct((1, 1), jnp.float32),
        ),
    )(xt, xmt)


def _sc_body(x_hbm, i0, i1, i2, i3, i4, i5, i6, cf_hbm, it_hbm, us_hbm,
             idx_v,
             b0_u, b0_p, b0_n, b0_e1, b0_e2, b0_e3, b0_e4,
             b1_u, b1_p, b1_n, b1_e1, b1_e2, b1_e3, b1_e4,
             st_cf, st_it, st_us, cf_b, it_b, us_b, *sems):
    wid = lax.axis_index("s") * NC + lax.axis_index("c")
    base = wid * BPW
    lane = lax.iota(jnp.int32, LANES)
    banks = ((b0_u, b0_p, b0_n, b0_e1, b0_e2, b0_e3, b0_e4),
             (b1_u, b1_p, b1_n, b1_e1, b1_e2, b1_e3, b1_e4))

    for j, ih in enumerate((i0, i1, i2, i3, i4, i5, i6)):
        pltpu.sync_copy(ih.at[wid], idx_v.at[j])

    def fire(c):
        b = banks[c % 2]
        s = sems[(c % 2) * 7:(c % 2) * 7 + 7]
        return [pltpu.async_copy(x_hbm.at[idx_v.at[j, c]], b[j], s[j])
                for j in range(7)]

    cps = fire(0)
    for c in range(NCHUNK):
        for cp in cps:
            cp.wait()
        cps = fire(c + 1) if c + 1 < NCHUNK else []
        u_r, p_r, n_r, e1_r, e2_r, e3_r, e4_r = banks[c % 2]

        def pair_step(p, _):
            cf = jnp.zeros((LANES,), jnp.float32)
            it = jnp.zeros((LANES,), jnp.float32)
            us = jnp.zeros((LANES,), jnp.float32)
            for d in range(D // LANES):
                ds_ = pl.ds(d * LANES, LANES)
                xu = u_r[p, ds_]
                xi = p_r[p, ds_]
                cf += xu * (xi - n_r[p, ds_])
                dip = xi - e1_r[p, ds_]
                din = xi - e2_r[p, ds_]
                it += dip * dip - din * din
                dup = xu - e3_r[p, ds_]
                dun = xu - e4_r[p, ds_]
                us += dup * dup - dun * dun
            jj = p & (LANES - 1)
            colv = jnp.full((LANES,), jj, jnp.int32)
            plsc.store_scatter(st_cf, [lane, colv], cf)
            plsc.store_scatter(st_it, [lane, colv], it)
            plsc.store_scatter(st_us, [lane, colv], us)

            @pl.when(jj == LANES - 1)
            def _():
                o = pl.ds(c * CH + p - (LANES - 1), LANES)
                for st, out_b in ((st_cf, cf_b), (st_it, it_b), (st_us, us_b)):
                    rows_ = [st[l, :] for l in range(LANES)]
                    while len(rows_) > 1:
                        rows_ = [a + b for a, b in zip(rows_[::2], rows_[1::2])]
                    out_b[o] = rows_[0]

            return 0

        lax.fori_loop(0, CH, pair_step, 0, unroll=2)

    pltpu.sync_copy(cf_b, cf_hbm.at[pl.ds(base, BPW)])
    pltpu.sync_copy(it_b, it_hbm.at[pl.ds(base, BPW)])
    pltpu.sync_copy(us_b, us_hbm.at[pl.ds(base, BPW)])


def _sc_partials(x_rm, idx_cols):
    mesh = plsc.VectorSubcoreMesh(core_axis_name="c", subcore_axis_name="s")
    f32 = jnp.float32
    out = jax.ShapeDtypeStruct((B,), f32)
    rows = pltpu.VMEM((CH, D), f32)
    stage = pltpu.VMEM((LANES, LANES), f32)
    outb = pltpu.VMEM((BPW,), f32)
    return pl.kernel(
        _sc_body,
        out_type=(out, out, out),
        mesh=mesh,
        compiler_params=pltpu.CompilerParams(use_tc_tiling_on_sc=False,
                                             needs_layout_passes=False),
        scratch_types=(
            [pltpu.VMEM((7, NCHUNK, CH), jnp.int32)]
            + [rows] * 14
            + [stage] * 3
            + [outb] * 3
            + [pltpu.SemaphoreType.DMA] * 14
        ),
    )(x_rm, *idx_cols)


def _log_sigmoid(z):
    return jnp.minimum(z, 0.0) - jnp.log1p(jnp.exp(-jnp.abs(z)))


def _final_body(cf_ref, it_ref, us_ref, mi_ref, mu_ref, ewc_ref, out_ref):
    cf_loss = -jnp.sum(_log_sigmoid(cf_ref[...]))
    reg_loss = (-jnp.sum(_log_sigmoid(it_ref[...] * mi_ref[...]))
                - jnp.sum(_log_sigmoid(us_ref[...] * mu_ref[...])))
    out_ref[0, 0] = cf_loss + ENTITY_AWARE_COFF * reg_loss + ewc_ref[0, 0]


def _finalize(cf, it, us, mi, mu, ewc):
    vec = pl.BlockSpec((B,), lambda: (0,))
    return pl.pallas_call(
        _final_body,
        in_specs=[vec, vec, vec, vec, vec,
                  pl.BlockSpec(memory_space=pltpu.SMEM)],
        out_specs=pl.BlockSpec(memory_space=pltpu.SMEM),
        out_shape=jax.ShapeDtypeStruct((1, 1), jnp.float32),
    )(cf, it, us, mi, mu, ewc)


@jax.jit
def kernel(x, pos_neg_pair_t, x_estimated_mean):
    idx_cols = []
    for j in (0, 1, 2, 3, 4, 6, 7):
        v = pos_neg_pair_t[:, j]
        v = (((v >> SH) << SH) | ((v & (HALF - 1)) << 1)
             | ((v >> (SH - 1)) & 1))
        idx_cols.append(v.reshape(NW, NCHUNK, CH))
    mi = pos_neg_pair_t[:, 5].astype(jnp.float32)
    mu = pos_neg_pair_t[:, 8].astype(jnp.float32)

    x_rm, ewc = _prep(x.T, x_estimated_mean.T)
    cf, it, us = _sc_partials(x_rm.reshape(N2, D), idx_cols)
    loss = _finalize(cf, it, us, mi, mu, ewc)
    return loss[0, 0]

# --- scband reference (transcript-rebuilt; emitter-appended) ---
"""Pipeline reference for scband-graph-recsys-model-62534723829898 (READ-ONLY COPY).

The authoritative reference and input builder live on the scoring server;
editing this copy changes nothing except your own understanding.
"""

import jax, jax.numpy as jnp
import numpy as np

N = 100000
D = 64
B = 16384
ENTITY_AWARE_COFF = 0.001
EWC_LAMBDA = 100.0


def setup_inputs(seed: int = 0) -> dict:
    key = jax.random.key(seed)
    k1, k2, k3, k4 = jax.random.split(key, 4)
    # learned embedding table for all graph nodes (users/items/entities)
    x = jax.random.normal(k1, (N, D), dtype=jnp.float32) * 0.1
    # pos_neg_pair_t columns: 0=user, 1=pos_item, 2=neg_item, 3=pos_item_entity,
    # 4=neg_item_entity, 5=item_entity_mask, 6=pos_user_entity, 7=neg_user_entity, 8=user_entity_mask
    pnp = jax.random.randint(k2, (B, 9), 0, N, dtype=jnp.int32)
    km1, km2 = jax.random.split(k3)
    pnp = pnp.at[:, 5].set(jax.random.randint(km1, (B,), 0, 2, dtype=jnp.int32))
    pnp = pnp.at[:, 8].set(jax.random.randint(km2, (B,), 0, 2, dtype=jnp.int32))
    # EWC buffers (estimated mean snapshot of params; l2 ewc_type)
    x_estimated_mean = jax.random.normal(k4, (N, D), dtype=jnp.float32) * 0.1
    return {"x": x, "pos_neg_pair_t": pnp, "x_estimated_mean": x_estimated_mean}


def reference(x, pos_neg_pair_t, x_estimated_mean):
    pnp = pos_neg_pair_t
    u = pnp[:, 0]
    i_pos = pnp[:, 1]
    i_neg = pnp[:, 2]
    # predict(u, i) = <x[u], x[i]> (standard GNN recsys inner-product predictor)
    xu = jnp.take(x, u, axis=0)
    pos_pred = jnp.sum(xu * jnp.take(x, i_pos, axis=0), axis=-1)
    neg_pred = jnp.sum(xu * jnp.take(x, i_neg, axis=0), axis=-1)
    # cf_loss = -(pos - neg).sigmoid().log().sum()  (log_sigmoid is the same math, stable)
    cf_loss = -jnp.sum(jax.nn.log_sigmoid(pos_pred - neg_pred))
    # entity-aware regularization
    pos_item_entity = pnp[:, 3]
    neg_item_entity = pnp[:, 4]
    item_entity_mask = pnp[:, 5].astype(jnp.float32)
    pos_user_entity = pnp[:, 6]
    neg_user_entity = pnp[:, 7]
    user_entity_mask = pnp[:, 8].astype(jnp.float32)
    xi = jnp.take(x, i_pos, axis=0)
    d_ip = xi - jnp.take(x, pos_item_entity, axis=0)
    d_in = xi - jnp.take(x, neg_item_entity, axis=0)
    item_pos_reg = jnp.sum(d_ip * d_ip, axis=-1)
    item_neg_reg = jnp.sum(d_in * d_in, axis=-1)
    d_up = xu - jnp.take(x, pos_user_entity, axis=0)
    d_un = xu - jnp.take(x, neg_user_entity, axis=0)
    user_pos_reg = jnp.sum(d_up * d_up, axis=-1)
    user_neg_reg = jnp.sum(d_un * d_un, axis=-1)
    item_reg_loss = -jnp.sum(jax.nn.log_sigmoid((item_pos_reg - item_neg_reg) * item_entity_mask))
    user_reg_loss = -jnp.sum(jax.nn.log_sigmoid((user_pos_reg - user_neg_reg) * user_entity_mask))
    reg_loss = item_reg_loss + user_reg_loss
    loss1 = cf_loss + ENTITY_AWARE_COFF * reg_loss
    # EWC consolidation loss (ewc_type == 'l2')
    loss2 = (EWC_LAMBDA / 2.0) * jnp.sum(1e-05 * (x - x_estimated_mean) ** 2)
    return loss1 + loss2

if __name__ == "__main__":
    import jax
    _d = setup_inputs()
    print(jax.jit(kernel)(*tuple(_d.values())))

</pallas_src>

<mosaic_0001>
#map = affine_map<(d0, d1) -> (0, 0)>
#map1 = affine_map<(d0, d1) -> (0, 0, 0)>
#map2 = affine_map<(d0, d1) -> (0)>
module attributes {stable_mosaic.version = 14 : i64} {
  func.func @_sc_body(%arg0: i32, %arg1: i32, %arg2: memref<114688x64xf32, #tpu.memory_space<hbm>>, %arg3: memref<32x4x128xi32, #tpu.memory_space<hbm>>, %arg4: memref<32x4x128xi32, #tpu.memory_space<hbm>>, %arg5: memref<32x4x128xi32, #tpu.memory_space<hbm>>, %arg6: memref<32x4x128xi32, #tpu.memory_space<hbm>>, %arg7: memref<32x4x128xi32, #tpu.memory_space<hbm>>, %arg8: memref<32x4x128xi32, #tpu.memory_space<hbm>>, %arg9: memref<32x4x128xi32, #tpu.memory_space<hbm>>, %arg10: memref<16384xf32, #tpu.memory_space<hbm>>, %arg11: memref<16384xf32, #tpu.memory_space<hbm>>, %arg12: memref<16384xf32, #tpu.memory_space<hbm>>, %arg13: memref<7x4x128xi32, #tpu.memory_space<vmem>>, %arg14: memref<128x64xf32, #tpu.memory_space<vmem>>, %arg15: memref<128x64xf32, #tpu.memory_space<vmem>>, %arg16: memref<128x64xf32, #tpu.memory_space<vmem>>, %arg17: memref<128x64xf32, #tpu.memory_space<vmem>>, %arg18: memref<128x64xf32, #tpu.memory_space<vmem>>, %arg19: memref<128x64xf32, #tpu.memory_space<vmem>>, %arg20: memref<128x64xf32, #tpu.memory_space<vmem>>, %arg21: memref<128x64xf32, #tpu.memory_space<vmem>>, %arg22: memref<128x64xf32, #tpu.memory_space<vmem>>, %arg23: memref<128x64xf32, #tpu.memory_space<vmem>>, %arg24: memref<128x64xf32, #tpu.memory_space<vmem>>, %arg25: memref<128x64xf32, #tpu.memory_space<vmem>>, %arg26: memref<128x64xf32, #tpu.memory_space<vmem>>, %arg27: memref<128x64xf32, #tpu.memory_space<vmem>>, %arg28: memref<16x16xf32, #tpu.memory_space<vmem>>, %arg29: memref<16x16xf32, #tpu.memory_space<vmem>>, %arg30: memref<16x16xf32, #tpu.memory_space<vmem>>, %arg31: memref<512xf32, #tpu.memory_space<vmem>>, %arg32: memref<512xf32, #tpu.memory_space<vmem>>, %arg33: memref<512xf32, #tpu.memory_space<vmem>>, %arg34: memref<!tpu.dma_semaphore, #tpu.memory_space<semaphore_mem>>, %arg35: memref<!tpu.dma_semaphore, #tpu.memory_space<semaphore_mem>>, %arg36: memref<!tpu.dma_semaphore, #tpu.memory_space<semaphore_mem>>, %arg37: memref<!tpu.dma_semaphore, #tpu.memory_space<semaphore_mem>>, %arg38: memref<!tpu.dma_semaphore, #tpu.memory_space<semaphore_mem>>, %arg39: memref<!tpu.dma_semaphore, #tpu.memory_space<semaphore_mem>>, %arg40: memref<!tpu.dma_semaphore, #tpu.memory_space<semaphore_mem>>, %arg41: memref<!tpu.dma_semaphore, #tpu.memory_space<semaphore_mem>>, %arg42: memref<!tpu.dma_semaphore, #tpu.memory_space<semaphore_mem>>, %arg43: memref<!tpu.dma_semaphore, #tpu.memory_space<semaphore_mem>>, %arg44: memref<!tpu.dma_semaphore, #tpu.memory_space<semaphore_mem>>, %arg45: memref<!tpu.dma_semaphore, #tpu.memory_space<semaphore_mem>>, %arg46: memref<!tpu.dma_semaphore, #tpu.memory_space<semaphore_mem>>, %arg47: memref<!tpu.dma_semaphore, #tpu.memory_space<semaphore_mem>>) attributes {dimension_semantics = [#tpu.dimension_semantics<core_parallel>, #tpu.dimension_semantics<subcore_parallel>], iteration_bounds = array<i64: 2, 16>, scalar_prefetch = 0 : i64, scratch_operands = 35 : i64, tpu.core_type = #tpu.core_type<sc_vector_subcore>, window_params = [{transform_indices = #map}, {transform_indices = #map1}, {transform_indices = #map1}, {transform_indices = #map1}, {transform_indices = #map1}, {transform_indices = #map1}, {transform_indices = #map1}, {transform_indices = #map1}, {transform_indices = #map2}, {transform_indices = #map2}, {transform_indices = #map2}]} {
    %mul3A = arith.constant 2 : i32
    %mul3A_0 = arith.muli %arg1, %mul3A : i32
    %add3A = arith.addi %mul3A_0, %arg0 : i32
    %mul3A_1 = arith.constant 512 : i32
    %mul3A_2 = arith.muli %add3A, %mul3A_1 : i32
    %iota3A = tpu.iota {dimensions = array<i32: 0>} : vector<16xi32>
    %run_scoped3A = arith.constant 0 : i32
    "tpu.region"() ({
      %run_scoped3A_482 = tpu.sem_alloc : memref<!tpu.dma_semaphore, #tpu.memory_space<semaphore_mem>>
      %dma_start3A_483 = arith.constant 0 : i32
      %dma_start3A_484 = arith.constant 0 : i32
      %dma_start3A_485 = tpu.memref_slice %arg13[%run_scoped3A, %dma_start3A_483, %dma_start3A_484] : memref<7x4x128xi32, #tpu.memory_space<vmem>> -> memref<1x4x128xi32, #tpu.memory_space<vmem>>
      %dma_start3A_486 = tpu.memref_squeeze %dma_start3A_485 : memref<1x4x128xi32, #tpu.memory_space<vmem>> -> memref<4x128xi32, #tpu.memory_space<vmem>>
      %dma_start3A_487 = arith.constant 0 : i32
      %dma_start3A_488 = arith.constant 0 : i32
      %dma_start3A_489 = tpu.memref_slice %arg3[%add3A, %dma_start3A_487, %dma_start3A_488] : memref<32x4x128xi32, #tpu.memory_space<hbm>> -> memref<1x4x128xi32, #tpu.memory_space<hbm>>
      %dma_start3A_490 = tpu.memref_squeeze %dma_start3A_489 : memref<1x4x128xi32, #tpu.memory_space<hbm>> -> memref<4x128xi32, #tpu.memory_space<hbm>>
      %dma_start3A_491 = arith.constant 0 : i32
      %dma_start3A_492 = arith.constant 0 : i32
      %dma_start3A_493 = tpu.memref_slice %arg13[%run_scoped3A, %dma_start3A_491, %dma_start3A_492] : memref<7x4x128xi32, #tpu.memory_space<vmem>> -> memref<1x4x128xi32, #tpu.memory_space<vmem>>
      %dma_start3A_494 = tpu.memref_squeeze %dma_start3A_493 : memref<1x4x128xi32, #tpu.memory_space<vmem>> -> memref<4x128xi32, #tpu.memory_space<vmem>>
      %dma_start3A_495 = arith.constant 0 : i32
      %dma_start3A_496 = arith.constant 0 : i32
      %dma_start3A_497 = tpu.memref_slice %arg3[%add3A, %dma_start3A_495, %dma_start3A_496] : memref<32x4x128xi32, #tpu.memory_space<hbm>> -> memref<1x4x128xi32, #tpu.memory_space<hbm>>
      %dma_start3A_498 = tpu.memref_squeeze %dma_start3A_497 : memref<1x4x128xi32, #tpu.memory_space<hbm>> -> memref<4x128xi32, #tpu.memory_space<hbm>>
      tpu.enqueue_dma source(%dma_start3A_498 : memref<4x128xi32, #tpu.memory_space<hbm>>) target(%dma_start3A_494 : memref<4x128xi32, #tpu.memory_space<vmem>>) target_semaphore(%run_scoped3A_482 : memref<!tpu.dma_semaphore, #tpu.memory_space<semaphore_mem>>)
      %dma_wait3A_499 = arith.constant 0 : i32
      %dma_wait3A_500 = arith.constant 0 : i32
      %dma_wait3A_501 = tpu.memref_slice %arg13[%run_scoped3A, %dma_wait3A_499, %dma_wait3A_500] : memref<7x4x128xi32, #tpu.memory_space<vmem>> -> memref<1x4x128xi32, #tpu.memory_space<vmem>>
      %dma_wait3A_502 = tpu.memref_squeeze %dma_wait3A_501 : memref<1x4x128xi32, #tpu.memory_space<vmem>> -> memref<4x128xi32, #tpu.memory_space<vmem>>
      %dma_wait3A_503 = arith.constant 0 : i32
      %dma_wait3A_504 = arith.constant 0 : i32
      %dma_wait3A_505 = tpu.memref_slice %arg3[%add3A, %dma_wait3A_503, %dma_wait3A_504] : memref<32x4x128xi32, #tpu.memory_space<hbm>> -> memref<1x4x128xi32, #tpu.memory_space<hbm>>
      %dma_wait3A_506 = tpu.memref_squeeze %dma_wait3A_505 : memref<1x4x128xi32, #tpu.memory_space<hbm>> -> memref<4x128xi32, #tpu.memory_space<hbm>>
      %dma_wait3A_507 = arith.constant 0 : i32
      %dma_wait3A_508 = arith.constant 0 : i32
      %dma_wait3A_509 = tpu.memref_slice %arg13[%run_scoped3A, %dma_wait3A_507, %dma_wait3A_508] : memref<7x4x128xi32, #tpu.memory_space<vmem>> -> memref<1x4x128xi32, #tpu.memory_space<vmem>>
      %dma_wait3A_510 = tpu.memref_squeeze %dma_wait3A_509 : memref<1x4x128xi32, #tpu.memory_space<vmem>> -> memref<4x128xi32, #tpu.memory_space<vmem>>
      %dma_wait3A_511 = arith.constant 0 : i32
      %dma_wait3A_512 = arith.constant 0 : i32
      %dma_wait3A_513 = tpu.memref_slice %arg3[%add3A, %dma_wait3A_511, %dma_wait3A_512] : memref<32x4x128xi32, #tpu.memory_space<hbm>> -> memref<1x4x128xi32, #tpu.memory_space<hbm>>
      %dma_wait3A_514 = tpu.memref_squeeze %dma_wait3A_513 : memref<1x4x128xi32, #tpu.memory_space<hbm>> -> memref<4x128xi32, #tpu.memory_space<hbm>>
      tpu.wait_dma2 semaphore(%run_scoped3A_482 : memref<!tpu.dma_semaphore, #tpu.memory_space<semaphore_mem>>) src(%dma_wait3A_514 : memref<4x128xi32, #tpu.memory_space<hbm>>) dst(%dma_wait3A_510 : memref<4x128xi32, #tpu.memory_space<vmem>>)
      tpu.yield
    }) : () -> ()
    %run_scoped3A_3 = arith.constant 1 : i32
    "tpu.region"() ({
      %run_scoped3A_482 = tpu.sem_alloc : memref<!tpu.dma_semaphore, #tpu.memory_space<semaphore_mem>>
      %dma_start3A_483 = arith.constant 0 : i32
      %dma_start3A_484 = arith.constant 0 : i32
      %dma_start3A_485 = tpu.memref_slice %arg13[%run_scoped3A_3, %dma_start3A_483, %dma_start3A_484] : memref<7x4x128xi32, #tpu.memory_space<vmem>> -> memref<1x4x128xi32, #tpu.memory_space<vmem>>
      %dma_start3A_486 = tpu.memref_squeeze %dma_start3A_485 : memref<1x4x128xi32, #tpu.memory_space<vmem>> -> memref<4x128xi32, #tpu.memory_space<vmem>>
      %dma_start3A_487 = arith.constant 0 : i32
      %dma_start3A_488 = arith.constant 0 : i32
      %dma_start3A_489 = tpu.memref_slice %arg4[%add3A, %dma_start3A_487, %dma_start3A_488] : memref<32x4x128xi32, #tpu.memory_space<hbm>> -> memref<1x4x128xi32, #tpu.memory_space<hbm>>
      %dma_start3A_490 = tpu.memref_squeeze %dma_start3A_489 : memref<1x4x128xi32, #tpu.memory_space<hbm>> -> memref<4x128xi32, #tpu.memory_space<hbm>>
      %dma_start3A_491 = arith.constant 0 : i32
      %dma_start3A_492 = arith.constant 0 : i32
      %dma_start3A_493 = tpu.memref_slice %arg13[%run_scoped3A_3, %dma_start3A_491, %dma_start3A_492] : memref<7x4x128xi32, #tpu.memory_space<vmem>> -> memref<1x4x128xi32, #tpu.memory_space<vmem>>
      %dma_start3A_494 = tpu.memref_squeeze %dma_start3A_493 : memref<1x4x128xi32, #tpu.memory_space<vmem>> -> memref<4x128xi32, #tpu.memory_space<vmem>>
      %dma_start3A_495 = arith.constant 0 : i32
      %dma_start3A_496 = arith.constant 0 : i32
      %dma_start3A_497 = tpu.memref_slice %arg4[%add3A, %dma_start3A_495, %dma_start3A_496] : memref<32x4x128xi32, #tpu.memory_space<hbm>> -> memref<1x4x128xi32, #tpu.memory_space<hbm>>
      %dma_start3A_498 = tpu.memref_squeeze %dma_start3A_497 : memref<1x4x128xi32, #tpu.memory_space<hbm>> -> memref<4x128xi32, #tpu.memory_space<hbm>>
      tpu.enqueue_dma source(%dma_start3A_498 : memref<4x128xi32, #tpu.memory_space<hbm>>) target(%dma_start3A_494 : memref<4x128xi32, #tpu.memory_space<vmem>>) target_semaphore(%run_scoped3A_482 : memref<!tpu.dma_semaphore, #tpu.memory_space<semaphore_mem>>)
      %dma_wait3A_499 = arith.constant 0 : i32
      %dma_wait3A_500 = arith.constant 0 : i32
      %dma_wait3A_501 = tpu.memref_slice %arg13[%run_scoped3A_3, %dma_wait3A_499, %dma_wait3A_500] : memref<7x4x128xi32, #tpu.memory_space<vmem>> -> memref<1x4x128xi32, #tpu.memory_space<vmem>>
      %dma_wait3A_502 = tpu.memref_squeeze %dma_wait3A_501 : memref<1x4x128xi32, #tpu.memory_space<vmem>> -> memref<4x128xi32, #tpu.memory_space<vmem>>
      %dma_wait3A_503 = arith.constant 0 : i32
      %dma_wait3A_504 = arith.constant 0 : i32
      %dma_wait3A_505 = tpu.memref_slice %arg4[%add3A, %dma_wait3A_503, %dma_wait3A_504] : memref<32x4x128xi32, #tpu.memory_space<hbm>> -> memref<1x4x128xi32, #tpu.memory_space<hbm>>
      %dma_wait3A_506 = tpu.memref_squeeze %dma_wait3A_505 : memref<1x4x128xi32, #tpu.memory_space<hbm>> -> memref<4x128xi32, #tpu.memory_space<hbm>>
      %dma_wait3A_507 = arith.constant 0 : i32
      %dma_wait3A_508 = arith.constant 0 : i32
      %dma_wait3A_509 = tpu.memref_slice %arg13[%run_scoped3A_3, %dma_wait3A_507, %dma_wait3A_508] : memref<7x4x128xi32, #tpu.memory_space<vmem>> -> memref<1x4x128xi32, #tpu.memory_space<vmem>>
      %dma_wait3A_510 = tpu.memref_squeeze %dma_wait3A_509 : memref<1x4x128xi32, #tpu.memory_space<vmem>> -> memref<4x128xi32, #tpu.memory_space<vmem>>
      %dma_wait3A_511 = arith.constant 0 : i32
      %dma_wait3A_512 = arith.constant 0 : i32
      %dma_wait3A_513 = tpu.memref_slice %arg4[%add3A, %dma_wait3A_511, %dma_wait3A_512] : memref<32x4x128xi32, #tpu.memory_space<hbm>> -> memref<1x4x128xi32, #tpu.memory_space<hbm>>
      %dma_wait3A_514 = tpu.memref_squeeze %dma_wait3A_513 : memref<1x4x128xi32, #tpu.memory_space<hbm>> -> memref<4x128xi32, #tpu.memory_space<hbm>>
      tpu.wait_dma2 semaphore(%run_scoped3A_482 : memref<!tpu.dma_semaphore, #tpu.memory_space<semaphore_mem>>) src(%dma_wait3A_514 : memref<4x128xi32, #tpu.memory_space<hbm>>) dst(%dma_wait3A_510 : memref<4x128xi32, #tpu.memory_space<vmem>>)
      tpu.yield
    }) : () -> ()
    %run_scoped3A_4 = arith.constant 2 : i32
    "tpu.region"() ({
      %run_scoped3A_482 = tpu.sem_alloc : memref<!tpu.dma_semaphore, #tpu.memory_space<semaphore_mem>>
      %dma_start3A_483 = arith.constant 0 : i32
      %dma_start3A_484 = arith.constant 0 : i32
      %dma_start3A_485 = tpu.memref_slice %arg13[%run_scoped3A_4, %dma_start3A_483, %dma_start3A_484] : memref<7x4x128xi32, #tpu.memory_space<vmem>> -> memref<1x4x128xi32, #tpu.memory_space<vmem>>
      %dma_start3A_486 = tpu.memref_squeeze %dma_start3A_485 : memref<1x4x128xi32, #tpu.memory_space<vmem>> -> memref<4x128xi32, #tpu.memory_space<vmem>>
      %dma_start3A_487 = arith.constant 0 : i32
      %dma_start3A_488 = arith.constant 0 : i32
      %dma_start3A_489 = tpu.memref_slice %arg5[%add3A, %dma_start3A_487, %dma_start3A_488] : memref<32x4x128xi32, #tpu.memory_space<hbm>> -> memref<1x4x128xi32, #tpu.memory_space<hbm>>
      %dma_start3A_490 = tpu.memref_squeeze %dma_start3A_489 : memref<1x4x128xi32, #tpu.memory_space<hbm>> -> memref<4x128xi32, #tpu.memory_space<hbm>>
      %dma_start3A_491 = arith.constant 0 : i32
      %dma_start3A_492 = arith.constant 0 : i32
      %dma_start3A_493 = tpu.memref_slice %arg13[%run_scoped3A_4, %dma_start3A_491, %dma_start3A_492] : memref<7x4x128xi32, #tpu.memory_space<vmem>> -> memref<1x4x128xi32, #tpu.memory_space<vmem>>
      %dma_start3A_494 = tpu.memref_squeeze %dma_start3A_493 : memref<1x4x128xi32, #tpu.memory_space<vmem>> -> memref<4x128xi32, #tpu.memory_space<vmem>>
      %dma_start3A_495 = arith.constant 0 : i32
      %dma_start3A_496 = arith.constant 0 : i32
      %dma_start3A_497 = tpu.memref_slice %arg5[%add3A, %dma_start3A_495, %dma_start3A_496] : memref<32x4x128xi32, #tpu.memory_space<hbm>> -> memref<1x4x128xi32, #tpu.memory_space<hbm>>
      %dma_start3A_498 = tpu.memref_squeeze %dma_start3A_497 : memref<1x4x128xi32, #tpu.memory_space<hbm>> -> memref<4x128xi32, #tpu.memory_space<hbm>>
      tpu.enqueue_dma source(%dma_start3A_498 : memref<4x128xi32, #tpu.memory_space<hbm>>) target(%dma_start3A_494 : memref<4x128xi32, #tpu.memory_space<vmem>>) target_semaphore(%run_scoped3A_482 : memref<!tpu.dma_semaphore, #tpu.memory_space<semaphore_mem>>)
      %dma_wait3A_499 = arith.constant 0 : i32
      %dma_wait3A_500 = arith.constant 0 : i32
      %dma_wait3A_501 = tpu.memref_slice %arg13[%run_scoped3A_4, %dma_wait3A_499, %dma_wait3A_500] : memref<7x4x128xi32, #tpu.memory_space<vmem>> -> memref<1x4x128xi32, #tpu.memory_space<vmem>>
      %dma_wait3A_502 = tpu.memref_squeeze %dma_wait3A_501 : memref<1x4x128xi32, #tpu.memory_space<vmem>> -> memref<4x128xi32, #tpu.memory_space<vmem>>
      %dma_wait3A_503 = arith.constant 0 : i32
      %dma_wait3A_504 = arith.constant 0 : i32
      %dma_wait3A_505 = tpu.memref_slice %arg5[%add3A, %dma_wait3A_503, %dma_wait3A_504] : memref<32x4x128xi32, #tpu.memory_space<hbm>> -> memref<1x4x128xi32, #tpu.memory_space<hbm>>
      %dma_wait3A_506 = tpu.memref_squeeze %dma_wait3A_505 : memref<1x4x128xi32, #tpu.memory_space<hbm>> -> memref<4x128xi32, #tpu.memory_space<hbm>>
      %dma_wait3A_507 = arith.constant 0 : i32
      %dma_wait3A_508 = arith.constant 0 : i32
      %dma_wait3A_509 = tpu.memref_slice %arg13[%run_scoped3A_4, %dma_wait3A_507, %dma_wait3A_508] : memref<7x4x128xi32, #tpu.memory_space<vmem>> -> memref<1x4x128xi32, #tpu.memory_space<vmem>>
      %dma_wait3A_510 = tpu.memref_squeeze %dma_wait3A_509 : memref<1x4x128xi32, #tpu.memory_space<vmem>> -> memref<4x128xi32, #tpu.memory_space<vmem>>
      %dma_wait3A_511 = arith.constant 0 : i32
      %dma_wait3A_512 = arith.constant 0 : i32
      %dma_wait3A_513 = tpu.memref_slice %arg5[%add3A, %dma_wait3A_511, %dma_wait3A_512] : memref<32x4x128xi32, #tpu.memory_space<hbm>> -> memref<1x4x128xi32, #tpu.memory_space<hbm>>
      %dma_wait3A_514 = tpu.memref_squeeze %dma_wait3A_513 : memref<1x4x128xi32, #tpu.memory_space<hbm>> -> memref<4x128xi32, #tpu.memory_space<hbm>>
      tpu.wait_dma2 semaphore(%run_scoped3A_482 : memref<!tpu.dma_semaphore, #tpu.memory_space<semaphore_mem>>) src(%dma_wait3A_514 : memref<4x128xi32, #tpu.memory_space<hbm>>) dst(%dma_wait3A_510 : memref<4x128xi32, #tpu.memory_space<vmem>>)
      tpu.yield
    }) : () -> ()
    %run_scoped3A_5 = arith.constant 3 : i32
    "tpu.region"() ({
      %run_scoped3A_482 = tpu.sem_alloc : memref<!tpu.dma_semaphore, #tpu.memory_space<semaphore_mem>>
      %dma_start3A_483 = arith.constant 0 : i32
      %dma_start3A_484 = arith.constant 0 : i32
      %dma_start3A_485 = tpu.memref_slice %arg13[%run_scoped3A_5, %dma_start3A_483, %dma_start3A_484] : memref<7x4x128xi32, #tpu.memory_space<vmem>> -> memref<1x4x128xi32, #tpu.memory_space<vmem>>
      %dma_start3A_486 = tpu.memref_squeeze %dma_start3A_485 : memref<1x4x128xi32, #tpu.memory_space<vmem>> -> memref<4x128xi32, #tpu.memory_space<vmem>>
      %dma_start3A_487 = arith.constant 0 : i32
      %dma_start3A_488 = arith.constant 0 : i32
      %dma_start3A_489 = tpu.memref_slice %arg6[%add3A, %dma_start3A_487, %dma_start3A_488] : memref<32x4x128xi32, #tpu.memory_space<hbm>> -> memref<1x4x128xi32, #tpu.memory_space<hbm>>
      %dma_start3A_490 = tpu.memref_squeeze %dma_start3A_489 : memref<1x4x128xi32, #tpu.memory_space<hbm>> -> memref<4x128xi32, #tpu.memory_space<hbm>>
      %dma_start3A_491 = arith.constant 0 : i32
      %dma_start3A_492 = arith.constant 0 : i32
      %dma_start3A_493 = tpu.memref_slice %arg13[%run_scoped3A_5, %dma_start3A_491, %dma_start3A_492] : memref<7x4x128xi32, #tpu.memory_space<vmem>> -> memref<1x4x128xi32, #tpu.memory_space<vmem>>
      %dma_start3A_494 = tpu.memref_squeeze %dma_start3A_493 : memref<1x4x128xi32, #tpu.memory_space<vmem>> -> memref<4x128xi32, #tpu.memory_space<vmem>>
      %dma_start3A_495 = arith.constant 0 : i32
      %dma_start3A_496 = arith.constant 0 : i32
      %dma_start3A_497 = tpu.memref_slice %arg6[%add3A, %dma_start3A_495, %dma_start3A_496] : memref<32x4x128xi32, #tpu.memory_space<hbm>> -> memref<1x4x128xi32, #tpu.memory_space<hbm>>
      %dma_start3A_498 = tpu.memref_squeeze %dma_start3A_497 : memref<1x4x128xi32, #tpu.memory_space<hbm>> -> memref<4x128xi32, #tpu.memory_space<hbm>>
      tpu.enqueue_dma source(%dma_start3A_498 : memref<4x128xi32, #tpu.memory_space<hbm>>) target(%dma_start3A_494 : memref<4x128xi32, #tpu.memory_space<vmem>>) target_semaphore(%run_scoped3A_482 : memref<!tpu.dma_semaphore, #tpu.memory_space<semaphore_mem>>)
      %dma_wait3A_499 = arith.constant 0 : i32
      %dma_wait3A_500 = arith.constant 0 : i32
      %dma_wait3A_501 = tpu.memref_slice %arg13[%run_scoped3A_5, %dma_wait3A_499, %dma_wait3A_500] : memref<7x4x128xi32, #tpu.memory_space<vmem>> -> memref<1x4x128xi32, #tpu.memory_space<vmem>>
      %dma_wait3A_502 = tpu.memref_squeeze %dma_wait3A_501 : memref<1x4x128xi32, #tpu.memory_space<vmem>> -> memref<4x128xi32, #tpu.memory_space<vmem>>
      %dma_wait3A_503 = arith.constant 0 : i32
      %dma_wait3A_504 = arith.constant 0 : i32
      %dma_wait3A_505 = tpu.memref_slice %arg6[%add3A, %dma_wait3A_503, %dma_wait3A_504] : memref<32x4x128xi32, #tpu.memory_space<hbm>> -> memref<1x4x128xi32, #tpu.memory_space<hbm>>
      %dma_wait3A_506 = tpu.memref_squeeze %dma_wait3A_505 : memref<1x4x128xi32, #tpu.memory_space<hbm>> -> memref<4x128xi32, #tpu.memory_space<hbm>>
      %dma_wait3A_507 = arith.constant 0 : i32
      %dma_wait3A_508 = arith.constant 0 : i32
      %dma_wait3A_509 = tpu.memref_slice %arg13[%run_scoped3A_5, %dma_wait3A_507, %dma_wait3A_508] : memref<7x4x128xi32, #tpu.memory_space<vmem>> -> memref<1x4x128xi32, #tpu.memory_space<vmem>>
      %dma_wait3A_510 = tpu.memref_squeeze %dma_wait3A_509 : memref<1x4x128xi32, #tpu.memory_space<vmem>> -> memref<4x128xi32, #tpu.memory_space<vmem>>
      %dma_wait3A_511 = arith.constant 0 : i32
      %dma_wait3A_512 = arith.constant 0 : i32
      %dma_wait3A_513 = tpu.memref_slice %arg6[%add3A, %dma_wait3A_511, %dma_wait3A_512] : memref<32x4x128xi32, #tpu.memory_space<hbm>> -> memref<1x4x128xi32, #tpu.memory_space<hbm>>
      %dma_wait3A_514 = tpu.memref_squeeze %dma_wait3A_513 : memref<1x4x128xi32, #tpu.memory_space<hbm>> -> memref<4x128xi32, #tpu.memory_space<hbm>>
      tpu.wait_dma2 semaphore(%run_scoped3A_482 : memref<!tpu.dma_semaphore, #tpu.memory_space<semaphore_mem>>) src(%dma_wait3A_514 : memref<4x128xi32, #tpu.memory_space<hbm>>) dst(%dma_wait3A_510 : memref<4x128xi32, #tpu.memory_space<vmem>>)
      tpu.yield
    }) : () -> ()
    %run_scoped3A_6 = arith.constant 4 : i32
    "tpu.region"() ({
      %run_scoped3A_482 = tpu.sem_alloc : memref<!tpu.dma_semaphore, #tpu.memory_space<semaphore_mem>>
      %dma_start3A_483 = arith.constant 0 : i32
      %dma_start3A_484 = arith.constant 0 : i32
      %dma_start3A_485 = tpu.memref_slice %arg13[%run_scoped3A_6, %dma_start3A_483, %dma_start3A_484] : memref<7x4x128xi32, #tpu.memory_space<vmem>> -> memref<1x4x128xi32, #tpu.memory_space<vmem>>
      %dma_start3A_486 = tpu.memref_squeeze %dma_start3A_485 : memref<1x4x128xi32, #tpu.memory_space<vmem>> -> memref<4x128xi32, #tpu.memory_space<vmem>>
      %dma_start3A_487 = arith.constant 0 : i32
      %dma_start3A_488 = arith.constant 0 : i32
      %dma_start3A_489 = tpu.memref_slice %arg7[%add3A, %dma_start3A_487, %dma_start3A_488] : memref<32x4x128xi32, #tpu.memory_space<hbm>> -> memref<1x4x128xi32, #tpu.memory_space<hbm>>
      %dma_start3A_490 = tpu.memref_squeeze %dma_start3A_489 : memref<1x4x128xi32, #tpu.memory_space<hbm>> -> memref<4x128xi32, #tpu.memory_space<hbm>>
      %dma_start3A_491 = arith.constant 0 : i32
      %dma_start3A_492 = arith.constant 0 : i32
      %dma_start3A_493 = tpu.memref_slice %arg13[%run_scoped3A_6, %dma_start3A_491, %dma_start3A_492] : memref<7x4x128xi32, #tpu.memory_space<vmem>> -> memref<1x4x128xi32, #tpu.memory_space<vmem>>
      %dma_start3A_494 = tpu.memref_squeeze %dma_start3A_493 : memref<1x4x128xi32, #tpu.memory_space<vmem>> -> memref<4x128xi32, #tpu.memory_space<vmem>>
      %dma_start3A_495 = arith.constant 0 : i32
      %dma_start3A_496 = arith.constant 0 : i32
      %dma_start3A_497 = tpu.memref_slice %arg7[%add3A, %dma_start3A_495, %dma_start3A_496] : memref<32x4x128xi32, #tpu.memory_space<hbm>> -> memref<1x4x128xi32, #tpu.memory_space<hbm>>
      %dma_start3A_498 = tpu.memref_squeeze %dma_start3A_497 : memref<1x4x128xi32, #tpu.memory_space<hbm>> -> memref<4x128xi32, #tpu.memory_space<hbm>>
      tpu.enqueue_dma source(%dma_start3A_498 : memref<4x128xi32, #tpu.memory_space<hbm>>) target(%dma_start3A_494 : memref<4x128xi32, #tpu.memory_space<vmem>>) target_semaphore(%run_scoped3A_482 : memref<!tpu.dma_semaphore, #tpu.memory_space<semaphore_mem>>)
      %dma_wait3A_499 = arith.constant 0 : i32
      %dma_wait3A_500 = arith.constant 0 : i32
      %dma_wait3A_501 = tpu.memref_slice %arg13[%run_scoped3A_6, %dma_wait3A_499, %dma_wait3A_500] : memref<7x4x128xi32, #tpu.memory_space<vmem>> -> memref<1x4x128xi32, #tpu.memory_space<vmem>>
      %dma_wait3A_502 = tpu.memref_squeeze %dma_wait3A_501 : memref<1x4x128xi32, #tpu.memory_space<vmem>> -> memref<4x128xi32, #tpu.memory_space<vmem>>
      %dma_wait3A_503 = arith.constant 0 : i32
      %dma_wait3A_504 = arith.constant 0 : i32
      %dma_wait3A_505 = tpu.memref_slice %arg7[%add3A, %dma_wait3A_503, %dma_wait3A_504] : memref<32x4x128xi32, #tpu.memory_space<hbm>> -> memref<1x4x128xi32, #tpu.memory_space<hbm>>
      %dma_wait3A_506 = tpu.memref_squeeze %dma_wait3A_505 : memref<1x4x128xi32, #tpu.memory_space<hbm>> -> memref<4x128xi32, #tpu.memory_space<hbm>>
      %dma_wait3A_507 = arith.constant 0 : i32
      %dma_wait3A_508 = arith.constant 0 : i32
      %dma_wait3A_509 = tpu.memref_slice %arg13[%run_scoped3A_6, %dma_wait3A_507, %dma_wait3A_508] : memref<7x4x128xi32, #tpu.memory_space<vmem>> -> memref<1x4x128xi32, #tpu.memory_space<vmem>>
      %dma_wait3A_510 = tpu.memref_squeeze %dma_wait3A_509 : memref<1x4x128xi32, #tpu.memory_space<vmem>> -> memref<4x128xi32, #tpu.memory_space<vmem>>
      %dma_wait3A_511 = arith.constant 0 : i32
      %dma_wait3A_512 = arith.constant 0 : i32
      %dma_wait3A_513 = tpu.memref_slice %arg7[%add3A, %dma_wait3A_511, %dma_wait3A_512] : memref<32x4x128xi32, #tpu.memory_space<hbm>> -> memref<1x4x128xi32, #tpu.memory_space<hbm>>
      %dma_wait3A_514 = tpu.memref_squeeze %dma_wait3A_513 : memref<1x4x128xi32, #tpu.memory_space<hbm>> -> memref<4x128xi32, #tpu.memory_space<hbm>>
      tpu.wait_dma2 semaphore(%run_scoped3A_482 : memref<!tpu.dma_semaphore, #tpu.memory_space<semaphore_mem>>) src(%dma_wait3A_514 : memref<4x128xi32, #tpu.memory_space<hbm>>) dst(%dma_wait3A_510 : memref<4x128xi32, #tpu.memory_space<vmem>>)
      tpu.yield
    }) : () -> ()
    %run_scoped3A_7 = arith.constant 5 : i32
    "tpu.region"() ({
      %run_scoped3A_482 = tpu.sem_alloc : memref<!tpu.dma_semaphore, #tpu.memory_space<semaphore_mem>>
      %dma_start3A_483 = arith.constant 0 : i32
      %dma_start3A_484 = arith.constant 0 : i32
      %dma_start3A_485 = tpu.memref_slice %arg13[%run_scoped3A_7, %dma_start3A_483, %dma_start3A_484] : memref<7x4x128xi32, #tpu.memory_space<vmem>> -> memref<1x4x128xi32, #tpu.memory_space<vmem>>
      %dma_start3A_486 = tpu.memref_squeeze %dma_start3A_485 : memref<1x4x128xi32, #tpu.memory_space<vmem>> -> memref<4x128xi32, #tpu.memory_space<vmem>>
      %dma_start3A_487 = arith.constant 0 : i32
      %dma_start3A_488 = arith.constant 0 : i32
      %dma_start3A_489 = tpu.memref_slice %arg8[%add3A, %dma_start3A_487, %dma_start3A_488] : memref<32x4x128xi32, #tpu.memory_space<hbm>> -> memref<1x4x128xi32, #tpu.memory_space<hbm>>
      %dma_start3A_490 = tpu.memref_squeeze %dma_start3A_489 : memref<1x4x128xi32, #tpu.memory_space<hbm>> -> memref<4x128xi32, #tpu.memory_space<hbm>>
      %dma_start3A_491 = arith.constant 0 : i32
      %dma_start3A_492 = arith.constant 0 : i32
      %dma_start3A_493 = tpu.memref_slice %arg13[%run_scoped3A_7, %dma_start3A_491, %dma_start3A_492] : memref<7x4x128xi32, #tpu.memory_space<vmem>> -> memref<1x4x128xi32, #tpu.memory_space<vmem>>
      %dma_start3A_494 = tpu.memref_squeeze %dma_start3A_493 : memref<1x4x128xi32, #tpu.memory_space<vmem>> -> memref<4x128xi32, #tpu.memory_space<vmem>>
      %dma_start3A_495 = arith.constant 0 : i32
      %dma_start3A_496 = arith.constant 0 : i32
      %dma_start3A_497 = tpu.memref_slice %arg8[%add3A, %dma_start3A_495, %dma_start3A_496] : memref<32x4x128xi32, #tpu.memory_space<hbm>> -> memref<1x4x128xi32, #tpu.memory_space<hbm>>
      %dma_start3A_498 = tpu.memref_squeeze %dma_start3A_497 : memref<1x4x128xi32, #tpu.memory_space<hbm>> -> memref<4x128xi32, #tpu.memory_space<hbm>>
      tpu.enqueue_dma source(%dma_start3A_498 : memref<4x128xi32, #tpu.memory_space<hbm>>) target(%dma_start3A_494 : memref<4x128xi32, #tpu.memory_space<vmem>>) target_semaphore(%run_scoped3A_482 : memref<!tpu.dma_semaphore, #tpu.memory_space<semaphore_mem>>)
      %dma_wait3A_499 = arith.constant 0 : i32
      %dma_wait3A_500 = arith.constant 0 : i32
      %dma_wait3A_501 = tpu.memref_slice %arg13[%run_scoped3A_7, %dma_wait3A_499, %dma_wait3A_500] : memref<7x4x128xi32, #tpu.memory_space<vmem>> -> memref<1x4x128xi32, #tpu.memory_space<vmem>>
      %dma_wait3A_502 = tpu.memref_squeeze %dma_wait3A_501 : memref<1x4x128xi32, #tpu.memory_space<vmem>> -> memref<4x128xi32, #tpu.memory_space<vmem>>
      %dma_wait3A_503 = arith.constant 0 : i32
      %dma_wait3A_504 = arith.constant 0 : i32
      %dma_wait3A_505 = tpu.memref_slice %arg8[%add3A, %dma_wait3A_503, %dma_wait3A_504] : memref<32x4x128xi32, #tpu.memory_space<hbm>> -> memref<1x4x128xi32, #tpu.memory_space<hbm>>
      %dma_wait3A_506 = tpu.memref_squeeze %dma_wait3A_505 : memref<1x4x128xi32, #tpu.memory_space<hbm>> -> memref<4x128xi32, #tpu.memory_space<hbm>>
      %dma_wait3A_507 = arith.constant 0 : i32
      %dma_wait3A_508 = arith.constant 0 : i32
      %dma_wait3A_509 = tpu.memref_slice %arg13[%run_scoped3A_7, %dma_wait3A_507, %dma_wait3A_508] : memref<7x4x128xi32, #tpu.memory_space<vmem>> -> memref<1x4x128xi32, #tpu.memory_space<vmem>>
      %dma_wait3A_510 = tpu.memref_squeeze %dma_wait3A_509 : memref<1x4x128xi32, #tpu.memory_space<vmem>> -> memref<4x128xi32, #tpu.memory_space<vmem>>
      %dma_wait3A_511 = arith.constant 0 : i32
      %dma_wait3A_512 = arith.constant 0 : i32
      %dma_wait3A_513 = tpu.memref_slice %arg8[%add3A, %dma_wait3A_511, %dma_wait3A_512] : memref<32x4x128xi32, #tpu.memory_space<hbm>> -> memref<1x4x128xi32, #tpu.memory_space<hbm>>
      %dma_wait3A_514 = tpu.memref_squeeze %dma_wait3A_513 : memref<1x4x128xi32, #tpu.memory_space<hbm>> -> memref<4x128xi32, #tpu.memory_space<hbm>>
      tpu.wait_dma2 semaphore(%run_scoped3A_482 : memref<!tpu.dma_semaphore, #tpu.memory_space<semaphore_mem>>) src(%dma_wait3A_514 : memref<4x128xi32, #tpu.memory_space<hbm>>) dst(%dma_wait3A_510 : memref<4x128xi32, #tpu.memory_space<vmem>>)
      tpu.yield
    }) : () -> ()
    %run_scoped3A_8 = arith.constant 6 : i32
    "tpu.region"() ({
      %run_scoped3A_482 = tpu.sem_alloc : memref<!tpu.dma_semaphore, #tpu.memory_space<semaphore_mem>>
      %dma_start3A_483 = arith.constant 0 : i32
      %dma_start3A_484 = arith.constant 0 : i32
      %dma_start3A_485 = tpu.memref_slice %arg13[%run_scoped3A_8, %dma_start3A_483, %dma_start3A_484] : memref<7x4x128xi32, #tpu.memory_space<vmem>> -> memref<1x4x128xi32, #tpu.memory_space<vmem>>
      %dma_start3A_486 = tpu.memref_squeeze %dma_start3A_485 : memref<1x4x128xi32, #tpu.memory_space<vmem>> -> memref<4x128xi32, #tpu.memory_space<vmem>>
      %dma_start3A_487 = arith.constant 0 : i32
      %dma_start3A_488 = arith.constant 0 : i32
      %dma_start3A_489 = tpu.memref_slice %arg9[%add3A, %dma_start3A_487, %dma_start3A_488] : memref<32x4x128xi32, #tpu.memory_space<hbm>> -> memref<1x4x128xi32, #tpu.memory_space<hbm>>
      %dma_start3A_490 = tpu.memref_squeeze %dma_start3A_489 : memref<1x4x128xi32, #tpu.memory_space<hbm>> -> memref<4x128xi32, #tpu.memory_space<hbm>>
      %dma_start3A_491 = arith.constant 0 : i32
      %dma_start3A_492 = arith.constant 0 : i32
      %dma_start3A_493 = tpu.memref_slice %arg13[%run_scoped3A_8, %dma_start3A_491, %dma_start3A_492] : memref<7x4x128xi32, #tpu.memory_space<vmem>> -> memref<1x4x128xi32, #tpu.memory_space<vmem>>
      %dma_start3A_494 = tpu.memref_squeeze %dma_start3A_493 : memref<1x4x128xi32, #tpu.memory_space<vmem>> -> memref<4x128xi32, #tpu.memory_space<vmem>>
      %dma_start3A_495 = arith.constant 0 : i32
      %dma_start3A_496 = arith.constant 0 : i32
      %dma_start3A_497 = tpu.memref_slice %arg9[%add3A, %dma_start3A_495, %dma_start3A_496] : memref<32x4x128xi32, #tpu.memory_space<hbm>> -> memref<1x4x128xi32, #tpu.memory_space<hbm>>
      %dma_start3A_498 = tpu.memref_squeeze %dma_start3A_497 : memref<1x4x128xi32, #tpu.memory_space<hbm>> -> memref<4x128xi32, #tpu.memory_space<hbm>>
      tpu.enqueue_dma source(%dma_start3A_498 : memref<4x128xi32, #tpu.memory_space<hbm>>) target(%dma_start3A_494 : memref<4x128xi32, #tpu.memory_space<vmem>>) target_semaphore(%run_scoped3A_482 : memref<!tpu.dma_semaphore, #tpu.memory_space<semaphore_mem>>)
      %dma_wait3A_499 = arith.constant 0 : i32
      %dma_wait3A_500 = arith.constant 0 : i32
      %dma_wait3A_501 = tpu.memref_slice %arg13[%run_scoped3A_8, %dma_wait3A_499, %dma_wait3A_500] : memref<7x4x128xi32, #tpu.memory_space<vmem>> -> memref<1x4x128xi32, #tpu.memory_space<vmem>>
      %dma_wait3A_502 = tpu.memref_squeeze %dma_wait3A_501 : memref<1x4x128xi32, #tpu.memory_space<vmem>> -> memref<4x128xi32, #tpu.memory_space<vmem>>
      %dma_wait3A_503 = arith.constant 0 : i32
      %dma_wait3A_504 = arith.constant 0 : i32
      %dma_wait3A_505 = tpu.memref_slice %arg9[%add3A, %dma_wait3A_503, %dma_wait3A_504] : memref<32x4x128xi32, #tpu.memory_space<hbm>> -> memref<1x4x128xi32, #tpu.memory_space<hbm>>
      %dma_wait3A_506 = tpu.memref_squeeze %dma_wait3A_505 : memref<1x4x128xi32, #tpu.memory_space<hbm>> -> memref<4x128xi32, #tpu.memory_space<hbm>>
      %dma_wait3A_507 = arith.constant 0 : i32
      %dma_wait3A_508 = arith.constant 0 : i32
      %dma_wait3A_509 = tpu.memref_slice %arg13[%run_scoped3A_8, %dma_wait3A_507, %dma_wait3A_508] : memref<7x4x128xi32, #tpu.memory_space<vmem>> -> memref<1x4x128xi32, #tpu.memory_space<vmem>>
      %dma_wait3A_510 = tpu.memref_squeeze %dma_wait3A_509 : memref<1x4x128xi32, #tpu.memory_space<vmem>> -> memref<4x128xi32, #tpu.memory_space<vmem>>
      %dma_wait3A_511 = arith.constant 0 : i32
      %dma_wait3A_512 = arith.constant 0 : i32
      %dma_wait3A_513 = tpu.memref_slice %arg9[%add3A, %dma_wait3A_511, %dma_wait3A_512] : memref<32x4x128xi32, #tpu.memory_space<hbm>> -> memref<1x4x128xi32, #tpu.memory_space<hbm>>
      %dma_wait3A_514 = tpu.memref_squeeze %dma_wait3A_513 : memref<1x4x128xi32, #tpu.memory_space<hbm>> -> memref<4x128xi32, #tpu.memory_space<hbm>>
      tpu.wait_dma2 semaphore(%run_scoped3A_482 : memref<!tpu.dma_semaphore, #tpu.memory_space<semaphore_mem>>) src(%dma_wait3A_514 : memref<4x128xi32, #tpu.memory_space<hbm>>) dst(%dma_wait3A_510 : memref<4x128xi32, #tpu.memory_space<vmem>>)
      tpu.yield
    }) : () -> ()
    %dma_start3A = arith.constant 0 : i32
    %dma_start3A_9 = arith.constant 0 : i32
    %dma_start3A_10 = arith.constant 0 : i32
    %dma_start3A_11 = tpu.memref_slice %arg13[%dma_start3A, %dma_start3A_9, %dma_start3A_10] : memref<7x4x128xi32, #tpu.memory_space<vmem>> -> memref<1x1x128xi32, #tpu.memory_space<vmem>>
    %dma_start3A_12 = tpu.memref_squeeze %dma_start3A_11 : memref<1x1x128xi32, #tpu.memory_space<vmem>> -> memref<128xi32, #tpu.memory_space<vmem>>
    %dma_start3A_13 = arith.constant 0 : i32
    %dma_start3A_14 = arith.constant 0 : i32
    %dma_start3A_15 = tpu.memref_slice %arg2[%dma_start3A_13, %dma_start3A_14] : memref<114688x64xf32, #tpu.memory_space<hbm>> -> memref<114688x64xf32, #tpu.memory_space<hbm>>
    tpu.enqueue_indirect_dma source(%dma_start3A_15 : memref<114688x64xf32, #tpu.memory_space<hbm>>) target(%arg14 : memref<128x64xf32, #tpu.memory_space<vmem>>) offsets(%dma_start3A_12 : memref<128xi32, #tpu.memory_space<vmem>>) semaphore(%arg34 : memref<!tpu.dma_semaphore, #tpu.memory_space<semaphore_mem>>)
    %dma_start3A_16 = arith.constant 1 : i32
    %dma_start3A_17 = arith.constant 0 : i32
    %dma_start3A_18 = arith.constant 0 : i32
    %dma_start3A_19 = tpu.memref_slice %arg13[%dma_start3A_16, %dma_start3A_17, %dma_start3A_18] : memref<7x4x128xi32, #tpu.memory_space<vmem>> -> memref<1x1x128xi32, #tpu.memory_space<vmem>>
    %dma_start3A_20 = tpu.memref_squeeze %dma_start3A_19 : memref<1x1x128xi32, #tpu.memory_space<vmem>> -> memref<128xi32, #tpu.memory_space<vmem>>
    %dma_start3A_21 = arith.constant 0 : i32
    %dma_start3A_22 = arith.constant 0 : i32
    %dma_start3A_23 = tpu.memref_slice %arg2[%dma_start3A_21, %dma_start3A_22] : memref<114688x64xf32, #tpu.memory_space<hbm>> -> memref<114688x64xf32, #tpu.memory_space<hbm>>
    tpu.enqueue_indirect_dma source(%dma_start3A_23 : memref<114688x64xf32, #tpu.memory_space<hbm>>) target(%arg15 : memref<128x64xf32, #tpu.memory_space<vmem>>) offsets(%dma_start3A_20 : memref<128xi32, #tpu.memory_space<vmem>>) semaphore(%arg35 : memref<!tpu.dma_semaphore, #tpu.memory_space<semaphore_mem>>)
    %dma_start3A_24 = arith.constant 2 : i32
    %dma_start3A_25 = arith.constant 0 : i32
    %dma_start3A_26 = arith.constant 0 : i32
    %dma_start3A_27 = tpu.memref_slice %arg13[%dma_start3A_24, %dma_start3A_25, %dma_start3A_26] : memref<7x4x128xi32, #tpu.memory_space<vmem>> -> memref<1x1x128xi32, #tpu.memory_space<vmem>>
    %dma_start3A_28 = tpu.memref_squeeze %dma_start3A_27 : memref<1x1x128xi32, #tpu.memory_space<vmem>> -> memref<128xi32, #tpu.memory_space<vmem>>
    %dma_start3A_29 = arith.constant 0 : i32
    %dma_start3A_30 = arith.constant 0 : i32
    %dma_start3A_31 = tpu.memref_slice %arg2[%dma_start3A_29, %dma_start3A_30] : memref<114688x64xf32, #tpu.memory_space<hbm>> -> memref<114688x64xf32, #tpu.memory_space<hbm>>
    tpu.enqueue_indirect_dma source(%dma_start3A_31 : memref<114688x64xf32, #tpu.memory_space<hbm>>) target(%arg16 : memref<128x64xf32, #tpu.memory_space<vmem>>) offsets(%dma_start3A_28 : memref<128xi32, #tpu.memory_space<vmem>>) semaphore(%arg36 : memref<!tpu.dma_semaphore, #tpu.memory_space<semaphore_mem>>)
    %dma_start3A_32 = arith.constant 3 : i32
    %dma_start3A_33 = arith.constant 0 : i32
    %dma_start3A_34 = arith.constant 0 : i32
    %dma_start3A_35 = tpu.memref_slice %arg13[%dma_start3A_32, %dma_start3A_33, %dma_start3A_34] : memref<7x4x128xi32, #tpu.memory_space<vmem>> -> memref<1x1x128xi32, #tpu.memory_space<vmem>>
    %dma_start3A_36 = tpu.memref_squeeze %dma_start3A_35 : memref<1x1x128xi32, #tpu.memory_space<vmem>> -> memref<128xi32, #tpu.memory_space<vmem>>
    %dma_start3A_37 = arith.constant 0 : i32
    %dma_start3A_38 = arith.constant 0 : i32
    %dma_start3A_39 = tpu.memref_slice %arg2[%dma_start3A_37, %dma_start3A_38] : memref<114688x64xf32, #tpu.memory_space<hbm>> -> memref<114688x64xf32, #tpu.memory_space<hbm>>
    tpu.enqueue_indirect_dma source(%dma_start3A_39 : memref<114688x64xf32, #tpu.memory_space<hbm>>) target(%arg17 : memref<128x64xf32, #tpu.memory_space<vmem>>) offsets(%dma_start3A_36 : memref<128xi32, #tpu.memory_space<vmem>>) semaphore(%arg37 : memref<!tpu.dma_semaphore, #tpu.memory_space<semaphore_mem>>)
    %dma_start3A_40 = arith.constant 4 : i32
    %dma_start3A_41 = arith.constant 0 : i32
    %dma_start3A_42 = arith.constant 0 : i32
    %dma_start3A_43 = tpu.memref_slice %arg13[%dma_start3A_40, %dma_start3A_41, %dma_start3A_42] : memref<7x4x128xi32, #tpu.memory_space<vmem>> -> memref<1x1x128xi32, #tpu.memory_space<vmem>>
    %dma_start3A_44 = tpu.memref_squeeze %dma_start3A_43 : memref<1x1x128xi32, #tpu.memory_space<vmem>> -> memref<128xi32, #tpu.memory_space<vmem>>
    %dma_start3A_45 = arith.constant 0 : i32
    %dma_start3A_46 = arith.constant 0 : i32
    %dma_start3A_47 = tpu.memref_slice %arg2[%dma_start3A_45, %dma_start3A_46] : memref<114688x64xf32, #tpu.memory_space<hbm>> -> memref<114688x64xf32, #tpu.memory_space<hbm>>
    tpu.enqueue_indirect_dma source(%dma_start3A_47 : memref<114688x64xf32, #tpu.memory_space<hbm>>) target(%arg18 : memref<128x64xf32, #tpu.memory_space<vmem>>) offsets(%dma_start3A_44 : memref<128xi32, #tpu.memory_space<vmem>>) semaphore(%arg38 : memref<!tpu.dma_semaphore, #tpu.memory_space<semaphore_mem>>)
    %dma_start3A_48 = arith.constant 5 : i32
    %dma_start3A_49 = arith.constant 0 : i32
    %dma_start3A_50 = arith.constant 0 : i32
    %dma_start3A_51 = tpu.memref_slice %arg13[%dma_start3A_48, %dma_start3A_49, %dma_start3A_50] : memref<7x4x128xi32, #tpu.memory_space<vmem>> -> memref<1x1x128xi32, #tpu.memory_space<vmem>>
    %dma_start3A_52 = tpu.memref_squeeze %dma_start3A_51 : memref<1x1x128xi32, #tpu.memory_space<vmem>> -> memref<128xi32, #tpu.memory_space<vmem>>
    %dma_start3A_53 = arith.constant 0 : i32
    %dma_start3A_54 = arith.constant 0 : i32
    %dma_start3A_55 = tpu.memref_slice %arg2[%dma_start3A_53, %dma_start3A_54] : memref<114688x64xf32, #tpu.memory_space<hbm>> -> memref<114688x64xf32, #tpu.memory_space<hbm>>
    tpu.enqueue_indirect_dma source(%dma_start3A_55 : memref<114688x64xf32, #tpu.memory_space<hbm>>) target(%arg19 : memref<128x64xf32, #tpu.memory_space<vmem>>) offsets(%dma_start3A_52 : memref<128xi32, #tpu.memory_space<vmem>>) semaphore(%arg39 : memref<!tpu.dma_semaphore, #tpu.memory_space<semaphore_mem>>)
    %dma_start3A_56 = arith.constant 6 : i32
    %dma_start3A_57 = arith.constant 0 : i32
    %dma_start3A_58 = arith.constant 0 : i32
    %dma_start3A_59 = tpu.memref_slice %arg13[%dma_start3A_56, %dma_start3A_57, %dma_start3A_58] : memref<7x4x128xi32, #tpu.memory_space<vmem>> -> memref<1x1x128xi32, #tpu.memory_space<vmem>>
    %dma_start3A_60 = tpu.memref_squeeze %dma_start3A_59 : memref<1x1x128xi32, #tpu.memory_space<vmem>> -> memref<128xi32, #tpu.memory_space<vmem>>
    %dma_start3A_61 = arith.constant 0 : i32
    %dma_start3A_62 = arith.constant 0 : i32
    %dma_start3A_63 = tpu.memref_slice %arg2[%dma_start3A_61, %dma_start3A_62] : memref<114688x64xf32, #tpu.memory_space<hbm>> -> memref<114688x64xf32, #tpu.memory_space<hbm>>
    tpu.enqueue_indirect_dma source(%dma_start3A_63 : memref<114688x64xf32, #tpu.memory_space<hbm>>) target(%arg20 : memref<128x64xf32, #tpu.memory_space<vmem>>) offsets(%dma_start3A_60 : memref<128xi32, #tpu.memory_space<vmem>>) semaphore(%arg40 : memref<!tpu.dma_semaphore, #tpu.memory_space<semaphore_mem>>)
    %dma_wait3A = arith.constant 0 : i32
    %dma_wait3A_64 = arith.constant 0 : i32
    %dma_wait3A_65 = arith.constant 0 : i32
    %dma_wait3A_66 = tpu.memref_slice %arg13[%dma_wait3A, %dma_wait3A_64, %dma_wait3A_65] : memref<7x4x128xi32, #tpu.memory_space<vmem>> -> memref<1x1x128xi32, #tpu.memory_space<vmem>>
    %dma_wait3A_67 = tpu.memref_squeeze %dma_wait3A_66 : memref<1x1x128xi32, #tpu.memory_space<vmem>> -> memref<128xi32, #tpu.memory_space<vmem>>
    %dma_wait3A_68 = arith.constant 0 : i32
    %dma_wait3A_69 = arith.constant 0 : i32
    %dma_wait3A_70 = tpu.memref_slice %arg2[%dma_wait3A_68, %dma_wait3A_69] : memref<114688x64xf32, #tpu.memory_space<hbm>> -> memref<114688x64xf32, #tpu.memory_space<hbm>>
    tpu.wait_indirect_dma semaphore(%arg34 : memref<!tpu.dma_semaphore, #tpu.memory_space<semaphore_mem>>) src(%dma_wait3A_70 : memref<114688x64xf32, #tpu.memory_space<hbm>>) dst(%arg14 : memref<128x64xf32, #tpu.memory_space<vmem>>)
    %dma_wait3A_71 = arith.constant 1 : i32
    %dma_wait3A_72 = arith.constant 0 : i32
    %dma_wait3A_73 = arith.constant 0 : i32
    %dma_wait3A_74 = tpu.memref_slice %arg13[%dma_wait3A_71, %dma_wait3A_72, %dma_wait3A_73] : memref<7x4x128xi32, #tpu.memory_space<vmem>> -> memref<1x1x128xi32, #tpu.memory_space<vmem>>
    %dma_wait3A_75 = tpu.memref_squeeze %dma_wait3A_74 : memref<1x1x128xi32, #tpu.memory_space<vmem>> -> memref<128xi32, #tpu.memory_space<vmem>>
    %dma_wait3A_76 = arith.constant 0 : i32
    %dma_wait3A_77 = arith.constant 0 : i32
    %dma_wait3A_78 = tpu.memref_slice %arg2[%dma_wait3A_76, %dma_wait3A_77] : memref<114688x64xf32, #tpu.memory_space<hbm>> -> memref<114688x64xf32, #tpu.memory_space<hbm>>
    tpu.wait_indirect_dma semaphore(%arg35 : memref<!tpu.dma_semaphore, #tpu.memory_space<semaphore_mem>>) src(%dma_wait3A_78 : memref<114688x64xf32, #tpu.memory_space<hbm>>) dst(%arg15 : memref<128x64xf32, #tpu.memory_space<vmem>>)
    %dma_wait3A_79 = arith.constant 2 : i32
    %dma_wait3A_80 = arith.constant 0 : i32
    %dma_wait3A_81 = arith.constant 0 : i32
    %dma_wait3A_82 = tpu.memref_slice %arg13[%dma_wait3A_79, %dma_wait3A_80, %dma_wait3A_81] : memref<7x4x128xi32, #tpu.memory_space<vmem>> -> memref<1x1x128xi32, #tpu.memory_space<vmem>>
    %dma_wait3A_83 = tpu.memref_squeeze %dma_wait3A_82 : memref<1x1x128xi32, #tpu.memory_space<vmem>> -> memref<128xi32, #tpu.memory_space<vmem>>
    %dma_wait3A_84 = arith.constant 0 : i32
    %dma_wait3A_85 = arith.constant 0 : i32
    %dma_wait3A_86 = tpu.memref_slice %arg2[%dma_wait3A_84, %dma_wait3A_85] : memref<114688x64xf32, #tpu.memory_space<hbm>> -> memref<114688x64xf32, #tpu.memory_space<hbm>>
    tpu.wait_indirect_dma semaphore(%arg36 : memref<!tpu.dma_semaphore, #tpu.memory_space<semaphore_mem>>) src(%dma_wait3A_86 : memref<114688x64xf32, #tpu.memory_space<hbm>>) dst(%arg16 : memref<128x64xf32, #tpu.memory_space<vmem>>)
    %dma_wait3A_87 = arith.constant 3 : i32
    %dma_wait3A_88 = arith.constant 0 : i32
    %dma_wait3A_89 = arith.constant 0 : i32
    %dma_wait3A_90 = tpu.memref_slice %arg13[%dma_wait3A_87, %dma_wait3A_88, %dma_wait3A_89] : memref<7x4x128xi32, #tpu.memory_space<vmem>> -> memref<1x1x128xi32, #tpu.memory_space<vmem>>
    %dma_wait3A_91 = tpu.memref_squeeze %dma_wait3A_90 : memref<1x1x128xi32, #tpu.memory_space<vmem>> -> memref<128xi32, #tpu.memory_space<vmem>>
    %dma_wait3A_92 = arith.constant 0 : i32
    %dma_wait3A_93 = arith.constant 0 : i32
    %dma_wait3A_94 = tpu.memref_slice %arg2[%dma_wait3A_92, %dma_wait3A_93] : memref<114688x64xf32, #tpu.memory_space<hbm>> -> memref<114688x64xf32, #tpu.memory_space<hbm>>
    tpu.wait_indirect_dma semaphore(%arg37 : memref<!tpu.dma_semaphore, #tpu.memory_space<semaphore_mem>>) src(%dma_wait3A_94 : memref<114688x64xf32, #tpu.memory_space<hbm>>) dst(%arg17 : memref<128x64xf32, #tpu.memory_space<vmem>>)
    %dma_wait3A_95 = arith.constant 4 : i32
    %dma_wait3A_96 = arith.constant 0 : i32
    %dma_wait3A_97 = arith.constant 0 : i32
    %dma_wait3A_98 = tpu.memref_slice %arg13[%dma_wait3A_95, %dma_wait3A_96, %dma_wait3A_97] : memref<7x4x128xi32, #tpu.memory_space<vmem>> -> memref<1x1x128xi32, #tpu.memory_space<vmem>>
    %dma_wait3A_99 = tpu.memref_squeeze %dma_wait3A_98 : memref<1x1x128xi32, #tpu.memory_space<vmem>> -> memref<128xi32, #tpu.memory_space<vmem>>
    %dma_wait3A_100 = arith.constant 0 : i32
    %dma_wait3A_101 = arith.constant 0 : i32
    %dma_wait3A_102 = tpu.memref_slice %arg2[%dma_wait3A_100, %dma_wait3A_101] : memref<114688x64xf32, #tpu.memory_space<hbm>> -> memref<114688x64xf32, #tpu.memory_space<hbm>>
    tpu.wait_indirect_dma semaphore(%arg38 : memref<!tpu.dma_semaphore, #tpu.memory_space<semaphore_mem>>) src(%dma_wait3A_102 : memref<114688x64xf32, #tpu.memory_space<hbm>>) dst(%arg18 : memref<128x64xf32, #tpu.memory_space<vmem>>)
    %dma_wait3A_103 = arith.constant 5 : i32
    %dma_wait3A_104 = arith.constant 0 : i32
    %dma_wait3A_105 = arith.constant 0 : i32
    %dma_wait3A_106 = tpu.memref_slice %arg13[%dma_wait3A_103, %dma_wait3A_104, %dma_wait3A_105] : memref<7x4x128xi32, #tpu.memory_space<vmem>> -> memref<1x1x128xi32, #tpu.memory_space<vmem>>
    %dma_wait3A_107 = tpu.memref_squeeze %dma_wait3A_106 : memref<1x1x128xi32, #tpu.memory_space<vmem>> -> memref<128xi32, #tpu.memory_space<vmem>>
    %dma_wait3A_108 = arith.constant 0 : i32
    %dma_wait3A_109 = arith.constant 0 : i32
    %dma_wait3A_110 = tpu.memref_slice %arg2[%dma_wait3A_108, %dma_wait3A_109] : memref<114688x64xf32, #tpu.memory_space<hbm>> -> memref<114688x64xf32, #tpu.memory_space<hbm>>
    tpu.wait_indirect_dma semaphore(%arg39 : memref<!tpu.dma_semaphore, #tpu.memory_space<semaphore_mem>>) src(%dma_wait3A_110 : memref<114688x64xf32, #tpu.memory_space<hbm>>) dst(%arg19 : memref<128x64xf32, #tpu.memory_space<vmem>>)
    %dma_wait3A_111 = arith.constant 6 : i32
    %dma_wait3A_112 = arith.constant 0 : i32
    %dma_wait3A_113 = arith.constant 0 : i32
    %dma_wait3A_114 = tpu.memref_slice %arg13[%dma_wait3A_111, %dma_wait3A_112, %dma_wait3A_113] : memref<7x4x128xi32, #tpu.memory_space<vmem>> -> memref<1x1x128xi32, #tpu.memory_space<vmem>>
    %dma_wait3A_115 = tpu.memref_squeeze %dma_wait3A_114 : memref<1x1x128xi32, #tpu.memory_space<vmem>> -> memref<128xi32, #tpu.memory_space<vmem>>
    %dma_wait3A_116 = arith.constant 0 : i32
    %dma_wait3A_117 = arith.constant 0 : i32
    %dma_wait3A_118 = tpu.memref_slice %arg2[%dma_wait3A_116, %dma_wait3A_117] : memref<114688x64xf32, #tpu.memory_space<hbm>> -> memref<114688x64xf32, #tpu.memory_space<hbm>>
    tpu.wait_indirect_dma semaphore(%arg40 : memref<!tpu.dma_semaphore, #tpu.memory_space<semaphore_mem>>) src(%dma_wait3A_118 : memref<114688x64xf32, #tpu.memory_space<hbm>>) dst(%arg20 : memref<128x64xf32, #tpu.memory_space<vmem>>)
    %dma_start3A_119 = arith.constant 0 : i32
    %dma_start3A_120 = arith.constant 1 : i32
    %dma_start3A_121 = arith.constant 0 : i32
    %dma_start3A_122 = tpu.memref_slice %arg13[%dma_start3A_119, %dma_start3A_120, %dma_start3A_121] : memref<7x4x128xi32, #tpu.memory_space<vmem>> -> memref<1x1x128xi32, #tpu.memory_space<vmem>>
    %dma_start3A_123 = tpu.memref_squeeze %dma_start3A_122 : memref<1x1x128xi32, #tpu.memory_space<vmem>> -> memref<128xi32, #tpu.memory_space<vmem>>
    %dma_start3A_124 = arith.constant 0 : i32
    %dma_start3A_125 = arith.constant 0 : i32
    %dma_start3A_126 = tpu.memref_slice %arg2[%dma_start3A_124, %dma_start3A_125] : memref<114688x64xf32, #tpu.memory_space<hbm>> -> memref<114688x64xf32, #tpu.memory_space<hbm>>
    tpu.enqueue_indirect_dma source(%dma_start3A_126 : memref<114688x64xf32, #tpu.memory_space<hbm>>) target(%arg21 : memref<128x64xf32, #tpu.memory_space<vmem>>) offsets(%dma_start3A_123 : memref<128xi32, #tpu.memory_space<vmem>>) semaphore(%arg41 : memref<!tpu.dma_semaphore, #tpu.memory_space<semaphore_mem>>)
    %dma_start3A_127 = arith.constant 1 : i32
    %dma_start3A_128 = arith.constant 1 : i32
    %dma_start3A_129 = arith.constant 0 : i32
    %dma_start3A_130 = tpu.memref_slice %arg13[%dma_start3A_127, %dma_start3A_128, %dma_start3A_129] : memref<7x4x128xi32, #tpu.memory_space<vmem>> -> memref<1x1x128xi32, #tpu.memory_space<vmem>>
    %dma_start3A_131 = tpu.memref_squeeze %dma_start3A_130 : memref<1x1x128xi32, #tpu.memory_space<vmem>> -> memref<128xi32, #tpu.memory_space<vmem>>
    %dma_start3A_132 = arith.constant 0 : i32
    %dma_start3A_133 = arith.constant 0 : i32
    %dma_start3A_134 = tpu.memref_slice %arg2[%dma_start3A_132, %dma_start3A_133] : memref<114688x64xf32, #tpu.memory_space<hbm>> -> memref<114688x64xf32, #tpu.memory_space<hbm>>
    tpu.enqueue_indirect_dma source(%dma_start3A_134 : memref<114688x64xf32, #tpu.memory_space<hbm>>) target(%arg22 : memref<128x64xf32, #tpu.memory_space<vmem>>) offsets(%dma_start3A_131 : memref<128xi32, #tpu.memory_space<vmem>>) semaphore(%arg42 : memref<!tpu.dma_semaphore, #tpu.memory_space<semaphore_mem>>)
    %dma_start3A_135 = arith.constant 2 : i32
    %dma_start3A_136 = arith.constant 1 : i32
    %dma_start3A_137 = arith.constant 0 : i32
    %dma_start3A_138 = tpu.memref_slice %arg13[%dma_start3A_135, %dma_start3A_136, %dma_start3A_137] : memref<7x4x128xi32, #tpu.memory_space<vmem>> -> memref<1x1x128xi32, #tpu.memory_space<vmem>>
    %dma_start3A_139 = tpu.memref_squeeze %dma_start3A_138 : memref<1x1x128xi32, #tpu.memory_space<vmem>> -> memref<128xi32, #tpu.memory_space<vmem>>
    %dma_start3A_140 = arith.constant 0 : i32
    %dma_start3A_141 = arith.constant 0 : i32
    %dma_start3A_142 = tpu.memref_slice %arg2[%dma_start3A_140, %dma_start3A_141] : memref<114688x64xf32, #tpu.memory_space<hbm>> -> memref<114688x64xf32, #tpu.memory_space<hbm>>
    tpu.enqueue_indirect_dma source(%dma_start3A_142 : memref<114688x64xf32, #tpu.memory_space<hbm>>) target(%arg23 : memref<128x64xf32, #tpu.memory_space<vmem>>) offsets(%dma_start3A_139 : memref<128xi32, #tpu.memory_space<vmem>>) semaphore(%arg43 : memref<!tpu.dma_semaphore, #tpu.memory_space<semaphore_mem>>)
    %dma_start3A_143 = arith.constant 3 : i32
    %dma_start3A_144 = arith.constant 1 : i32
    %dma_start3A_145 = arith.constant 0 : i32
    %dma_start3A_146 = tpu.memref_slice %arg13[%dma_start3A_143, %dma_start3A_144, %dma_start3A_145] : memref<7x4x128xi32, #tpu.memory_space<vmem>> -> memref<1x1x128xi32, #tpu.memory_space<vmem>>
    %dma_start3A_147 = tpu.memref_squeeze %dma_start3A_146 : memref<1x1x128xi32, #tpu.memory_space<vmem>> -> memref<128xi32, #tpu.memory_space<vmem>>
    %dma_start3A_148 = arith.constant 0 : i32
    %dma_start3A_149 = arith.constant 0 : i32
    %dma_start3A_150 = tpu.memref_slice %arg2[%dma_start3A_148, %dma_start3A_149] : memref<114688x64xf32, #tpu.memory_space<hbm>> -> memref<114688x64xf32, #tpu.memory_space<hbm>>
    tpu.enqueue_indirect_dma source(%dma_start3A_150 : memref<114688x64xf32, #tpu.memory_space<hbm>>) target(%arg24 : memref<128x64xf32, #tpu.memory_space<vmem>>) offsets(%dma_start3A_147 : memref<128xi32, #tpu.memory_space<vmem>>) semaphore(%arg44 : memref<!tpu.dma_semaphore, #tpu.memory_space<semaphore_mem>>)
    %dma_start3A_151 = arith.constant 4 : i32
    %dma_start3A_152 = arith.constant 1 : i32
    %dma_start3A_153 = arith.constant 0 : i32
    %dma_start3A_154 = tpu.memref_slice %arg13[%dma_start3A_151, %dma_start3A_152, %dma_start3A_153] : memref<7x4x128xi32, #tpu.memory_space<vmem>> -> memref<1x1x128xi32, #tpu.memory_space<vmem>>
    %dma_start3A_155 = tpu.memref_squeeze %dma_start3A_154 : memref<1x1x128xi32, #tpu.memory_space<vmem>> -> memref<128xi32, #tpu.memory_space<vmem>>
    %dma_start3A_156 = arith.constant 0 : i32
    %dma_start3A_157 = arith.constant 0 : i32
    %dma_start3A_158 = tpu.memref_slice %arg2[%dma_start3A_156, %dma_start3A_157] : memref<114688x64xf32, #tpu.memory_space<hbm>> -> memref<114688x64xf32, #tpu.memory_space<hbm>>
    tpu.enqueue_indirect_dma source(%dma_start3A_158 : memref<114688x64xf32, #tpu.memory_space<hbm>>) target(%arg25 : memref<128x64xf32, #tpu.memory_space<vmem>>) offsets(%dma_start3A_155 : memref<128xi32, #tpu.memory_space<vmem>>) semaphore(%arg45 : memref<!tpu.dma_semaphore, #tpu.memory_space<semaphore_mem>>)
    %dma_start3A_159 = arith.constant 5 : i32
    %dma_start3A_160 = arith.constant 1 : i32
    %dma_start3A_161 = arith.constant 0 : i32
    %dma_start3A_162 = tpu.memref_slice %arg13[%dma_start3A_159, %dma_start3A_160, %dma_start3A_161] : memref<7x4x128xi32, #tpu.memory_space<vmem>> -> memref<1x1x128xi32, #tpu.memory_space<vmem>>
    %dma_start3A_163 = tpu.memref_squeeze %dma_start3A_162 : memref<1x1x128xi32, #tpu.memory_space<vmem>> -> memref<128xi32, #tpu.memory_space<vmem>>
    %dma_start3A_164 = arith.constant 0 : i32
    %dma_start3A_165 = arith.constant 0 : i32
    %dma_start3A_166 = tpu.memref_slice %arg2[%dma_start3A_164, %dma_start3A_165] : memref<114688x64xf32, #tpu.memory_space<hbm>> -> memref<114688x64xf32, #tpu.memory_space<hbm>>
    tpu.enqueue_indirect_dma source(%dma_start3A_166 : memref<114688x64xf32, #tpu.memory_space<hbm>>) target(%arg26 : memref<128x64xf32, #tpu.memory_space<vmem>>) offsets(%dma_start3A_163 : memref<128xi32, #tpu.memory_space<vmem>>) semaphore(%arg46 : memref<!tpu.dma_semaphore, #tpu.memory_space<semaphore_mem>>)
    %dma_start3A_167 = arith.constant 6 : i32
    %dma_start3A_168 = arith.constant 1 : i32
    %dma_start3A_169 = arith.constant 0 : i32
    %dma_start3A_170 = tpu.memref_slice %arg13[%dma_start3A_167, %dma_start3A_168, %dma_start3A_169] : memref<7x4x128xi32, #tpu.memory_space<vmem>> -> memref<1x1x128xi32, #tpu.memory_space<vmem>>
    %dma_start3A_171 = tpu.memref_squeeze %dma_start3A_170 : memref<1x1x128xi32, #tpu.memory_space<vmem>> -> memref<128xi32, #tpu.memory_space<vmem>>
    %dma_start3A_172 = arith.constant 0 : i32
    %dma_start3A_173 = arith.constant 0 : i32
    %dma_start3A_174 = tpu.memref_slice %arg2[%dma_start3A_172, %dma_start3A_173] : memref<114688x64xf32, #tpu.memory_space<hbm>> -> memref<114688x64xf32, #tpu.memory_space<hbm>>
    tpu.enqueue_indirect_dma source(%dma_start3A_174 : memref<114688x64xf32, #tpu.memory_space<hbm>>) target(%arg27 : memref<128x64xf32, #tpu.memory_space<vmem>>) offsets(%dma_start3A_171 : memref<128xi32, #tpu.memory_space<vmem>>) semaphore(%arg47 : memref<!tpu.dma_semaphore, #tpu.memory_space<semaphore_mem>>)
    %scan3A = arith.constant 0 : i32
    %scan3A_175 = arith.constant 0 : i32
    %scan3A_176 = arith.constant 128 : i32
    %scan3A_177 = arith.addi %scan3A_175, %scan3A_176 : i32
    %scan3A_178 = arith.constant 2 : i32
    %scan3A_179 = scf.for %scan3A_482 = %scan3A_175 to %scan3A_177 step %scan3A_178 iter_args(%scan3A_483 = %scan3A) -> (i32)  : i32 {
      %broadcast_in_dim3A = arith.constant 0.000000e+00 : f32
      %broadcast_in_dim3A_484 = vector.broadcast %broadcast_in_dim3A : f32 to vector<16xf32>
      %broadcast_in_dim3A_485 = arith.constant 0.000000e+00 : f32
      %broadcast_in_dim3A_486 = vector.broadcast %broadcast_in_dim3A_485 : f32 to vector<16xf32>
      %broadcast_in_dim3A_487 = arith.constant 0.000000e+00 : f32
      %broadcast_in_dim3A_488 = vector.broadcast %broadcast_in_dim3A_487 : f32 to vector<16xf32>
      %get3A = arith.index_cast %scan3A_482 : i32 to index
      %get3A_489 = arith.constant 0 : index
      %get3A_490 = tpu.vector_load %arg14[%get3A, %get3A_489] {strides = array<i32>} : memref<128x64xf32, #tpu.memory_space<vmem>>, vector<16xf32>,
      %get3A_491 = arith.index_cast %scan3A_482 : i32 to index
      %get3A_492 = arith.constant 0 : index
      %get3A_493 = tpu.vector_load %arg15[%get3A_491, %get3A_492] {strides = array<i32>} : memref<128x64xf32, #tpu.memory_space<vmem>>, vector<16xf32>,
      %get3A_494 = arith.index_cast %scan3A_482 : i32 to index
      %get3A_495 = arith.constant 0 : index
      %get3A_496 = tpu.vector_load %arg16[%get3A_494, %get3A_495] {strides = array<i32>} : memref<128x64xf32, #tpu.memory_space<vmem>>, vector<16xf32>,
      %sub3A = arith.subf %get3A_493, %get3A_496 : vector<16xf32>
      %mul3A_497 = arith.mulf %get3A_490, %sub3A : vector<16xf32>
      %add3A_498 = arith.addf %broadcast_in_dim3A_484, %mul3A_497 : vector<16xf32>
      %get3A_499 = arith.index_cast %scan3A_482 : i32 to index
      %get3A_500 = arith.constant 0 : index
      %get3A_501 = tpu.vector_load %arg17[%get3A_499, %get3A_500] {strides = array<i32>} : memref<128x64xf32, #tpu.memory_space<vmem>>, vector<16xf32>,
      %sub3A_502 = arith.subf %get3A_493, %get3A_501 : vector<16xf32>
      %get3A_503 = arith.index_cast %scan3A_482 : i32 to index
      %get3A_504 = arith.constant 0 : index
      %get3A_505 = tpu.vector_load %arg18[%get3A_503, %get3A_504] {strides = array<i32>} : memref<128x64xf32, #tpu.memory_space<vmem>>, vector<16xf32>,
      %sub3A_506 = arith.subf %get3A_493, %get3A_505 : vector<16xf32>
      %mul3A_507 = arith.mulf %sub3A_502, %sub3A_502 : vector<16xf32>
      %mul3A_508 = arith.mulf %sub3A_506, %sub3A_506 : vector<16xf32>
      %sub3A_509 = arith.subf %mul3A_507, %mul3A_508 : vector<16xf32>
      %add3A_510 = arith.addf %broadcast_in_dim3A_486, %sub3A_509 : vector<16xf32>
      %get3A_511 = arith.index_cast %scan3A_482 : i32 to index
      %get3A_512 = arith.constant 0 : index
      %get3A_513 = tpu.vector_load %arg19[%get3A_511, %get3A_512] {strides = array<i32>} : memref<128x64xf32, #tpu.memory_space<vmem>>, vector<16xf32>,
      %sub3A_514 = arith.subf %get3A_490, %get3A_513 : vector<16xf32>
      %get3A_515 = arith.index_cast %scan3A_482 : i32 to index
      %get3A_516 = arith.constant 0 : index
      %get3A_517 = tpu.vector_load %arg20[%get3A_515, %get3A_516] {strides = array<i32>} : memref<128x64xf32, #tpu.memory_space<vmem>>, vector<16xf32>,
      %sub3A_518 = arith.subf %get3A_490, %get3A_517 : vector<16xf32>
      %mul3A_519 = arith.mulf %sub3A_514, %sub3A_514 : vector<16xf32>
      %mul3A_520 = arith.mulf %sub3A_518, %sub3A_518 : vector<16xf32>
      %sub3A_521 = arith.subf %mul3A_519, %mul3A_520 : vector<16xf32>
      %add3A_522 = arith.addf %broadcast_in_dim3A_488, %sub3A_521 : vector<16xf32>
      %get3A_523 = arith.index_cast %scan3A_482 : i32 to index
      %get3A_524 = arith.constant 16 : index
      %get3A_525 = tpu.vector_load %arg14[%get3A_523, %get3A_524] {strides = array<i32>} : memref<128x64xf32, #tpu.memory_space<vmem>>, vector<16xf32>,
      %get3A_526 = arith.index_cast %scan3A_482 : i32 to index
      %get3A_527 = arith.constant 16 : index
      %get3A_528 = tpu.vector_load %arg15[%get3A_526, %get3A_527] {strides = array<i32>} : memref<128x64xf32, #tpu.memory_space<vmem>>, vector<16xf32>,
      %get3A_529 = arith.index_cast %scan3A_482 : i32 to index
      %get3A_530 = arith.constant 16 : index
      %get3A_531 = tpu.vector_load %arg16[%get3A_529, %get3A_530] {strides = array<i32>} : memref<128x64xf32, #tpu.memory_space<vmem>>, vector<16xf32>,
      %sub3A_532 = arith.subf %get3A_528, %get3A_531 : vector<16xf32>
      %mul3A_533 = arith.mulf %get3A_525, %sub3A_532 : vector<16xf32>
      %add3A_534 = arith.addf %add3A_498, %mul3A_533 : vector<16xf32>
      %get3A_535 = arith.index_cast %scan3A_482 : i32 to index
      %get3A_536 = arith.constant 16 : index
      %get3A_537 = tpu.vector_load %arg17[%get3A_535, %get3A_536] {strides = array<i32>} : memref<128x64xf32, #tpu.memory_space<vmem>>, vector<16xf32>,
      %sub3A_538 = arith.subf %get3A_528, %get3A_537 : vector<16xf32>
      %get3A_539 = arith.index_cast %scan3A_482 : i32 to index
      %get3A_540 = arith.constant 16 : index
      %get3A_541 = tpu.vector_load %arg18[%get3A_539, %get3A_540] {strides = array<i32>} : memref<128x64xf32, #tpu.memory_space<vmem>>, vector<16xf32>,
      %sub3A_542 = arith.subf %get3A_528, %get3A_541 : vector<16xf32>
      %mul3A_543 = arith.mulf %sub3A_538, %sub3A_538 : vector<16xf32>
      %mul3A_544 = arith.mulf %sub3A_542, %sub3A_542 : vector<16xf32>
      %sub3A_545 = arith.subf %mul3A_543, %mul3A_544 : vector<16xf32>
      %add3A_546 = arith.addf %add3A_510, %sub3A_545 : vector<16xf32>
      %get3A_547 = arith.index_cast %scan3A_482 : i32 to index
      %get3A_548 = arith.constant 16 : index
      %get3A_549 = tpu.vector_load %arg19[%get3A_547, %get3A_548] {strides = array<i32>} : memref<128x64xf32, #tpu.memory_space<vmem>>, vector<16xf32>,
      %sub3A_550 = arith.subf %get3A_525, %get3A_549 : vector<16xf32>
      %get3A_551 = arith.index_cast %scan3A_482 : i32 to index
      %get3A_552 = arith.constant 16 : index
      %get3A_553 = tpu.vector_load %arg20[%get3A_551, %get3A_552] {strides = array<i32>} : memref<128x64xf32, #tpu.memory_space<vmem>>, vector<16xf32>,
      %sub3A_554 = arith.subf %get3A_525, %get3A_553 : vector<16xf32>
      %mul3A_555 = arith.mulf %sub3A_550, %sub3A_550 : vector<16xf32>
      %mul3A_556 = arith.mulf %sub3A_554, %sub3A_554 : vector<16xf32>
      %sub3A_557 = arith.subf %mul3A_555, %mul3A_556 : vector<16xf32>
      %add3A_558 = arith.addf %add3A_522, %sub3A_557 : vector<16xf32>
      %get3A_559 = arith.index_cast %scan3A_482 : i32 to index
      %get3A_560 = arith.constant 32 : index
      %get3A_561 = tpu.vector_load %arg14[%get3A_559, %get3A_560] {strides = array<i32>} : memref<128x64xf32, #tpu.memory_space<vmem>>, vector<16xf32>,
      %get3A_562 = arith.index_cast %scan3A_482 : i32 to index
      %get3A_563 = arith.constant 32 : index
      %get3A_564 = tpu.vector_load %arg15[%get3A_562, %get3A_563] {strides = array<i32>} : memref<128x64xf32, #tpu.memory_space<vmem>>, vector<16xf32>,
      %get3A_565 = arith.index_cast %scan3A_482 : i32 to index
      %get3A_566 = arith.constant 32 : index
      %get3A_567 = tpu.vector_load %arg16[%get3A_565, %get3A_566] {strides = array<i32>} : memref<128x64xf32, #tpu.memory_space<vmem>>, vector<16xf32>,
      %sub3A_568 = arith.subf %get3A_564, %get3A_567 : vector<16xf32>
      %mul3A_569 = arith.mulf %get3A_561, %sub3A_568 : vector<16xf32>
      %add3A_570 = arith.addf %add3A_534, %mul3A_569 : vector<16xf32>
      %get3A_571 = arith.index_cast %scan3A_482 : i32 to index
      %get3A_572 = arith.constant 32 : index
      %get3A_573 = tpu.vector_load %arg17[%get3A_571, %get3A_572] {strides = array<i32>} : memref<128x64xf32, #tpu.memory_space<vmem>>, vector<16xf32>,
      %sub3A_574 = arith.subf %get3A_564, %get3A_573 : vector<16xf32>
      %get3A_575 = arith.index_cast %scan3A_482 : i32 to index
      %get3A_576 = arith.constant 32 : index
      %get3A_577 = tpu.vector_load %arg18[%get3A_575, %get3A_576] {strides = array<i32>} : memref<128x64xf32, #tpu.memory_space<vmem>>, vector<16xf32>,
      %sub3A_578 = arith.subf %get3A_564, %get3A_577 : vector<16xf32>
      %mul3A_579 = arith.mulf %sub3A_574, %sub3A_574 : vector<16xf32>
      %mul3A_580 = arith.mulf %sub3A_578, %sub3A_578 : vector<16xf32>
      %sub3A_581 = arith.subf %mul3A_579, %mul3A_580 : vector<16xf32>
      %add3A_582 = arith.addf %add3A_546, %sub3A_581 : vector<16xf32>
      %get3A_583 = arith.index_cast %scan3A_482 : i32 to index
      %get3A_584 = arith.constant 32 : index
      %get3A_585 = tpu.vector_load %arg19[%get3A_583, %get3A_584] {strides = array<i32>} : memref<128x64xf32, #tpu.memory_space<vmem>>, vector<16xf32>,
      %sub3A_586 = arith.subf %get3A_561, %get3A_585 : vector<16xf32>
      %get3A_587 = arith.index_cast %scan3A_482 : i32 to index
      %get3A_588 = arith.constant 32 : index
      %get3A_589 = tpu.vector_load %arg20[%get3A_587, %get3A_588] {strides = array<i32>} : memref<128x64xf32, #tpu.memory_space<vmem>>, vector<16xf32>,
      %sub3A_590 = arith.subf %get3A_561, %get3A_589 : vector<16xf32>
      %mul3A_591 = arith.mulf %sub3A_586, %sub3A_586 : vector<16xf32>
      %mul3A_592 = arith.mulf %sub3A_590, %sub3A_590 : vector<16xf32>
      %sub3A_593 = arith.subf %mul3A_591, %mul3A_592 : vector<16xf32>
      %add3A_594 = arith.addf %add3A_558, %sub3A_593 : vector<16xf32>
      %get3A_595 = arith.index_cast %scan3A_482 : i32 to index
      %get3A_596 = arith.constant 48 : index
      %get3A_597 = tpu.vector_load %arg14[%get3A_595, %get3A_596] {strides = array<i32>} : memref<128x64xf32, #tpu.memory_space<vmem>>, vector<16xf32>,
      %get3A_598 = arith.index_cast %scan3A_482 : i32 to index
      %get3A_599 = arith.constant 48 : index
      %get3A_600 = tpu.vector_load %arg15[%get3A_598, %get3A_599] {strides = array<i32>} : memref<128x64xf32, #tpu.memory_space<vmem>>, vector<16xf32>,
      %get3A_601 = arith.index_cast %scan3A_482 : i32 to index
      %get3A_602 = arith.constant 48 : index
      %get3A_603 = tpu.vector_load %arg16[%get3A_601, %get3A_602] {strides = array<i32>} : memref<128x64xf32, #tpu.memory_space<vmem>>, vector<16xf32>,
      %sub3A_604 = arith.subf %get3A_600, %get3A_603 : vector<16xf32>
      %mul3A_605 = arith.mulf %get3A_597, %sub3A_604 : vector<16xf32>
      %add3A_606 = arith.addf %add3A_570, %mul3A_605 : vector<16xf32>
      %get3A_607 = arith.index_cast %scan3A_482 : i32 to index
      %get3A_608 = arith.constant 48 : index
      %get3A_609 = tpu.vector_load %arg17[%get3A_607, %get3A_608] {strides = array<i32>} : memref<128x64xf32, #tpu.memory_space<vmem>>, vector<16xf32>,
      %sub3A_610 = arith.subf %get3A_600, %get3A_609 : vector<16xf32>
      %get3A_611 = arith.index_cast %scan3A_482 : i32 to index
      %get3A_612 = arith.constant 48 : index
      %get3A_613 = tpu.vector_load %arg18[%get3A_611, %get3A_612] {strides = array<i32>} : memref<128x64xf32, #tpu.memory_space<vmem>>, vector<16xf32>,
      %sub3A_614 = arith.subf %get3A_600, %get3A_613 : vector<16xf32>
      %mul3A_615 = arith.mulf %sub3A_610, %sub3A_610 : vector<16xf32>
      %mul3A_616 = arith.mulf %sub3A_614, %sub3A_614 : vector<16xf32>
      %sub3A_617 = arith.subf %mul3A_615, %mul3A_616 : vector<16xf32>
      %add3A_618 = arith.addf %add3A_582, %sub3A_617 : vector<16xf32>
      %get3A_619 = arith.index_cast %scan3A_482 : i32 to index
      %get3A_620 = arith.constant 48 : index
      %get3A_621 = tpu.vector_load %arg19[%get3A_619, %get3A_620] {strides = array<i32>} : memref<128x64xf32, #tpu.memory_space<vmem>>, vector<16xf32>,
      %sub3A_622 = arith.subf %get3A_597, %get3A_621 : vector<16xf32>
      %get3A_623 = arith.index_cast %scan3A_482 : i32 to index
      %get3A_624 = arith.constant 48 : index
      %get3A_625 = tpu.vector_load %arg20[%get3A_623, %get3A_624] {strides = array<i32>} : memref<128x64xf32, #tpu.memory_space<vmem>>, vector<16xf32>,
      %sub3A_626 = arith.subf %get3A_597, %get3A_625 : vector<16xf32>
      %mul3A_627 = arith.mulf %sub3A_622, %sub3A_622 : vector<16xf32>
      %mul3A_628 = arith.mulf %sub3A_626, %sub3A_626 : vector<16xf32>
      %sub3A_629 = arith.subf %mul3A_627, %mul3A_628 : vector<16xf32>
      %add3A_630 = arith.addf %add3A_594, %sub3A_629 : vector<16xf32>
      %and3A = arith.constant 15 : i32
      %and3A_631 = arith.andi %scan3A_482, %and3A : i32
      %broadcast_in_dim3A_632 = vector.broadcast %and3A_631 : i32 to vector<16xi32>
      tpu.vector_store_idx %arg28[%iota3A, %broadcast_in_dim3A_632], %add3A_606 : memref<16x16xf32, #tpu.memory_space<vmem>>[vector<16xi32>, vector<16xi32>], vector<16xf32>,
      tpu.vector_store_idx %arg29[%iota3A, %broadcast_in_dim3A_632], %add3A_618 : memref<16x16xf32, #tpu.memory_space<vmem>>[vector<16xi32>, vector<16xi32>], vector<16xf32>,
      tpu.vector_store_idx %arg30[%iota3A, %broadcast_in_dim3A_632], %add3A_630 : memref<16x16xf32, #tpu.memory_space<vmem>>[vector<16xi32>, vector<16xi32>], vector<16xf32>,
      %eq3A = arith.constant 15 : i32
      %eq3A_633 = arith.cmpi eq, %and3A_631, %eq3A : i32
      %convert_element_type3A = arith.extui %eq3A_633 : i1 to i32
      %cond3A = arith.constant 0 : i32
      %cond3A_634 = arith.cmpi ne, %convert_element_type3A, %cond3A : i32
      scf.if %cond3A_634 {
        %add3A_797 = arith.constant 0 : i32
        %add3A_798 = arith.addi %add3A_797, %scan3A_482 : i32
        %sub3A_799 = arith.constant 15 : i32
        %sub3A_800 = arith.subi %add3A_798, %sub3A_799 : i32
        %get3A_801 = arith.constant 0 : i32
        %get3A_802 = arith.index_cast %get3A_801 : i32 to index
        %get3A_803 = arith.constant 0 : index
        %get3A_804 = tpu.vector_load %arg28[%get3A_802, %get3A_803] {strides = array<i32>} : memref<16x16xf32, #tpu.memory_space<vmem>>, vector<16xf32>,
        %get3A_805 = arith.constant 1 : i32
        %get3A_806 = arith.index_cast %get3A_805 : i32 to index
        %get3A_807 = arith.constant 0 : index
        %get3A_808 = tpu.vector_load %arg28[%get3A_806, %get3A_807] {strides = array<i32>} : memref<16x16xf32, #tpu.memory_space<vmem>>, vector<16xf32>,
        %get3A_809 = arith.constant 2 : i32
        %get3A_810 = arith.index_cast %get3A_809 : i32 to index
        %get3A_811 = arith.constant 0 : index
        %get3A_812 = tpu.vector_load %arg28[%get3A_810, %get3A_811] {strides = array<i32>} : memref<16x16xf32, #tpu.memory_space<vmem>>, vector<16xf32>,
        %get3A_813 = arith.constant 3 : i32
        %get3A_814 = arith.index_cast %get3A_813 : i32 to index
        %get3A_815 = arith.constant 0 : index
        %get3A_816 = tpu.vector_load %arg28[%get3A_814, %get3A_815] {strides = array<i32>} : memref<16x16xf32, #tpu.memory_space<vmem>>, vector<16xf32>,
        %get3A_817 = arith.constant 4 : i32
        %get3A_818 = arith.index_cast %get3A_817 : i32 to index
        %get3A_819 = arith.constant 0 : index
        %get3A_820 = tpu.vector_load %arg28[%get3A_818, %get3A_819] {strides = array<i32>} : memref<16x16xf32, #tpu.memory_space<vmem>>, vector<16xf32>,
        %get3A_821 = arith.constant 5 : i32
        %get3A_822 = arith.index_cast %get3A_821 : i32 to index
        %get3A_823 = arith.constant 0 : index
        %get3A_824 = tpu.vector_load %arg28[%get3A_822, %get3A_823] {strides = array<i32>} : memref<16x16xf32, #tpu.memory_space<vmem>>, vector<16xf32>,
        %get3A_825 = arith.constant 6 : i32
        %get3A_826 = arith.index_cast %get3A_825 : i32 to index
        %get3A_827 = arith.constant 0 : index
        %get3A_828 = tpu.vector_load %arg28[%get3A_826, %get3A_827] {strides = array<i32>} : memref<16x16xf32, #tpu.memory_space<vmem>>, vector<16xf32>,
        %get3A_829 = arith.constant 7 : i32
        %get3A_830 = arith.index_cast %get3A_829 : i32 to index
        %get3A_831 = arith.constant 0 : index
        %get3A_832 = tpu.vector_load %arg28[%get3A_830, %get3A_831] {strides = array<i32>} : memref<16x16xf32, #tpu.memory_space<vmem>>, vector<16xf32>,
        %get3A_833 = arith.constant 8 : i32
        %get3A_834 = arith.index_cast %get3A_833 : i32 to index
        %get3A_835 = arith.constant 0 : index
        %get3A_836 = tpu.vector_load %arg28[%get3A_834, %get3A_835] {strides = array<i32>} : memref<16x16xf32, #tpu.memory_space<vmem>>, vector<16xf32>,
        %get3A_837 = arith.constant 9 : i32
        %get3A_838 = arith.index_cast %get3A_837 : i32 to index
        %get3A_839 = arith.constant 0 : index
        %get3A_840 = tpu.vector_load %arg28[%get3A_838, %get3A_839] {strides = array<i32>} : memref<16x16xf32, #tpu.memory_space<vmem>>, vector<16xf32>,
        %get3A_841 = arith.constant 10 : i32
        %get3A_842 = arith.index_cast %get3A_841 : i32 to index
        %get3A_843 = arith.constant 0 : index
        %get3A_844 = tpu.vector_load %arg28[%get3A_842, %get3A_843] {strides = array<i32>} : memref<16x16xf32, #tpu.memory_space<vmem>>, vector<16xf32>,
        %get3A_845 = arith.constant 11 : i32
        %get3A_846 = arith.index_cast %get3A_845 : i32 to index
        %get3A_847 = arith.constant 0 : index
        %get3A_848 = tpu.vector_load %arg28[%get3A_846, %get3A_847] {strides = array<i32>} : memref<16x16xf32, #tpu.memory_space<vmem>>, vector<16xf32>,
        %get3A_849 = arith.constant 12 : i32
        %get3A_850 = arith.index_cast %get3A_849 : i32 to index
        %get3A_851 = arith.constant 0 : index
        %get3A_852 = tpu.vector_load %arg28[%get3A_850, %get3A_851] {strides = array<i32>} : memref<16x16xf32, #tpu.memory_space<vmem>>, vector<16xf32>,
        %get3A_853 = arith.constant 13 : i32
        %get3A_854 = arith.index_cast %get3A_853 : i32 to index
        %get3A_855 = arith.constant 0 : index
        %get3A_856 = tpu.vector_load %arg28[%get3A_854, %get3A_855] {strides = array<i32>} : memref<16x16xf32, #tpu.memory_space<vmem>>, vector<16xf32>,
        %get3A_857 = arith.constant 14 : i32
        %get3A_858 = arith.index_cast %get3A_857 : i32 to index
        %get3A_859 = arith.constant 0 : index
        %get3A_860 = tpu.vector_load %arg28[%get3A_858, %get3A_859] {strides = array<i32>} : memref<16x16xf32, #tpu.memory_space<vmem>>, vector<16xf32>,
        %get3A_861 = arith.constant 15 : i32
        %get3A_862 = arith.index_cast %get3A_861 : i32 to index
        %get3A_863 = arith.constant 0 : index
        %get3A_864 = tpu.vector_load %arg28[%get3A_862, %get3A_863] {strides = array<i32>} : memref<16x16xf32, #tpu.memory_space<vmem>>, vector<16xf32>,
        %add3A_865 = arith.addf %get3A_804, %get3A_808 : vector<16xf32>
        %add3A_866 = arith.addf %get3A_812, %get3A_816 : vector<16xf32>
        %add3A_867 = arith.addf %get3A_820, %get3A_824 : vector<16xf32>
        %add3A_868 = arith.addf %get3A_828, %get3A_832 : vector<16xf32>
        %add3A_869 = arith.addf %get3A_836, %get3A_840 : vector<16xf32>
        %add3A_870 = arith.addf %get3A_844, %get3A_848 : vector<16xf32>
        %add3A_871 = arith.addf %get3A_852, %get3A_856 : vector<16xf32>
        %add3A_872 = arith.addf %get3A_860, %get3A_864 : vector<16xf32>
        %add3A_873 = arith.addf %add3A_865, %add3A_866 : vector<16xf32>
        %add3A_874 = arith.addf %add3A_867, %add3A_868 : vector<16xf32>
        %add3A_875 = arith.addf %add3A_869, %add3A_870 : vector<16xf32>
        %add3A_876 = arith.addf %add3A_871, %add3A_872 : vector<16xf32>
        %add3A_877 = arith.addf %add3A_873, %add3A_874 : vector<16xf32>
        %add3A_878 = arith.addf %add3A_875, %add3A_876 : vector<16xf32>
        %add3A_879 = arith.addf %add3A_877, %add3A_878 : vector<16xf32>
        %swap3A = arith.index_cast %sub3A_800 : i32 to index
        %swap3A_880 = tpu.vector_load %arg31[%swap3A] {strides = array<i32>} : memref<512xf32, #tpu.memory_space<vmem>>, vector<16xf32>,
        tpu.vector_store %arg31[%swap3A], %add3A_879 {strides = array<i32>} : memref<512xf32, #tpu.memory_space<vmem>>, vector<16xf32>,
        %get3A_881 = arith.constant 0 : i32
        %get3A_882 = arith.index_cast %get3A_881 : i32 to index
        %get3A_883 = arith.constant 0 : index
        %get3A_884 = tpu.vector_load %arg29[%get3A_882, %get3A_883] {strides = array<i32>} : memref<16x16xf32, #tpu.memory_space<vmem>>, vector<16xf32>,
        %get3A_885 = arith.constant 1 : i32
        %get3A_886 = arith.index_cast %get3A_885 : i32 to index
        %get3A_887 = arith.constant 0 : index
        %get3A_888 = tpu.vector_load %arg29[%get3A_886, %get3A_887] {strides = array<i32>} : memref<16x16xf32, #tpu.memory_space<vmem>>, vector<16xf32>,
        %get3A_889 = arith.constant 2 : i32
        %get3A_890 = arith.index_cast %get3A_889 : i32 to index
        %get3A_891 = arith.constant 0 : index
        %get3A_892 = tpu.vector_load %arg29[%get3A_890, %get3A_891] {strides = array<i32>} : memref<16x16xf32, #tpu.memory_space<vmem>>, vector<16xf32>,
        %get3A_893 = arith.constant 3 : i32
        %get3A_894 = arith.index_cast %get3A_893 : i32 to index
        %get3A_895 = arith.constant 0 : index
        %get3A_896 = tpu.vector_load %arg29[%get3A_894, %get3A_895] {strides = array<i32>} : memref<16x16xf32, #tpu.memory_space<vmem>>, vector<16xf32>,
        %get3A_897 = arith.constant 4 : i32
        %get3A_898 = arith.index_cast %get3A_897 : i32 to index
        %get3A_899 = arith.constant 0 : index
        %get3A_900 = tpu.vector_load %arg29[%get3A_898, %get3A_899] {strides = array<i32>} : memref<16x16xf32, #tpu.memory_space<vmem>>, vector<16xf32>,
        %get3A_901 = arith.constant 5 : i32
        %get3A_902 = arith.index_cast %get3A_901 : i32 to index
        %get3A_903 = arith.constant 0 : index
        %get3A_904 = tpu.vector_load %arg29[%get3A_902, %get3A_903] {strides = array<i32>} : memref<16x16xf32, #tpu.memory_space<vmem>>, vector<16xf32>,
        %get3A_905 = arith.constant 6 : i32
        %get3A_906 = arith.index_cast %get3A_905 : i32 to index
        %get3A_907 = arith.constant 0 : index
        %get3A_908 = tpu.vector_load %arg29[%get3A_906, %get3A_907] {strides = array<i32>} : memref<16x16xf32, #tpu.memory_space<vmem>>, vector<16xf32>,
        %get3A_909 = arith.constant 7 : i32
        %get3A_910 = arith.index_cast %get3A_909 : i32 to index
        %get3A_911 = arith.constant 0 : index
        %get3A_912 = tpu.vector_load %arg29[%get3A_910, %get3A_911] {strides = array<i32>} : memref<16x16xf32, #tpu.memory_space<vmem>>, vector<16xf32>,
        %get3A_913 = arith.constant 8 : i32
        %get3A_914 = arith.index_cast %get3A_913 : i32 to index
        %get3A_915 = arith.constant 0 : index
        %get3A_916 = tpu.vector_load %arg29[%get3A_914, %get3A_915] {strides = array<i32>} : memref<16x16xf32, #tpu.memory_space<vmem>>, vector<16xf32>,
        %get3A_917 = arith.constant 9 : i32
        %get3A_918 = arith.index_cast %get3A_917 : i32 to index
        %get3A_919 = arith.constant 0 : index
        %get3A_920 = tpu.vector_load %arg29[%get3A_918, %get3A_919] {strides = array<i32>} : memref<16x16xf32, #tpu.memory_space<vmem>>, vector<16xf32>,
        %get3A_921 = arith.constant 10 : i32
        %get3A_922 = arith.index_cast %get3A_921 : i32 to index
        %get3A_923 = arith.constant 0 : index
        %get3A_924 = tpu.vector_load %arg29[%get3A_922, %get3A_923] {strides = array<i32>} : memref<16x16xf32, #tpu.memory_space<vmem>>, vector<16xf32>,
        %get3A_925 = arith.constant 11 : i32
        %get3A_926 = arith.index_cast %get3A_925 : i32 to index
        %get3A_927 = arith.constant 0 : index
        %get3A_928 = tpu.vector_load %arg29[%get3A_926, %get3A_927] {strides = array<i32>} : memref<16x16xf32, #tpu.memory_space<vmem>>, vector<16xf32>,
        %get3A_929 = arith.constant 12 : i32
        %get3A_930 = arith.index_cast %get3A_929 : i32 to index
        %get3A_931 = arith.constant 0 : index
        %get3A_932 = tpu.vector_load %arg29[%get3A_930, %get3A_931] {strides = array<i32>} : memref<16x16xf32, #tpu.memory_space<vmem>>, vector<16xf32>,
        %get3A_933 = arith.constant 13 : i32
        %get3A_934 = arith.index_cast %get3A_933 : i32 to index
        %get3A_935 = arith.constant 0 : index
        %get3A_936 = tpu.vector_load %arg29[%get3A_934, %get3A_935] {strides = array<i32>} : memref<16x16xf32, #tpu.memory_space<vmem>>, vector<16xf32>,
        %get3A_937 = arith.constant 14 : i32
        %get3A_938 = arith.index_cast %get3A_937 : i32 to index
        %get3A_939 = arith.constant 0 : index
        %get3A_940 = tpu.vector_load %arg29[%get3A_938, %get3A_939] {strides = array<i32>} : memref<16x16xf32, #tpu.memory_space<vmem>>, vector<16xf32>,
        %get3A_941 = arith.constant 15 : i32
        %get3A_942 = arith.index_cast %get3A_941 : i32 to index
        %get3A_943 = arith.constant 0 : index
        %get3A_944 = tpu.vector_load %arg29[%get3A_942, %get3A_943] {strides = array<i32>} : memref<16x16xf32, #tpu.memory_space<vmem>>, vector<16xf32>,
        %add3A_945 = arith.addf %get3A_884, %get3A_888 : vector<16xf32>
        %add3A_946 = arith.addf %get3A_892, %get3A_896 : vector<16xf32>
        %add3A_947 = arith.addf %get3A_900, %get3A_904 : vector<16xf32>
        %add3A_948 = arith.addf %get3A_908, %get3A_912 : vector<16xf32>
        %add3A_949 = arith.addf %get3A_916, %get3A_920 : vector<16xf32>
        %add3A_950 = arith.addf %get3A_924, %get3A_928 : vector<16xf32>
        %add3A_951 = arith.addf %get3A_932, %get3A_936 : vector<16xf32>
        %add3A_952 = arith.addf %get3A_940, %get3A_944 : vector<16xf32>
        %add3A_953 = arith.addf %add3A_945, %add3A_946 : vector<16xf32>
        %add3A_954 = arith.addf %add3A_947, %add3A_948 : vector<16xf32>
        %add3A_955 = arith.addf %add3A_949, %add3A_950 : vector<16xf32>
        %add3A_956 = arith.addf %add3A_951, %add3A_952 : vector<16xf32>
        %add3A_957 = arith.addf %add3A_953, %add3A_954 : vector<16xf32>
        %add3A_958 = arith.addf %add3A_955, %add3A_956 : vector<16xf32>
        %add3A_959 = arith.addf %add3A_957, %add3A_958 : vector<16xf32>
        %swap3A_960 = arith.index_cast %sub3A_800 : i32 to index
        %swap3A_961 = tpu.vector_load %arg32[%swap3A_960] {strides = array<i32>} : memref<512xf32, #tpu.memory_space<vmem>>, vector<16xf32>,
        tpu.vector_store %arg32[%swap3A_960], %add3A_959 {strides = array<i32>} : memref<512xf32, #tpu.memory_space<vmem>>, vector<16xf32>,
        %get3A_962 = arith.constant 0 : i32
        %get3A_963 = arith.index_cast %get3A_962 : i32 to index
        %get3A_964 = arith.constant 0 : index
        %get3A_965 = tpu.vector_load %arg30[%get3A_963, %get3A_964] {strides = array<i32>} : memref<16x16xf32, #tpu.memory_space<vmem>>, vector<16xf32>,
        %get3A_966 = arith.constant 1 : i32
        %get3A_967 = arith.index_cast %get3A_966 : i32 to index
        %get3A_968 = arith.constant 0 : index
        %get3A_969 = tpu.vector_load %arg30[%get3A_967, %get3A_968] {strides = array<i32>} : memref<16x16xf32, #tpu.memory_space<vmem>>, vector<16xf32>,
        %get3A_970 = arith.constant 2 : i32
        %get3A_971 = arith.index_cast %get3A_970 : i32 to index
        %get3A_972 = arith.constant 0 : index
        %get3A_973 = tpu.vector_load %arg30[%get3A_971, %get3A_972] {strides = array<i32>} : memref<16x16xf32, #tpu.memory_space<vmem>>, vector<16xf32>,
        %get3A_974 = arith.constant 3 : i32
        %get3A_975 = arith.index_cast %get3A_974 : i32 to index
        %get3A_976 = arith.constant 0 : index
        %get3A_977 = tpu.vector_load %arg30[%get3A_975, %get3A_976] {strides = array<i32>} : memref<16x16xf32, #tpu.memory_space<vmem>>, vector<16xf32>,
        %get3A_978 = arith.constant 4 : i32
        %get3A_979 = arith.index_cast %get3A_978 : i32 to index
        %get3A_980 = arith.constant 0 : index
        %get3A_981 = tpu.vector_load %arg30[%get3A_979, %get3A_980] {strides = array<i32>} : memref<16x16xf32, #tpu.memory_space<vmem>>, vector<16xf32>,
        %get3A_982 = arith.constant 5 : i32
        %get3A_983 = arith.index_cast %get3A_982 : i32 to index
        %get3A_984 = arith.constant 0 : index
        %get3A_985 = tpu.vector_load %arg30[%get3A_983, %get3A_984] {strides = array<i32>} : memref<16x16xf32, #tpu.memory_space<vmem>>, vector<16xf32>,
        %get3A_986 = arith.constant 6 : i32
        %get3A_987 = arith.index_cast %get3A_986 : i32 to index
        %get3A_988 = arith.constant 0 : index
        %get3A_989 = tpu.vector_load %arg30[%get3A_987, %get3A_988] {strides = array<i32>} : memref<16x16xf32, #tpu.memory_space<vmem>>, vector<16xf32>,
        %get3A_990 = arith.constant 7 : i32
        %get3A_991 = arith.index_cast %get3A_990 : i32 to index
        %get3A_992 = arith.constant 0 : index
        %get3A_993 = tpu.vector_load %arg30[%get3A_991, %get3A_992] {strides = array<i32>} : memref<16x16xf32, #tpu.memory_space<vmem>>, vector<16xf32>,
        %get3A_994 = arith.constant 8 : i32
        %get3A_995 = arith.index_cast %get3A_994 : i32 to index
        %get3A_996 = arith.constant 0 : index
        %get3A_997 = tpu.vector_load %arg30[%get3A_995, %get3A_996] {strides = array<i32>} : memref<16x16xf32, #tpu.memory_space<vmem>>, vector<16xf32>,
        %get3A_998 = arith.constant 9 : i32
        %get3A_999 = arith.index_cast %get3A_998 : i32 to index
        %get3A_1000 = arith.constant 0 : index
        %get3A_1001 = tpu.vector_load %arg30[%get3A_999, %get3A_1000] {strides = array<i32>} : memref<16x16xf32, #tpu.memory_space<vmem>>, vector<16xf32>,
        %get3A_1002 = arith.constant 10 : i32
        %get3A_1003 = arith.index_cast %get3A_1002 : i32 to index
        %get3A_1004 = arith.constant 0 : index
        %get3A_1005 = tpu.vector_load %arg30[%get3A_1003, %get3A_1004] {strides = array<i32>} : memref<16x16xf32, #tpu.memory_space<vmem>>, vector<16xf32>,
        %get3A_1006 = arith.constant 11 : i32
        %get3A_1007 = arith.index_cast %get3A_1006 : i32 to index
        %get3A_1008 = arith.constant 0 : index
        %get3A_1009 = tpu.vector_load %arg30[%get3A_1007, %get3A_1008] {strides = array<i32>} : memref<16x16xf32, #tpu.memory_space<vmem>>, vector<16xf32>,
        %get3A_1010 = arith.constant 12 : i32
        %get3A_1011 = arith.index_cast %get3A_1010 : i32 to index
        %get3A_1012 = arith.constant 0 : index
        %get3A_1013 = tpu.vector_load %arg30[%get3A_1011, %get3A_1012] {strides = array<i32>} : memref<16x16xf32, #tpu.memory_space<vmem>>, vector<16xf32>,
        %get3A_1014 = arith.constant 13 : i32
        %get3A_1015 = arith.index_cast %get3A_1014 : i32 to index
        %get3A_1016 = arith.constant 0 : index
        %get3A_1017 = tpu.vector_load %arg30[%get3A_1015, %get3A_1016] {strides = array<i32>} : memref<16x16xf32, #tpu.memory_space<vmem>>, vector<16xf32>,
        %get3A_1018 = arith.constant 14 : i32
        %get3A_1019 = arith.index_cast %get3A_1018 : i32 to index
        %get3A_1020 = arith.constant 0 : index
        %get3A_1021 = tpu.vector_load %arg30[%get3A_1019, %get3A_1020] {strides = array<i32>} : memref<16x16xf32, #tpu.memory_space<vmem>>, vector<16xf32>,
        %get3A_1022 = arith.constant 15 : i32
        %get3A_1023 = arith.index_cast %get3A_1022 : i32 to index
        %get3A_1024 = arith.constant 0 : index
        %get3A_1025 = tpu.vector_load %arg30[%get3A_1023, %get3A_1024] {strides = array<i32>} : memref<16x16xf32, #tpu.memory_space<vmem>>, vector<16xf32>,
        %add3A_1026 = arith.addf %get3A_965, %get3A_969 : vector<16xf32>
        %add3A_1027 = arith.addf %get3A_973, %get3A_977 : vector<16xf32>
        %add3A_1028 = arith.addf %get3A_981, %get3A_985 : vector<16xf32>
        %add3A_1029 = arith.addf %get3A_989, %get3A_993 : vector<16xf32>
        %add3A_1030 = arith.addf %get3A_997, %get3A_1001 : vector<16xf32>
        %add3A_1031 = arith.addf %get3A_1005, %get3A_1009 : vector<16xf32>
        %add3A_1032 = arith.addf %get3A_1013, %get3A_1017 : vector<16xf32>
        %add3A_1033 = arith.addf %get3A_1021, %get3A_1025 : vector<16xf32>
        %add3A_1034 = arith.addf %add3A_1026, %add3A_1027 : vector<16xf32>
        %add3A_1035 = arith.addf %add3A_1028, %add3A_1029 : vector<16xf32>
        %add3A_1036 = arith.addf %add3A_1030, %add3A_1031 : vector<16xf32>
        %add3A_1037 = arith.addf %add3A_1032, %add3A_1033 : vector<16xf32>
        %add3A_1038 = arith.addf %add3A_1034, %add3A_1035 : vector<16xf32>
        %add3A_1039 = arith.addf %add3A_1036, %add3A_1037 : vector<16xf32>
        %add3A_1040 = arith.addf %add3A_1038, %add3A_1039 : vector<16xf32>
        %swap3A_1041 = arith.index_cast %sub3A_800 : i32 to index
        %swap3A_1042 = tpu.vector_load %arg33[%swap3A_1041] {strides = array<i32>} : memref<512xf32, #tpu.memory_space<vmem>>, vector<16xf32>,
        tpu.vector_store %arg33[%swap3A_1041], %add3A_1040 {strides = array<i32>} : memref<512xf32, #tpu.memory_space<vmem>>, vector<16xf32>,
      } else {
      }
      %scan3A_635 = arith.constant 0 : i32
      %scan3A_636 = arith.constant 1 : i32
      %scan3A_637 = arith.addi %scan3A_482, %scan3A_636 : i32
      %broadcast_in_dim3A_638 = arith.constant 0.000000e+00 : f32
      %broadcast_in_dim3A_639 = vector.broadcast %broadcast_in_dim3A_638 : f32 to vector<16xf32>
      %broadcast_in_dim3A_640 = arith.constant 0.000000e+00 : f32
      %broadcast_in_dim3A_641 = vector.broadcast %broadcast_in_dim3A_640 : f32 to vector<16xf32>
      %broadcast_in_dim3A_642 = arith.constant 0.000000e+00 : f32
      %broadcast_in_dim3A_643 = vector.broadcast %broadcast_in_dim3A_642 : f32 to vector<16xf32>
      %get3A_644 = arith.index_cast %scan3A_637 : i32 to index
      %get3A_645 = arith.constant 0 : index
      %get3A_646 = tpu.vector_load %arg14[%get3A_644, %get3A_645] {strides = array<i32>} : memref<128x64xf32, #tpu.memory_space<vmem>>, vector<16xf32>,
      %get3A_647 = arith.index_cast %scan3A_637 : i32 to index
      %get3A_648 = arith.constant 0 : index
      %get3A_649 = tpu.vector_load %arg15[%get3A_647, %get3A_648] {strides = array<i32>} : memref<128x64xf32, #tpu.memory_space<vmem>>, vector<16xf32>,
      %get3A_650 = arith.index_cast %scan3A_637 : i32 to index
      %get3A_651 = arith.constant 0 : index
      %get3A_652 = tpu.vector_load %arg16[%get3A_650, %get3A_651] {strides = array<i32>} : memref<128x64xf32, #tpu.memory_space<vmem>>, vector<16xf32>,
      %sub3A_653 = arith.subf %get3A_649, %get3A_652 : vector<16xf32>
      %mul3A_654 = arith.mulf %get3A_646, %sub3A_653 : vector<16xf32>
      %add3A_655 = arith.addf %broadcast_in_dim3A_639, %mul3A_654 : vector<16xf32>
      %get3A_656 = arith.index_cast %scan3A_637 : i32 to index
      %get3A_657 = arith.constant 0 : index
      %get3A_658 = tpu.vector_load %arg17[%get3A_656, %get3A_657] {strides = array<i32>} : memref<128x64xf32, #tpu.memory_space<vmem>>, vector<16xf32>,
      %sub3A_659 = arith.subf %get3A_649, %get3A_658 : vector<16xf32>
      %get3A_660 = arith.index_cast %scan3A_637 : i32 to index
      %get3A_661 = arith.constant 0 : index
      %get3A_662 = tpu.vector_load %arg18[%get3A_660, %get3A_661] {strides = array<i32>} : memref<128x64xf32, #tpu.memory_space<vmem>>, vector<16xf32>,
      %sub3A_663 = arith.subf %get3A_649, %get3A_662 : vector<16xf32>
      %mul3A_664 = arith.mulf %sub3A_659, %sub3A_659 : vector<16xf32>
      %mul3A_665 = arith.mulf %sub3A_663, %sub3A_663 : vector<16xf32>
      %sub3A_666 = arith.subf %mul3A_664, %mul3A_665 : vector<16xf32>
      %add3A_667 = arith.addf %broadcast_in_dim3A_641, %sub3A_666 : vector<16xf32>
      %get3A_668 = arith.index_cast %scan3A_637 : i32 to index
      %get3A_669 = arith.constant 0 : index
      %get3A_670 = tpu.vector_load %arg19[%get3A_668, %get3A_669] {strides = array<i32>} : memref<128x64xf32, #tpu.memory_space<vmem>>, vector<16xf32>,
      %sub3A_671 = arith.subf %get3A_646, %get3A_670 : vector<16xf32>
      %get3A_672 = arith.index_cast %scan3A_637 : i32 to index
      %get3A_673 = arith.constant 0 : index
      %get3A_674 = tpu.vector_load %arg20[%get3A_672, %get3A_673] {strides = array<i32>} : memref<128x64xf32, #tpu.memory_space<vmem>>, vector<16xf32>,
      %sub3A_675 = arith.subf %get3A_646, %get3A_674 : vector<16xf32>
      %mul3A_676 = arith.mulf %sub3A_671, %sub3A_671 : vector<16xf32>
      %mul3A_677 = arith.mulf %sub3A_675, %sub3A_675 : vector<16xf32>
      %sub3A_678 = arith.subf %mul3A_676, %mul3A_677 : vector<16xf32>
      %add3A_679 = arith.addf %broadcast_in_dim3A_643, %sub3A_678 : vector<16xf32>
      %get3A_680 = arith.index_cast %scan3A_637 : i32 to index
      %get3A_681 = arith.constant 16 : index
      %get3A_682 = tpu.vector_load %arg14[%get3A_680, %get3A_681] {strides = array<i32>} : memref<128x64xf32, #tpu.memory_space<vmem>>, vector<16xf32>,
      %get3A_683 = arith.index_cast %scan3A_637 : i32 to index
      %get3A_684 = arith.constant 16 : index
      %get3A_685 = tpu.vector_load %arg15[%get3A_683, %get3A_684] {strides = array<i32>} : memref<128x64xf32, #tpu.memory_space<vmem>>, vector<16xf32>,
      %get3A_686 = arith.index_cast %scan3A_637 : i32 to index
      %get3A_687 = arith.constant 16 : index
      %get3A_688 = tpu.vector_load %arg16[%get3A_686, %get3A_687] {strides = array<i32>} : memref<128x64xf32, #tpu.memory_space<vmem>>, vector<16xf32>,
      %sub3A_689 = arith.subf %get3A_685, %get3A_688 : vector<16xf32>
      %mul3A_690 = arith.mulf %get3A_682, %sub3A_689 : vector<16xf32>
      %add3A_691 = arith.addf %add3A_655, %mul3A_690 : vector<16xf32>
      %get3A_692 = arith.index_cast %scan3A_637 : i32 to index
      %get3A_693 = arith.constant 16 : index
      %get3A_694 = tpu.vector_load %arg17[%get3A_692, %get3A_693] {strides = array<i32>} : memref<128x64xf32, #tpu.memory_space<vmem>>, vector<16xf32>,
      %sub3A_695 = arith.subf %get3A_685, %get3A_694 : vector<16xf32>
      %get3A_696 = arith.index_cast %scan3A_637 : i32 to index
      %get3A_697 = arith.constant 16 : index
      %get3A_698 = tpu.vector_load %arg18[%get3A_696, %get3A_697] {strides = array<i32>} : memref<128x64xf32, #tpu.memory_space<vmem>>, vector<16xf32>,
      %sub3A_699 = arith.subf %get3A_685, %get3A_698 : vector<16xf32>
      %mul3A_700 = arith.mulf %sub3A_695, %sub3A_695 : vector<16xf32>
      %mul3A_701 = arith.mulf %sub3A_699, %sub3A_699 : vector<16xf32>
      %sub3A_702 = arith.subf %mul3A_700, %mul3A_701 : vector<16xf32>
      %add3A_703 = arith.addf %add3A_667, %sub3A_702 : vector<16xf32>
      %get3A_704 = arith.index_cast %scan3A_637 : i32 to index
      %get3A_705 = arith.constant 16 : index
      %get3A_706 = tpu.vector_load %arg19[%get3A_704, %get3A_705] {strides = array<i32>} : memref<128x64xf32, #tpu.memory_space<vmem>>, vector<16xf32>,
      %sub3A_707 = arith.subf %get3A_682, %get3A_706 : vector<16xf32>
      %get3A_708 = arith.index_cast %scan3A_637 : i32 to index
      %get3A_709 = arith.constant 16 : index
      %get3A_710 = tpu.vector_load %arg20[%get3A_708, %get3A_709] {strides = array<i32>} : memref<128x64xf32, #tpu.memory_space<vmem>>, vector<16xf32>,
      %sub3A_711 = arith.subf %get3A_682, %get3A_710 : vector<16xf32>
      %mul3A_712 = arith.mulf %sub3A_707, %sub3A_707 : vector<16xf32>
      %mul3A_713 = arith.mulf %sub3A_711, %sub3A_711 : vector<16xf32>
      %sub3A_714 = arith.subf %mul3A_712, %mul3A_713 : vector<16xf32>
      %add3A_715 = arith.addf %add3A_679, %sub3A_714 : vector<16xf32>
      %get3A_716 = arith.index_cast %scan3A_637 : i32 to index
      %get3A_717 = arith.constant 32 : index
      %get3A_718 = tpu.vector_load %arg14[%get3A_716, %get3A_717] {strides = array<i32>} : memref<128x64xf32, #tpu.memory_space<vmem>>, vector<16xf32>,
      %get3A_719 = arith.index_cast %scan3A_637 : i32 to index
      %get3A_720 = arith.constant 32 : index
      %get3A_721 = tpu.vector_load %arg15[%get3A_719, %get3A_720] {strides = array<i32>} : memref<128x64xf32, #tpu.memory_space<vmem>>, vector<16xf32>,
      %get3A_722 = arith.index_cast %scan3A_637 : i32 to index
      %get3A_723 = arith.constant 32 : index
      %get3A_724 = tpu.vector_load %arg16[%get3A_722, %get3A_723] {strides = array<i32>} : memref<128x64xf32, #tpu.memory_space<vmem>>, vector<16xf32>,
      %sub3A_725 = arith.subf %get3A_721, %get3A_724 : vector<16xf32>
      %mul3A_726 = arith.mulf %get3A_718, %sub3A_725 : vector<16xf32>
      %add3A_727 = arith.addf %add3A_691, %mul3A_726 : vector<16xf32>
      %get3A_728 = arith.index_cast %scan3A_637 : i32 to index
      %get3A_729 = arith.constant 32 : index
      %get3A_730 = tpu.vector_load %arg17[%get3A_728, %get3A_729] {strides = array<i32>} : memref<128x64xf32, #tpu.memory_space<vmem>>, vector<16xf32>,
      %sub3A_731 = arith.subf %get3A_721, %get3A_730 : vector<16xf32>
      %get3A_732 = arith.index_cast %scan3A_637 : i32 to index
      %get3A_733 = arith.constant 32 : index
      %get3A_734 = tpu.vector_load %arg18[%get3A_732, %get3A_733] {strides = array<i32>} : memref<128x64xf32, #tpu.memory_space<vmem>>, vector<16xf32>,
      %sub3A_735 = arith.subf %get3A_721, %get3A_734 : vector<16xf32>
      %mul3A_736 = arith.mulf %sub3A_731, %sub3A_731 : vector<16xf32>
      %mul3A_737 = arith.mulf %sub3A_735, %sub3A_735 : vector<16xf32>
      %sub3A_738 = arith.subf %mul3A_736, %mul3A_737 : vector<16xf32>
      %add3A_739 = arith.addf %add3A_703, %sub3A_738 : vector<16xf32>
      %get3A_740 = arith.index_cast %scan3A_637 : i32 to index
      %get3A_741 = arith.constant 32 : index
      %get3A_742 = tpu.vector_load %arg19[%get3A_740, %get3A_741] {strides = array<i32>} : memref<128x64xf32, #tpu.memory_space<vmem>>, vector<16xf32>,
      %sub3A_743 = arith.subf %get3A_718, %get3A_742 : vector<16xf32>
      %get3A_744 = arith.index_cast %scan3A_637 : i32 to index
      %get3A_745 = arith.constant 32 : index
      %get3A_746 = tpu.vector_load %arg20[%get3A_744, %get3A_745] {strides = array<i32>} : memref<128x64xf32, #tpu.memory_space<vmem>>, vector<16xf32>,
      %sub3A_747 = arith.subf %get3A_718, %get3A_746 : vector<16xf32>
      %mul3A_748 = arith.mulf %sub3A_743, %sub3A_743 : vector<16xf32>
      %mul3A_749 = arith.mulf %sub3A_747, %sub3A_747 : vector<16xf32>
      %sub3A_750 = arith.subf %mul3A_748, %mul3A_749 : vector<16xf32>
      %add3A_751 = arith.addf %add3A_715, %sub3A_750 : vector<16xf32>
      %get3A_752 = arith.index_cast %scan3A_637 : i32 to index
      %get3A_753 = arith.constant 48 : index
      %get3A_754 = tpu.vector_load %arg14[%get3A_752, %get3A_753] {strides = array<i32>} : memref<128x64xf32, #tpu.memory_space<vmem>>, vector<16xf32>,
      %get3A_755 = arith.index_cast %scan3A_637 : i32 to index
      %get3A_756 = arith.constant 48 : index
      %get3A_757 = tpu.vector_load %arg15[%get3A_755, %get3A_756] {strides = array<i32>} : memref<128x64xf32, #tpu.memory_space<vmem>>, vector<16xf32>,
      %get3A_758 = arith.index_cast %scan3A_637 : i32 to index
      %get3A_759 = arith.constant 48 : index
      %get3A_760 = tpu.vector_load %arg16[%get3A_758, %get3A_759] {strides = array<i32>} : memref<128x64xf32, #tpu.memory_space<vmem>>, vector<16xf32>,
      %sub3A_761 = arith.subf %get3A_757, %get3A_760 : vector<16xf32>
      %mul3A_762 = arith.mulf %get3A_754, %sub3A_761 : vector<16xf32>
      %add3A_763 = arith.addf %add3A_727, %mul3A_762 : vector<16xf32>
      %get3A_764 = arith.index_cast %scan3A_637 : i32 to index
      %get3A_765 = arith.constant 48 : index
      %get3A_766 = tpu.vector_load %arg17[%get3A_764, %get3A_765] {strides = array<i32>} : memref<128x64xf32, #tpu.memory_space<vmem>>, vector<16xf32>,
      %sub3A_767 = arith.subf %get3A_757, %get3A_766 : vector<16xf32>
      %get3A_768 = arith.index_cast %scan3A_637 : i32 to index
      %get3A_769 = arith.constant 48 : index
      %get3A_770 = tpu.vector_load %arg18[%get3A_768, %get3A_769] {strides = array<i32>} : memref<128x64xf32, #tpu.memory_space<vmem>>, vector<16xf32>,
      %sub3A_771 = arith.subf %get3A_757, %get3A_770 : vector<16xf32>
      %mul3A_772 = arith.mulf %sub3A_767, %sub3A_767 : vector<16xf32>
      %mul3A_773 = arith.mulf %sub3A_771, %sub3A_771 : vector<16xf32>
      %sub3A_774 = arith.subf %mul3A_772, %mul3A_773 : vector<16xf32>
      %add3A_775 = arith.addf %add3A_739, %sub3A_774 : vector<16xf32>
      %get3A_776 = arith.index_cast %scan3A_637 : i32 to index
      %get3A_777 = arith.constant 48 : index
      %get3A_778 = tpu.vector_load %arg19[%get3A_776, %get3A_777] {strides = array<i32>} : memref<128x64xf32, #tpu.memory_space<vmem>>, vector<16xf32>,
      %sub3A_779 = arith.subf %get3A_754, %get3A_778 : vector<16xf32>
      %get3A_780 = arith.index_cast %scan3A_637 : i32 to index
      %get3A_781 = arith.constant 48 : index
      %get3A_782 = tpu.vector_load %arg20[%get3A_780, %get3A_781] {strides = array<i32>} : memref<128x64xf32, #tpu.memory_space<vmem>>, vector<16xf32>,
      %sub3A_783 = arith.subf %get3A_754, %get3A_782 : vector<16xf32>
      %mul3A_784 = arith.mulf %sub3A_779, %sub3A_779 : vector<16xf32>
      %mul3A_785 = arith.mulf %sub3A_783, %sub3A_783 : vector<16xf32>
      %sub3A_786 = arith.subf %mul3A_784, %mul3A_785 : vector<16xf32>
      %add3A_787 = arith.addf %add3A_751, %sub3A_786 : vector<16xf32>
      %and3A_788 = arith.constant 15 : i32
      %and3A_789 = arith.andi %scan3A_637, %and3A_788 : i32
      %broadcast_in_dim3A_790 = vector.broadcast %and3A_789 : i32 to vector<16xi32>
      tpu.vector_store_idx %arg28[%iota3A, %broadcast_in_dim3A_790], %add3A_763 : memref<16x16xf32, #tpu.memory_space<vmem>>[vector<16xi32>, vector<16xi32>], vector<16xf32>,
      tpu.vector_store_idx %arg29[%iota3A, %broadcast_in_dim3A_790], %add3A_775 : memref<16x16xf32, #tpu.memory_space<vmem>>[vector<16xi32>, vector<16xi32>], vector<16xf32>,
      tpu.vector_store_idx %arg30[%iota3A, %broadcast_in_dim3A_790], %add3A_787 : memref<16x16xf32, #tpu.memory_space<vmem>>[vector<16xi32>, vector<16xi32>], vector<16xf32>,
      %eq3A_791 = arith.constant 15 : i32
      %eq3A_792 = arith.cmpi eq, %and3A_789, %eq3A_791 : i32
      %convert_element_type3A_793 = arith.extui %eq3A_792 : i1 to i32
      %cond3A_794 = arith.constant 0 : i32
      %cond3A_795 = arith.cmpi ne, %convert_element_type3A_793, %cond3A_794 : i32
      scf.if %cond3A_795 {
        %add3A_797 = arith.constant 0 : i32
        %add3A_798 = arith.addi %add3A_797, %scan3A_637 : i32
        %sub3A_799 = arith.constant 15 : i32
        %sub3A_800 = arith.subi %add3A_798, %sub3A_799 : i32
        %get3A_801 = arith.constant 0 : i32
        %get3A_802 = arith.index_cast %get3A_801 : i32 to index
        %get3A_803 = arith.constant 0 : index
        %get3A_804 = tpu.vector_load %arg28[%get3A_802, %get3A_803] {strides = array<i32>} : memref<16x16xf32, #tpu.memory_space<vmem>>, vector<16xf32>,
        %get3A_805 = arith.constant 1 : i32
        %get3A_806 = arith.index_cast %get3A_805 : i32 to index
        %get3A_807 = arith.constant 0 : index
        %get3A_808 = tpu.vector_load %arg28[%get3A_806, %get3A_807] {strides = array<i32>} : memref<16x16xf32, #tpu.memory_space<vmem>>, vector<16xf32>,
        %get3A_809 = arith.constant 2 : i32
        %get3A_810 = arith.index_cast %get3A_809 : i32 to index
        %get3A_811 = arith.constant 0 : index
        %get3A_812 = tpu.vector_load %arg28[%get3A_810, %get3A_811] {strides = array<i32>} : memref<16x16xf32, #tpu.memory_space<vmem>>, vector<16xf32>,
        %get3A_813 = arith.constant 3 : i32
        %get3A_814 = arith.index_cast %get3A_813 : i32 to index
        %get3A_815 = arith.constant 0 : index
        %get3A_816 = tpu.vector_load %arg28[%get3A_814, %get3A_815] {strides = array<i32>} : memref<16x16xf32, #tpu.memory_space<vmem>>, vector<16xf32>,
        %get3A_817 = arith.constant 4 : i32
        %get3A_818 = arith.index_cast %get3A_817 : i32 to index
        %get3A_819 = arith.constant 0 : index
        %get3A_820 = tpu.vector_load %arg28[%get3A_818, %get3A_819] {strides = array<i32>} : memref<16x16xf32, #tpu.memory_space<vmem>>, vector<16xf32>,
        %get3A_821 = arith.constant 5 : i32
        %get3A_822 = arith.index_cast %get3A_821 : i32 to index
        %get3A_823 = arith.constant 0 : index
        %get3A_824 = tpu.vector_load %arg28[%get3A_822, %get3A_823] {strides = array<i32>} : memref<16x16xf32, #tpu.memory_space<vmem>>, vector<16xf32>,
        %get3A_825 = arith.constant 6 : i32
        %get3A_826 = arith.index_cast %get3A_825 : i32 to index
        %get3A_827 = arith.constant 0 : index
        %get3A_828 = tpu.vector_load %arg28[%get3A_826, %get3A_827] {strides = array<i32>} : memref<16x16xf32, #tpu.memory_space<vmem>>, vector<16xf32>,
        %get3A_829 = arith.constant 7 : i32
        %get3A_830 = arith.index_cast %get3A_829 : i32 to index
        %get3A_831 = arith.constant 0 : index
        %get3A_832 = tpu.vector_load %arg28[%get3A_830, %get3A_831] {strides = array<i32>} : memref<16x16xf32, #tpu.memory_space<vmem>>, vector<16xf32>,
        %get3A_833 = arith.constant 8 : i32
        %get3A_834 = arith.index_cast %get3A_833 : i32 to index
        %get3A_835 = arith.constant 0 : index
        %get3A_836 = tpu.vector_load %arg28[%get3A_834, %get3A_835] {strides = array<i32>} : memref<16x16xf32, #tpu.memory_space<vmem>>, vector<16xf32>,
        %get3A_837 = arith.constant 9 : i32
        %get3A_838 = arith.index_cast %get3A_837 : i32 to index
        %get3A_839 = arith.constant 0 : index
        %get3A_840 = tpu.vector_load %arg28[%get3A_838, %get3A_839] {strides = array<i32>} : memref<16x16xf32, #tpu.memory_space<vmem>>, vector<16xf32>,
        %get3A_841 = arith.constant 10 : i32
        %get3A_842 = arith.index_cast %get3A_841 : i32 to index
        %get3A_843 = arith.constant 0 : index
        %get3A_844 = tpu.vector_load %arg28[%get3A_842, %get3A_843] {strides = array<i32>} : memref<16x16xf32, #tpu.memory_space<vmem>>, vector<16xf32>,
        %get3A_845 = arith.constant 11 : i32
        %get3A_846 = arith.index_cast %get3A_845 : i32 to index
        %get3A_847 = arith.constant 0 : index
        %get3A_848 = tpu.vector_load %arg28[%get3A_846, %get3A_847] {strides = array<i32>} : memref<16x16xf32, #tpu.memory_space<vmem>>, vector<16xf32>,
        %get3A_849 = arith.constant 12 : i32
        %get3A_850 = arith.index_cast %get3A_849 : i32 to index
        %get3A_851 = arith.constant 0 : index
        %get3A_852 = tpu.vector_load %arg28[%get3A_850, %get3A_851] {strides = array<i32>} : memref<16x16xf32, #tpu.memory_space<vmem>>, vector<16xf32>,
        %get3A_853 = arith.constant 13 : i32
        %get3A_854 = arith.index_cast %get3A_853 : i32 to index
        %get3A_855 = arith.constant 0 : index
        %get3A_856 = tpu.vector_load %arg28[%get3A_854, %get3A_855] {strides = array<i32>} : memref<16x16xf32, #tpu.memory_space<vmem>>, vector<16xf32>,
        %get3A_857 = arith.constant 14 : i32
        %get3A_858 = arith.index_cast %get3A_857 : i32 to index
        %get3A_859 = arith.constant 0 : index
        %get3A_860 = tpu.vector_load %arg28[%get3A_858, %get3A_859] {strides = array<i32>} : memref<16x16xf32, #tpu.memory_space<vmem>>, vector<16xf32>,
        %get3A_861 = arith.constant 15 : i32
        %get3A_862 = arith.index_cast %get3A_861 : i32 to index
        %get3A_863 = arith.constant 0 : index
        %get3A_864 = tpu.vector_load %arg28[%get3A_862, %get3A_863] {strides = array<i32>} : memref<16x16xf32, #tpu.memory_space<vmem>>, vector<16xf32>,
        %add3A_865 = arith.addf %get3A_804, %get3A_808 : vector<16xf32>
        %add3A_866 = arith.addf %get3A_812, %get3A_816 : vector<16xf32>
        %add3A_867 = arith.addf %get3A_820, %get3A_824 : vector<16xf32>
        %add3A_868 = arith.addf %get3A_828, %get3A_832 : vector<16xf32>
        %add3A_869 = arith.addf %get3A_836, %get3A_840 : vector<16xf32>
        %add3A_870 = arith.addf %get3A_844, %get3A_848 : vector<16xf32>
        %add3A_871 = arith.addf %get3A_852, %get3A_856 : vector<16xf32>
        %add3A_872 = arith.addf %get3A_860, %get3A_864 : vector<16xf32>
        %add3A_873 = arith.addf %add3A_865, %add3A_866 : vector<16xf32>
        %add3A_874 = arith.addf %add3A_867, %add3A_868 : vector<16xf32>
        %add3A_875 = arith.addf %add3A_869, %add3A_870 : vector<16xf32>
        %add3A_876 = arith.addf %add3A_871, %add3A_872 : vector<16xf32>
        %add3A_877 = arith.addf %add3A_873, %add3A_874 : vector<16xf32>
        %add3A_878 = arith.addf %add3A_875, %add3A_876 : vector<16xf32>
        %add3A_879 = arith.addf %add3A_877, %add3A_878 : vector<16xf32>
        %swap3A = arith.index_cast %sub3A_800 : i32 to index
        %swap3A_880 = tpu.vector_load %arg31[%swap3A] {strides = array<i32>} : memref<512xf32, #tpu.memory_space<vmem>>, vector<16xf32>,
        tpu.vector_store %arg31[%swap3A], %add3A_879 {strides = array<i32>} : memref<512xf32, #tpu.memory_space<vmem>>, vector<16xf32>,
        %get3A_881 = arith.constant 0 : i32
        %get3A_882 = arith.index_cast %get3A_881 : i32 to index
        %get3A_883 = arith.constant 0 : index
        %get3A_884 = tpu.vector_load %arg29[%get3A_882, %get3A_883] {strides = array<i32>} : memref<16x16xf32, #tpu.memory_space<vmem>>, vector<16xf32>,
        %get3A_885 = arith.constant 1 : i32
        %get3A_886 = arith.index_cast %get3A_885 : i32 to index
        %get3A_887 = arith.constant 0 : index
        %get3A_888 = tpu.vector_load %arg29[%get3A_886, %get3A_887] {strides = array<i32>} : memref<16x16xf32, #tpu.memory_space<vmem>>, vector<16xf32>,
        %get3A_889 = arith.constant 2 : i32
        %get3A_890 = arith.index_cast %get3A_889 : i32 to index
        %get3A_891 = arith.constant 0 : index
        %get3A_892 = tpu.vector_load %arg29[%get3A_890, %get3A_891] {strides = array<i32>} : memref<16x16xf32, #tpu.memory_space<vmem>>, vector<16xf32>,
        %get3A_893 = arith.constant 3 : i32
        %get3A_894 = arith.index_cast %get3A_893 : i32 to index
        %get3A_895 = arith.constant 0 : index
        %get3A_896 = tpu.vector_load %arg29[%get3A_894, %get3A_895] {strides = array<i32>} : memref<16x16xf32, #tpu.memory_space<vmem>>, vector<16xf32>,
        %get3A_897 = arith.constant 4 : i32
        %get3A_898 = arith.index_cast %get3A_897 : i32 to index
        %get3A_899 = arith.constant 0 : index
        %get3A_900 = tpu.vector_load %arg29[%get3A_898, %get3A_899] {strides = array<i32>} : memref<16x16xf32, #tpu.memory_space<vmem>>, vector<16xf32>,
        %get3A_901 = arith.constant 5 : i32
        %get3A_902 = arith.index_cast %get3A_901 : i32 to index
        %get3A_903 = arith.constant 0 : index
        %get3A_904 = tpu.vector_load %arg29[%get3A_902, %get3A_903] {strides = array<i32>} : memref<16x16xf32, #tpu.memory_space<vmem>>, vector<16xf32>,
        %get3A_905 = arith.constant 6 : i32
        %get3A_906 = arith.index_cast %get3A_905 : i32 to index
        %get3A_907 = arith.constant 0 : index
        %get3A_908 = tpu.vector_load %arg29[%get3A_906, %get3A_907] {strides = array<i32>} : memref<16x16xf32, #tpu.memory_space<vmem>>, vector<16xf32>,
        %get3A_909 = arith.constant 7 : i32
        %get3A_910 = arith.index_cast %get3A_909 : i32 to index
        %get3A_911 = arith.constant 0 : index
        %get3A_912 = tpu.vector_load %arg29[%get3A_910, %get3A_911] {strides = array<i32>} : memref<16x16xf32, #tpu.memory_space<vmem>>, vector<16xf32>,
        %get3A_913 = arith.constant 8 : i32
        %get3A_914 = arith.index_cast %get3A_913 : i32 to index
        %get3A_915 = arith.constant 0 : index
        %get3A_916 = tpu.vector_load %arg29[%get3A_914, %get3A_915] {strides = array<i32>} : memref<16x16xf32, #tpu.memory_space<vmem>>, vector<16xf32>,
        %get3A_917 = arith.constant 9 : i32
        %get3A_918 = arith.index_cast %get3A_917 : i32 to index
        %get3A_919 = arith.constant 0 : index
        %get3A_920 = tpu.vector_load %arg29[%get3A_918, %get3A_919] {strides = array<i32>} : memref<16x16xf32, #tpu.memory_space<vmem>>, vector<16xf32>,
        %get3A_921 = arith.constant 10 : i32
        %get3A_922 = arith.index_cast %get3A_921 : i32 to index
        %get3A_923 = arith.constant 0 : index
        %get3A_924 = tpu.vector_load %arg29[%get3A_922, %get3A_923] {strides = array<i32>} : memref<16x16xf32, #tpu.memory_space<vmem>>, vector<16xf32>,
        %get3A_925 = arith.constant 11 : i32
        %get3A_926 = arith.index_cast %get3A_925 : i32 to index
        %get3A_927 = arith.constant 0 : index
        %get3A_928 = tpu.vector_load %arg29[%get3A_926, %get3A_927] {strides = array<i32>} : memref<16x16xf32, #tpu.memory_space<vmem>>, vector<16xf32>,
        %get3A_929 = arith.constant 12 : i32
        %get3A_930 = arith.index_cast %get3A_929 : i32 to index
        %get3A_931 = arith.constant 0 : index
        %get3A_932 = tpu.vector_load %arg29[%get3A_930, %get3A_931] {strides = array<i32>} : memref<16x16xf32, #tpu.memory_space<vmem>>, vector<16xf32>,
        %get3A_933 = arith.constant 13 : i32
        %get3A_934 = arith.index_cast %get3A_933 : i32 to index
        %get3A_935 = arith.constant 0 : index
        %get3A_936 = tpu.vector_load %arg29[%get3A_934, %get3A_935] {strides = array<i32>} : memref<16x16xf32, #tpu.memory_space<vmem>>, vector<16xf32>,
        %get3A_937 = arith.constant 14 : i32
        %get3A_938 = arith.index_cast %get3A_937 : i32 to index
        %get3A_939 = arith.constant 0 : index
        %get3A_940 = tpu.vector_load %arg29[%get3A_938, %get3A_939] {strides = array<i32>} : memref<16x16xf32, #tpu.memory_space<vmem>>, vector<16xf32>,
        %get3A_941 = arith.constant 15 : i32
        %get3A_942 = arith.index_cast %get3A_941 : i32 to index
        %get3A_943 = arith.constant 0 : index
        %get3A_944 = tpu.vector_load %arg29[%get3A_942, %get3A_943] {strides = array<i32>} : memref<16x16xf32, #tpu.memory_space<vmem>>, vector<16xf32>,
        %add3A_945 = arith.addf %get3A_884, %get3A_888 : vector<16xf32>
        %add3A_946 = arith.addf %get3A_892, %get3A_896 : vector<16xf32>
        %add3A_947 = arith.addf %get3A_900, %get3A_904 : vector<16xf32>
        %add3A_948 = arith.addf %get3A_908, %get3A_912 : vector<16xf32>
        %add3A_949 = arith.addf %get3A_916, %get3A_920 : vector<16xf32>
        %add3A_950 = arith.addf %get3A_924, %get3A_928 : vector<16xf32>
        %add3A_951 = arith.addf %get3A_932, %get3A_936 : vector<16xf32>
        %add3A_952 = arith.addf %get3A_940, %get3A_944 : vector<16xf32>
        %add3A_953 = arith.addf %add3A_945, %add3A_946 : vector<16xf32>
        %add3A_954 = arith.addf %add3A_947, %add3A_948 : vector<16xf32>
        %add3A_955 = arith.addf %add3A_949, %add3A_950 : vector<16xf32>
        %add3A_956 = arith.addf %add3A_951, %add3A_952 : vector<16xf32>
        %add3A_957 = arith.addf %add3A_953, %add3A_954 : vector<16xf32>
        %add3A_958 = arith.addf %add3A_955, %add3A_956 : vector<16xf32>
        %add3A_959 = arith.addf %add3A_957, %add3A_958 : vector<16xf32>
        %swap3A_960 = arith.index_cast %sub3A_800 : i32 to index
        %swap3A_961 = tpu.vector_load %arg32[%swap3A_960] {strides = array<i32>} : memref<512xf32, #tpu.memory_space<vmem>>, vector<16xf32>,
        tpu.vector_store %arg32[%swap3A_960], %add3A_959 {strides = array<i32>} : memref<512xf32, #tpu.memory_space<vmem>>, vector<16xf32>,
        %get3A_962 = arith.constant 0 : i32
        %get3A_963 = arith.index_cast %get3A_962 : i32 to index
        %get3A_964 = arith.constant 0 : index
        %get3A_965 = tpu.vector_load %arg30[%get3A_963, %get3A_964] {strides = array<i32>} : memref<16x16xf32, #tpu.memory_space<vmem>>, vector<16xf32>,
        %get3A_966 = arith.constant 1 : i32
        %get3A_967 = arith.index_cast %get3A_966 : i32 to index
        %get3A_968 = arith.constant 0 : index
        %get3A_969 = tpu.vector_load %arg30[%get3A_967, %get3A_968] {strides = array<i32>} : memref<16x16xf32, #tpu.memory_space<vmem>>, vector<16xf32>,
        %get3A_970 = arith.constant 2 : i32
        %get3A_971 = arith.index_cast %get3A_970 : i32 to index
        %get3A_972 = arith.constant 0 : index
        %get3A_973 = tpu.vector_load %arg30[%get3A_971, %get3A_972] {strides = array<i32>} : memref<16x16xf32, #tpu.memory_space<vmem>>, vector<16xf32>,
        %get3A_974 = arith.constant 3 : i32
        %get3A_975 = arith.index_cast %get3A_974 : i32 to index
        %get3A_976 = arith.constant 0 : index
        %get3A_977 = tpu.vector_load %arg30[%get3A_975, %get3A_976] {strides = array<i32>} : memref<16x16xf32, #tpu.memory_space<vmem>>, vector<16xf32>,
        %get3A_978 = arith.constant 4 : i32
        %get3A_979 = arith.index_cast %get3A_978 : i32 to index
        %get3A_980 = arith.constant 0 : index
        %get3A_981 = tpu.vector_load %arg30[%get3A_979, %get3A_980] {strides = array<i32>} : memref<16x16xf32, #tpu.memory_space<vmem>>, vector<16xf32>,
        %get3A_982 = arith.constant 5 : i32
        %get3A_983 = arith.index_cast %get3A_982 : i32 to index
        %get3A_984 = arith.constant 0 : index
        %get3A_985 = tpu.vector_load %arg30[%get3A_983, %get3A_984] {strides = array<i32>} : memref<16x16xf32, #tpu.memory_space<vmem>>, vector<16xf32>,
        %get3A_986 = arith.constant 6 : i32
        %get3A_987 = arith.index_cast %get3A_986 : i32 to index
        %get3A_988 = arith.constant 0 : index
        %get3A_989 = tpu.vector_load %arg30[%get3A_987, %get3A_988] {strides = array<i32>} : memref<16x16xf32, #tpu.memory_space<vmem>>, vector<16xf32>,
        %get3A_990 = arith.constant 7 : i32
        %get3A_991 = arith.index_cast %get3A_990 : i32 to index
        %get3A_992 = arith.constant 0 : index
        %get3A_993 = tpu.vector_load %arg30[%get3A_991, %get3A_992] {strides = array<i32>} : memref<16x16xf32, #tpu.memory_space<vmem>>, vector<16xf32>,
        %get3A_994 = arith.constant 8 : i32
        %get3A_995 = arith.index_cast %get3A_994 : i32 to index
        %get3A_996 = arith.constant 0 : index
        %get3A_997 = tpu.vector_load %arg30[%get3A_995, %get3A_996] {strides = array<i32>} : memref<16x16xf32, #tpu.memory_space<vmem>>, vector<16xf32>,
        %get3A_998 = arith.constant 9 : i32
        %get3A_999 = arith.index_cast %get3A_998 : i32 to index
        %get3A_1000 = arith.constant 0 : index
        %get3A_1001 = tpu.vector_load %arg30[%get3A_999, %get3A_1000] {strides = array<i32>} : memref<16x16xf32, #tpu.memory_space<vmem>>, vector<16xf32>,
        %get3A_1002 = arith.constant 10 : i32
        %get3A_1003 = arith.index_cast %get3A_1002 : i32 to index
        %get3A_1004 = arith.constant 0 : index
        %get3A_1005 = tpu.vector_load %arg30[%get3A_1003, %get3A_1004] {strides = array<i32>} : memref<16x16xf32, #tpu.memory_space<vmem>>, vector<16xf32>,
        %get3A_1006 = arith.constant 11 : i32
        %get3A_1007 = arith.index_cast %get3A_1006 : i32 to index
        %get3A_1008 = arith.constant 0 : index
        %get3A_1009 = tpu.vector_load %arg30[%get3A_1007, %get3A_1008] {strides = array<i32>} : memref<16x16xf32, #tpu.memory_space<vmem>>, vector<16xf32>,
        %get3A_1010 = arith.constant 12 : i32
        %get3A_1011 = arith.index_cast %get3A_1010 : i32 to index
        %get3A_1012 = arith.constant 0 : index
        %get3A_1013 = tpu.vector_load %arg30[%get3A_1011, %get3A_1012] {strides = array<i32>} : memref<16x16xf32, #tpu.memory_space<vmem>>, vector<16xf32>,
        %get3A_1014 = arith.constant 13 : i32
        %get3A_1015 = arith.index_cast %get3A_1014 : i32 to index
        %get3A_1016 = arith.constant 0 : index
        %get3A_1017 = tpu.vector_load %arg30[%get3A_1015, %get3A_1016] {strides = array<i32>} : memref<16x16xf32, #tpu.memory_space<vmem>>, vector<16xf32>,
        %get3A_1018 = arith.constant 14 : i32
        %get3A_1019 = arith.index_cast %get3A_1018 : i32 to index
        %get3A_1020 = arith.constant 0 : index
        %get3A_1021 = tpu.vector_load %arg30[%get3A_1019, %get3A_1020] {strides = array<i32>} : memref<16x16xf32, #tpu.memory_space<vmem>>, vector<16xf32>,
        %get3A_1022 = arith.constant 15 : i32
        %get3A_1023 = arith.index_cast %get3A_1022 : i32 to index
        %get3A_1024 = arith.constant 0 : index
        %get3A_1025 = tpu.vector_load %arg30[%get3A_1023, %get3A_1024] {strides = array<i32>} : memref<16x16xf32, #tpu.memory_space<vmem>>, vector<16xf32>,
        %add3A_1026 = arith.addf %get3A_965, %get3A_969 : vector<16xf32>
        %add3A_1027 = arith.addf %get3A_973, %get3A_977 : vector<16xf32>
        %add3A_1028 = arith.addf %get3A_981, %get3A_985 : vector<16xf32>
        %add3A_1029 = arith.addf %get3A_989, %get3A_993 : vector<16xf32>
        %add3A_1030 = arith.addf %get3A_997, %get3A_1001 : vector<16xf32>
        %add3A_1031 = arith.addf %get3A_1005, %get3A_1009 : vector<16xf32>
        %add3A_1032 = arith.addf %get3A_1013, %get3A_1017 : vector<16xf32>
        %add3A_1033 = arith.addf %get3A_1021, %get3A_1025 : vector<16xf32>
        %add3A_1034 = arith.addf %add3A_1026, %add3A_1027 : vector<16xf32>
        %add3A_1035 = arith.addf %add3A_1028, %add3A_1029 : vector<16xf32>
        %add3A_1036 = arith.addf %add3A_1030, %add3A_1031 : vector<16xf32>
        %add3A_1037 = arith.addf %add3A_1032, %add3A_1033 : vector<16xf32>
        %add3A_1038 = arith.addf %add3A_1034, %add3A_1035 : vector<16xf32>
        %add3A_1039 = arith.addf %add3A_1036, %add3A_1037 : vector<16xf32>
        %add3A_1040 = arith.addf %add3A_1038, %add3A_1039 : vector<16xf32>
        %swap3A_1041 = arith.index_cast %sub3A_800 : i32 to index
        %swap3A_1042 = tpu.vector_load %arg33[%swap3A_1041] {strides = array<i32>} : memref<512xf32, #tpu.memory_space<vmem>>, vector<16xf32>,
        tpu.vector_store %arg33[%swap3A_1041], %add3A_1040 {strides = array<i32>} : memref<512xf32, #tpu.memory_space<vmem>>, vector<16xf32>,
      } else {
      }
      %scan3A_796 = arith.constant 0 : i32
      scf.yield %scan3A_796 : i32
    }
    %scan3A_180 = arith.constant 128 : i32
    %dma_wait3A_181 = arith.constant 0 : i32
    %dma_wait3A_182 = arith.constant 1 : i32
    %dma_wait3A_183 = arith.constant 0 : i32
    %dma_wait3A_184 = tpu.memref_slice %arg13[%dma_wait3A_181, %dma_wait3A_182, %dma_wait3A_183] : memref<7x4x128xi32, #tpu.memory_space<vmem>> -> memref<1x1x128xi32, #tpu.memory_space<vmem>>
    %dma_wait3A_185 = tpu.memref_squeeze %dma_wait3A_184 : memref<1x1x128xi32, #tpu.memory_space<vmem>> -> memref<128xi32, #tpu.memory_space<vmem>>
    %dma_wait3A_186 = arith.constant 0 : i32
    %dma_wait3A_187 = arith.constant 0 : i32
    %dma_wait3A_188 = tpu.memref_slice %arg2[%dma_wait3A_186, %dma_wait3A_187] : memref<114688x64xf32, #tpu.memory_space<hbm>> -> memref<114688x64xf32, #tpu.memory_space<hbm>>
    tpu.wait_indirect_dma semaphore(%arg41 : memref<!tpu.dma_semaphore, #tpu.memory_space<semaphore_mem>>) src(%dma_wait3A_188 : memref<114688x64xf32, #tpu.memory_space<hbm>>) dst(%arg21 : memref<128x64xf32, #tpu.memory_space<vmem>>)
    %dma_wait3A_189 = arith.constant 1 : i32
    %dma_wait3A_190 = arith.constant 1 : i32
    %dma_wait3A_191 = arith.constant 0 : i32
    %dma_wait3A_192 = tpu.memref_slice %arg13[%dma_wait3A_189, %dma_wait3A_190, %dma_wait3A_191] : memref<7x4x128xi32, #tpu.memory_space<vmem>> -> memref<1x1x128xi32, #tpu.memory_space<vmem>>
    %dma_wait3A_193 = tpu.memref_squeeze %dma_wait3A_192 : memref<1x1x128xi32, #tpu.memory_space<vmem>> -> memref<128xi32, #tpu.memory_space<vmem>>
    %dma_wait3A_194 = arith.constant 0 : i32
    %dma_wait3A_195 = arith.constant 0 : i32
    %dma_wait3A_196 = tpu.memref_slice %arg2[%dma_wait3A_194, %dma_wait3A_195] : memref<114688x64xf32, #tpu.memory_space<hbm>> -> memref<114688x64xf32, #tpu.memory_space<hbm>>
    tpu.wait_indirect_dma semaphore(%arg42 : memref<!tpu.dma_semaphore, #tpu.memory_space<semaphore_mem>>) src(%dma_wait3A_196 : memref<114688x64xf32, #tpu.memory_space<hbm>>) dst(%arg22 : memref<128x64xf32, #tpu.memory_space<vmem>>)
    %dma_wait3A_197 = arith.constant 2 : i32
    %dma_wait3A_198 = arith.constant 1 : i32
    %dma_wait3A_199 = arith.constant 0 : i32
    %dma_wait3A_200 = tpu.memref_slice %arg13[%dma_wait3A_197, %dma_wait3A_198, %dma_wait3A_199] : memref<7x4x128xi32, #tpu.memory_space<vmem>> -> memref<1x1x128xi32, #tpu.memory_space<vmem>>
    %dma_wait3A_201 = tpu.memref_squeeze %dma_wait3A_200 : memref<1x1x128xi32, #tpu.memory_space<vmem>> -> memref<128xi32, #tpu.memory_space<vmem>>
    %dma_wait3A_202 = arith.constant 0 : i32
    %dma_wait3A_203 = arith.constant 0 : i32
    %dma_wait3A_204 = tpu.memref_slice %arg2[%dma_wait3A_202, %dma_wait3A_203] : memref<114688x64xf32, #tpu.memory_space<hbm>> -> memref<114688x64xf32, #tpu.memory_space<hbm>>
    tpu.wait_indirect_dma semaphore(%arg43 : memref<!tpu.dma_semaphore, #tpu.memory_space<semaphore_mem>>) src(%dma_wait3A_204 : memref<114688x64xf32, #tpu.memory_space<hbm>>) dst(%arg23 : memref<128x64xf32, #tpu.memory_space<vmem>>)
    %dma_wait3A_205 = arith.constant 3 : i32
    %dma_wait3A_206 = arith.constant 1 : i32
    %dma_wait3A_207 = arith.constant 0 : i32
    %dma_wait3A_208 = tpu.memref_slice %arg13[%dma_wait3A_205, %dma_wait3A_206, %dma_wait3A_207] : memref<7x4x128xi32, #tpu.memory_space<vmem>> -> memref<1x1x128xi32, #tpu.memory_space<vmem>>
    %dma_wait3A_209 = tpu.memref_squeeze %dma_wait3A_208 : memref<1x1x128xi32, #tpu.memory_space<vmem>> -> memref<128xi32, #tpu.memory_space<vmem>>
    %dma_wait3A_210 = arith.constant 0 : i32
    %dma_wait3A_211 = arith.constant 0 : i32
    %dma_wait3A_212 = tpu.memref_slice %arg2[%dma_wait3A_210, %dma_wait3A_211] : memref<114688x64xf32, #tpu.memory_space<hbm>> -> memref<114688x64xf32, #tpu.memory_space<hbm>>
    tpu.wait_indirect_dma semaphore(%arg44 : memref<!tpu.dma_semaphore, #tpu.memory_space<semaphore_mem>>) src(%dma_wait3A_212 : memref<114688x64xf32, #tpu.memory_space<hbm>>) dst(%arg24 : memref<128x64xf32, #tpu.memory_space<vmem>>)
    %dma_wait3A_213 = arith.constant 4 : i32
    %dma_wait3A_214 = arith.constant 1 : i32
    %dma_wait3A_215 = arith.constant 0 : i32
    %dma_wait3A_216 = tpu.memref_slice %arg13[%dma_wait3A_213, %dma_wait3A_214, %dma_wait3A_215] : memref<7x4x128xi32, #tpu.memory_space<vmem>> -> memref<1x1x128xi32, #tpu.memory_space<vmem>>
    %dma_wait3A_217 = tpu.memref_squeeze %dma_wait3A_216 : memref<1x1x128xi32, #tpu.memory_space<vmem>> -> memref<128xi32, #tpu.memory_space<vmem>>
    %dma_wait3A_218 = arith.constant 0 : i32
    %dma_wait3A_219 = arith.constant 0 : i32
    %dma_wait3A_220 = tpu.memref_slice %arg2[%dma_wait3A_218, %dma_wait3A_219] : memref<114688x64xf32, #tpu.memory_space<hbm>> -> memref<114688x64xf32, #tpu.memory_space<hbm>>
    tpu.wait_indirect_dma semaphore(%arg45 : memref<!tpu.dma_semaphore, #tpu.memory_space<semaphore_mem>>) src(%dma_wait3A_220 : memref<114688x64xf32, #tpu.memory_space<hbm>>) dst(%arg25 : memref<128x64xf32, #tpu.memory_space<vmem>>)
    %dma_wait3A_221 = arith.constant 5 : i32
    %dma_wait3A_222 = arith.constant 1 : i32
    %dma_wait3A_223 = arith.constant 0 : i32
    %dma_wait3A_224 = tpu.memref_slice %arg13[%dma_wait3A_221, %dma_wait3A_222, %dma_wait3A_223] : memref<7x4x128xi32, #tpu.memory_space<vmem>> -> memref<1x1x128xi32, #tpu.memory_space<vmem>>
    %dma_wait3A_225 = tpu.memref_squeeze %dma_wait3A_224 : memref<1x1x128xi32, #tpu.memory_space<vmem>> -> memref<128xi32, #tpu.memory_space<vmem>>
    %dma_wait3A_226 = arith.constant 0 : i32
    %dma_wait3A_227 = arith.constant 0 : i32
    %dma_wait3A_228 = tpu.memref_slice %arg2[%dma_wait3A_226, %dma_wait3A_227] : memref<114688x64xf32, #tpu.memory_space<hbm>> -> memref<114688x64xf32, #tpu.memory_space<hbm>>
    tpu.wait_indirect_dma semaphore(%arg46 : memref<!tpu.dma_semaphore, #tpu.memory_space<semaphore_mem>>) src(%dma_wait3A_228 : memref<114688x64xf32, #tpu.memory_space<hbm>>) dst(%arg26 : memref<128x64xf32, #tpu.memory_space<vmem>>)
    %dma_wait3A_229 = arith.constant 6 : i32
    %dma_wait3A_230 = arith.constant 1 : i32
    %dma_wait3A_231 = arith.constant 0 : i32
    %dma_wait3A_232 = tpu.memref_slice %arg13[%dma_wait3A_229, %dma_wait3A_230, %dma_wait3A_231] : memref<7x4x128xi32, #tpu.memory_space<vmem>> -> memref<1x1x128xi32, #tpu.memory_space<vmem>>
    %dma_wait3A_233 = tpu.memref_squeeze %dma_wait3A_232 : memref<1x1x128xi32, #tpu.memory_space<vmem>> -> memref<128xi32, #tpu.memory_space<vmem>>
    %dma_wait3A_234 = arith.constant 0 : i32
    %dma_wait3A_235 = arith.constant 0 : i32
    %dma_wait3A_236 = tpu.memref_slice %arg2[%dma_wait3A_234, %dma_wait3A_235] : memref<114688x64xf32, #tpu.memory_space<hbm>> -> memref<114688x64xf32, #tpu.memory_space<hbm>>
    tpu.wait_indirect_dma semaphore(%arg47 : memref<!tpu.dma_semaphore, #tpu.memory_space<semaphore_mem>>) src(%dma_wait3A_236 : memref<114688x64xf32, #tpu.memory_space<hbm>>) dst(%arg27 : memref<128x64xf32, #tpu.memory_space<vmem>>)
    %dma_start3A_237 = arith.constant 0 : i32
    %dma_start3A_238 = arith.constant 2 : i32
    %dma_start3A_239 = arith.constant 0 : i32
    %dma_start3A_240 = tpu.memref_slice %arg13[%dma_start3A_237, %dma_start3A_238, %dma_start3A_239] : memref<7x4x128xi32, #tpu.memory_space<vmem>> -> memref<1x1x128xi32, #tpu.memory_space<vmem>>
    %dma_start3A_241 = tpu.memref_squeeze %dma_start3A_240 : memref<1x1x128xi32, #tpu.memory_space<vmem>> -> memref<128xi32, #tpu.memory_space<vmem>>
    %dma_start3A_242 = arith.constant 0 : i32
    %dma_start3A_243 = arith.constant 0 : i32
    %dma_start3A_244 = tpu.memref_slice %arg2[%dma_start3A_242, %dma_start3A_243] : memref<114688x64xf32, #tpu.memory_space<hbm>> -> memref<114688x64xf32, #tpu.memory_space<hbm>>
    tpu.enqueue_indirect_dma source(%dma_start3A_244 : memref<114688x64xf32, #tpu.memory_space<hbm>>) target(%arg14 : memref<128x64xf32, #tpu.memory_space<vmem>>) offsets(%dma_start3A_241 : memref<128xi32, #tpu.memory_space<vmem>>) semaphore(%arg34 : memref<!tpu.dma_semaphore, #tpu.memory_space<semaphore_mem>>)
    %dma_start3A_245 = arith.constant 1 : i32
    %dma_start3A_246 = arith.constant 2 : i32
    %dma_start3A_247 = arith.constant 0 : i32
    %dma_start3A_248 = tpu.memref_slice %arg13[%dma_start3A_245, %dma_start3A_246, %dma_start3A_247] : memref<7x4x128xi32, #tpu.memory_space<vmem>> -> memref<1x1x128xi32, #tpu.memory_space<vmem>>
    %dma_start3A_249 = tpu.memref_squeeze %dma_start3A_248 : memref<1x1x128xi32, #tpu.memory_space<vmem>> -> memref<128xi32, #tpu.memory_space<vmem>>
    %dma_start3A_250 = arith.constant 0 : i32
    %dma_start3A_251 = arith.constant 0 : i32
    %dma_start3A_252 = tpu.memref_slice %arg2[%dma_start3A_250, %dma_start3A_251] : memref<114688x64xf32, #tpu.memory_space<hbm>> -> memref<114688x64xf32, #tpu.memory_space<hbm>>
    tpu.enqueue_indirect_dma source(%dma_start3A_252 : memref<114688x64xf32, #tpu.memory_space<hbm>>) target(%arg15 : memref<128x64xf32, #tpu.memory_space<vmem>>) offsets(%dma_start3A_249 : memref<128xi32, #tpu.memory_space<vmem>>) semaphore(%arg35 : memref<!tpu.dma_semaphore, #tpu.memory_space<semaphore_mem>>)
    %dma_start3A_253 = arith.constant 2 : i32
    %dma_start3A_254 = arith.constant 2 : i32
    %dma_start3A_255 = arith.constant 0 : i32
    %dma_start3A_256 = tpu.memref_slice %arg13[%dma_start3A_253, %dma_start3A_254, %dma_start3A_255] : memref<7x4x128xi32, #tpu.memory_space<vmem>> -> memref<1x1x128xi32, #tpu.memory_space<vmem>>
    %dma_start3A_257 = tpu.memref_squeeze %dma_start3A_256 : memref<1x1x128xi32, #tpu.memory_space<vmem>> -> memref<128xi32, #tpu.memory_space<vmem>>
    %dma_start3A_258 = arith.constant 0 : i32
    %dma_start3A_259 = arith.constant 0 : i32
    %dma_start3A_260 = tpu.memref_slice %arg2[%dma_start3A_258, %dma_start3A_259] : memref<114688x64xf32, #tpu.memory_space<hbm>> -> memref<114688x64xf32, #tpu.memory_space<hbm>>
    tpu.enqueue_indirect_dma source(%dma_start3A_260 : memref<114688x64xf32, #tpu.memory_space<hbm>>) target(%arg16 : memref<128x64xf32, #tpu.memory_space<vmem>>) offsets(%dma_start3A_257 : memref<128xi32, #tpu.memory_space<vmem>>) semaphore(%arg36 : memref<!tpu.dma_semaphore, #tpu.memory_space<semaphore_mem>>)
    %dma_start3A_261 = arith.constant 3 : i32
    %dma_start3A_262 = arith.constant 2 : i32
    %dma_start3A_263 = arith.constant 0 : i32
    %dma_start3A_264 = tpu.memref_slice %arg13[%dma_start3A_261, %dma_start3A_262, %dma_start3A_263] : memref<7x4x128xi32, #tpu.memory_space<vmem>> -> memref<1x1x128xi32, #tpu.memory_space<vmem>>
    %dma_start3A_265 = tpu.memref_squeeze %dma_start3A_264 : memref<1x1x128xi32, #tpu.memory_space<vmem>> -> memref<128xi32, #tpu.memory_space<vmem>>
    %dma_start3A_266 = arith.constant 0 : i32
    %dma_start3A_267 = arith.constant 0 : i32
    %dma_start3A_268 = tpu.memref_slice %arg2[%dma_start3A_266, %dma_start3A_267] : memref<114688x64xf32, #tpu.memory_space<hbm>> -> memref<114688x64xf32, #tpu.memory_space<hbm>>
    tpu.enqueue_indirect_dma source(%dma_start3A_268 : memref<114688x64xf32, #tpu.memory_space<hbm>>) target(%arg17 : memref<128x64xf32, #tpu.memory_space<vmem>>) offsets(%dma_start3A_265 : memref<128xi32, #tpu.memory_space<vmem>>) semaphore(%arg37 : memref<!tpu.dma_semaphore, #tpu.memory_space<semaphore_mem>>)
    %dma_start3A_269 = arith.constant 4 : i32
    %dma_start3A_270 = arith.constant 2 : i32
    %dma_start3A_271 = arith.constant 0 : i32
    %dma_start3A_272 = tpu.memref_slice %arg13[%dma_start3A_269, %dma_start3A_270, %dma_start3A_271] : memref<7x4x128xi32, #tpu.memory_space<vmem>> -> memref<1x1x128xi32, #tpu.memory_space<vmem>>
    %dma_start3A_273 = tpu.memref_squeeze %dma_start3A_272 : memref<1x1x128xi32, #tpu.memory_space<vmem>> -> memref<128xi32, #tpu.memory_space<vmem>>
    %dma_start3A_274 = arith.constant 0 : i32
    %dma_start3A_275 = arith.constant 0 : i32
    %dma_start3A_276 = tpu.memref_slice %arg2[%dma_start3A_274, %dma_start3A_275] : memref<114688x64xf32, #tpu.memory_space<hbm>> -> memref<114688x64xf32, #tpu.memory_space<hbm>>
    tpu.enqueue_indirect_dma source(%dma_start3A_276 : memref<114688x64xf32, #tpu.memory_space<hbm>>) target(%arg18 : memref<128x64xf32, #tpu.memory_space<vmem>>) offsets(%dma_start3A_273 : memref<128xi32, #tpu.memory_space<vmem>>) semaphore(%arg38 : memref<!tpu.dma_semaphore, #tpu.memory_space<semaphore_mem>>)
    %dma_start3A_277 = arith.constant 5 : i32
    %dma_start3A_278 = arith.constant 2 : i32
    %dma_start3A_279 = arith.constant 0 : i32
    %dma_start3A_280 = tpu.memref_slice %arg13[%dma_start3A_277, %dma_start3A_278, %dma_start3A_279] : memref<7x4x128xi32, #tpu.memory_space<vmem>> -> memref<1x1x128xi32, #tpu.memory_space<vmem>>
    %dma_start3A_281 = tpu.memref_squeeze %dma_start3A_280 : memref<1x1x128xi32, #tpu.memory_space<vmem>> -> memref<128xi32, #tpu.memory_space<vmem>>
    %dma_start3A_282 = arith.constant 0 : i32
    %dma_start3A_283 = arith.constant 0 : i32
    %dma_start3A_284 = tpu.memref_slice %arg2[%dma_start3A_282, %dma_start3A_283] : memref<114688x64xf32, #tpu.memory_space<hbm>> -> memref<114688x64xf32, #tpu.memory_space<hbm>>
    tpu.enqueue_indirect_dma source(%dma_start3A_284 : memref<114688x64xf32, #tpu.memory_space<hbm>>) target(%arg19 : memref<128x64xf32, #tpu.memory_space<vmem>>) offsets(%dma_start3A_281 : memref<128xi32, #tpu.memory_space<vmem>>) semaphore(%arg39 : memref<!tpu.dma_semaphore, #tpu.memory_space<semaphore_mem>>)
    %dma_start3A_285 = arith.constant 6 : i32
    %dma_start3A_286 = arith.constant 2 : i32
    %dma_start3A_287 = arith.constant 0 : i32
    %dma_start3A_288 = tpu.memref_slice %arg13[%dma_start3A_285, %dma_start3A_286, %dma_start3A_287] : memref<7x4x128xi32, #tpu.memory_space<vmem>> -> memref<1x1x128xi32, #tpu.memory_space<vmem>>
    %dma_start3A_289 = tpu.memref_squeeze %dma_start3A_288 : memref<1x1x128xi32, #tpu.memory_space<vmem>> -> memref<128xi32, #tpu.memory_space<vmem>>
    %dma_start3A_290 = arith.constant 0 : i32
    %dma_start3A_291 = arith.constant 0 : i32
    %dma_start3A_292 = tpu.memref_slice %arg2[%dma_start3A_290, %dma_start3A_291] : memref<114688x64xf32, #tpu.memory_space<hbm>> -> memref<114688x64xf32, #tpu.memory_space<hbm>>
    tpu.enqueue_indirect_dma source(%dma_start3A_292 : memref<114688x64xf32, #tpu.memory_space<hbm>>) target(%arg20 : memref<128x64xf32, #tpu.memory_space<vmem>>) offsets(%dma_start3A_289 : memref<128xi32, #tpu.memory_space<vmem>>) semaphore(%arg40 : memref<!tpu.dma_semaphore, #tpu.memory_space<semaphore_mem>>)
    %scan3A_293 = arith.constant 0 : i32
    %scan3A_294 = arith.constant 0 : i32
    %scan3A_295 = arith.constant 128 : i32
    %scan3A_296 = arith.addi %scan3A_294, %scan3A_295 : i32
    %scan3A_297 = arith.constant 2 : i32
    %scan3A_298 = scf.for %scan3A_482 = %scan3A_294 to %scan3A_296 step %scan3A_297 iter_args(%scan3A_483 = %scan3A_293) -> (i32)  : i32 {
      %broadcast_in_dim3A = arith.constant 0.000000e+00 : f32
      %broadcast_in_dim3A_484 = vector.broadcast %broadcast_in_dim3A : f32 to vector<16xf32>
      %broadcast_in_dim3A_485 = arith.constant 0.000000e+00 : f32
      %broadcast_in_dim3A_486 = vector.broadcast %broadcast_in_dim3A_485 : f32 to vector<16xf32>
      %broadcast_in_dim3A_487 = arith.constant 0.000000e+00 : f32
      %broadcast_in_dim3A_488 = vector.broadcast %broadcast_in_dim3A_487 : f32 to vector<16xf32>
      %get3A = arith.index_cast %scan3A_482 : i32 to index
      %get3A_489 = arith.constant 0 : index
      %get3A_490 = tpu.vector_load %arg21[%get3A, %get3A_489] {strides = array<i32>} : memref<128x64xf32, #tpu.memory_space<vmem>>, vector<16xf32>,
      %get3A_491 = arith.index_cast %scan3A_482 : i32 to index
      %get3A_492 = arith.constant 0 : index
      %get3A_493 = tpu.vector_load %arg22[%get3A_491, %get3A_492] {strides = array<i32>} : memref<128x64xf32, #tpu.memory_space<vmem>>, vector<16xf32>,
      %get3A_494 = arith.index_cast %scan3A_482 : i32 to index
      %get3A_495 = arith.constant 0 : index
      %get3A_496 = tpu.vector_load %arg23[%get3A_494, %get3A_495] {strides = array<i32>} : memref<128x64xf32, #tpu.memory_space<vmem>>, vector<16xf32>,
      %sub3A = arith.subf %get3A_493, %get3A_496 : vector<16xf32>
      %mul3A_497 = arith.mulf %get3A_490, %sub3A : vector<16xf32>
      %add3A_498 = arith.addf %broadcast_in_dim3A_484, %mul3A_497 : vector<16xf32>
      %get3A_499 = arith.index_cast %scan3A_482 : i32 to index
      %get3A_500 = arith.constant 0 : index
      %get3A_501 = tpu.vector_load %arg24[%get3A_499, %get3A_500] {strides = array<i32>} : memref<128x64xf32, #tpu.memory_space<vmem>>, vector<16xf32>,
      %sub3A_502 = arith.subf %get3A_493, %get3A_501 : vector<16xf32>
      %get3A_503 = arith.index_cast %scan3A_482 : i32 to index
      %get3A_504 = arith.constant 0 : index
      %get3A_505 = tpu.vector_load %arg25[%get3A_503, %get3A_504] {strides = array<i32>} : memref<128x64xf32, #tpu.memory_space<vmem>>, vector<16xf32>,
      %sub3A_506 = arith.subf %get3A_493, %get3A_505 : vector<16xf32>
      %mul3A_507 = arith.mulf %sub3A_502, %sub3A_502 : vector<16xf32>
      %mul3A_508 = arith.mulf %sub3A_506, %sub3A_506 : vector<16xf32>
      %sub3A_509 = arith.subf %mul3A_507, %mul3A_508 : vector<16xf32>
      %add3A_510 = arith.addf %broadcast_in_dim3A_486, %sub3A_509 : vector<16xf32>
      %get3A_511 = arith.index_cast %scan3A_482 : i32 to index
      %get3A_512 = arith.constant 0 : index
      %get3A_513 = tpu.vector_load %arg26[%get3A_511, %get3A_512] {strides = array<i32>} : memref<128x64xf32, #tpu.memory_space<vmem>>, vector<16xf32>,
      %sub3A_514 = arith.subf %get3A_490, %get3A_513 : vector<16xf32>
      %get3A_515 = arith.index_cast %scan3A_482 : i32 to index
      %get3A_516 = arith.constant 0 : index
      %get3A_517 = tpu.vector_load %arg27[%get3A_515, %get3A_516] {strides = array<i32>} : memref<128x64xf32, #tpu.memory_space<vmem>>, vector<16xf32>,
      %sub3A_518 = arith.subf %get3A_490, %get3A_517 : vector<16xf32>
      %mul3A_519 = arith.mulf %sub3A_514, %sub3A_514 : vector<16xf32>
      %mul3A_520 = arith.mulf %sub3A_518, %sub3A_518 : vector<16xf32>
      %sub3A_521 = arith.subf %mul3A_519, %mul3A_520 : vector<16xf32>
      %add3A_522 = arith.addf %broadcast_in_dim3A_488, %sub3A_521 : vector<16xf32>
      %get3A_523 = arith.index_cast %scan3A_482 : i32 to index
      %get3A_524 = arith.constant 16 : index
      %get3A_525 = tpu.vector_load %arg21[%get3A_523, %get3A_524] {strides = array<i32>} : memref<128x64xf32, #tpu.memory_space<vmem>>, vector<16xf32>,
      %get3A_526 = arith.index_cast %scan3A_482 : i32 to index
      %get3A_527 = arith.constant 16 : index
      %get3A_528 = tpu.vector_load %arg22[%get3A_526, %get3A_527] {strides = array<i32>} : memref<128x64xf32, #tpu.memory_space<vmem>>, vector<16xf32>,
      %get3A_529 = arith.index_cast %scan3A_482 : i32 to index
      %get3A_530 = arith.constant 16 : index
      %get3A_531 = tpu.vector_load %arg23[%get3A_529, %get3A_530] {strides = array<i32>} : memref<128x64xf32, #tpu.memory_space<vmem>>, vector<16xf32>,
      %sub3A_532 = arith.subf %get3A_528, %get3A_531 : vector<16xf32>
      %mul3A_533 = arith.mulf %get3A_525, %sub3A_532 : vector<16xf32>
      %add3A_534 = arith.addf %add3A_498, %mul3A_533 : vector<16xf32>
      %get3A_535 = arith.index_cast %scan3A_482 : i32 to index
      %get3A_536 = arith.constant 16 : index
      %get3A_537 = tpu.vector_load %arg24[%get3A_535, %get3A_536] {strides = array<i32>} : memref<128x64xf32, #tpu.memory_space<vmem>>, vector<16xf32>,
      %sub3A_538 = arith.subf %get3A_528, %get3A_537 : vector<16xf32>
      %get3A_539 = arith.index_cast %scan3A_482 : i32 to index
      %get3A_540 = arith.constant 16 : index
      %get3A_541 = tpu.vector_load %arg25[%get3A_539, %get3A_540] {strides = array<i32>} : memref<128x64xf32, #tpu.memory_space<vmem>>, vector<16xf32>,
      %sub3A_542 = arith.subf %get3A_528, %get3A_541 : vector<16xf32>
      %mul3A_543 = arith.mulf %sub3A_538, %sub3A_538 : vector<16xf32>
      %mul3A_544 = arith.mulf %sub3A_542, %sub3A_542 : vector<16xf32>
      %sub3A_545 = arith.subf %mul3A_543, %mul3A_544 : vector<16xf32>
      %add3A_546 = arith.addf %add3A_510, %sub3A_545 : vector<16xf32>
      %get3A_547 = arith.index_cast %scan3A_482 : i32 to index
      %get3A_548 = arith.constant 16 : index
      %get3A_549 = tpu.vector_load %arg26[%get3A_547, %get3A_548] {strides = array<i32>} : memref<128x64xf32, #tpu.memory_space<vmem>>, vector<16xf32>,
      %sub3A_550 = arith.subf %get3A_525, %get3A_549 : vector<16xf32>
      %get3A_551 = arith.index_cast %scan3A_482 : i32 to index
      %get3A_552 = arith.constant 16 : index
      %get3A_553 = tpu.vector_load %arg27[%get3A_551, %get3A_552] {strides = array<i32>} : memref<128x64xf32, #tpu.memory_space<vmem>>, vector<16xf32>,
      %sub3A_554 = arith.subf %get3A_525, %get3A_553 : vector<16xf32>
      %mul3A_555 = arith.mulf %sub3A_550, %sub3A_550 : vector<16xf32>
      %mul3A_556 = arith.mulf %sub3A_554, %sub3A_554 : vector<16xf32>
      %sub3A_557 = arith.subf %mul3A_555, %mul3A_556 : vector<16xf32>
      %add3A_558 = arith.addf %add3A_522, %sub3A_557 : vector<16xf32>
      %get3A_559 = arith.index_cast %scan3A_482 : i32 to index
      %get3A_560 = arith.constant 32 : index
      %get3A_561 = tpu.vector_load %arg21[%get3A_559, %get3A_560] {strides = array<i32>} : memref<128x64xf32, #tpu.memory_space<vmem>>, vector<16xf32>,
      %get3A_562 = arith.index_cast %scan3A_482 : i32 to index
      %get3A_563 = arith.constant 32 : index
      %get3A_564 = tpu.vector_load %arg22[%get3A_562, %get3A_563] {strides = array<i32>} : memref<128x64xf32, #tpu.memory_space<vmem>>, vector<16xf32>,
      %get3A_565 = arith.index_cast %scan3A_482 : i32 to index
      %get3A_566 = arith.constant 32 : index
      %get3A_567 = tpu.vector_load %arg23[%get3A_565, %get3A_566] {strides = array<i32>} : memref<128x64xf32, #tpu.memory_space<vmem>>, vector<16xf32>,
      %sub3A_568 = arith.subf %get3A_564, %get3A_567 : vector<16xf32>
      %mul3A_569 = arith.mulf %get3A_561, %sub3A_568 : vector<16xf32>
      %add3A_570 = arith.addf %add3A_534, %mul3A_569 : vector<16xf32>
      %get3A_571 = arith.index_cast %scan3A_482 : i32 to index
      %get3A_572 = arith.constant 32 : index
      %get3A_573 = tpu.vector_load %arg24[%get3A_571, %get3A_572] {strides = array<i32>} : memref<128x64xf32, #tpu.memory_space<vmem>>, vector<16xf32>,
      %sub3A_574 = arith.subf %get3A_564, %get3A_573 : vector<16xf32>
      %get3A_575 = arith.index_cast %scan3A_482 : i32 to index
      %get3A_576 = arith.constant 32 : index
      %get3A_577 = tpu.vector_load %arg25[%get3A_575, %get3A_576] {strides = array<i32>} : memref<128x64xf32, #tpu.memory_space<vmem>>, vector<16xf32>,
      %sub3A_578 = arith.subf %get3A_564, %get3A_577 : vector<16xf32>
      %mul3A_579 = arith.mulf %sub3A_574, %sub3A_574 : vector<16xf32>
      %mul3A_580 = arith.mulf %sub3A_578, %sub3A_578 : vector<16xf32>
      %sub3A_581 = arith.subf %mul3A_579, %mul3A_580 : vector<16xf32>
      %add3A_582 = arith.addf %add3A_546, %sub3A_581 : vector<16xf32>
      %get3A_583 = arith.index_cast %scan3A_482 : i32 to index
      %get3A_584 = arith.constant 32 : index
      %get3A_585 = tpu.vector_load %arg26[%get3A_583, %get3A_584] {strides = array<i32>} : memref<128x64xf32, #tpu.memory_space<vmem>>, vector<16xf32>,
      %sub3A_586 = arith.subf %get3A_561, %get3A_585 : vector<16xf32>
      %get3A_587 = arith.index_cast %scan3A_482 : i32 to index
      %get3A_588 = arith.constant 32 : index
      %get3A_589 = tpu.vector_load %arg27[%get3A_587, %get3A_588] {strides = array<i32>} : memref<128x64xf32, #tpu.memory_space<vmem>>, vector<16xf32>,
      %sub3A_590 = arith.subf %get3A_561, %get3A_589 : vector<16xf32>
      %mul3A_591 = arith.mulf %sub3A_586, %sub3A_586 : vector<16xf32>
      %mul3A_592 = arith.mulf %sub3A_590, %sub3A_590 : vector<16xf32>
      %sub3A_593 = arith.subf %mul3A_591, %mul3A_592 : vector<16xf32>
      %add3A_594 = arith.addf %add3A_558, %sub3A_593 : vector<16xf32>
      %get3A_595 = arith.index_cast %scan3A_482 : i32 to index
      %get3A_596 = arith.constant 48 : index
      %get3A_597 = tpu.vector_load %arg21[%get3A_595, %get3A_596] {strides = array<i32>} : memref<128x64xf32, #tpu.memory_space<vmem>>, vector<16xf32>,
      %get3A_598 = arith.index_cast %scan3A_482 : i32 to index
      %get3A_599 = arith.constant 48 : index
      %get3A_600 = tpu.vector_load %arg22[%get3A_598, %get3A_599] {strides = array<i32>} : memref<128x64xf32, #tpu.memory_space<vmem>>, vector<16xf32>,
      %get3A_601 = arith.index_cast %scan3A_482 : i32 to index
      %get3A_602 = arith.constant 48 : index
      %get3A_603 = tpu.vector_load %arg23[%get3A_601, %get3A_602] {strides = array<i32>} : memref<128x64xf32, #tpu.memory_space<vmem>>, vector<16xf32>,
      %sub3A_604 = arith.subf %get3A_600, %get3A_603 : vector<16xf32>
      %mul3A_605 = arith.mulf %get3A_597, %sub3A_604 : vector<16xf32>
      %add3A_606 = arith.addf %add3A_570, %mul3A_605 : vector<16xf32>
      %get3A_607 = arith.index_cast %scan3A_482 : i32 to index
      %get3A_608 = arith.constant 48 : index
      %get3A_609 = tpu.vector_load %arg24[%get3A_607, %get3A_608] {strides = array<i32>} : memref<128x64xf32, #tpu.memory_space<vmem>>, vector<16xf32>,
      %sub3A_610 = arith.subf %get3A_600, %get3A_609 : vector<16xf32>
      %get3A_611 = arith.index_cast %scan3A_482 : i32 to index
      %get3A_612 = arith.constant 48 : index
      %get3A_613 = tpu.vector_load %arg25[%get3A_611, %get3A_612] {strides = array<i32>} : memref<128x64xf32, #tpu.memory_space<vmem>>, vector<16xf32>,
      %sub3A_614 = arith.subf %get3A_600, %get3A_613 : vector<16xf32>
      %mul3A_615 = arith.mulf %sub3A_610, %sub3A_610 : vector<16xf32>
      %mul3A_616 = arith.mulf %sub3A_614, %sub3A_614 : vector<16xf32>
      %sub3A_617 = arith.subf %mul3A_615, %mul3A_616 : vector<16xf32>
      %add3A_618 = arith.addf %add3A_582, %sub3A_617 : vector<16xf32>
      %get3A_619 = arith.index_cast %scan3A_482 : i32 to index
      %get3A_620 = arith.constant 48 : index
      %get3A_621 = tpu.vector_load %arg26[%get3A_619, %get3A_620] {strides = array<i32>} : memref<128x64xf32, #tpu.memory_space<vmem>>, vector<16xf32>,
      %sub3A_622 = arith.subf %get3A_597, %get3A_621 : vector<16xf32>
      %get3A_623 = arith.index_cast %scan3A_482 : i32 to index
      %get3A_624 = arith.constant 48 : index
      %get3A_625 = tpu.vector_load %arg27[%get3A_623, %get3A_624] {strides = array<i32>} : memref<128x64xf32, #tpu.memory_space<vmem>>, vector<16xf32>,
      %sub3A_626 = arith.subf %get3A_597, %get3A_625 : vector<16xf32>
      %mul3A_627 = arith.mulf %sub3A_622, %sub3A_622 : vector<16xf32>
      %mul3A_628 = arith.mulf %sub3A_626, %sub3A_626 : vector<16xf32>
      %sub3A_629 = arith.subf %mul3A_627, %mul3A_628 : vector<16xf32>
      %add3A_630 = arith.addf %add3A_594, %sub3A_629 : vector<16xf32>
      %and3A = arith.constant 15 : i32
      %and3A_631 = arith.andi %scan3A_482, %and3A : i32
      %broadcast_in_dim3A_632 = vector.broadcast %and3A_631 : i32 to vector<16xi32>
      tpu.vector_store_idx %arg28[%iota3A, %broadcast_in_dim3A_632], %add3A_606 : memref<16x16xf32, #tpu.memory_space<vmem>>[vector<16xi32>, vector<16xi32>], vector<16xf32>,
      tpu.vector_store_idx %arg29[%iota3A, %broadcast_in_dim3A_632], %add3A_618 : memref<16x16xf32, #tpu.memory_space<vmem>>[vector<16xi32>, vector<16xi32>], vector<16xf32>,
      tpu.vector_store_idx %arg30[%iota3A, %broadcast_in_dim3A_632], %add3A_630 : memref<16x16xf32, #tpu.memory_space<vmem>>[vector<16xi32>, vector<16xi32>], vector<16xf32>,
      %eq3A = arith.constant 15 : i32
      %eq3A_633 = arith.cmpi eq, %and3A_631, %eq3A : i32
      %convert_element_type3A = arith.extui %eq3A_633 : i1 to i32
      %cond3A = arith.constant 0 : i32
      %cond3A_634 = arith.cmpi ne, %convert_element_type3A, %cond3A : i32
      scf.if %cond3A_634 {
        %add3A_797 = arith.constant 128 : i32
        %add3A_798 = arith.addi %add3A_797, %scan3A_482 : i32
        %sub3A_799 = arith.constant 15 : i32
        %sub3A_800 = arith.subi %add3A_798, %sub3A_799 : i32
        %get3A_801 = arith.constant 0 : i32
        %get3A_802 = arith.index_cast %get3A_801 : i32 to index
        %get3A_803 = arith.constant 0 : index
        %get3A_804 = tpu.vector_load %arg28[%get3A_802, %get3A_803] {strides = array<i32>} : memref<16x16xf32, #tpu.memory_space<vmem>>, vector<16xf32>,
        %get3A_805 = arith.constant 1 : i32
        %get3A_806 = arith.index_cast %get3A_805 : i32 to index
        %get3A_807 = arith.constant 0 : index
        %get3A_808 = tpu.vector_load %arg28[%get3A_806, %get3A_807] {strides = array<i32>} : memref<16x16xf32, #tpu.memory_space<vmem>>, vector<16xf32>,
        %get3A_809 = arith.constant 2 : i32
        %get3A_810 = arith.index_cast %get3A_809 : i32 to index
        %get3A_811 = arith.constant 0 : index
        %get3A_812 = tpu.vector_load %arg28[%get3A_810, %get3A_811] {strides = array<i32>} : memref<16x16xf32, #tpu.memory_space<vmem>>, vector<16xf32>,
        %get3A_813 = arith.constant 3 : i32
        %get3A_814 = arith.index_cast %get3A_813 : i32 to index
        %get3A_815 = arith.constant 0 : index
        %get3A_816 = tpu.vector_load %arg28[%get3A_814, %get3A_815] {strides = array<i32>} : memref<16x16xf32, #tpu.memory_space<vmem>>, vector<16xf32>,
        %get3A_817 = arith.constant 4 : i32
        %get3A_818 = arith.index_cast %get3A_817 : i32 to index
        %get3A_819 = arith.constant 0 : index
        %get3A_820 = tpu.vector_load %arg28[%get3A_818, %get3A_819] {strides = array<i32>} : memref<16x16xf32, #tpu.memory_space<vmem>>, vector<16xf32>,
        %get3A_821 = arith.constant 5 : i32
        %get3A_822 = arith.index_cast %get3A_821 : i32 to index
        %get3A_823 = arith.constant 0 : index
        %get3A_824 = tpu.vector_load %arg28[%get3A_822, %get3A_823] {strides = array<i32>} : memref<16x16xf32, #tpu.memory_space<vmem>>, vector<16xf32>,
        %get3A_825 = arith.constant 6 : i32
        %get3A_826 = arith.index_cast %get3A_825 : i32 to index
        %get3A_827 = arith.constant 0 : index
        %get3A_828 = tpu.vector_load %arg28[%get3A_826, %get3A_827] {strides = array<i32>} : memref<16x16xf32, #tpu.memory_space<vmem>>, vector<16xf32>,
        %get3A_829 = arith.constant 7 : i32
        %get3A_830 = arith.index_cast %get3A_829 : i32 to index
        %get3A_831 = arith.constant 0 : index
        %get3A_832 = tpu.vector_load %arg28[%get3A_830, %get3A_831] {strides = array<i32>} : memref<16x16xf32, #tpu.memory_space<vmem>>, vector<16xf32>,
        %get3A_833 = arith.constant 8 : i32
        %get3A_834 = arith.index_cast %get3A_833 : i32 to index
        %get3A_835 = arith.constant 0 : index
        %get3A_836 = tpu.vector_load %arg28[%get3A_834, %get3A_835] {strides = array<i32>} : memref<16x16xf32, #tpu.memory_space<vmem>>, vector<16xf32>,
        %get3A_837 = arith.constant 9 : i32
        %get3A_838 = arith.index_cast %get3A_837 : i32 to index
        %get3A_839 = arith.constant 0 : index
        %get3A_840 = tpu.vector_load %arg28[%get3A_838, %get3A_839] {strides = array<i32>} : memref<16x16xf32, #tpu.memory_space<vmem>>, vector<16xf32>,
        %get3A_841 = arith.constant 10 : i32
        %get3A_842 = arith.index_cast %get3A_841 : i32 to index
        %get3A_843 = arith.constant 0 : index
        %get3A_844 = tpu.vector_load %arg28[%get3A_842, %get3A_843] {strides = array<i32>} : memref<16x16xf32, #tpu.memory_space<vmem>>, vector<16xf32>,
        %get3A_845 = arith.constant 11 : i32
        %get3A_846 = arith.index_cast %get3A_845 : i32 to index
        %get3A_847 = arith.constant 0 : index
        %get3A_848 = tpu.vector_load %arg28[%get3A_846, %get3A_847] {strides = array<i32>} : memref<16x16xf32, #tpu.memory_space<vmem>>, vector<16xf32>,
        %get3A_849 = arith.constant 12 : i32
        %get3A_850 = arith.index_cast %get3A_849 : i32 to index
        %get3A_851 = arith.constant 0 : index
        %get3A_852 = tpu.vector_load %arg28[%get3A_850, %get3A_851] {strides = array<i32>} : memref<16x16xf32, #tpu.memory_space<vmem>>, vector<16xf32>,
        %get3A_853 = arith.constant 13 : i32
        %get3A_854 = arith.index_cast %get3A_853 : i32 to index
        %get3A_855 = arith.constant 0 : index
        %get3A_856 = tpu.vector_load %arg28[%get3A_854, %get3A_855] {strides = array<i32>} : memref<16x16xf32, #tpu.memory_space<vmem>>, vector<16xf32>,
        %get3A_857 = arith.constant 14 : i32
        %get3A_858 = arith.index_cast %get3A_857 : i32 to index
        %get3A_859 = arith.constant 0 : index
        %get3A_860 = tpu.vector_load %arg28[%get3A_858, %get3A_859] {strides = array<i32>} : memref<16x16xf32, #tpu.memory_space<vmem>>, vector<16xf32>,
        %get3A_861 = arith.constant 15 : i32
        %get3A_862 = arith.index_cast %get3A_861 : i32 to index
        %get3A_863 = arith.constant 0 : index
        %get3A_864 = tpu.vector_load %arg28[%get3A_862, %get3A_863] {strides = array<i32>} : memref<16x16xf32, #tpu.memory_space<vmem>>, vector<16xf32>,
        %add3A_865 = arith.addf %get3A_804, %get3A_808 : vector<16xf32>
        %add3A_866 = arith.addf %get3A_812, %get3A_816 : vector<16xf32>
        %add3A_867 = arith.addf %get3A_820, %get3A_824 : vector<16xf32>
        %add3A_868 = arith.addf %get3A_828, %get3A_832 : vector<16xf32>
        %add3A_869 = arith.addf %get3A_836, %get3A_840 : vector<16xf32>
        %add3A_870 = arith.addf %get3A_844, %get3A_848 : vector<16xf32>
        %add3A_871 = arith.addf %get3A_852, %get3A_856 : vector<16xf32>
        %add3A_872 = arith.addf %get3A_860, %get3A_864 : vector<16xf32>
        %add3A_873 = arith.addf %add3A_865, %add3A_866 : vector<16xf32>
        %add3A_874 = arith.addf %add3A_867, %add3A_868 : vector<16xf32>
        %add3A_875 = arith.addf %add3A_869, %add3A_870 : vector<16xf32>
        %add3A_876 = arith.addf %add3A_871, %add3A_872 : vector<16xf32>
        %add3A_877 = arith.addf %add3A_873, %add3A_874 : vector<16xf32>
        %add3A_878 = arith.addf %add3A_875, %add3A_876 : vector<16xf32>
        %add3A_879 = arith.addf %add3A_877, %add3A_878 : vector<16xf32>
        %swap3A = arith.index_cast %sub3A_800 : i32 to index
        %swap3A_880 = tpu.vector_load %arg31[%swap3A] {strides = array<i32>} : memref<512xf32, #tpu.memory_space<vmem>>, vector<16xf32>,
        tpu.vector_store %arg31[%swap3A], %add3A_879 {strides = array<i32>} : memref<512xf32, #tpu.memory_space<vmem>>, vector<16xf32>,
        %get3A_881 = arith.constant 0 : i32
        %get3A_882 = arith.index_cast %get3A_881 : i32 to index
        %get3A_883 = arith.constant 0 : index
        %get3A_884 = tpu.vector_load %arg29[%get3A_882, %get3A_883] {strides = array<i32>} : memref<16x16xf32, #tpu.memory_space<vmem>>, vector<16xf32>,
        %get3A_885 = arith.constant 1 : i32
        %get3A_886 = arith.index_cast %get3A_885 : i32 to index
        %get3A_887 = arith.constant 0 : index
        %get3A_888 = tpu.vector_load %arg29[%get3A_886, %get3A_887] {strides = array<i32>} : memref<16x16xf32, #tpu.memory_space<vmem>>, vector<16xf32>,
        %get3A_889 = arith.constant 2 : i32
        %get3A_890 = arith.index_cast %get3A_889 : i32 to index
        %get3A_891 = arith.constant 0 : index
        %get3A_892 = tpu.vector_load %arg29[%get3A_890, %get3A_891] {strides = array<i32>} : memref<16x16xf32, #tpu.memory_space<vmem>>, vector<16xf32>,
        %get3A_893 = arith.constant 3 : i32
        %get3A_894 = arith.index_cast %get3A_893 : i32 to index
        %get3A_895 = arith.constant 0 : index
        %get3A_896 = tpu.vector_load %arg29[%get3A_894, %get3A_895] {strides = array<i32>} : memref<16x16xf32, #tpu.memory_space<vmem>>, vector<16xf32>,
        %get3A_897 = arith.constant 4 : i32
        %get3A_898 = arith.index_cast %get3A_897 : i32 to index
        %get3A_899 = arith.constant 0 : index
        %get3A_900 = tpu.vector_load %arg29[%get3A_898, %get3A_899] {strides = array<i32>} : memref<16x16xf32, #tpu.memory_space<vmem>>, vector<16xf32>,
        %get3A_901 = arith.constant 5 : i32
        %get3A_902 = arith.index_cast %get3A_901 : i32 to index
        %get3A_903 = arith.constant 0 : index
        %get3A_904 = tpu.vector_load %arg29[%get3A_902, %get3A_903] {strides = array<i32>} : memref<16x16xf32, #tpu.memory_space<vmem>>, vector<16xf32>,
        %get3A_905 = arith.constant 6 : i32
        %get3A_906 = arith.index_cast %get3A_905 : i32 to index
        %get3A_907 = arith.constant 0 : index
        %get3A_908 = tpu.vector_load %arg29[%get3A_906, %get3A_907] {strides = array<i32>} : memref<16x16xf32, #tpu.memory_space<vmem>>, vector<16xf32>,
        %get3A_909 = arith.constant 7 : i32
        %get3A_910 = arith.index_cast %get3A_909 : i32 to index
        %get3A_911 = arith.constant 0 : index
        %get3A_912 = tpu.vector_load %arg29[%get3A_910, %get3A_911] {strides = array<i32>} : memref<16x16xf32, #tpu.memory_space<vmem>>, vector<16xf32>,
        %get3A_913 = arith.constant 8 : i32
        %get3A_914 = arith.index_cast %get3A_913 : i32 to index
        %get3A_915 = arith.constant 0 : index
        %get3A_916 = tpu.vector_load %arg29[%get3A_914, %get3A_915] {strides = array<i32>} : memref<16x16xf32, #tpu.memory_space<vmem>>, vector<16xf32>,
        %get3A_917 = arith.constant 9 : i32
        %get3A_918 = arith.index_cast %get3A_917 : i32 to index
        %get3A_919 = arith.constant 0 : index
        %get3A_920 = tpu.vector_load %arg29[%get3A_918, %get3A_919] {strides = array<i32>} : memref<16x16xf32, #tpu.memory_space<vmem>>, vector<16xf32>,
        %get3A_921 = arith.constant 10 : i32
        %get3A_922 = arith.index_cast %get3A_921 : i32 to index
        %get3A_923 = arith.constant 0 : index
        %get3A_924 = tpu.vector_load %arg29[%get3A_922, %get3A_923] {strides = array<i32>} : memref<16x16xf32, #tpu.memory_space<vmem>>, vector<16xf32>,
        %get3A_925 = arith.constant 11 : i32
        %get3A_926 = arith.index_cast %get3A_925 : i32 to index
        %get3A_927 = arith.constant 0 : index
        %get3A_928 = tpu.vector_load %arg29[%get3A_926, %get3A_927] {strides = array<i32>} : memref<16x16xf32, #tpu.memory_space<vmem>>, vector<16xf32>,
        %get3A_929 = arith.constant 12 : i32
        %get3A_930 = arith.index_cast %get3A_929 : i32 to index
        %get3A_931 = arith.constant 0 : index
        %get3A_932 = tpu.vector_load %arg29[%get3A_930, %get3A_931] {strides = array<i32>} : memref<16x16xf32, #tpu.memory_space<vmem>>, vector<16xf32>,
        %get3A_933 = arith.constant 13 : i32
        %get3A_934 = arith.index_cast %get3A_933 : i32 to index
        %get3A_935 = arith.constant 0 : index
        %get3A_936 = tpu.vector_load %arg29[%get3A_934, %get3A_935] {strides = array<i32>} : memref<16x16xf32, #tpu.memory_space<vmem>>, vector<16xf32>,
        %get3A_937 = arith.constant 14 : i32
        %get3A_938 = arith.index_cast %get3A_937 : i32 to index
        %get3A_939 = arith.constant 0 : index
        %get3A_940 = tpu.vector_load %arg29[%get3A_938, %get3A_939] {strides = array<i32>} : memref<16x16xf32, #tpu.memory_space<vmem>>, vector<16xf32>,
        %get3A_941 = arith.constant 15 : i32
        %get3A_942 = arith.index_cast %get3A_941 : i32 to index
        %get3A_943 = arith.constant 0 : index
        %get3A_944 = tpu.vector_load %arg29[%get3A_942, %get3A_943] {strides = array<i32>} : memref<16x16xf32, #tpu.memory_space<vmem>>, vector<16xf32>,
        %add3A_945 = arith.addf %get3A_884, %get3A_888 : vector<16xf32>
        %add3A_946 = arith.addf %get3A_892, %get3A_896 : vector<16xf32>
        %add3A_947 = arith.addf %get3A_900, %get3A_904 : vector<16xf32>
        %add3A_948 = arith.addf %get3A_908, %get3A_912 : vector<16xf32>
        %add3A_949 = arith.addf %get3A_916, %get3A_920 : vector<16xf32>
        %add3A_950 = arith.addf %get3A_924, %get3A_928 : vector<16xf32>
        %add3A_951 = arith.addf %get3A_932, %get3A_936 : vector<16xf32>
        %add3A_952 = arith.addf %get3A_940, %get3A_944 : vector<16xf32>
        %add3A_953 = arith.addf %add3A_945, %add3A_946 : vector<16xf32>
        %add3A_954 = arith.addf %add3A_947, %add3A_948 : vector<16xf32>
        %add3A_955 = arith.addf %add3A_949, %add3A_950 : vector<16xf32>
        %add3A_956 = arith.addf %add3A_951, %add3A_952 : vector<16xf32>
        %add3A_957 = arith.addf %add3A_953, %add3A_954 : vector<16xf32>
        %add3A_958 = arith.addf %add3A_955, %add3A_956 : vector<16xf32>
        %add3A_959 = arith.addf %add3A_957, %add3A_958 : vector<16xf32>
        %swap3A_960 = arith.index_cast %sub3A_800 : i32 to index
        %swap3A_961 = tpu.vector_load %arg32[%swap3A_960] {strides = array<i32>} : memref<512xf32, #tpu.memory_space<vmem>>, vector<16xf32>,
        tpu.vector_store %arg32[%swap3A_960], %add3A_959 {strides = array<i32>} : memref<512xf32, #tpu.memory_space<vmem>>, vector<16xf32>,
        %get3A_962 = arith.constant 0 : i32
        %get3A_963 = arith.index_cast %get3A_962 : i32 to index
        %get3A_964 = arith.constant 0 : index
        %get3A_965 = tpu.vector_load %arg30[%get3A_963, %get3A_964] {strides = array<i32>} : memref<16x16xf32, #tpu.memory_space<vmem>>, vector<16xf32>,
        %get3A_966 = arith.constant 1 : i32
        %get3A_967 = arith.index_cast %get3A_966 : i32 to index
        %get3A_968 = arith.constant 0 : index
        %get3A_969 = tpu.vector_load %arg30[%get3A_967, %get3A_968] {strides = array<i32>} : memref<16x16xf32, #tpu.memory_space<vmem>>, vector<16xf32>,
        %get3A_970 = arith.constant 2 : i32
        %get3A_971 = arith.index_cast %get3A_970 : i32 to index
        %get3A_972 = arith.constant 0 : index
        %get3A_973 = tpu.vector_load %arg30[%get3A_971, %get3A_972] {strides = array<i32>} : memref<16x16xf32, #tpu.memory_space<vmem>>, vector<16xf32>,
        %get3A_974 = arith.constant 3 : i32
        %get3A_975 = arith.index_cast %get3A_974 : i32 to index
        %get3A_976 = arith.constant 0 : index
        %get3A_977 = tpu.vector_load %arg30[%get3A_975, %get3A_976] {strides = array<i32>} : memref<16x16xf32, #tpu.memory_space<vmem>>, vector<16xf32>,
        %get3A_978 = arith.constant 4 : i32
        %get3A_979 = arith.index_cast %get3A_978 : i32 to index
        %get3A_980 = arith.constant 0 : index
        %get3A_981 = tpu.vector_load %arg30[%get3A_979, %get3A_980] {strides = array<i32>} : memref<16x16xf32, #tpu.memory_space<vmem>>, vector<16xf32>,
        %get3A_982 = arith.constant 5 : i32
        %get3A_983 = arith.index_cast %get3A_982 : i32 to index
        %get3A_984 = arith.constant 0 : index
        %get3A_985 = tpu.vector_load %arg30[%get3A_983, %get3A_984] {strides = array<i32>} : memref<16x16xf32, #tpu.memory_space<vmem>>, vector<16xf32>,
        %get3A_986 = arith.constant 6 : i32
        %get3A_987 = arith.index_cast %get3A_986 : i32 to index
        %get3A_988 = arith.constant 0 : index
        %get3A_989 = tpu.vector_load %arg30[%get3A_987, %get3A_988] {strides = array<i32>} : memref<16x16xf32, #tpu.memory_space<vmem>>, vector<16xf32>,
        %get3A_990 = arith.constant 7 : i32
        %get3A_991 = arith.index_cast %get3A_990 : i32 to index
        %get3A_992 = arith.constant 0 : index
        %get3A_993 = tpu.vector_load %arg30[%get3A_991, %get3A_992] {strides = array<i32>} : memref<16x16xf32, #tpu.memory_space<vmem>>, vector<16xf32>,
        %get3A_994 = arith.constant 8 : i32
        %get3A_995 = arith.index_cast %get3A_994 : i32 to index
        %get3A_996 = arith.constant 0 : index
        %get3A_997 = tpu.vector_load %arg30[%get3A_995, %get3A_996] {strides = array<i32>} : memref<16x16xf32, #tpu.memory_space<vmem>>, vector<16xf32>,
        %get3A_998 = arith.constant 9 : i32
        %get3A_999 = arith.index_cast %get3A_998 : i32 to index
        %get3A_1000 = arith.constant 0 : index
        %get3A_1001 = tpu.vector_load %arg30[%get3A_999, %get3A_1000] {strides = array<i32>} : memref<16x16xf32, #tpu.memory_space<vmem>>, vector<16xf32>,
        %get3A_1002 = arith.constant 10 : i32
        %get3A_1003 = arith.index_cast %get3A_1002 : i32 to index
        %get3A_1004 = arith.constant 0 : index
        %get3A_1005 = tpu.vector_load %arg30[%get3A_1003, %get3A_1004] {strides = array<i32>} : memref<16x16xf32, #tpu.memory_space<vmem>>, vector<16xf32>,
        %get3A_1006 = arith.constant 11 : i32
        %get3A_1007 = arith.index_cast %get3A_1006 : i32 to index
        %get3A_1008 = arith.constant 0 : index
        %get3A_1009 = tpu.vector_load %arg30[%get3A_1007, %get3A_1008] {strides = array<i32>} : memref<16x16xf32, #tpu.memory_space<vmem>>, vector<16xf32>,
        %get3A_1010 = arith.constant 12 : i32
        %get3A_1011 = arith.index_cast %get3A_1010 : i32 to index
        %get3A_1012 = arith.constant 0 : index
        %get3A_1013 = tpu.vector_load %arg30[%get3A_1011, %get3A_1012] {strides = array<i32>} : memref<16x16xf32, #tpu.memory_space<vmem>>, vector<16xf32>,
        %get3A_1014 = arith.constant 13 : i32
        %get3A_1015 = arith.index_cast %get3A_1014 : i32 to index
        %get3A_1016 = arith.constant 0 : index
        %get3A_1017 = tpu.vector_load %arg30[%get3A_1015, %get3A_1016] {strides = array<i32>} : memref<16x16xf32, #tpu.memory_space<vmem>>, vector<16xf32>,
        %get3A_1018 = arith.constant 14 : i32
        %get3A_1019 = arith.index_cast %get3A_1018 : i32 to index
        %get3A_1020 = arith.constant 0 : index
        %get3A_1021 = tpu.vector_load %arg30[%get3A_1019, %get3A_1020] {strides = array<i32>} : memref<16x16xf32, #tpu.memory_space<vmem>>, vector<16xf32>,
        %get3A_1022 = arith.constant 15 : i32
        %get3A_1023 = arith.index_cast %get3A_1022 : i32 to index
        %get3A_1024 = arith.constant 0 : index
        %get3A_1025 = tpu.vector_load %arg30[%get3A_1023, %get3A_1024] {strides = array<i32>} : memref<16x16xf32, #tpu.memory_space<vmem>>, vector<16xf32>,
        %add3A_1026 = arith.addf %get3A_965, %get3A_969 : vector<16xf32>
        %add3A_1027 = arith.addf %get3A_973, %get3A_977 : vector<16xf32>
        %add3A_1028 = arith.addf %get3A_981, %get3A_985 : vector<16xf32>
        %add3A_1029 = arith.addf %get3A_989, %get3A_993 : vector<16xf32>
        %add3A_1030 = arith.addf %get3A_997, %get3A_1001 : vector<16xf32>
        %add3A_1031 = arith.addf %get3A_1005, %get3A_1009 : vector<16xf32>
        %add3A_1032 = arith.addf %get3A_1013, %get3A_1017 : vector<16xf32>
        %add3A_1033 = arith.addf %get3A_1021, %get3A_1025 : vector<16xf32>
        %add3A_1034 = arith.addf %add3A_1026, %add3A_1027 : vector<16xf32>
        %add3A_1035 = arith.addf %add3A_1028, %add3A_1029 : vector<16xf32>
        %add3A_1036 = arith.addf %add3A_1030, %add3A_1031 : vector<16xf32>
        %add3A_1037 = arith.addf %add3A_1032, %add3A_1033 : vector<16xf32>
        %add3A_1038 = arith.addf %add3A_1034, %add3A_1035 : vector<16xf32>
        %add3A_1039 = arith.addf %add3A_1036, %add3A_1037 : vector<16xf32>
        %add3A_1040 = arith.addf %add3A_1038, %add3A_1039 : vector<16xf32>
        %swap3A_1041 = arith.index_cast %sub3A_800 : i32 to index
        %swap3A_1042 = tpu.vector_load %arg33[%swap3A_1041] {strides = array<i32>} : memref<512xf32, #tpu.memory_space<vmem>>, vector<16xf32>,
        tpu.vector_store %arg33[%swap3A_1041], %add3A_1040 {strides = array<i32>} : memref<512xf32, #tpu.memory_space<vmem>>, vector<16xf32>,
      } else {
      }
      %scan3A_635 = arith.constant 0 : i32
      %scan3A_636 = arith.constant 1 : i32
      %scan3A_637 = arith.addi %scan3A_482, %scan3A_636 : i32
      %broadcast_in_dim3A_638 = arith.constant 0.000000e+00 : f32
      %broadcast_in_dim3A_639 = vector.broadcast %broadcast_in_dim3A_638 : f32 to vector<16xf32>
      %broadcast_in_dim3A_640 = arith.constant 0.000000e+00 : f32
      %broadcast_in_dim3A_641 = vector.broadcast %broadcast_in_dim3A_640 : f32 to vector<16xf32>
      %broadcast_in_dim3A_642 = arith.constant 0.000000e+00 : f32
      %broadcast_in_dim3A_643 = vector.broadcast %broadcast_in_dim3A_642 : f32 to vector<16xf32>
      %get3A_644 = arith.index_cast %scan3A_637 : i32 to index
      %get3A_645 = arith.constant 0 : index
      %get3A_646 = tpu.vector_load %arg21[%get3A_644, %get3A_645] {strides = array<i32>} : memref<128x64xf32, #tpu.memory_space<vmem>>, vector<16xf32>,
      %get3A_647 = arith.index_cast %scan3A_637 : i32 to index
      %get3A_648 = arith.constant 0 : index
      %get3A_649 = tpu.vector_load %arg22[%get3A_647, %get3A_648] {strides = array<i32>} : memref<128x64xf32, #tpu.memory_space<vmem>>, vector<16xf32>,
      %get3A_650 = arith.index_cast %scan3A_637 : i32 to index
      %get3A_651 = arith.constant 0 : index
      %get3A_652 = tpu.vector_load %arg23[%get3A_650, %get3A_651] {strides = array<i32>} : memref<128x64xf32, #tpu.memory_space<vmem>>, vector<16xf32>,
      %sub3A_653 = arith.subf %get3A_649, %get3A_652 : vector<16xf32>
      %mul3A_654 = arith.mulf %get3A_646, %sub3A_653 : vector<16xf32>
      %add3A_655 = arith.addf %broadcast_in_dim3A_639, %mul3A_654 : vector<16xf32>
      %get3A_656 = arith.index_cast %scan3A_637 : i32 to index
      %get3A_657 = arith.constant 0 : index
      %get3A_658 = tpu.vector_load %arg24[%get3A_656, %get3A_657] {strides = array<i32>} : memref<128x64xf32, #tpu.memory_space<vmem>>, vector<16xf32>,
      %sub3A_659 = arith.subf %get3A_649, %get3A_658 : vector<16xf32>
      %get3A_660 = arith.index_cast %scan3A_637 : i32 to index
      %get3A_661 = arith.constant 0 : index
      %get3A_662 = tpu.vector_load %arg25[%get3A_660, %get3A_661] {strides = array<i32>} : memref<128x64xf32, #tpu.memory_space<vmem>>, vector<16xf32>,
      %sub3A_663 = arith.subf %get3A_649, %get3A_662 : vector<16xf32>
      %mul3A_664 = arith.mulf %sub3A_659, %sub3A_659 : vector<16xf32>
      %mul3A_665 = arith.mulf %sub3A_663, %sub3A_663 : vector<16xf32>
      %sub3A_666 = arith.subf %mul3A_664, %mul3A_665 : vector<16xf32>
      %add3A_667 = arith.addf %broadcast_in_dim3A_641, %sub3A_666 : vector<16xf32>
      %get3A_668 = arith.index_cast %scan3A_637 : i32 to index
      %get3A_669 = arith.constant 0 : index
      %get3A_670 = tpu.vector_load %arg26[%get3A_668, %get3A_669] {strides = array<i32>} : memref<128x64xf32, #tpu.memory_space<vmem>>, vector<16xf32>,
      %sub3A_671 = arith.subf %get3A_646, %get3A_670 : vector<16xf32>
      %get3A_672 = arith.index_cast %scan3A_637 : i32 to index
      %get3A_673 = arith.constant 0 : index
      %get3A_674 = tpu.vector_load %arg27[%get3A_672, %get3A_673] {strides = array<i32>} : memref<128x64xf32, #tpu.memory_space<vmem>>, vector<16xf32>,
      %sub3A_675 = arith.subf %get3A_646, %get3A_674 : vector<16xf32>
      %mul3A_676 = arith.mulf %sub3A_671, %sub3A_671 : vector<16xf32>
      %mul3A_677 = arith.mulf %sub3A_675, %sub3A_675 : vector<16xf32>
      %sub3A_678 = arith.subf %mul3A_676, %mul3A_677 : vector<16xf32>
      %add3A_679 = arith.addf %broadcast_in_dim3A_643, %sub3A_678 : vector<16xf32>
      %get3A_680 = arith.index_cast %scan3A_637 : i32 to index
      %get3A_681 = arith.constant 16 : index
      %get3A_682 = tpu.vector_load %arg21[%get3A_680, %get3A_681] {strides = array<i32>} : memref<128x64xf32, #tpu.memory_space<vmem>>, vector<16xf32>,
      %get3A_683 = arith.index_cast %scan3A_637 : i32 to index
      %get3A_684 = arith.constant 16 : index
      %get3A_685 = tpu.vector_load %arg22[%get3A_683, %get3A_684] {strides = array<i32>} : memref<128x64xf32, #tpu.memory_space<vmem>>, vector<16xf32>,
      %get3A_686 = arith.index_cast %scan3A_637 : i32 to index
      %get3A_687 = arith.constant 16 : index
      %get3A_688 = tpu.vector_load %arg23[%get3A_686, %get3A_687] {strides = array<i32>} : memref<128x64xf32, #tpu.memory_space<vmem>>, vector<16xf32>,
      %sub3A_689 = arith.subf %get3A_685, %get3A_688 : vector<16xf32>
      %mul3A_690 = arith.mulf %get3A_682, %sub3A_689 : vector<16xf32>
      %add3A_691 = arith.addf %add3A_655, %mul3A_690 : vector<16xf32>
      %get3A_692 = arith.index_cast %scan3A_637 : i32 to index
      %get3A_693 = arith.constant 16 : index
      %get3A_694 = tpu.vector_load %arg24[%get3A_692, %get3A_693] {strides = array<i32>} : memref<128x64xf32, #tpu.memory_space<vmem>>, vector<16xf32>,
      %sub3A_695 = arith.subf %get3A_685, %get3A_694 : vector<16xf32>
      %get3A_696 = arith.index_cast %scan3A_637 : i32 to index
      %get3A_697 = arith.constant 16 : index
      %get3A_698 = tpu.vector_load %arg25[%get3A_696, %get3A_697] {strides = array<i32>} : memref<128x64xf32, #tpu.memory_space<vmem>>, vector<16xf32>,
      %sub3A_699 = arith.subf %get3A_685, %get3A_698 : vector<16xf32>
      %mul3A_700 = arith.mulf %sub3A_695, %sub3A_695 : vector<16xf32>
      %mul3A_701 = arith.mulf %sub3A_699, %sub3A_699 : vector<16xf32>
      %sub3A_702 = arith.subf %mul3A_700, %mul3A_701 : vector<16xf32>
      %add3A_703 = arith.addf %add3A_667, %sub3A_702 : vector<16xf32>
      %get3A_704 = arith.index_cast %scan3A_637 : i32 to index
      %get3A_705 = arith.constant 16 : index
      %get3A_706 = tpu.vector_load %arg26[%get3A_704, %get3A_705] {strides = array<i32>} : memref<128x64xf32, #tpu.memory_space<vmem>>, vector<16xf32>,
      %sub3A_707 = arith.subf %get3A_682, %get3A_706 : vector<16xf32>
      %get3A_708 = arith.index_cast %scan3A_637 : i32 to index
      %get3A_709 = arith.constant 16 : index
      %get3A_710 = tpu.vector_load %arg27[%get3A_708, %get3A_709] {strides = array<i32>} : memref<128x64xf32, #tpu.memory_space<vmem>>, vector<16xf32>,
      %sub3A_711 = arith.subf %get3A_682, %get3A_710 : vector<16xf32>
      %mul3A_712 = arith.mulf %sub3A_707, %sub3A_707 : vector<16xf32>
      %mul3A_713 = arith.mulf %sub3A_711, %sub3A_711 : vector<16xf32>
      %sub3A_714 = arith.subf %mul3A_712, %mul3A_713 : vector<16xf32>
      %add3A_715 = arith.addf %add3A_679, %sub3A_714 : vector<16xf32>
      %get3A_716 = arith.index_cast %scan3A_637 : i32 to index
      %get3A_717 = arith.constant 32 : index
      %get3A_718 = tpu.vector_load %arg21[%get3A_716, %get3A_717] {strides = array<i32>} : memref<128x64xf32, #tpu.memory_space<vmem>>, vector<16xf32>,
      %get3A_719 = arith.index_cast %scan3A_637 : i32 to index
      %get3A_720 = arith.constant 32 : index
      %get3A_721 = tpu.vector_load %arg22[%get3A_719, %get3A_720] {strides = array<i32>} : memref<128x64xf32, #tpu.memory_space<vmem>>, vector<16xf32>,
      %get3A_722 = arith.index_cast %scan3A_637 : i32 to index
      %get3A_723 = arith.constant 32 : index
      %get3A_724 = tpu.vector_load %arg23[%get3A_722, %get3A_723] {strides = array<i32>} : memref<128x64xf32, #tpu.memory_space<vmem>>, vector<16xf32>,
      %sub3A_725 = arith.subf %get3A_721, %get3A_724 : vector<16xf32>
      %mul3A_726 = arith.mulf %get3A_718, %sub3A_725 : vector<16xf32>
      %add3A_727 = arith.addf %add3A_691, %mul3A_726 : vector<16xf32>
      %get3A_728 = arith.index_cast %scan3A_637 : i32 to index
      %get3A_729 = arith.constant 32 : index
      %get3A_730 = tpu.vector_load %arg24[%get3A_728, %get3A_729] {strides = array<i32>} : memref<128x64xf32, #tpu.memory_space<vmem>>, vector<16xf32>,
      %sub3A_731 = arith.subf %get3A_721, %get3A_730 : vector<16xf32>
      %get3A_732 = arith.index_cast %scan3A_637 : i32 to index
      %get3A_733 = arith.constant 32 : index
      %get3A_734 = tpu.vector_load %arg25[%get3A_732, %get3A_733] {strides = array<i32>} : memref<128x64xf32, #tpu.memory_space<vmem>>, vector<16xf32>,
      %sub3A_735 = arith.subf %get3A_721, %get3A_734 : vector<16xf32>
      %mul3A_736 = arith.mulf %sub3A_731, %sub3A_731 : vector<16xf32>
      %mul3A_737 = arith.mulf %sub3A_735, %sub3A_735 : vector<16xf32>
      %sub3A_738 = arith.subf %mul3A_736, %mul3A_737 : vector<16xf32>
      %add3A_739 = arith.addf %add3A_703, %sub3A_738 : vector<16xf32>
      %get3A_740 = arith.index_cast %scan3A_637 : i32 to index
      %get3A_741 = arith.constant 32 : index
      %get3A_742 = tpu.vector_load %arg26[%get3A_740, %get3A_741] {strides = array<i32>} : memref<128x64xf32, #tpu.memory_space<vmem>>, vector<16xf32>,
      %sub3A_743 = arith.subf %get3A_718, %get3A_742 : vector<16xf32>
      %get3A_744 = arith.index_cast %scan3A_637 : i32 to index
      %get3A_745 = arith.constant 32 : index
      %get3A_746 = tpu.vector_load %arg27[%get3A_744, %get3A_745] {strides = array<i32>} : memref<128x64xf32, #tpu.memory_space<vmem>>, vector<16xf32>,
      %sub3A_747 = arith.subf %get3A_718, %get3A_746 : vector<16xf32>
      %mul3A_748 = arith.mulf %sub3A_743, %sub3A_743 : vector<16xf32>
      %mul3A_749 = arith.mulf %sub3A_747, %sub3A_747 : vector<16xf32>
      %sub3A_750 = arith.subf %mul3A_748, %mul3A_749 : vector<16xf32>
      %add3A_751 = arith.addf %add3A_715, %sub3A_750 : vector<16xf32>
      %get3A_752 = arith.index_cast %scan3A_637 : i32 to index
      %get3A_753 = arith.constant 48 : index
      %get3A_754 = tpu.vector_load %arg21[%get3A_752, %get3A_753] {strides = array<i32>} : memref<128x64xf32, #tpu.memory_space<vmem>>, vector<16xf32>,
      %get3A_755 = arith.index_cast %scan3A_637 : i32 to index
      %get3A_756 = arith.constant 48 : index
      %get3A_757 = tpu.vector_load %arg22[%get3A_755, %get3A_756] {strides = array<i32>} : memref<128x64xf32, #tpu.memory_space<vmem>>, vector<16xf32>,
      %get3A_758 = arith.index_cast %scan3A_637 : i32 to index
      %get3A_759 = arith.constant 48 : index
      %get3A_760 = tpu.vector_load %arg23[%get3A_758, %get3A_759] {strides = array<i32>} : memref<128x64xf32, #tpu.memory_space<vmem>>, vector<16xf32>,
      %sub3A_761 = arith.subf %get3A_757, %get3A_760 : vector<16xf32>
      %mul3A_762 = arith.mulf %get3A_754, %sub3A_761 : vector<16xf32>
      %add3A_763 = arith.addf %add3A_727, %mul3A_762 : vector<16xf32>
      %get3A_764 = arith.index_cast %scan3A_637 : i32 to index
      %get3A_765 = arith.constant 48 : index
      %get3A_766 = tpu.vector_load %arg24[%get3A_764, %get3A_765] {strides = array<i32>} : memref<128x64xf32, #tpu.memory_space<vmem>>, vector<16xf32>,
      %sub3A_767 = arith.subf %get3A_757, %get3A_766 : vector<16xf32>
      %get3A_768 = arith.index_cast %scan3A_637 : i32 to index
      %get3A_769 = arith.constant 48 : index
      %get3A_770 = tpu.vector_load %arg25[%get3A_768, %get3A_769] {strides = array<i32>} : memref<128x64xf32, #tpu.memory_space<vmem>>, vector<16xf32>,
      %sub3A_771 = arith.subf %get3A_757, %get3A_770 : vector<16xf32>
      %mul3A_772 = arith.mulf %sub3A_767, %sub3A_767 : vector<16xf32>
      %mul3A_773 = arith.mulf %sub3A_771, %sub3A_771 : vector<16xf32>
      %sub3A_774 = arith.subf %mul3A_772, %mul3A_773 : vector<16xf32>
      %add3A_775 = arith.addf %add3A_739, %sub3A_774 : vector<16xf32>
      %get3A_776 = arith.index_cast %scan3A_637 : i32 to index
      %get3A_777 = arith.constant 48 : index
      %get3A_778 = tpu.vector_load %arg26[%get3A_776, %get3A_777] {strides = array<i32>} : memref<128x64xf32, #tpu.memory_space<vmem>>, vector<16xf32>,
      %sub3A_779 = arith.subf %get3A_754, %get3A_778 : vector<16xf32>
      %get3A_780 = arith.index_cast %scan3A_637 : i32 to index
      %get3A_781 = arith.constant 48 : index
      %get3A_782 = tpu.vector_load %arg27[%get3A_780, %get3A_781] {strides = array<i32>} : memref<128x64xf32, #tpu.memory_space<vmem>>, vector<16xf32>,
      %sub3A_783 = arith.subf %get3A_754, %get3A_782 : vector<16xf32>
      %mul3A_784 = arith.mulf %sub3A_779, %sub3A_779 : vector<16xf32>
      %mul3A_785 = arith.mulf %sub3A_783, %sub3A_783 : vector<16xf32>
      %sub3A_786 = arith.subf %mul3A_784, %mul3A_785 : vector<16xf32>
      %add3A_787 = arith.addf %add3A_751, %sub3A_786 : vector<16xf32>
      %and3A_788 = arith.constant 15 : i32
      %and3A_789 = arith.andi %scan3A_637, %and3A_788 : i32
      %broadcast_in_dim3A_790 = vector.broadcast %and3A_789 : i32 to vector<16xi32>
      tpu.vector_store_idx %arg28[%iota3A, %broadcast_in_dim3A_790], %add3A_763 : memref<16x16xf32, #tpu.memory_space<vmem>>[vector<16xi32>, vector<16xi32>], vector<16xf32>,
      tpu.vector_store_idx %arg29[%iota3A, %broadcast_in_dim3A_790], %add3A_775 : memref<16x16xf32, #tpu.memory_space<vmem>>[vector<16xi32>, vector<16xi32>], vector<16xf32>,
      tpu.vector_store_idx %arg30[%iota3A, %broadcast_in_dim3A_790], %add3A_787 : memref<16x16xf32, #tpu.memory_space<vmem>>[vector<16xi32>, vector<16xi32>], vector<16xf32>,
      %eq3A_791 = arith.constant 15 : i32
      %eq3A_792 = arith.cmpi eq, %and3A_789, %eq3A_791 : i32
      %convert_element_type3A_793 = arith.extui %eq3A_792 : i1 to i32
      %cond3A_794 = arith.constant 0 : i32
      %cond3A_795 = arith.cmpi ne, %convert_element_type3A_793, %cond3A_794 : i32
      scf.if %cond3A_795 {
        %add3A_797 = arith.constant 128 : i32
        %add3A_798 = arith.addi %add3A_797, %scan3A_637 : i32
        %sub3A_799 = arith.constant 15 : i32
        %sub3A_800 = arith.subi %add3A_798, %sub3A_799 : i32
        %get3A_801 = arith.constant 0 : i32
        %get3A_802 = arith.index_cast %get3A_801 : i32 to index
        %get3A_803 = arith.constant 0 : index
        %get3A_804 = tpu.vector_load %arg28[%get3A_802, %get3A_803] {strides = array<i32>} : memref<16x16xf32, #tpu.memory_space<vmem>>, vector<16xf32>,
        %get3A_805 = arith.constant 1 : i32
        %get3A_806 = arith.index_cast %get3A_805 : i32 to index
        %get3A_807 = arith.constant 0 : index
        %get3A_808 = tpu.vector_load %arg28[%get3A_806, %get3A_807] {strides = array<i32>} : memref<16x16xf32, #tpu.memory_space<vmem>>, vector<16xf32>,
        %get3A_809 = arith.constant 2 : i32
        %get3A_810 = arith.index_cast %get3A_809 : i32 to index
        %get3A_811 = arith.constant 0 : index
        %get3A_812 = tpu.vector_load %arg28[%get3A_810, %get3A_811] {strides = array<i32>} : memref<16x16xf32, #tpu.memory_space<vmem>>, vector<16xf32>,
        %get3A_813 = arith.constant 3 : i32
        %get3A_814 = arith.index_cast %get3A_813 : i32 to index
        %get3A_815 = arith.constant 0 : index
        %get3A_816 = tpu.vector_load %arg28[%get3A_814, %get3A_815] {strides = array<i32>} : memref<16x16xf32, #tpu.memory_space<vmem>>, vector<16xf32>,
        %get3A_817 = arith.constant 4 : i32
        %get3A_818 = arith.index_cast %get3A_817 : i32 to index
        %get3A_819 = arith.constant 0 : index
        %get3A_820 = tpu.vector_load %arg28[%get3A_818, %get3A_819] {strides = array<i32>} : memref<16x16xf32, #tpu.memory_space<vmem>>, vector<16xf32>,
        %get3A_821 = arith.constant 5 : i32
        %get3A_822 = arith.index_cast %get3A_821 : i32 to index
        %get3A_823 = arith.constant 0 : index
        %get3A_824 = tpu.vector_load %arg28[%get3A_822, %get3A_823] {strides = array<i32>} : memref<16x16xf32, #tpu.memory_space<vmem>>, vector<16xf32>,
        %get3A_825 = arith.constant 6 : i32
        %get3A_826 = arith.index_cast %get3A_825 : i32 to index
        %get3A_827 = arith.constant 0 : index
        %get3A_828 = tpu.vector_load %arg28[%get3A_826, %get3A_827] {strides = array<i32>} : memref<16x16xf32, #tpu.memory_space<vmem>>, vector<16xf32>,
        %get3A_829 = arith.constant 7 : i32
        %get3A_830 = arith.index_cast %get3A_829 : i32 to index
        %get3A_831 = arith.constant 0 : index
        %get3A_832 = tpu.vector_load %arg28[%get3A_830, %get3A_831] {strides = array<i32>} : memref<16x16xf32, #tpu.memory_space<vmem>>, vector<16xf32>,
        %get3A_833 = arith.constant 8 : i32
        %get3A_834 = arith.index_cast %get3A_833 : i32 to index
        %get3A_835 = arith.constant 0 : index
        %get3A_836 = tpu.vector_load %arg28[%get3A_834, %get3A_835] {strides = array<i32>} : memref<16x16xf32, #tpu.memory_space<vmem>>, vector<16xf32>,
        %get3A_837 = arith.constant 9 : i32
        %get3A_838 = arith.index_cast %get3A_837 : i32 to index
        %get3A_839 = arith.constant 0 : index
        %get3A_840 = tpu.vector_load %arg28[%get3A_838, %get3A_839] {strides = array<i32>} : memref<16x16xf32, #tpu.memory_space<vmem>>, vector<16xf32>,
        %get3A_841 = arith.constant 10 : i32
        %get3A_842 = arith.index_cast %get3A_841 : i32 to index
        %get3A_843 = arith.constant 0 : index
        %get3A_844 = tpu.vector_load %arg28[%get3A_842, %get3A_843] {strides = array<i32>} : memref<16x16xf32, #tpu.memory_space<vmem>>, vector<16xf32>,
        %get3A_845 = arith.constant 11 : i32
        %get3A_846 = arith.index_cast %get3A_845 : i32 to index
        %get3A_847 = arith.constant 0 : index
        %get3A_848 = tpu.vector_load %arg28[%get3A_846, %get3A_847] {strides = array<i32>} : memref<16x16xf32, #tpu.memory_space<vmem>>, vector<16xf32>,
        %get3A_849 = arith.constant 12 : i32
        %get3A_850 = arith.index_cast %get3A_849 : i32 to index
        %get3A_851 = arith.constant 0 : index
        %get3A_852 = tpu.vector_load %arg28[%get3A_850, %get3A_851] {strides = array<i32>} : memref<16x16xf32, #tpu.memory_space<vmem>>, vector<16xf32>,
        %get3A_853 = arith.constant 13 : i32
        %get3A_854 = arith.index_cast %get3A_853 : i32 to index
        %get3A_855 = arith.constant 0 : index
        %get3A_856 = tpu.vector_load %arg28[%get3A_854, %get3A_855] {strides = array<i32>} : memref<16x16xf32, #tpu.memory_space<vmem>>, vector<16xf32>,
        %get3A_857 = arith.constant 14 : i32
        %get3A_858 = arith.index_cast %get3A_857 : i32 to index
        %get3A_859 = arith.constant 0 : index
        %get3A_860 = tpu.vector_load %arg28[%get3A_858, %get3A_859] {strides = array<i32>} : memref<16x16xf32, #tpu.memory_space<vmem>>, vector<16xf32>,
        %get3A_861 = arith.constant 15 : i32
        %get3A_862 = arith.index_cast %get3A_861 : i32 to index
        %get3A_863 = arith.constant 0 : index
        %get3A_864 = tpu.vector_load %arg28[%get3A_862, %get3A_863] {strides = array<i32>} : memref<16x16xf32, #tpu.memory_space<vmem>>, vector<16xf32>,
        %add3A_865 = arith.addf %get3A_804, %get3A_808 : vector<16xf32>
        %add3A_866 = arith.addf %get3A_812, %get3A_816 : vector<16xf32>
        %add3A_867 = arith.addf %get3A_820, %get3A_824 : vector<16xf32>
        %add3A_868 = arith.addf %get3A_828, %get3A_832 : vector<16xf32>
        %add3A_869 = arith.addf %get3A_836, %get3A_840 : vector<16xf32>
        %add3A_870 = arith.addf %get3A_844, %get3A_848 : vector<16xf32>
        %add3A_871 = arith.addf %get3A_852, %get3A_856 : vector<16xf32>
        %add3A_872 = arith.addf %get3A_860, %get3A_864 : vector<16xf32>
        %add3A_873 = arith.addf %add3A_865, %add3A_866 : vector<16xf32>
        %add3A_874 = arith.addf %add3A_867, %add3A_868 : vector<16xf32>
        %add3A_875 = arith.addf %add3A_869, %add3A_870 : vector<16xf32>
        %add3A_876 = arith.addf %add3A_871, %add3A_872 : vector<16xf32>
        %add3A_877 = arith.addf %add3A_873, %add3A_874 : vector<16xf32>
        %add3A_878 = arith.addf %add3A_875, %add3A_876 : vector<16xf32>
        %add3A_879 = arith.addf %add3A_877, %add3A_878 : vector<16xf32>
        %swap3A = arith.index_cast %sub3A_800 : i32 to index
        %swap3A_880 = tpu.vector_load %arg31[%swap3A] {strides = array<i32>} : memref<512xf32, #tpu.memory_space<vmem>>, vector<16xf32>,
        tpu.vector_store %arg31[%swap3A], %add3A_879 {strides = array<i32>} : memref<512xf32, #tpu.memory_space<vmem>>, vector<16xf32>,
        %get3A_881 = arith.constant 0 : i32
        %get3A_882 = arith.index_cast %get3A_881 : i32 to index
        %get3A_883 = arith.constant 0 : index
        %get3A_884 = tpu.vector_load %arg29[%get3A_882, %get3A_883] {strides = array<i32>} : memref<16x16xf32, #tpu.memory_space<vmem>>, vector<16xf32>,
        %get3A_885 = arith.constant 1 : i32
        %get3A_886 = arith.index_cast %get3A_885 : i32 to index
        %get3A_887 = arith.constant 0 : index
        %get3A_888 = tpu.vector_load %arg29[%get3A_886, %get3A_887] {strides = array<i32>} : memref<16x16xf32, #tpu.memory_space<vmem>>, vector<16xf32>,
        %get3A_889 = arith.constant 2 : i32
        %get3A_890 = arith.index_cast %get3A_889 : i32 to index
        %get3A_891 = arith.constant 0 : index
        %get3A_892 = tpu.vector_load %arg29[%get3A_890, %get3A_891] {strides = array<i32>} : memref<16x16xf32, #tpu.memory_space<vmem>>, vector<16xf32>,
        %get3A_893 = arith.constant 3 : i32
        %get3A_894 = arith.index_cast %get3A_893 : i32 to index
        %get3A_895 = arith.constant 0 : index
        %get3A_896 = tpu.vector_load %arg29[%get3A_894, %get3A_895] {strides = array<i32>} : memref<16x16xf32, #tpu.memory_space<vmem>>, vector<16xf32>,
        %get3A_897 = arith.constant 4 : i32
        %get3A_898 = arith.index_cast %get3A_897 : i32 to index
        %get3A_899 = arith.constant 0 : index
        %get3A_900 = tpu.vector_load %arg29[%get3A_898, %get3A_899] {strides = array<i32>} : memref<16x16xf32, #tpu.memory_space<vmem>>, vector<16xf32>,
        %get3A_901 = arith.constant 5 : i32
        %get3A_902 = arith.index_cast %get3A_901 : i32 to index
        %get3A_903 = arith.constant 0 : index
        %get3A_904 = tpu.vector_load %arg29[%get3A_902, %get3A_903] {strides = array<i32>} : memref<16x16xf32, #tpu.memory_space<vmem>>, vector<16xf32>,
        %get3A_905 = arith.constant 6 : i32
        %get3A_906 = arith.index_cast %get3A_905 : i32 to index
        %get3A_907 = arith.constant 0 : index
        %get3A_908 = tpu.vector_load %arg29[%get3A_906, %get3A_907] {strides = array<i32>} : memref<16x16xf32, #tpu.memory_space<vmem>>, vector<16xf32>,
        %get3A_909 = arith.constant 7 : i32
        %get3A_910 = arith.index_cast %get3A_909 : i32 to index
        %get3A_911 = arith.constant 0 : index
        %get3A_912 = tpu.vector_load %arg29[%get3A_910, %get3A_911] {strides = array<i32>} : memref<16x16xf32, #tpu.memory_space<vmem>>, vector<16xf32>,
        %get3A_913 = arith.constant 8 : i32
        %get3A_914 = arith.index_cast %get3A_913 : i32 to index
        %get3A_915 = arith.constant 0 : index
        %get3A_916 = tpu.vector_load %arg29[%get3A_914, %get3A_915] {strides = array<i32>} : memref<16x16xf32, #tpu.memory_space<vmem>>, vector<16xf32>,
        %get3A_917 = arith.constant 9 : i32
        %get3A_918 = arith.index_cast %get3A_917 : i32 to index
        %get3A_919 = arith.constant 0 : index
        %get3A_920 = tpu.vector_load %arg29[%get3A_918, %get3A_919] {strides = array<i32>} : memref<16x16xf32, #tpu.memory_space<vmem>>, vector<16xf32>,
        %get3A_921 = arith.constant 10 : i32
        %get3A_922 = arith.index_cast %get3A_921 : i32 to index
        %get3A_923 = arith.constant 0 : index
        %get3A_924 = tpu.vector_load %arg29[%get3A_922, %get3A_923] {strides = array<i32>} : memref<16x16xf32, #tpu.memory_space<vmem>>, vector<16xf32>,
        %get3A_925 = arith.constant 11 : i32
        %get3A_926 = arith.index_cast %get3A_925 : i32 to index
        %get3A_927 = arith.constant 0 : index
        %get3A_928 = tpu.vector_load %arg29[%get3A_926, %get3A_927] {strides = array<i32>} : memref<16x16xf32, #tpu.memory_space<vmem>>, vector<16xf32>,
        %get3A_929 = arith.constant 12 : i32
        %get3A_930 = arith.index_cast %get3A_929 : i32 to index
        %get3A_931 = arith.constant 0 : index
        %get3A_932 = tpu.vector_load %arg29[%get3A_930, %get3A_931] {strides = array<i32>} : memref<16x16xf32, #tpu.memory_space<vmem>>, vector<16xf32>,
        %get3A_933 = arith.constant 13 : i32
        %get3A_934 = arith.index_cast %get3A_933 : i32 to index
        %get3A_935 = arith.constant 0 : index
        %get3A_936 = tpu.vector_load %arg29[%get3A_934, %get3A_935] {strides = array<i32>} : memref<16x16xf32, #tpu.memory_space<vmem>>, vector<16xf32>,
        %get3A_937 = arith.constant 14 : i32
        %get3A_938 = arith.index_cast %get3A_937 : i32 to index
        %get3A_939 = arith.constant 0 : index
        %get3A_940 = tpu.vector_load %arg29[%get3A_938, %get3A_939] {strides = array<i32>} : memref<16x16xf32, #tpu.memory_space<vmem>>, vector<16xf32>,
        %get3A_941 = arith.constant 15 : i32
        %get3A_942 = arith.index_cast %get3A_941 : i32 to index
        %get3A_943 = arith.constant 0 : index
        %get3A_944 = tpu.vector_load %arg29[%get3A_942, %get3A_943] {strides = array<i32>} : memref<16x16xf32, #tpu.memory_space<vmem>>, vector<16xf32>,
        %add3A_945 = arith.addf %get3A_884, %get3A_888 : vector<16xf32>
        %add3A_946 = arith.addf %get3A_892, %get3A_896 : vector<16xf32>
        %add3A_947 = arith.addf %get3A_900, %get3A_904 : vector<16xf32>
        %add3A_948 = arith.addf %get3A_908, %get3A_912 : vector<16xf32>
        %add3A_949 = arith.addf %get3A_916, %get3A_920 : vector<16xf32>
        %add3A_950 = arith.addf %get3A_924, %get3A_928 : vector<16xf32>
        %add3A_951 = arith.addf %get3A_932, %get3A_936 : vector<16xf32>
        %add3A_952 = arith.addf %get3A_940, %get3A_944 : vector<16xf32>
        %add3A_953 = arith.addf %add3A_945, %add3A_946 : vector<16xf32>
        %add3A_954 = arith.addf %add3A_947, %add3A_948 : vector<16xf32>
        %add3A_955 = arith.addf %add3A_949, %add3A_950 : vector<16xf32>
        %add3A_956 = arith.addf %add3A_951, %add3A_952 : vector<16xf32>
        %add3A_957 = arith.addf %add3A_953, %add3A_954 : vector<16xf32>
        %add3A_958 = arith.addf %add3A_955, %add3A_956 : vector<16xf32>
        %add3A_959 = arith.addf %add3A_957, %add3A_958 : vector<16xf32>
        %swap3A_960 = arith.index_cast %sub3A_800 : i32 to index
        %swap3A_961 = tpu.vector_load %arg32[%swap3A_960] {strides = array<i32>} : memref<512xf32, #tpu.memory_space<vmem>>, vector<16xf32>,
        tpu.vector_store %arg32[%swap3A_960], %add3A_959 {strides = array<i32>} : memref<512xf32, #tpu.memory_space<vmem>>, vector<16xf32>,
        %get3A_962 = arith.constant 0 : i32
        %get3A_963 = arith.index_cast %get3A_962 : i32 to index
        %get3A_964 = arith.constant 0 : index
        %get3A_965 = tpu.vector_load %arg30[%get3A_963, %get3A_964] {strides = array<i32>} : memref<16x16xf32, #tpu.memory_space<vmem>>, vector<16xf32>,
        %get3A_966 = arith.constant 1 : i32
        %get3A_967 = arith.index_cast %get3A_966 : i32 to index
        %get3A_968 = arith.constant 0 : index
        %get3A_969 = tpu.vector_load %arg30[%get3A_967, %get3A_968] {strides = array<i32>} : memref<16x16xf32, #tpu.memory_space<vmem>>, vector<16xf32>,
        %get3A_970 = arith.constant 2 : i32
        %get3A_971 = arith.index_cast %get3A_970 : i32 to index
        %get3A_972 = arith.constant 0 : index
        %get3A_973 = tpu.vector_load %arg30[%get3A_971, %get3A_972] {strides = array<i32>} : memref<16x16xf32, #tpu.memory_space<vmem>>, vector<16xf32>,
        %get3A_974 = arith.constant 3 : i32
        %get3A_975 = arith.index_cast %get3A_974 : i32 to index
        %get3A_976 = arith.constant 0 : index
        %get3A_977 = tpu.vector_load %arg30[%get3A_975, %get3A_976] {strides = array<i32>} : memref<16x16xf32, #tpu.memory_space<vmem>>, vector<16xf32>,
        %get3A_978 = arith.constant 4 : i32
        %get3A_979 = arith.index_cast %get3A_978 : i32 to index
        %get3A_980 = arith.constant 0 : index
        %get3A_981 = tpu.vector_load %arg30[%get3A_979, %get3A_980] {strides = array<i32>} : memref<16x16xf32, #tpu.memory_space<vmem>>, vector<16xf32>,
        %get3A_982 = arith.constant 5 : i32
        %get3A_983 = arith.index_cast %get3A_982 : i32 to index
        %get3A_984 = arith.constant 0 : index
        %get3A_985 = tpu.vector_load %arg30[%get3A_983, %get3A_984] {strides = array<i32>} : memref<16x16xf32, #tpu.memory_space<vmem>>, vector<16xf32>,
        %get3A_986 = arith.constant 6 : i32
        %get3A_987 = arith.index_cast %get3A_986 : i32 to index
        %get3A_988 = arith.constant 0 : index
        %get3A_989 = tpu.vector_load %arg30[%get3A_987, %get3A_988] {strides = array<i32>} : memref<16x16xf32, #tpu.memory_space<vmem>>, vector<16xf32>,
        %get3A_990 = arith.constant 7 : i32
        %get3A_991 = arith.index_cast %get3A_990 : i32 to index
        %get3A_992 = arith.constant 0 : index
        %get3A_993 = tpu.vector_load %arg30[%get3A_991, %get3A_992] {strides = array<i32>} : memref<16x16xf32, #tpu.memory_space<vmem>>, vector<16xf32>,
        %get3A_994 = arith.constant 8 : i32
        %get3A_995 = arith.index_cast %get3A_994 : i32 to index
        %get3A_996 = arith.constant 0 : index
        %get3A_997 = tpu.vector_load %arg30[%get3A_995, %get3A_996] {strides = array<i32>} : memref<16x16xf32, #tpu.memory_space<vmem>>, vector<16xf32>,
        %get3A_998 = arith.constant 9 : i32
        %get3A_999 = arith.index_cast %get3A_998 : i32 to index
        %get3A_1000 = arith.constant 0 : index
        %get3A_1001 = tpu.vector_load %arg30[%get3A_999, %get3A_1000] {strides = array<i32>} : memref<16x16xf32, #tpu.memory_space<vmem>>, vector<16xf32>,
        %get3A_1002 = arith.constant 10 : i32
        %get3A_1003 = arith.index_cast %get3A_1002 : i32 to index
        %get3A_1004 = arith.constant 0 : index
        %get3A_1005 = tpu.vector_load %arg30[%get3A_1003, %get3A_1004] {strides = array<i32>} : memref<16x16xf32, #tpu.memory_space<vmem>>, vector<16xf32>,
        %get3A_1006 = arith.constant 11 : i32
        %get3A_1007 = arith.index_cast %get3A_1006 : i32 to index
        %get3A_1008 = arith.constant 0 : index
        %get3A_1009 = tpu.vector_load %arg30[%get3A_1007, %get3A_1008] {strides = array<i32>} : memref<16x16xf32, #tpu.memory_space<vmem>>, vector<16xf32>,
        %get3A_1010 = arith.constant 12 : i32
        %get3A_1011 = arith.index_cast %get3A_1010 : i32 to index
        %get3A_1012 = arith.constant 0 : index
        %get3A_1013 = tpu.vector_load %arg30[%get3A_1011, %get3A_1012] {strides = array<i32>} : memref<16x16xf32, #tpu.memory_space<vmem>>, vector<16xf32>,
        %get3A_1014 = arith.constant 13 : i32
        %get3A_1015 = arith.index_cast %get3A_1014 : i32 to index
        %get3A_1016 = arith.constant 0 : index
        %get3A_1017 = tpu.vector_load %arg30[%get3A_1015, %get3A_1016] {strides = array<i32>} : memref<16x16xf32, #tpu.memory_space<vmem>>, vector<16xf32>,
        %get3A_1018 = arith.constant 14 : i32
        %get3A_1019 = arith.index_cast %get3A_1018 : i32 to index
        %get3A_1020 = arith.constant 0 : index
        %get3A_1021 = tpu.vector_load %arg30[%get3A_1019, %get3A_1020] {strides = array<i32>} : memref<16x16xf32, #tpu.memory_space<vmem>>, vector<16xf32>,
        %get3A_1022 = arith.constant 15 : i32
        %get3A_1023 = arith.index_cast %get3A_1022 : i32 to index
        %get3A_1024 = arith.constant 0 : index
        %get3A_1025 = tpu.vector_load %arg30[%get3A_1023, %get3A_1024] {strides = array<i32>} : memref<16x16xf32, #tpu.memory_space<vmem>>, vector<16xf32>,
        %add3A_1026 = arith.addf %get3A_965, %get3A_969 : vector<16xf32>
        %add3A_1027 = arith.addf %get3A_973, %get3A_977 : vector<16xf32>
        %add3A_1028 = arith.addf %get3A_981, %get3A_985 : vector<16xf32>
        %add3A_1029 = arith.addf %get3A_989, %get3A_993 : vector<16xf32>
        %add3A_1030 = arith.addf %get3A_997, %get3A_1001 : vector<16xf32>
        %add3A_1031 = arith.addf %get3A_1005, %get3A_1009 : vector<16xf32>
        %add3A_1032 = arith.addf %get3A_1013, %get3A_1017 : vector<16xf32>
        %add3A_1033 = arith.addf %get3A_1021, %get3A_1025 : vector<16xf32>
        %add3A_1034 = arith.addf %add3A_1026, %add3A_1027 : vector<16xf32>
        %add3A_1035 = arith.addf %add3A_1028, %add3A_1029 : vector<16xf32>
        %add3A_1036 = arith.addf %add3A_1030, %add3A_1031 : vector<16xf32>
        %add3A_1037 = arith.addf %add3A_1032, %add3A_1033 : vector<16xf32>
        %add3A_1038 = arith.addf %add3A_1034, %add3A_1035 : vector<16xf32>
        %add3A_1039 = arith.addf %add3A_1036, %add3A_1037 : vector<16xf32>
        %add3A_1040 = arith.addf %add3A_1038, %add3A_1039 : vector<16xf32>
        %swap3A_1041 = arith.index_cast %sub3A_800 : i32 to index
        %swap3A_1042 = tpu.vector_load %arg33[%swap3A_1041] {strides = array<i32>} : memref<512xf32, #tpu.memory_space<vmem>>, vector<16xf32>,
        tpu.vector_store %arg33[%swap3A_1041], %add3A_1040 {strides = array<i32>} : memref<512xf32, #tpu.memory_space<vmem>>, vector<16xf32>,
      } else {
      }
      %scan3A_796 = arith.constant 0 : i32
      scf.yield %scan3A_796 : i32
    }
    %scan3A_299 = arith.constant 128 : i32
    %dma_wait3A_300 = arith.constant 0 : i32
    %dma_wait3A_301 = arith.constant 2 : i32
    %dma_wait3A_302 = arith.constant 0 : i32
    %dma_wait3A_303 = tpu.memref_slice %arg13[%dma_wait3A_300, %dma_wait3A_301, %dma_wait3A_302] : memref<7x4x128xi32, #tpu.memory_space<vmem>> -> memref<1x1x128xi32, #tpu.memory_space<vmem>>
    %dma_wait3A_304 = tpu.memref_squeeze %dma_wait3A_303 : memref<1x1x128xi32, #tpu.memory_space<vmem>> -> memref<128xi32, #tpu.memory_space<vmem>>
    %dma_wait3A_305 = arith.constant 0 : i32
    %dma_wait3A_306 = arith.constant 0 : i32
    %dma_wait3A_307 = tpu.memref_slice %arg2[%dma_wait3A_305, %dma_wait3A_306] : memref<114688x64xf32, #tpu.memory_space<hbm>> -> memref<114688x64xf32, #tpu.memory_space<hbm>>
    tpu.wait_indirect_dma semaphore(%arg34 : memref<!tpu.dma_semaphore, #tpu.memory_space<semaphore_mem>>) src(%dma_wait3A_307 : memref<114688x64xf32, #tpu.memory_space<hbm>>) dst(%arg14 : memref<128x64xf32, #tpu.memory_space<vmem>>)
    %dma_wait3A_308 = arith.constant 1 : i32
    %dma_wait3A_309 = arith.constant 2 : i32
    %dma_wait3A_310 = arith.constant 0 : i32
    %dma_wait3A_311 = tpu.memref_slice %arg13[%dma_wait3A_308, %dma_wait3A_309, %dma_wait3A_310] : memref<7x4x128xi32, #tpu.memory_space<vmem>> -> memref<1x1x128xi32, #tpu.memory_space<vmem>>
    %dma_wait3A_312 = tpu.memref_squeeze %dma_wait3A_311 : memref<1x1x128xi32, #tpu.memory_space<vmem>> -> memref<128xi32, #tpu.memory_space<vmem>>
    %dma_wait3A_313 = arith.constant 0 : i32
    %dma_wait3A_314 = arith.constant 0 : i32
    %dma_wait3A_315 = tpu.memref_slice %arg2[%dma_wait3A_313, %dma_wait3A_314] : memref<114688x64xf32, #tpu.memory_space<hbm>> -> memref<114688x64xf32, #tpu.memory_space<hbm>>
    tpu.wait_indirect_dma semaphore(%arg35 : memref<!tpu.dma_semaphore, #tpu.memory_space<semaphore_mem>>) src(%dma_wait3A_315 : memref<114688x64xf32, #tpu.memory_space<hbm>>) dst(%arg15 : memref<128x64xf32, #tpu.memory_space<vmem>>)
    %dma_wait3A_316 = arith.constant 2 : i32
    %dma_wait3A_317 = arith.constant 2 : i32
    %dma_wait3A_318 = arith.constant 0 : i32
    %dma_wait3A_319 = tpu.memref_slice %arg13[%dma_wait3A_316, %dma_wait3A_317, %dma_wait3A_318] : memref<7x4x128xi32, #tpu.memory_space<vmem>> -> memref<1x1x128xi32, #tpu.memory_space<vmem>>
    %dma_wait3A_320 = tpu.memref_squeeze %dma_wait3A_319 : memref<1x1x128xi32, #tpu.memory_space<vmem>> -> memref<128xi32, #tpu.memory_space<vmem>>
    %dma_wait3A_321 = arith.constant 0 : i32
    %dma_wait3A_322 = arith.constant 0 : i32
    %dma_wait3A_323 = tpu.memref_slice %arg2[%dma_wait3A_321, %dma_wait3A_322] : memref<114688x64xf32, #tpu.memory_space<hbm>> -> memref<114688x64xf32, #tpu.memory_space<hbm>>
    tpu.wait_indirect_dma semaphore(%arg36 : memref<!tpu.dma_semaphore, #tpu.memory_space<semaphore_mem>>) src(%dma_wait3A_323 : memref<114688x64xf32, #tpu.memory_space<hbm>>) dst(%arg16 : memref<128x64xf32, #tpu.memory_space<vmem>>)
    %dma_wait3A_324 = arith.constant 3 : i32
    %dma_wait3A_325 = arith.constant 2 : i32
    %dma_wait3A_326 = arith.constant 0 : i32
    %dma_wait3A_327 = tpu.memref_slice %arg13[%dma_wait3A_324, %dma_wait3A_325, %dma_wait3A_326] : memref<7x4x128xi32, #tpu.memory_space<vmem>> -> memref<1x1x128xi32, #tpu.memory_space<vmem>>
    %dma_wait3A_328 = tpu.memref_squeeze %dma_wait3A_327 : memref<1x1x128xi32, #tpu.memory_space<vmem>> -> memref<128xi32, #tpu.memory_space<vmem>>
    %dma_wait3A_329 = arith.constant 0 : i32
    %dma_wait3A_330 = arith.constant 0 : i32
    %dma_wait3A_331 = tpu.memref_slice %arg2[%dma_wait3A_329, %dma_wait3A_330] : memref<114688x64xf32, #tpu.memory_space<hbm>> -> memref<114688x64xf32, #tpu.memory_space<hbm>>
    tpu.wait_indirect_dma semaphore(%arg37 : memref<!tpu.dma_semaphore, #tpu.memory_space<semaphore_mem>>) src(%dma_wait3A_331 : memref<114688x64xf32, #tpu.memory_space<hbm>>) dst(%arg17 : memref<128x64xf32, #tpu.memory_space<vmem>>)
    %dma_wait3A_332 = arith.constant 4 : i32
    %dma_wait3A_333 = arith.constant 2 : i32
    %dma_wait3A_334 = arith.constant 0 : i32
    %dma_wait3A_335 = tpu.memref_slice %arg13[%dma_wait3A_332, %dma_wait3A_333, %dma_wait3A_334] : memref<7x4x128xi32, #tpu.memory_space<vmem>> -> memref<1x1x128xi32, #tpu.memory_space<vmem>>
    %dma_wait3A_336 = tpu.memref_squeeze %dma_wait3A_335 : memref<1x1x128xi32, #tpu.memory_space<vmem>> -> memref<128xi32, #tpu.memory_space<vmem>>
    %dma_wait3A_337 = arith.constant 0 : i32
    %dma_wait3A_338 = arith.constant 0 : i32
    %dma_wait3A_339 = tpu.memref_slice %arg2[%dma_wait3A_337, %dma_wait3A_338] : memref<114688x64xf32, #tpu.memory_space<hbm>> -> memref<114688x64xf32, #tpu.memory_space<hbm>>
    tpu.wait_indirect_dma semaphore(%arg38 : memref<!tpu.dma_semaphore, #tpu.memory_space<semaphore_mem>>) src(%dma_wait3A_339 : memref<114688x64xf32, #tpu.memory_space<hbm>>) dst(%arg18 : memref<128x64xf32, #tpu.memory_space<vmem>>)
    %dma_wait3A_340 = arith.constant 5 : i32
    %dma_wait3A_341 = arith.constant 2 : i32
    %dma_wait3A_342 = arith.constant 0 : i32
    %dma_wait3A_343 = tpu.memref_slice %arg13[%dma_wait3A_340, %dma_wait3A_341, %dma_wait3A_342] : memref<7x4x128xi32, #tpu.memory_space<vmem>> -> memref<1x1x128xi32, #tpu.memory_space<vmem>>
    %dma_wait3A_344 = tpu.memref_squeeze %dma_wait3A_343 : memref<1x1x128xi32, #tpu.memory_space<vmem>> -> memref<128xi32, #tpu.memory_space<vmem>>
    %dma_wait3A_345 = arith.constant 0 : i32
    %dma_wait3A_346 = arith.constant 0 : i32
    %dma_wait3A_347 = tpu.memref_slice %arg2[%dma_wait3A_345, %dma_wait3A_346] : memref<114688x64xf32, #tpu.memory_space<hbm>> -> memref<114688x64xf32, #tpu.memory_space<hbm>>
    tpu.wait_indirect_dma semaphore(%arg39 : memref<!tpu.dma_semaphore, #tpu.memory_space<semaphore_mem>>) src(%dma_wait3A_347 : memref<114688x64xf32, #tpu.memory_space<hbm>>) dst(%arg19 : memref<128x64xf32, #tpu.memory_space<vmem>>)
    %dma_wait3A_348 = arith.constant 6 : i32
    %dma_wait3A_349 = arith.constant 2 : i32
    %dma_wait3A_350 = arith.constant 0 : i32
    %dma_wait3A_351 = tpu.memref_slice %arg13[%dma_wait3A_348, %dma_wait3A_349, %dma_wait3A_350] : memref<7x4x128xi32, #tpu.memory_space<vmem>> -> memref<1x1x128xi32, #tpu.memory_space<vmem>>
    %dma_wait3A_352 = tpu.memref_squeeze %dma_wait3A_351 : memref<1x1x128xi32, #tpu.memory_space<vmem>> -> memref<128xi32, #tpu.memory_space<vmem>>
    %dma_wait3A_353 = arith.constant 0 : i32
    %dma_wait3A_354 = arith.constant 0 : i32
    %dma_wait3A_355 = tpu.memref_slice %arg2[%dma_wait3A_353, %dma_wait3A_354] : memref<114688x64xf32, #tpu.memory_space<hbm>> -> memref<114688x64xf32, #tpu.memory_space<hbm>>
    tpu.wait_indirect_dma semaphore(%arg40 : memref<!tpu.dma_semaphore, #tpu.memory_space<semaphore_mem>>) src(%dma_wait3A_355 : memref<114688x64xf32, #tpu.memory_space<hbm>>) dst(%arg20 : memref<128x64xf32, #tpu.memory_space<vmem>>)
    %dma_start3A_356 = arith.constant 0 : i32
    %dma_start3A_357 = arith.constant 3 : i32
    %dma_start3A_358 = arith.constant 0 : i32
    %dma_start3A_359 = tpu.memref_slice %arg13[%dma_start3A_356, %dma_start3A_357, %dma_start3A_358] : memref<7x4x128xi32, #tpu.memory_space<vmem>> -> memref<1x1x128xi32, #tpu.memory_space<vmem>>
    %dma_start3A_360 = tpu.memref_squeeze %dma_start3A_359 : memref<1x1x128xi32, #tpu.memory_space<vmem>> -> memref<128xi32, #tpu.memory_space<vmem>>
    %dma_start3A_361 = arith.constant 0 : i32
    %dma_start3A_362 = arith.constant 0 : i32
    %dma_start3A_363 = tpu.memref_slice %arg2[%dma_start3A_361, %dma_start3A_362] : memref<114688x64xf32, #tpu.memory_space<hbm>> -> memref<114688x64xf32, #tpu.memory_space<hbm>>
    tpu.enqueue_indirect_dma source(%dma_start3A_363 : memref<114688x64xf32, #tpu.memory_space<hbm>>) target(%arg21 : memref<128x64xf32, #tpu.memory_space<vmem>>) offsets(%dma_start3A_360 : memref<128xi32, #tpu.memory_space<vmem>>) semaphore(%arg41 : memref<!tpu.dma_semaphore, #tpu.memory_space<semaphore_mem>>)
    %dma_start3A_364 = arith.constant 1 : i32
    %dma_start3A_365 = arith.constant 3 : i32
    %dma_start3A_366 = arith.constant 0 : i32
    %dma_start3A_367 = tpu.memref_slice %arg13[%dma_start3A_364, %dma_start3A_365, %dma_start3A_366] : memref<7x4x128xi32, #tpu.memory_space<vmem>> -> memref<1x1x128xi32, #tpu.memory_space<vmem>>
    %dma_start3A_368 = tpu.memref_squeeze %dma_start3A_367 : memref<1x1x128xi32, #tpu.memory_space<vmem>> -> memref<128xi32, #tpu.memory_space<vmem>>
    %dma_start3A_369 = arith.constant 0 : i32
    %dma_start3A_370 = arith.constant 0 : i32
    %dma_start3A_371 = tpu.memref_slice %arg2[%dma_start3A_369, %dma_start3A_370] : memref<114688x64xf32, #tpu.memory_space<hbm>> -> memref<114688x64xf32, #tpu.memory_space<hbm>>
    tpu.enqueue_indirect_dma source(%dma_start3A_371 : memref<114688x64xf32, #tpu.memory_space<hbm>>) target(%arg22 : memref<128x64xf32, #tpu.memory_space<vmem>>) offsets(%dma_start3A_368 : memref<128xi32, #tpu.memory_space<vmem>>) semaphore(%arg42 : memref<!tpu.dma_semaphore, #tpu.memory_space<semaphore_mem>>)
    %dma_start3A_372 = arith.constant 2 : i32
    %dma_start3A_373 = arith.constant 3 : i32
    %dma_start3A_374 = arith.constant 0 : i32
    %dma_start3A_375 = tpu.memref_slice %arg13[%dma_start3A_372, %dma_start3A_373, %dma_start3A_374] : memref<7x4x128xi32, #tpu.memory_space<vmem>> -> memref<1x1x128xi32, #tpu.memory_space<vmem>>
    %dma_start3A_376 = tpu.memref_squeeze %dma_start3A_375 : memref<1x1x128xi32, #tpu.memory_space<vmem>> -> memref<128xi32, #tpu.memory_space<vmem>>
    %dma_start3A_377 = arith.constant 0 : i32
    %dma_start3A_378 = arith.constant 0 : i32
    %dma_start3A_379 = tpu.memref_slice %arg2[%dma_start3A_377, %dma_start3A_378] : memref<114688x64xf32, #tpu.memory_space<hbm>> -> memref<114688x64xf32, #tpu.memory_space<hbm>>
    tpu.enqueue_indirect_dma source(%dma_start3A_379 : memref<114688x64xf32, #tpu.memory_space<hbm>>) target(%arg23 : memref<128x64xf32, #tpu.memory_space<vmem>>) offsets(%dma_start3A_376 : memref<128xi32, #tpu.memory_space<vmem>>) semaphore(%arg43 : memref<!tpu.dma_semaphore, #tpu.memory_space<semaphore_mem>>)
    %dma_start3A_380 = arith.constant 3 : i32
    %dma_start3A_381 = arith.constant 3 : i32
    %dma_start3A_382 = arith.constant 0 : i32
    %dma_start3A_383 = tpu.memref_slice %arg13[%dma_start3A_380, %dma_start3A_381, %dma_start3A_382] : memref<7x4x128xi32, #tpu.memory_space<vmem>> -> memref<1x1x128xi32, #tpu.memory_space<vmem>>
    %dma_start3A_384 = tpu.memref_squeeze %dma_start3A_383 : memref<1x1x128xi32, #tpu.memory_space<vmem>> -> memref<128xi32, #tpu.memory_space<vmem>>
    %dma_start3A_385 = arith.constant 0 : i32
    %dma_start3A_386 = arith.constant 0 : i32
    %dma_start3A_387 = tpu.memref_slice %arg2[%dma_start3A_385, %dma_start3A_386] : memref<114688x64xf32, #tpu.memory_space<hbm>> -> memref<114688x64xf32, #tpu.memory_space<hbm>>
    tpu.enqueue_indirect_dma source(%dma_start3A_387 : memref<114688x64xf32, #tpu.memory_space<hbm>>) target(%arg24 : memref<128x64xf32, #tpu.memory_space<vmem>>) offsets(%dma_start3A_384 : memref<128xi32, #tpu.memory_space<vmem>>) semaphore(%arg44 : memref<!tpu.dma_semaphore, #tpu.memory_space<semaphore_mem>>)
    %dma_start3A_388 = arith.constant 4 : i32
    %dma_start3A_389 = arith.constant 3 : i32
    %dma_start3A_390 = arith.constant 0 : i32
    %dma_start3A_391 = tpu.memref_slice %arg13[%dma_start3A_388, %dma_start3A_389, %dma_start3A_390] : memref<7x4x128xi32, #tpu.memory_space<vmem>> -> memref<1x1x128xi32, #tpu.memory_space<vmem>>
    %dma_start3A_392 = tpu.memref_squeeze %dma_start3A_391 : memref<1x1x128xi32, #tpu.memory_space<vmem>> -> memref<128xi32, #tpu.memory_space<vmem>>
    %dma_start3A_393 = arith.constant 0 : i32
    %dma_start3A_394 = arith.constant 0 : i32
    %dma_start3A_395 = tpu.memref_slice %arg2[%dma_start3A_393, %dma_start3A_394] : memref<114688x64xf32, #tpu.memory_space<hbm>> -> memref<114688x64xf32, #tpu.memory_space<hbm>>
    tpu.enqueue_indirect_dma source(%dma_start3A_395 : memref<114688x64xf32, #tpu.memory_space<hbm>>) target(%arg25 : memref<128x64xf32, #tpu.memory_space<vmem>>) offsets(%dma_start3A_392 : memref<128xi32, #tpu.memory_space<vmem>>) semaphore(%arg45 : memref<!tpu.dma_semaphore, #tpu.memory_space<semaphore_mem>>)
    %dma_start3A_396 = arith.constant 5 : i32
    %dma_start3A_397 = arith.constant 3 : i32
    %dma_start3A_398 = arith.constant 0 : i32
    %dma_start3A_399 = tpu.memref_slice %arg13[%dma_start3A_396, %dma_start3A_397, %dma_start3A_398] : memref<7x4x128xi32, #tpu.memory_space<vmem>> -> memref<1x1x128xi32, #tpu.memory_space<vmem>>
    %dma_start3A_400 = tpu.memref_squeeze %dma_start3A_399 : memref<1x1x128xi32, #tpu.memory_space<vmem>> -> memref<128xi32, #tpu.memory_space<vmem>>
    %dma_start3A_401 = arith.constant 0 : i32
    %dma_start3A_402 = arith.constant 0 : i32
    %dma_start3A_403 = tpu.memref_slice %arg2[%dma_start3A_401, %dma_start3A_402] : memref<114688x64xf32, #tpu.memory_space<hbm>> -> memref<114688x64xf32, #tpu.memory_space<hbm>>
    tpu.enqueue_indirect_dma source(%dma_start3A_403 : memref<114688x64xf32, #tpu.memory_space<hbm>>) target(%arg26 : memref<128x64xf32, #tpu.memory_space<vmem>>) offsets(%dma_start3A_400 : memref<128xi32, #tpu.memory_space<vmem>>) semaphore(%arg46 : memref<!tpu.dma_semaphore, #tpu.memory_space<semaphore_mem>>)
    %dma_start3A_404 = arith.constant 6 : i32
    %dma_start3A_405 = arith.constant 3 : i32
    %dma_start3A_406 = arith.constant 0 : i32
    %dma_start3A_407 = tpu.memref_slice %arg13[%dma_start3A_404, %dma_start3A_405, %dma_start3A_406] : memref<7x4x128xi32, #tpu.memory_space<vmem>> -> memref<1x1x128xi32, #tpu.memory_space<vmem>>
    %dma_start3A_408 = tpu.memref_squeeze %dma_start3A_407 : memref<1x1x128xi32, #tpu.memory_space<vmem>> -> memref<128xi32, #tpu.memory_space<vmem>>
    %dma_start3A_409 = arith.constant 0 : i32
    %dma_start3A_410 = arith.constant 0 : i32
    %dma_start3A_411 = tpu.memref_slice %arg2[%dma_start3A_409, %dma_start3A_410] : memref<114688x64xf32, #tpu.memory_space<hbm>> -> memref<114688x64xf32, #tpu.memory_space<hbm>>
    tpu.enqueue_indirect_dma source(%dma_start3A_411 : memref<114688x64xf32, #tpu.memory_space<hbm>>) target(%arg27 : memref<128x64xf32, #tpu.memory_space<vmem>>) offsets(%dma_start3A_408 : memref<128xi32, #tpu.memory_space<vmem>>) semaphore(%arg47 : memref<!tpu.dma_semaphore, #tpu.memory_space<semaphore_mem>>)
    %scan3A_412 = arith.constant 0 : i32
    %scan3A_413 = arith.constant 0 : i32
    %scan3A_414 = arith.constant 128 : i32
    %scan3A_415 = arith.addi %scan3A_413, %scan3A_414 : i32
    %scan3A_416 = arith.constant 2 : i32
    %scan3A_417 = scf.for %scan3A_482 = %scan3A_413 to %scan3A_415 step %scan3A_416 iter_args(%scan3A_483 = %scan3A_412) -> (i32)  : i32 {
      %broadcast_in_dim3A = arith.constant 0.000000e+00 : f32
      %broadcast_in_dim3A_484 = vector.broadcast %broadcast_in_dim3A : f32 to vector<16xf32>
      %broadcast_in_dim3A_485 = arith.constant 0.000000e+00 : f32
      %broadcast_in_dim3A_486 = vector.broadcast %broadcast_in_dim3A_485 : f32 to vector<16xf32>
      %broadcast_in_dim3A_487 = arith.constant 0.000000e+00 : f32
      %broadcast_in_dim3A_488 = vector.broadcast %broadcast_in_dim3A_487 : f32 to vector<16xf32>
      %get3A = arith.index_cast %scan3A_482 : i32 to index
      %get3A_489 = arith.constant 0 : index
      %get3A_490 = tpu.vector_load %arg14[%get3A, %get3A_489] {strides = array<i32>} : memref<128x64xf32, #tpu.memory_space<vmem>>, vector<16xf32>,
      %get3A_491 = arith.index_cast %scan3A_482 : i32 to index
      %get3A_492 = arith.constant 0 : index
      %get3A_493 = tpu.vector_load %arg15[%get3A_491, %get3A_492] {strides = array<i32>} : memref<128x64xf32, #tpu.memory_space<vmem>>, vector<16xf32>,
      %get3A_494 = arith.index_cast %scan3A_482 : i32 to index
      %get3A_495 = arith.constant 0 : index
      %get3A_496 = tpu.vector_load %arg16[%get3A_494, %get3A_495] {strides = array<i32>} : memref<128x64xf32, #tpu.memory_space<vmem>>, vector<16xf32>,
      %sub3A = arith.subf %get3A_493, %get3A_496 : vector<16xf32>
      %mul3A_497 = arith.mulf %get3A_490, %sub3A : vector<16xf32>
      %add3A_498 = arith.addf %broadcast_in_dim3A_484, %mul3A_497 : vector<16xf32>
      %get3A_499 = arith.index_cast %scan3A_482 : i32 to index
      %get3A_500 = arith.constant 0 : index
      %get3A_501 = tpu.vector_load %arg17[%get3A_499, %get3A_500] {strides = array<i32>} : memref<128x64xf32, #tpu.memory_space<vmem>>, vector<16xf32>,
      %sub3A_502 = arith.subf %get3A_493, %get3A_501 : vector<16xf32>
      %get3A_503 = arith.index_cast %scan3A_482 : i32 to index
      %get3A_504 = arith.constant 0 : index
      %get3A_505 = tpu.vector_load %arg18[%get3A_503, %get3A_504] {strides = array<i32>} : memref<128x64xf32, #tpu.memory_space<vmem>>, vector<16xf32>,
      %sub3A_506 = arith.subf %get3A_493, %get3A_505 : vector<16xf32>
      %mul3A_507 = arith.mulf %sub3A_502, %sub3A_502 : vector<16xf32>
      %mul3A_508 = arith.mulf %sub3A_506, %sub3A_506 : vector<16xf32>
      %sub3A_509 = arith.subf %mul3A_507, %mul3A_508 : vector<16xf32>
      %add3A_510 = arith.addf %broadcast_in_dim3A_486, %sub3A_509 : vector<16xf32>
      %get3A_511 = arith.index_cast %scan3A_482 : i32 to index
      %get3A_512 = arith.constant 0 : index
      %get3A_513 = tpu.vector_load %arg19[%get3A_511, %get3A_512] {strides = array<i32>} : memref<128x64xf32, #tpu.memory_space<vmem>>, vector<16xf32>,
      %sub3A_514 = arith.subf %get3A_490, %get3A_513 : vector<16xf32>
      %get3A_515 = arith.index_cast %scan3A_482 : i32 to index
      %get3A_516 = arith.constant 0 : index
      %get3A_517 = tpu.vector_load %arg20[%get3A_515, %get3A_516] {strides = array<i32>} : memref<128x64xf32, #tpu.memory_space<vmem>>, vector<16xf32>,
      %sub3A_518 = arith.subf %get3A_490, %get3A_517 : vector<16xf32>
      %mul3A_519 = arith.mulf %sub3A_514, %sub3A_514 : vector<16xf32>
      %mul3A_520 = arith.mulf %sub3A_518, %sub3A_518 : vector<16xf32>
      %sub3A_521 = arith.subf %mul3A_519, %mul3A_520 : vector<16xf32>
      %add3A_522 = arith.addf %broadcast_in_dim3A_488, %sub3A_521 : vector<16xf32>
      %get3A_523 = arith.index_cast %scan3A_482 : i32 to index
      %get3A_524 = arith.constant 16 : index
      %get3A_525 = tpu.vector_load %arg14[%get3A_523, %get3A_524] {strides = array<i32>} : memref<128x64xf32, #tpu.memory_space<vmem>>, vector<16xf32>,
      %get3A_526 = arith.index_cast %scan3A_482 : i32 to index
      %get3A_527 = arith.constant 16 : index
      %get3A_528 = tpu.vector_load %arg15[%get3A_526, %get3A_527] {strides = array<i32>} : memref<128x64xf32, #tpu.memory_space<vmem>>, vector<16xf32>,
      %get3A_529 = arith.index_cast %scan3A_482 : i32 to index
      %get3A_530 = arith.constant 16 : index
      %get3A_531 = tpu.vector_load %arg16[%get3A_529, %get3A_530] {strides = array<i32>} : memref<128x64xf32, #tpu.memory_space<vmem>>, vector<16xf32>,
      %sub3A_532 = arith.subf %get3A_528, %get3A_531 : vector<16xf32>
      %mul3A_533 = arith.mulf %get3A_525, %sub3A_532 : vector<16xf32>
      %add3A_534 = arith.addf %add3A_498, %mul3A_533 : vector<16xf32>
      %get3A_535 = arith.index_cast %scan3A_482 : i32 to index
      %get3A_536 = arith.constant 16 : index
      %get3A_537 = tpu.vector_load %arg17[%get3A_535, %get3A_536] {strides = array<i32>} : memref<128x64xf32, #tpu.memory_space<vmem>>, vector<16xf32>,
      %sub3A_538 = arith.subf %get3A_528, %get3A_537 : vector<16xf32>
      %get3A_539 = arith.index_cast %scan3A_482 : i32 to index
      %get3A_540 = arith.constant 16 : index
      %get3A_541 = tpu.vector_load %arg18[%get3A_539, %get3A_540] {strides = array<i32>} : memref<128x64xf32, #tpu.memory_space<vmem>>, vector<16xf32>,
      %sub3A_542 = arith.subf %get3A_528, %get3A_541 : vector<16xf32>
      %mul3A_543 = arith.mulf %sub3A_538, %sub3A_538 : vector<16xf32>
      %mul3A_544 = arith.mulf %sub3A_542, %sub3A_542 : vector<16xf32>
      %sub3A_545 = arith.subf %mul3A_543, %mul3A_544 : vector<16xf32>
      %add3A_546 = arith.addf %add3A_510, %sub3A_545 : vector<16xf32>
      %get3A_547 = arith.index_cast %scan3A_482 : i32 to index
      %get3A_548 = arith.constant 16 : index
      %get3A_549 = tpu.vector_load %arg19[%get3A_547, %get3A_548] {strides = array<i32>} : memref<128x64xf32, #tpu.memory_space<vmem>>, vector<16xf32>,
      %sub3A_550 = arith.subf %get3A_525, %get3A_549 : vector<16xf32>
      %get3A_551 = arith.index_cast %scan3A_482 : i32 to index
      %get3A_552 = arith.constant 16 : index
      %get3A_553 = tpu.vector_load %arg20[%get3A_551, %get3A_552] {strides = array<i32>} : memref<128x64xf32, #tpu.memory_space<vmem>>, vector<16xf32>,
      %sub3A_554 = arith.subf %get3A_525, %get3A_553 : vector<16xf32>
      %mul3A_555 = arith.mulf %sub3A_550, %sub3A_550 : vector<16xf32>
      %mul3A_556 = arith.mulf %sub3A_554, %sub3A_554 : vector<16xf32>
      %sub3A_557 = arith.subf %mul3A_555, %mul3A_556 : vector<16xf32>
      %add3A_558 = arith.addf %add3A_522, %sub3A_557 : vector<16xf32>
      %get3A_559 = arith.index_cast %scan3A_482 : i32 to index
      %get3A_560 = arith.constant 32 : index
      %get3A_561 = tpu.vector_load %arg14[%get3A_559, %get3A_560] {strides = array<i32>} : memref<128x64xf32, #tpu.memory_space<vmem>>, vector<16xf32>,
      %get3A_562 = arith.index_cast %scan3A_482 : i32 to index
      %get3A_563 = arith.constant 32 : index
      %get3A_564 = tpu.vector_load %arg15[%get3A_562, %get3A_563] {strides = array<i32>} : memref<128x64xf32, #tpu.memory_space<vmem>>, vector<16xf32>,
      %get3A_565 = arith.index_cast %scan3A_482 : i32 to index
      %get3A_566 = arith.constant 32 : index
      %get3A_567 = tpu.vector_load %arg16[%get3A_565, %get3A_566] {strides = array<i32>} : memref<128x64xf32, #tpu.memory_space<vmem>>, vector<16xf32>,
      %sub3A_568 = arith.subf %get3A_564, %get3A_567 : vector<16xf32>
      %mul3A_569 = arith.mulf %get3A_561, %sub3A_568 : vector<16xf32>
      %add3A_570 = arith.addf %add3A_534, %mul3A_569 : vector<16xf32>
      %get3A_571 = arith.index_cast %scan3A_482 : i32 to index
      %get3A_572 = arith.constant 32 : index
      %get3A_573 = tpu.vector_load %arg17[%get3A_571, %get3A_572] {strides = array<i32>} : memref<128x64xf32, #tpu.memory_space<vmem>>, vector<16xf32>,
      %sub3A_574 = arith.subf %get3A_564, %get3A_573 : vector<16xf32>
      %get3A_575 = arith.index_cast %scan3A_482 : i32 to index
      %get3A_576 = arith.constant 32 : index
      %get3A_577 = tpu.vector_load %arg18[%get3A_575, %get3A_576] {strides = array<i32>} : memref<128x64xf32, #tpu.memory_space<vmem>>, vector<16xf32>,
      %sub3A_578 = arith.subf %get3A_564, %get3A_577 : vector<16xf32>
      %mul3A_579 = arith.mulf %sub3A_574, %sub3A_574 : vector<16xf32>
      %mul3A_580 = arith.mulf %sub3A_578, %sub3A_578 : vector<16xf32>
      %sub3A_581 = arith.subf %mul3A_579, %mul3A_580 : vector<16xf32>
      %add3A_582 = arith.addf %add3A_546, %sub3A_581 : vector<16xf32>
      %get3A_583 = arith.index_cast %scan3A_482 : i32 to index
      %get3A_584 = arith.constant 32 : index
      %get3A_585 = tpu.vector_load %arg19[%get3A_583, %get3A_584] {strides = array<i32>} : memref<128x64xf32, #tpu.memory_space<vmem>>, vector<16xf32>,
      %sub3A_586 = arith.subf %get3A_561, %get3A_585 : vector<16xf32>
      %get3A_587 = arith.index_cast %scan3A_482 : i32 to index
      %get3A_588 = arith.constant 32 : index
      %get3A_589 = tpu.vector_load %arg20[%get3A_587, %get3A_588] {strides = array<i32>} : memref<128x64xf32, #tpu.memory_space<vmem>>, vector<16xf32>,
      %sub3A_590 = arith.subf %get3A_561, %get3A_589 : vector<16xf32>
      %mul3A_591 = arith.mulf %sub3A_586, %sub3A_586 : vector<16xf32>
      %mul3A_592 = arith.mulf %sub3A_590, %sub3A_590 : vector<16xf32>
      %sub3A_593 = arith.subf %mul3A_591, %mul3A_592 : vector<16xf32>
      %add3A_594 = arith.addf %add3A_558, %sub3A_593 : vector<16xf32>
      %get3A_595 = arith.index_cast %scan3A_482 : i32 to index
      %get3A_596 = arith.constant 48 : index
      %get3A_597 = tpu.vector_load %arg14[%get3A_595, %get3A_596] {strides = array<i32>} : memref<128x64xf32, #tpu.memory_space<vmem>>, vector<16xf32>,
      %get3A_598 = arith.index_cast %scan3A_482 : i32 to index
      %get3A_599 = arith.constant 48 : index
      %get3A_600 = tpu.vector_load %arg15[%get3A_598, %get3A_599] {strides = array<i32>} : memref<128x64xf32, #tpu.memory_space<vmem>>, vector<16xf32>,
      %get3A_601 = arith.index_cast %scan3A_482 : i32 to index
      %get3A_602 = arith.constant 48 : index
      %get3A_603 = tpu.vector_load %arg16[%get3A_601, %get3A_602] {strides = array<i32>} : memref<128x64xf32, #tpu.memory_space<vmem>>, vector<16xf32>,
      %sub3A_604 = arith.subf %get3A_600, %get3A_603 : vector<16xf32>
      %mul3A_605 = arith.mulf %get3A_597, %sub3A_604 : vector<16xf32>
      %add3A_606 = arith.addf %add3A_570, %mul3A_605 : vector<16xf32>
      %get3A_607 = arith.index_cast %scan3A_482 : i32 to index
      %get3A_608 = arith.constant 48 : index
      %get3A_609 = tpu.vector_load %arg17[%get3A_607, %get3A_608] {strides = array<i32>} : memref<128x64xf32, #tpu.memory_space<vmem>>, vector<16xf32>,
      %sub3A_610 = arith.subf %get3A_600, %get3A_609 : vector<16xf32>
      %get3A_611 = arith.index_cast %scan3A_482 : i32 to index
      %get3A_612 = arith.constant 48 : index
      %get3A_613 = tpu.vector_load %arg18[%get3A_611, %get3A_612] {strides = array<i32>} : memref<128x64xf32, #tpu.memory_space<vmem>>, vector<16xf32>,
      %sub3A_614 = arith.subf %get3A_600, %get3A_613 : vector<16xf32>
      %mul3A_615 = arith.mulf %sub3A_610, %sub3A_610 : vector<16xf32>
      %mul3A_616 = arith.mulf %sub3A_614, %sub3A_614 : vector<16xf32>
      %sub3A_617 = arith.subf %mul3A_615, %mul3A_616 : vector<16xf32>
      %add3A_618 = arith.addf %add3A_582, %sub3A_617 : vector<16xf32>
      %get3A_619 = arith.index_cast %scan3A_482 : i32 to index
      %get3A_620 = arith.constant 48 : index
      %get3A_621 = tpu.vector_load %arg19[%get3A_619, %get3A_620] {strides = array<i32>} : memref<128x64xf32, #tpu.memory_space<vmem>>, vector<16xf32>,
      %sub3A_622 = arith.subf %get3A_597, %get3A_621 : vector<16xf32>
      %get3A_623 = arith.index_cast %scan3A_482 : i32 to index
      %get3A_624 = arith.constant 48 : index
      %get3A_625 = tpu.vector_load %arg20[%get3A_623, %get3A_624] {strides = array<i32>} : memref<128x64xf32, #tpu.memory_space<vmem>>, vector<16xf32>,
      %sub3A_626 = arith.subf %get3A_597, %get3A_625 : vector<16xf32>
      %mul3A_627 = arith.mulf %sub3A_622, %sub3A_622 : vector<16xf32>
      %mul3A_628 = arith.mulf %sub3A_626, %sub3A_626 : vector<16xf32>
      %sub3A_629 = arith.subf %mul3A_627, %mul3A_628 : vector<16xf32>
      %add3A_630 = arith.addf %add3A_594, %sub3A_629 : vector<16xf32>
      %and3A = arith.constant 15 : i32
      %and3A_631 = arith.andi %scan3A_482, %and3A : i32
      %broadcast_in_dim3A_632 = vector.broadcast %and3A_631 : i32 to vector<16xi32>
      tpu.vector_store_idx %arg28[%iota3A, %broadcast_in_dim3A_632], %add3A_606 : memref<16x16xf32, #tpu.memory_space<vmem>>[vector<16xi32>, vector<16xi32>], vector<16xf32>,
      tpu.vector_store_idx %arg29[%iota3A, %broadcast_in_dim3A_632], %add3A_618 : memref<16x16xf32, #tpu.memory_space<vmem>>[vector<16xi32>, vector<16xi32>], vector<16xf32>,
      tpu.vector_store_idx %arg30[%iota3A, %broadcast_in_dim3A_632], %add3A_630 : memref<16x16xf32, #tpu.memory_space<vmem>>[vector<16xi32>, vector<16xi32>], vector<16xf32>,
      %eq3A = arith.constant 15 : i32
      %eq3A_633 = arith.cmpi eq, %and3A_631, %eq3A : i32
      %convert_element_type3A = arith.extui %eq3A_633 : i1 to i32
      %cond3A = arith.constant 0 : i32
      %cond3A_634 = arith.cmpi ne, %convert_element_type3A, %cond3A : i32
      scf.if %cond3A_634 {
        %add3A_797 = arith.constant 256 : i32
        %add3A_798 = arith.addi %add3A_797, %scan3A_482 : i32
        %sub3A_799 = arith.constant 15 : i32
        %sub3A_800 = arith.subi %add3A_798, %sub3A_799 : i32
        %get3A_801 = arith.constant 0 : i32
        %get3A_802 = arith.index_cast %get3A_801 : i32 to index
        %get3A_803 = arith.constant 0 : index
        %get3A_804 = tpu.vector_load %arg28[%get3A_802, %get3A_803] {strides = array<i32>} : memref<16x16xf32, #tpu.memory_space<vmem>>, vector<16xf32>,
        %get3A_805 = arith.constant 1 : i32
        %get3A_806 = arith.index_cast %get3A_805 : i32 to index
        %get3A_807 = arith.constant 0 : index
        %get3A_808 = tpu.vector_load %arg28[%get3A_806, %get3A_807] {strides = array<i32>} : memref<16x16xf32, #tpu.memory_space<vmem>>, vector<16xf32>,
        %get3A_809 = arith.constant 2 : i32
        %get3A_810 = arith.index_cast %get3A_809 : i32 to index
        %get3A_811 = arith.constant 0 : index
        %get3A_812 = tpu.vector_load %arg28[%get3A_810, %get3A_811] {strides = array<i32>} : memref<16x16xf32, #tpu.memory_space<vmem>>, vector<16xf32>,
        %get3A_813 = arith.constant 3 : i32
        %get3A_814 = arith.index_cast %get3A_813 : i32 to index
        %get3A_815 = arith.constant 0 : index
        %get3A_816 = tpu.vector_load %arg28[%get3A_814, %get3A_815] {strides = array<i32>} : memref<16x16xf32, #tpu.memory_space<vmem>>, vector<16xf32>,
        %get3A_817 = arith.constant 4 : i32
        %get3A_818 = arith.index_cast %get3A_817 : i32 to index
        %get3A_819 = arith.constant 0 : index
        %get3A_820 = tpu.vector_load %arg28[%get3A_818, %get3A_819] {strides = array<i32>} : memref<16x16xf32, #tpu.memory_space<vmem>>, vector<16xf32>,
        %get3A_821 = arith.constant 5 : i32
        %get3A_822 = arith.index_cast %get3A_821 : i32 to index
        %get3A_823 = arith.constant 0 : index
        %get3A_824 = tpu.vector_load %arg28[%get3A_822, %get3A_823] {strides = array<i32>} : memref<16x16xf32, #tpu.memory_space<vmem>>, vector<16xf32>,
        %get3A_825 = arith.constant 6 : i32
        %get3A_826 = arith.index_cast %get3A_825 : i32 to index
        %get3A_827 = arith.constant 0 : index
        %get3A_828 = tpu.vector_load %arg28[%get3A_826, %get3A_827] {strides = array<i32>} : memref<16x16xf32, #tpu.memory_space<vmem>>, vector<16xf32>,
        %get3A_829 = arith.constant 7 : i32
        %get3A_830 = arith.index_cast %get3A_829 : i32 to index
        %get3A_831 = arith.constant 0 : index
        %get3A_832 = tpu.vector_load %arg28[%get3A_830, %get3A_831] {strides = array<i32>} : memref<16x16xf32, #tpu.memory_space<vmem>>, vector<16xf32>,
        %get3A_833 = arith.constant 8 : i32
        %get3A_834 = arith.index_cast %get3A_833 : i32 to index
        %get3A_835 = arith.constant 0 : index
        %get3A_836 = tpu.vector_load %arg28[%get3A_834, %get3A_835] {strides = array<i32>} : memref<16x16xf32, #tpu.memory_space<vmem>>, vector<16xf32>,
        %get3A_837 = arith.constant 9 : i32
        %get3A_838 = arith.index_cast %get3A_837 : i32 to index
        %get3A_839 = arith.constant 0 : index
        %get3A_840 = tpu.vector_load %arg28[%get3A_838, %get3A_839] {strides = array<i32>} : memref<16x16xf32, #tpu.memory_space<vmem>>, vector<16xf32>,
        %get3A_841 = arith.constant 10 : i32
        %get3A_842 = arith.index_cast %get3A_841 : i32 to index
        %get3A_843 = arith.constant 0 : index
        %get3A_844 = tpu.vector_load %arg28[%get3A_842, %get3A_843] {strides = array<i32>} : memref<16x16xf32, #tpu.memory_space<vmem>>, vector<16xf32>,
        %get3A_845 = arith.constant 11 : i32
        %get3A_846 = arith.index_cast %get3A_845 : i32 to index
        %get3A_847 = arith.constant 0 : index
        %get3A_848 = tpu.vector_load %arg28[%get3A_846, %get3A_847] {strides = array<i32>} : memref<16x16xf32, #tpu.memory_space<vmem>>, vector<16xf32>,
        %get3A_849 = arith.constant 12 : i32
        %get3A_850 = arith.index_cast %get3A_849 : i32 to index
        %get3A_851 = arith.constant 0 : index
        %get3A_852 = tpu.vector_load %arg28[%get3A_850, %get3A_851] {strides = array<i32>} : memref<16x16xf32, #tpu.memory_space<vmem>>, vector<16xf32>,
        %get3A_853 = arith.constant 13 : i32
        %get3A_854 = arith.index_cast %get3A_853 : i32 to index
        %get3A_855 = arith.constant 0 : index
        %get3A_856 = tpu.vector_load %arg28[%get3A_854, %get3A_855] {strides = array<i32>} : memref<16x16xf32, #tpu.memory_space<vmem>>, vector<16xf32>,
        %get3A_857 = arith.constant 14 : i32
        %get3A_858 = arith.index_cast %get3A_857 : i32 to index
        %get3A_859 = arith.constant 0 : index
        %get3A_860 = tpu.vector_load %arg28[%get3A_858, %get3A_859] {strides = array<i32>} : memref<16x16xf32, #tpu.memory_space<vmem>>, vector<16xf32>,
        %get3A_861 = arith.constant 15 : i32
        %get3A_862 = arith.index_cast %get3A_861 : i32 to index
        %get3A_863 = arith.constant 0 : index
        %get3A_864 = tpu.vector_load %arg28[%get3A_862, %get3A_863] {strides = array<i32>} : memref<16x16xf32, #tpu.memory_space<vmem>>, vector<16xf32>,
        %add3A_865 = arith.addf %get3A_804, %get3A_808 : vector<16xf32>
        %add3A_866 = arith.addf %get3A_812, %get3A_816 : vector<16xf32>
        %add3A_867 = arith.addf %get3A_820, %get3A_824 : vector<16xf32>
        %add3A_868 = arith.addf %get3A_828, %get3A_832 : vector<16xf32>
        %add3A_869 = arith.addf %get3A_836, %get3A_840 : vector<16xf32>
        %add3A_870 = arith.addf %get3A_844, %get3A_848 : vector<16xf32>
        %add3A_871 = arith.addf %get3A_852, %get3A_856 : vector<16xf32>
        %add3A_872 = arith.addf %get3A_860, %get3A_864 : vector<16xf32>
        %add3A_873 = arith.addf %add3A_865, %add3A_866 : vector<16xf32>
        %add3A_874 = arith.addf %add3A_867, %add3A_868 : vector<16xf32>
        %add3A_875 = arith.addf %add3A_869, %add3A_870 : vector<16xf32>
        %add3A_876 = arith.addf %add3A_871, %add3A_872 : vector<16xf32>
        %add3A_877 = arith.addf %add3A_873, %add3A_874 : vector<16xf32>
        %add3A_878 = arith.addf %add3A_875, %add3A_876 : vector<16xf32>
        %add3A_879 = arith.addf %add3A_877, %add3A_878 : vector<16xf32>
        %swap3A = arith.index_cast %sub3A_800 : i32 to index
        %swap3A_880 = tpu.vector_load %arg31[%swap3A] {strides = array<i32>} : memref<512xf32, #tpu.memory_space<vmem>>, vector<16xf32>,
        tpu.vector_store %arg31[%swap3A], %add3A_879 {strides = array<i32>} : memref<512xf32, #tpu.memory_space<vmem>>, vector<16xf32>,
        %get3A_881 = arith.constant 0 : i32
        %get3A_882 = arith.index_cast %get3A_881 : i32 to index
        %get3A_883 = arith.constant 0 : index
        %get3A_884 = tpu.vector_load %arg29[%get3A_882, %get3A_883] {strides = array<i32>} : memref<16x16xf32, #tpu.memory_space<vmem>>, vector<16xf32>,
        %get3A_885 = arith.constant 1 : i32
        %get3A_886 = arith.index_cast %get3A_885 : i32 to index
        %get3A_887 = arith.constant 0 : index
        %get3A_888 = tpu.vector_load %arg29[%get3A_886, %get3A_887] {strides = array<i32>} : memref<16x16xf32, #tpu.memory_space<vmem>>, vector<16xf32>,
        %get3A_889 = arith.constant 2 : i32
        %get3A_890 = arith.index_cast %get3A_889 : i32 to index
        %get3A_891 = arith.constant 0 : index
        %get3A_892 = tpu.vector_load %arg29[%get3A_890, %get3A_891] {strides = array<i32>} : memref<16x16xf32, #tpu.memory_space<vmem>>, vector<16xf32>,
        %get3A_893 = arith.constant 3 : i32
        %get3A_894 = arith.index_cast %get3A_893 : i32 to index
        %get3A_895 = arith.constant 0 : index
        %get3A_896 = tpu.vector_load %arg29[%get3A_894, %get3A_895] {strides = array<i32>} : memref<16x16xf32, #tpu.memory_space<vmem>>, vector<16xf32>,
        %get3A_897 = arith.constant 4 : i32
        %get3A_898 = arith.index_cast %get3A_897 : i32 to index
        %get3A_899 = arith.constant 0 : index
        %get3A_900 = tpu.vector_load %arg29[%get3A_898, %get3A_899] {strides = array<i32>} : memref<16x16xf32, #tpu.memory_space<vmem>>, vector<16xf32>,
        %get3A_901 = arith.constant 5 : i32
        %get3A_902 = arith.index_cast %get3A_901 : i32 to index
        %get3A_903 = arith.constant 0 : index
        %get3A_904 = tpu.vector_load %arg29[%get3A_902, %get3A_903] {strides = array<i32>} : memref<16x16xf32, #tpu.memory_space<vmem>>, vector<16xf32>,
        %get3A_905 = arith.constant 6 : i32
        %get3A_906 = arith.index_cast %get3A_905 : i32 to index
        %get3A_907 = arith.constant 0 : index
        %get3A_908 = tpu.vector_load %arg29[%get3A_906, %get3A_907] {strides = array<i32>} : memref<16x16xf32, #tpu.memory_space<vmem>>, vector<16xf32>,
        %get3A_909 = arith.constant 7 : i32
        %get3A_910 = arith.index_cast %get3A_909 : i32 to index
        %get3A_911 = arith.constant 0 : index
        %get3A_912 = tpu.vector_load %arg29[%get3A_910, %get3A_911] {strides = array<i32>} : memref<16x16xf32, #tpu.memory_space<vmem>>, vector<16xf32>,
        %get3A_913 = arith.constant 8 : i32
        %get3A_914 = arith.index_cast %get3A_913 : i32 to index
        %get3A_915 = arith.constant 0 : index
        %get3A_916 = tpu.vector_load %arg29[%get3A_914, %get3A_915] {strides = array<i32>} : memref<16x16xf32, #tpu.memory_space<vmem>>, vector<16xf32>,
        %get3A_917 = arith.constant 9 : i32
        %get3A_918 = arith.index_cast %get3A_917 : i32 to index
        %get3A_919 = arith.constant 0 : index
        %get3A_920 = tpu.vector_load %arg29[%get3A_918, %get3A_919] {strides = array<i32>} : memref<16x16xf32, #tpu.memory_space<vmem>>, vector<16xf32>,
        %get3A_921 = arith.constant 10 : i32
        %get3A_922 = arith.index_cast %get3A_921 : i32 to index
        %get3A_923 = arith.constant 0 : index
        %get3A_924 = tpu.vector_load %arg29[%get3A_922, %get3A_923] {strides = array<i32>} : memref<16x16xf32, #tpu.memory_space<vmem>>, vector<16xf32>,
        %get3A_925 = arith.constant 11 : i32
        %get3A_926 = arith.index_cast %get3A_925 : i32 to index
        %get3A_927 = arith.constant 0 : index
        %get3A_928 = tpu.vector_load %arg29[%get3A_926, %get3A_927] {strides = array<i32>} : memref<16x16xf32, #tpu.memory_space<vmem>>, vector<16xf32>,
        %get3A_929 = arith.constant 12 : i32
        %get3A_930 = arith.index_cast %get3A_929 : i32 to index
        %get3A_931 = arith.constant 0 : index
        %get3A_932 = tpu.vector_load %arg29[%get3A_930, %get3A_931] {strides = array<i32>} : memref<16x16xf32, #tpu.memory_space<vmem>>, vector<16xf32>,
        %get3A_933 = arith.constant 13 : i32
        %get3A_934 = arith.index_cast %get3A_933 : i32 to index
        %get3A_935 = arith.constant 0 : index
        %get3A_936 = tpu.vector_load %arg29[%get3A_934, %get3A_935] {strides = array<i32>} : memref<16x16xf32, #tpu.memory_space<vmem>>, vector<16xf32>,
        %get3A_937 = arith.constant 14 : i32
        %get3A_938 = arith.index_cast %get3A_937 : i32 to index
        %get3A_939 = arith.constant 0 : index
        %get3A_940 = tpu.vector_load %arg29[%get3A_938, %get3A_939] {strides = array<i32>} : memref<16x16xf32, #tpu.memory_space<vmem>>, vector<16xf32>,
        %get3A_941 = arith.constant 15 : i32
        %get3A_942 = arith.index_cast %get3A_941 : i32 to index
        %get3A_943 = arith.constant 0 : index
        %get3A_944 = tpu.vector_load %arg29[%get3A_942, %get3A_943] {strides = array<i32>} : memref<16x16xf32, #tpu.memory_space<vmem>>, vector<16xf32>,
        %add3A_945 = arith.addf %get3A_884, %get3A_888 : vector<16xf32>
        %add3A_946 = arith.addf %get3A_892, %get3A_896 : vector<16xf32>
        %add3A_947 = arith.addf %get3A_900, %get3A_904 : vector<16xf32>
        %add3A_948 = arith.addf %get3A_908, %get3A_912 : vector<16xf32>
        %add3A_949 = arith.addf %get3A_916, %get3A_920 : vector<16xf32>
        %add3A_950 = arith.addf %get3A_924, %get3A_928 : vector<16xf32>
        %add3A_951 = arith.addf %get3A_932, %get3A_936 : vector<16xf32>
        %add3A_952 = arith.addf %get3A_940, %get3A_944 : vector<16xf32>
        %add3A_953 = arith.addf %add3A_945, %add3A_946 : vector<16xf32>
        %add3A_954 = arith.addf %add3A_947, %add3A_948 : vector<16xf32>
        %add3A_955 = arith.addf %add3A_949, %add3A_950 : vector<16xf32>
        %add3A_956 = arith.addf %add3A_951, %add3A_952 : vector<16xf32>
        %add3A_957 = arith.addf %add3A_953, %add3A_954 : vector<16xf32>
        %add3A_958 = arith.addf %add3A_955, %add3A_956 : vector<16xf32>
        %add3A_959 = arith.addf %add3A_957, %add3A_958 : vector<16xf32>
        %swap3A_960 = arith.index_cast %sub3A_800 : i32 to index
        %swap3A_961 = tpu.vector_load %arg32[%swap3A_960] {strides = array<i32>} : memref<512xf32, #tpu.memory_space<vmem>>, vector<16xf32>,
        tpu.vector_store %arg32[%swap3A_960], %add3A_959 {strides = array<i32>} : memref<512xf32, #tpu.memory_space<vmem>>, vector<16xf32>,
        %get3A_962 = arith.constant 0 : i32
        %get3A_963 = arith.index_cast %get3A_962 : i32 to index
        %get3A_964 = arith.constant 0 : index
        %get3A_965 = tpu.vector_load %arg30[%get3A_963, %get3A_964] {strides = array<i32>} : memref<16x16xf32, #tpu.memory_space<vmem>>, vector<16xf32>,
        %get3A_966 = arith.constant 1 : i32
        %get3A_967 = arith.index_cast %get3A_966 : i32 to index
        %get3A_968 = arith.constant 0 : index
        %get3A_969 = tpu.vector_load %arg30[%get3A_967, %get3A_968] {strides = array<i32>} : memref<16x16xf32, #tpu.memory_space<vmem>>, vector<16xf32>,
        %get3A_970 = arith.constant 2 : i32
        %get3A_971 = arith.index_cast %get3A_970 : i32 to index
        %get3A_972 = arith.constant 0 : index
        %get3A_973 = tpu.vector_load %arg30[%get3A_971, %get3A_972] {strides = array<i32>} : memref<16x16xf32, #tpu.memory_space<vmem>>, vector<16xf32>,
        %get3A_974 = arith.constant 3 : i32
        %get3A_975 = arith.index_cast %get3A_974 : i32 to index
        %get3A_976 = arith.constant 0 : index
        %get3A_977 = tpu.vector_load %arg30[%get3A_975, %get3A_976] {strides = array<i32>} : memref<16x16xf32, #tpu.memory_space<vmem>>, vector<16xf32>,
        %get3A_978 = arith.constant 4 : i32
        %get3A_979 = arith.index_cast %get3A_978 : i32 to index
        %get3A_980 = arith.constant 0 : index
        %get3A_981 = tpu.vector_load %arg30[%get3A_979, %get3A_980] {strides = array<i32>} : memref<16x16xf32, #tpu.memory_space<vmem>>, vector<16xf32>,
        %get3A_982 = arith.constant 5 : i32
        %get3A_983 = arith.index_cast %get3A_982 : i32 to index
        %get3A_984 = arith.constant 0 : index
        %get3A_985 = tpu.vector_load %arg30[%get3A_983, %get3A_984] {strides = array<i32>} : memref<16x16xf32, #tpu.memory_space<vmem>>, vector<16xf32>,
        %get3A_986 = arith.constant 6 : i32
        %get3A_987 = arith.index_cast %get3A_986 : i32 to index
        %get3A_988 = arith.constant 0 : index
        %get3A_989 = tpu.vector_load %arg30[%get3A_987, %get3A_988] {strides = array<i32>} : memref<16x16xf32, #tpu.memory_space<vmem>>, vector<16xf32>,
        %get3A_990 = arith.constant 7 : i32
        %get3A_991 = arith.index_cast %get3A_990 : i32 to index
        %get3A_992 = arith.constant 0 : index
        %get3A_993 = tpu.vector_load %arg30[%get3A_991, %get3A_992] {strides = array<i32>} : memref<16x16xf32, #tpu.memory_space<vmem>>, vector<16xf32>,
        %get3A_994 = arith.constant 8 : i32
        %get3A_995 = arith.index_cast %get3A_994 : i32 to index
        %get3A_996 = arith.constant 0 : index
        %get3A_997 = tpu.vector_load %arg30[%get3A_995, %get3A_996] {strides = array<i32>} : memref<16x16xf32, #tpu.memory_space<vmem>>, vector<16xf32>,
        %get3A_998 = arith.constant 9 : i32
        %get3A_999 = arith.index_cast %get3A_998 : i32 to index
        %get3A_1000 = arith.constant 0 : index
        %get3A_1001 = tpu.vector_load %arg30[%get3A_999, %get3A_1000] {strides = array<i32>} : memref<16x16xf32, #tpu.memory_space<vmem>>, vector<16xf32>,
        %get3A_1002 = arith.constant 10 : i32
        %get3A_1003 = arith.index_cast %get3A_1002 : i32 to index
        %get3A_1004 = arith.constant 0 : index
        %get3A_1005 = tpu.vector_load %arg30[%get3A_1003, %get3A_1004] {strides = array<i32>} : memref<16x16xf32, #tpu.memory_space<vmem>>, vector<16xf32>,
        %get3A_1006 = arith.constant 11 : i32
        %get3A_1007 = arith.index_cast %get3A_1006 : i32 to index
        %get3A_1008 = arith.constant 0 : index
        %get3A_1009 = tpu.vector_load %arg30[%get3A_1007, %get3A_1008] {strides = array<i32>} : memref<16x16xf32, #tpu.memory_space<vmem>>, vector<16xf32>,
        %get3A_1010 = arith.constant 12 : i32
        %get3A_1011 = arith.index_cast %get3A_1010 : i32 to index
        %get3A_1012 = arith.constant 0 : index
        %get3A_1013 = tpu.vector_load %arg30[%get3A_1011, %get3A_1012] {strides = array<i32>} : memref<16x16xf32, #tpu.memory_space<vmem>>, vector<16xf32>,
        %get3A_1014 = arith.constant 13 : i32
        %get3A_1015 = arith.index_cast %get3A_1014 : i32 to index
        %get3A_1016 = arith.constant 0 : index
        %get3A_1017 = tpu.vector_load %arg30[%get3A_1015, %get3A_1016] {strides = array<i32>} : memref<16x16xf32, #tpu.memory_space<vmem>>, vector<16xf32>,
        %get3A_1018 = arith.constant 14 : i32
        %get3A_1019 = arith.index_cast %get3A_1018 : i32 to index
        %get3A_1020 = arith.constant 0 : index
        %get3A_1021 = tpu.vector_load %arg30[%get3A_1019, %get3A_1020] {strides = array<i32>} : memref<16x16xf32, #tpu.memory_space<vmem>>, vector<16xf32>,
        %get3A_1022 = arith.constant 15 : i32
        %get3A_1023 = arith.index_cast %get3A_1022 : i32 to index
        %get3A_1024 = arith.constant 0 : index
        %get3A_1025 = tpu.vector_load %arg30[%get3A_1023, %get3A_1024] {strides = array<i32>} : memref<16x16xf32, #tpu.memory_space<vmem>>, vector<16xf32>,
        %add3A_1026 = arith.addf %get3A_965, %get3A_969 : vector<16xf32>
        %add3A_1027 = arith.addf %get3A_973, %get3A_977 : vector<16xf32>
        %add3A_1028 = arith.addf %get3A_981, %get3A_985 : vector<16xf32>
        %add3A_1029 = arith.addf %get3A_989, %get3A_993 : vector<16xf32>
        %add3A_1030 = arith.addf %get3A_997, %get3A_1001 : vector<16xf32>
        %add3A_1031 = arith.addf %get3A_1005, %get3A_1009 : vector<16xf32>
        %add3A_1032 = arith.addf %get3A_1013, %get3A_1017 : vector<16xf32>
        %add3A_1033 = arith.addf %get3A_1021, %get3A_1025 : vector<16xf32>
        %add3A_1034 = arith.addf %add3A_1026, %add3A_1027 : vector<16xf32>
        %add3A_1035 = arith.addf %add3A_1028, %add3A_1029 : vector<16xf32>
        %add3A_1036 = arith.addf %add3A_1030, %add3A_1031 : vector<16xf32>
        %add3A_1037 = arith.addf %add3A_1032, %add3A_1033 : vector<16xf32>
        %add3A_1038 = arith.addf %add3A_1034, %add3A_1035 : vector<16xf32>
        %add3A_1039 = arith.addf %add3A_1036, %add3A_1037 : vector<16xf32>
        %add3A_1040 = arith.addf %add3A_1038, %add3A_1039 : vector<16xf32>
        %swap3A_1041 = arith.index_cast %sub3A_800 : i32 to index
        %swap3A_1042 = tpu.vector_load %arg33[%swap3A_1041] {strides = array<i32>} : memref<512xf32, #tpu.memory_space<vmem>>, vector<16xf32>,
        tpu.vector_store %arg33[%swap3A_1041], %add3A_1040 {strides = array<i32>} : memref<512xf32, #tpu.memory_space<vmem>>, vector<16xf32>,
      } else {
      }
      %scan3A_635 = arith.constant 0 : i32
      %scan3A_636 = arith.constant 1 : i32
      %scan3A_637 = arith.addi %scan3A_482, %scan3A_636 : i32
      %broadcast_in_dim3A_638 = arith.constant 0.000000e+00 : f32
      %broadcast_in_dim3A_639 = vector.broadcast %broadcast_in_dim3A_638 : f32 to vector<16xf32>
      %broadcast_in_dim3A_640 = arith.constant 0.000000e+00 : f32
      %broadcast_in_dim3A_641 = vector.broadcast %broadcast_in_dim3A_640 : f32 to vector<16xf32>
      %broadcast_in_dim3A_642 = arith.constant 0.000000e+00 : f32
      %broadcast_in_dim3A_643 = vector.broadcast %broadcast_in_dim3A_642 : f32 to vector<16xf32>
      %get3A_644 = arith.index_cast %scan3A_637 : i32 to index
      %get3A_645 = arith.constant 0 : index
      %get3A_646 = tpu.vector_load %arg14[%get3A_644, %get3A_645] {strides = array<i32>} : memref<128x64xf32, #tpu.memory_space<vmem>>, vector<16xf32>,
      %get3A_647 = arith.index_cast %scan3A_637 : i32 to index
      %get3A_648 = arith.constant 0 : index
      %get3A_649 = tpu.vector_load %arg15[%get3A_647, %get3A_648] {strides = array<i32>} : memref<128x64xf32, #tpu.memory_space<vmem>>, vector<16xf32>,
      %get3A_650 = arith.index_cast %scan3A_637 : i32 to index
      %get3A_651 = arith.constant 0 : index
      %get3A_652 = tpu.vector_load %arg16[%get3A_650, %get3A_651] {strides = array<i32>} : memref<128x64xf32, #tpu.memory_space<vmem>>, vector<16xf32>,
      %sub3A_653 = arith.subf %get3A_649, %get3A_652 : vector<16xf32>
      %mul3A_654 = arith.mulf %get3A_646, %sub3A_653 : vector<16xf32>
      %add3A_655 = arith.addf %broadcast_in_dim3A_639, %mul3A_654 : vector<16xf32>
      %get3A_656 = arith.index_cast %scan3A_637 : i32 to index
      %get3A_657 = arith.constant 0 : index
      %get3A_658 = tpu.vector_load %arg17[%get3A_656, %get3A_657] {strides = array<i32>} : memref<128x64xf32, #tpu.memory_space<vmem>>, vector<16xf32>,
      %sub3A_659 = arith.subf %get3A_649, %get3A_658 : vector<16xf32>
      %get3A_660 = arith.index_cast %scan3A_637 : i32 to index
      %get3A_661 = arith.constant 0 : index
      %get3A_662 = tpu.vector_load %arg18[%get3A_660, %get3A_661] {strides = array<i32>} : memref<128x64xf32, #tpu.memory_space<vmem>>, vector<16xf32>,
      %sub3A_663 = arith.subf %get3A_649, %get3A_662 : vector<16xf32>
      %mul3A_664 = arith.mulf %sub3A_659, %sub3A_659 : vector<16xf32>
      %mul3A_665 = arith.mulf %sub3A_663, %sub3A_663 : vector<16xf32>
      %sub3A_666 = arith.subf %mul3A_664, %mul3A_665 : vector<16xf32>
      %add3A_667 = arith.addf %broadcast_in_dim3A_641, %sub3A_666 : vector<16xf32>
      %get3A_668 = arith.index_cast %scan3A_637 : i32 to index
      %get3A_669 = arith.constant 0 : index
      %get3A_670 = tpu.vector_load %arg19[%get3A_668, %get3A_669] {strides = array<i32>} : memref<128x64xf32, #tpu.memory_space<vmem>>, vector<16xf32>,
      %sub3A_671 = arith.subf %get3A_646, %get3A_670 : vector<16xf32>
      %get3A_672 = arith.index_cast %scan3A_637 : i32 to index
      %get3A_673 = arith.constant 0 : index
      %get3A_674 = tpu.vector_load %arg20[%get3A_672, %get3A_673] {strides = array<i32>} : memref<128x64xf32, #tpu.memory_space<vmem>>, vector<16xf32>,
      %sub3A_675 = arith.subf %get3A_646, %get3A_674 : vector<16xf32>
      %mul3A_676 = arith.mulf %sub3A_671, %sub3A_671 : vector<16xf32>
      %mul3A_677 = arith.mulf %sub3A_675, %sub3A_675 : vector<16xf32>
      %sub3A_678 = arith.subf %mul3A_676, %mul3A_677 : vector<16xf32>
      %add3A_679 = arith.addf %broadcast_in_dim3A_643, %sub3A_678 : vector<16xf32>
      %get3A_680 = arith.index_cast %scan3A_637 : i32 to index
      %get3A_681 = arith.constant 16 : index
      %get3A_682 = tpu.vector_load %arg14[%get3A_680, %get3A_681] {strides = array<i32>} : memref<128x64xf32, #tpu.memory_space<vmem>>, vector<16xf32>,
      %get3A_683 = arith.index_cast %scan3A_637 : i32 to index
      %get3A_684 = arith.constant 16 : index
      %get3A_685 = tpu.vector_load %arg15[%get3A_683, %get3A_684] {strides = array<i32>} : memref<128x64xf32, #tpu.memory_space<vmem>>, vector<16xf32>,
      %get3A_686 = arith.index_cast %scan3A_637 : i32 to index
      %get3A_687 = arith.constant 16 : index
      %get3A_688 = tpu.vector_load %arg16[%get3A_686, %get3A_687] {strides = array<i32>} : memref<128x64xf32, #tpu.memory_space<vmem>>, vector<16xf32>,
      %sub3A_689 = arith.subf %get3A_685, %get3A_688 : vector<16xf32>
      %mul3A_690 = arith.mulf %get3A_682, %sub3A_689 : vector<16xf32>
      %add3A_691 = arith.addf %add3A_655, %mul3A_690 : vector<16xf32>
      %get3A_692 = arith.index_cast %scan3A_637 : i32 to index
      %get3A_693 = arith.constant 16 : index
      %get3A_694 = tpu.vector_load %arg17[%get3A_692, %get3A_693] {strides = array<i32>} : memref<128x64xf32, #tpu.memory_space<vmem>>, vector<16xf32>,
      %sub3A_695 = arith.subf %get3A_685, %get3A_694 : vector<16xf32>
      %get3A_696 = arith.index_cast %scan3A_637 : i32 to index
      %get3A_697 = arith.constant 16 : index
      %get3A_698 = tpu.vector_load %arg18[%get3A_696, %get3A_697] {strides = array<i32>} : memref<128x64xf32, #tpu.memory_space<vmem>>, vector<16xf32>,
      %sub3A_699 = arith.subf %get3A_685, %get3A_698 : vector<16xf32>
      %mul3A_700 = arith.mulf %sub3A_695, %sub3A_695 : vector<16xf32>
      %mul3A_701 = arith.mulf %sub3A_699, %sub3A_699 : vector<16xf32>
      %sub3A_702 = arith.subf %mul3A_700, %mul3A_701 : vector<16xf32>
      %add3A_703 = arith.addf %add3A_667, %sub3A_702 : vector<16xf32>
      %get3A_704 = arith.index_cast %scan3A_637 : i32 to index
      %get3A_705 = arith.constant 16 : index
      %get3A_706 = tpu.vector_load %arg19[%get3A_704, %get3A_705] {strides = array<i32>} : memref<128x64xf32, #tpu.memory_space<vmem>>, vector<16xf32>,
      %sub3A_707 = arith.subf %get3A_682, %get3A_706 : vector<16xf32>
      %get3A_708 = arith.index_cast %scan3A_637 : i32 to index
      %get3A_709 = arith.constant 16 : index
      %get3A_710 = tpu.vector_load %arg20[%get3A_708, %get3A_709] {strides = array<i32>} : memref<128x64xf32, #tpu.memory_space<vmem>>, vector<16xf32>,
      %sub3A_711 = arith.subf %get3A_682, %get3A_710 : vector<16xf32>
      %mul3A_712 = arith.mulf %sub3A_707, %sub3A_707 : vector<16xf32>
      %mul3A_713 = arith.mulf %sub3A_711, %sub3A_711 : vector<16xf32>
      %sub3A_714 = arith.subf %mul3A_712, %mul3A_713 : vector<16xf32>
      %add3A_715 = arith.addf %add3A_679, %sub3A_714 : vector<16xf32>
      %get3A_716 = arith.index_cast %scan3A_637 : i32 to index
      %get3A_717 = arith.constant 32 : index
      %get3A_718 = tpu.vector_load %arg14[%get3A_716, %get3A_717] {strides = array<i32>} : memref<128x64xf32, #tpu.memory_space<vmem>>, vector<16xf32>,
      %get3A_719 = arith.index_cast %scan3A_637 : i32 to index
      %get3A_720 = arith.constant 32 : index
      %get3A_721 = tpu.vector_load %arg15[%get3A_719, %get3A_720] {strides = array<i32>} : memref<128x64xf32, #tpu.memory_space<vmem>>, vector<16xf32>,
      %get3A_722 = arith.index_cast %scan3A_637 : i32 to index
      %get3A_723 = arith.constant 32 : index
      %get3A_724 = tpu.vector_load %arg16[%get3A_722, %get3A_723] {strides = array<i32>} : memref<128x64xf32, #tpu.memory_space<vmem>>, vector<16xf32>,
      %sub3A_725 = arith.subf %get3A_721, %get3A_724 : vector<16xf32>
      %mul3A_726 = arith.mulf %get3A_718, %sub3A_725 : vector<16xf32>
      %add3A_727 = arith.addf %add3A_691, %mul3A_726 : vector<16xf32>
      %get3A_728 = arith.index_cast %scan3A_637 : i32 to index
      %get3A_729 = arith.constant 32 : index
      %get3A_730 = tpu.vector_load %arg17[%get3A_728, %get3A_729] {strides = array<i32>} : memref<128x64xf32, #tpu.memory_space<vmem>>, vector<16xf32>,
      %sub3A_731 = arith.subf %get3A_721, %get3A_730 : vector<16xf32>
      %get3A_732 = arith.index_cast %scan3A_637 : i32 to index
      %get3A_733 = arith.constant 32 : index
      %get3A_734 = tpu.vector_load %arg18[%get3A_732, %get3A_733] {strides = array<i32>} : memref<128x64xf32, #tpu.memory_space<vmem>>, vector<16xf32>,
      %sub3A_735 = arith.subf %get3A_721, %get3A_734 : vector<16xf32>
      %mul3A_736 = arith.mulf %sub3A_731, %sub3A_731 : vector<16xf32>
      %mul3A_737 = arith.mulf %sub3A_735, %sub3A_735 : vector<16xf32>
      %sub3A_738 = arith.subf %mul3A_736, %mul3A_737 : vector<16xf32>
      %add3A_739 = arith.addf %add3A_703, %sub3A_738 : vector<16xf32>
      %get3A_740 = arith.index_cast %scan3A_637 : i32 to index
      %get3A_741 = arith.constant 32 : index
      %get3A_742 = tpu.vector_load %arg19[%get3A_740, %get3A_741] {strides = array<i32>} : memref<128x64xf32, #tpu.memory_space<vmem>>, vector<16xf32>,
      %sub3A_743 = arith.subf %get3A_718, %get3A_742 : vector<16xf32>
      %get3A_744 = arith.index_cast %scan3A_637 : i32 to index
      %get3A_745 = arith.constant 32 : index
      %get3A_746 = tpu.vector_load %arg20[%get3A_744, %get3A_745] {strides = array<i32>} : memref<128x64xf32, #tpu.memory_space<vmem>>, vector<16xf32>,
      %sub3A_747 = arith.subf %get3A_718, %get3A_746 : vector<16xf32>
      %mul3A_748 = arith.mulf %sub3A_743, %sub3A_743 : vector<16xf32>
      %mul3A_749 = arith.mulf %sub3A_747, %sub3A_747 : vector<16xf32>
      %sub3A_750 = arith.subf %mul3A_748, %mul3A_749 : vector<16xf32>
      %add3A_751 = arith.addf %add3A_715, %sub3A_750 : vector<16xf32>
      %get3A_752 = arith.index_cast %scan3A_637 : i32 to index
      %get3A_753 = arith.constant 48 : index
      %get3A_754 = tpu.vector_load %arg14[%get3A_752, %get3A_753] {strides = array<i32>} : memref<128x64xf32, #tpu.memory_space<vmem>>, vector<16xf32>,
      %get3A_755 = arith.index_cast %scan3A_637 : i32 to index
      %get3A_756 = arith.constant 48 : index
      %get3A_757 = tpu.vector_load %arg15[%get3A_755, %get3A_756] {strides = array<i32>} : memref<128x64xf32, #tpu.memory_space<vmem>>, vector<16xf32>,
      %get3A_758 = arith.index_cast %scan3A_637 : i32 to index
      %get3A_759 = arith.constant 48 : index
      %get3A_760 = tpu.vector_load %arg16[%get3A_758, %get3A_759] {strides = array<i32>} : memref<128x64xf32, #tpu.memory_space<vmem>>, vector<16xf32>,
      %sub3A_761 = arith.subf %get3A_757, %get3A_760 : vector<16xf32>
      %mul3A_762 = arith.mulf %get3A_754, %sub3A_761 : vector<16xf32>
      %add3A_763 = arith.addf %add3A_727, %mul3A_762 : vector<16xf32>
      %get3A_764 = arith.index_cast %scan3A_637 : i32 to index
      %get3A_765 = arith.constant 48 : index
      %get3A_766 = tpu.vector_load %arg17[%get3A_764, %get3A_765] {strides = array<i32>} : memref<128x64xf32, #tpu.memory_space<vmem>>, vector<16xf32>,
      %sub3A_767 = arith.subf %get3A_757, %get3A_766 : vector<16xf32>
      %get3A_768 = arith.index_cast %scan3A_637 : i32 to index
      %get3A_769 = arith.constant 48 : index
      %get3A_770 = tpu.vector_load %arg18[%get3A_768, %get3A_769] {strides = array<i32>} : memref<128x64xf32, #tpu.memory_space<vmem>>, vector<16xf32>,
      %sub3A_771 = arith.subf %get3A_757, %get3A_770 : vector<16xf32>
      %mul3A_772 = arith.mulf %sub3A_767, %sub3A_767 : vector<16xf32>
      %mul3A_773 = arith.mulf %sub3A_771, %sub3A_771 : vector<16xf32>
      %sub3A_774 = arith.subf %mul3A_772, %mul3A_773 : vector<16xf32>
      %add3A_775 = arith.addf %add3A_739, %sub3A_774 : vector<16xf32>
      %get3A_776 = arith.index_cast %scan3A_637 : i32 to index
      %get3A_777 = arith.constant 48 : index
      %get3A_778 = tpu.vector_load %arg19[%get3A_776, %get3A_777] {strides = array<i32>} : memref<128x64xf32, #tpu.memory_space<vmem>>, vector<16xf32>,
      %sub3A_779 = arith.subf %get3A_754, %get3A_778 : vector<16xf32>
      %get3A_780 = arith.index_cast %scan3A_637 : i32 to index
      %get3A_781 = arith.constant 48 : index
      %get3A_782 = tpu.vector_load %arg20[%get3A_780, %get3A_781] {strides = array<i32>} : memref<128x64xf32, #tpu.memory_space<vmem>>, vector<16xf32>,
      %sub3A_783 = arith.subf %get3A_754, %get3A_782 : vector<16xf32>
      %mul3A_784 = arith.mulf %sub3A_779, %sub3A_779 : vector<16xf32>
      %mul3A_785 = arith.mulf %sub3A_783, %sub3A_783 : vector<16xf32>
      %sub3A_786 = arith.subf %mul3A_784, %mul3A_785 : vector<16xf32>
      %add3A_787 = arith.addf %add3A_751, %sub3A_786 : vector<16xf32>
      %and3A_788 = arith.constant 15 : i32
      %and3A_789 = arith.andi %scan3A_637, %and3A_788 : i32
      %broadcast_in_dim3A_790 = vector.broadcast %and3A_789 : i32 to vector<16xi32>
      tpu.vector_store_idx %arg28[%iota3A, %broadcast_in_dim3A_790], %add3A_763 : memref<16x16xf32, #tpu.memory_space<vmem>>[vector<16xi32>, vector<16xi32>], vector<16xf32>,
      tpu.vector_store_idx %arg29[%iota3A, %broadcast_in_dim3A_790], %add3A_775 : memref<16x16xf32, #tpu.memory_space<vmem>>[vector<16xi32>, vector<16xi32>], vector<16xf32>,
      tpu.vector_store_idx %arg30[%iota3A, %broadcast_in_dim3A_790], %add3A_787 : memref<16x16xf32, #tpu.memory_space<vmem>>[vector<16xi32>, vector<16xi32>], vector<16xf32>,
      %eq3A_791 = arith.constant 15 : i32
      %eq3A_792 = arith.cmpi eq, %and3A_789, %eq3A_791 : i32
      %convert_element_type3A_793 = arith.extui %eq3A_792 : i1 to i32
      %cond3A_794 = arith.constant 0 : i32
      %cond3A_795 = arith.cmpi ne, %convert_element_type3A_793, %cond3A_794 : i32
      scf.if %cond3A_795 {
        %add3A_797 = arith.constant 256 : i32
        %add3A_798 = arith.addi %add3A_797, %scan3A_637 : i32
        %sub3A_799 = arith.constant 15 : i32
        %sub3A_800 = arith.subi %add3A_798, %sub3A_799 : i32
        %get3A_801 = arith.constant 0 : i32
        %get3A_802 = arith.index_cast %get3A_801 : i32 to index
        %get3A_803 = arith.constant 0 : index
        %get3A_804 = tpu.vector_load %arg28[%get3A_802, %get3A_803] {strides = array<i32>} : memref<16x16xf32, #tpu.memory_space<vmem>>, vector<16xf32>,
        %get3A_805 = arith.constant 1 : i32
        %get3A_806 = arith.index_cast %get3A_805 : i32 to index
        %get3A_807 = arith.constant 0 : index
        %get3A_808 = tpu.vector_load %arg28[%get3A_806, %get3A_807] {strides = array<i32>} : memref<16x16xf32, #tpu.memory_space<vmem>>, vector<16xf32>,
        %get3A_809 = arith.constant 2 : i32
        %get3A_810 = arith.index_cast %get3A_809 : i32 to index
        %get3A_811 = arith.constant 0 : index
        %get3A_812 = tpu.vector_load %arg28[%get3A_810, %get3A_811] {strides = array<i32>} : memref<16x16xf32, #tpu.memory_space<vmem>>, vector<16xf32>,
        %get3A_813 = arith.constant 3 : i32
        %get3A_814 = arith.index_cast %get3A_813 : i32 to index
        %get3A_815 = arith.constant 0 : index
        %get3A_816 = tpu.vector_load %arg28[%get3A_814, %get3A_815] {strides = array<i32>} : memref<16x16xf32, #tpu.memory_space<vmem>>, vector<16xf32>,
        %get3A_817 = arith.constant 4 : i32
        %get3A_818 = arith.index_cast %get3A_817 : i32 to index
        %get3A_819 = arith.constant 0 : index
        %get3A_820 = tpu.vector_load %arg28[%get3A_818, %get3A_819] {strides = array<i32>} : memref<16x16xf32, #tpu.memory_space<vmem>>, vector<16xf32>,
        %get3A_821 = arith.constant 5 : i32
        %get3A_822 = arith.index_cast %get3A_821 : i32 to index
        %get3A_823 = arith.constant 0 : index
        %get3A_824 = tpu.vector_load %arg28[%get3A_822, %get3A_823] {strides = array<i32>} : memref<16x16xf32, #tpu.memory_space<vmem>>, vector<16xf32>,
        %get3A_825 = arith.constant 6 : i32
        %get3A_826 = arith.index_cast %get3A_825 : i32 to index
        %get3A_827 = arith.constant 0 : index
        %get3A_828 = tpu.vector_load %arg28[%get3A_826, %get3A_827] {strides = array<i32>} : memref<16x16xf32, #tpu.memory_space<vmem>>, vector<16xf32>,
        %get3A_829 = arith.constant 7 : i32
        %get3A_830 = arith.index_cast %get3A_829 : i32 to index
        %get3A_831 = arith.constant 0 : index
        %get3A_832 = tpu.vector_load %arg28[%get3A_830, %get3A_831] {strides = array<i32>} : memref<16x16xf32, #tpu.memory_space<vmem>>, vector<16xf32>,
        %get3A_833 = arith.constant 8 : i32
        %get3A_834 = arith.index_cast %get3A_833 : i32 to index
        %get3A_835 = arith.constant 0 : index
        %get3A_836 = tpu.vector_load %arg28[%get3A_834, %get3A_835] {strides = array<i32>} : memref<16x16xf32, #tpu.memory_space<vmem>>, vector<16xf32>,
        %get3A_837 = arith.constant 9 : i32
        %get3A_838 = arith.index_cast %get3A_837 : i32 to index
        %get3A_839 = arith.constant 0 : index
        %get3A_840 = tpu.vector_load %arg28[%get3A_838, %get3A_839] {strides = array<i32>} : memref<16x16xf32, #tpu.memory_space<vmem>>, vector<16xf32>,
        %get3A_841 = arith.constant 10 : i32
        %get3A_842 = arith.index_cast %get3A_841 : i32 to index
        %get3A_843 = arith.constant 0 : index
        %get3A_844 = tpu.vector_load %arg28[%get3A_842, %get3A_843] {strides = array<i32>} : memref<16x16xf32, #tpu.memory_space<vmem>>, vector<16xf32>,
        %get3A_845 = arith.constant 11 : i32
        %get3A_846 = arith.index_cast %get3A_845 : i32 to index
        %get3A_847 = arith.constant 0 : index
        %get3A_848 = tpu.vector_load %arg28[%get3A_846, %get3A_847] {strides = array<i32>} : memref<16x16xf32, #tpu.memory_space<vmem>>, vector<16xf32>,
        %get3A_849 = arith.constant 12 : i32
        %get3A_850 = arith.index_cast %get3A_849 : i32 to index
        %get3A_851 = arith.constant 0 : index
        %get3A_852 = tpu.vector_load %arg28[%get3A_850, %get3A_851] {strides = array<i32>} : memref<16x16xf32, #tpu.memory_space<vmem>>, vector<16xf32>,
        %get3A_853 = arith.constant 13 : i32
        %get3A_854 = arith.index_cast %get3A_853 : i32 to index
        %get3A_855 = arith.constant 0 : index
        %get3A_856 = tpu.vector_load %arg28[%get3A_854, %get3A_855] {strides = array<i32>} : memref<16x16xf32, #tpu.memory_space<vmem>>, vector<16xf32>,
        %get3A_857 = arith.constant 14 : i32
        %get3A_858 = arith.index_cast %get3A_857 : i32 to index
        %get3A_859 = arith.constant 0 : index
        %get3A_860 = tpu.vector_load %arg28[%get3A_858, %get3A_859] {strides = array<i32>} : memref<16x16xf32, #tpu.memory_space<vmem>>, vector<16xf32>,
        %get3A_861 = arith.constant 15 : i32
        %get3A_862 = arith.index_cast %get3A_861 : i32 to index
        %get3A_863 = arith.constant 0 : index
        %get3A_864 = tpu.vector_load %arg28[%get3A_862, %get3A_863] {strides = array<i32>} : memref<16x16xf32, #tpu.memory_space<vmem>>, vector<16xf32>,
        %add3A_865 = arith.addf %get3A_804, %get3A_808 : vector<16xf32>
        %add3A_866 = arith.addf %get3A_812, %get3A_816 : vector<16xf32>
        %add3A_867 = arith.addf %get3A_820, %get3A_824 : vector<16xf32>
        %add3A_868 = arith.addf %get3A_828, %get3A_832 : vector<16xf32>
        %add3A_869 = arith.addf %get3A_836, %get3A_840 : vector<16xf32>
        %add3A_870 = arith.addf %get3A_844, %get3A_848 : vector<16xf32>
        %add3A_871 = arith.addf %get3A_852, %get3A_856 : vector<16xf32>
        %add3A_872 = arith.addf %get3A_860, %get3A_864 : vector<16xf32>
        %add3A_873 = arith.addf %add3A_865, %add3A_866 : vector<16xf32>
        %add3A_874 = arith.addf %add3A_867, %add3A_868 : vector<16xf32>
        %add3A_875 = arith.addf %add3A_869, %add3A_870 : vector<16xf32>
        %add3A_876 = arith.addf %add3A_871, %add3A_872 : vector<16xf32>
        %add3A_877 = arith.addf %add3A_873, %add3A_874 : vector<16xf32>
        %add3A_878 = arith.addf %add3A_875, %add3A_876 : vector<16xf32>
        %add3A_879 = arith.addf %add3A_877, %add3A_878 : vector<16xf32>
        %swap3A = arith.index_cast %sub3A_800 : i32 to index
        %swap3A_880 = tpu.vector_load %arg31[%swap3A] {strides = array<i32>} : memref<512xf32, #tpu.memory_space<vmem>>, vector<16xf32>,
        tpu.vector_store %arg31[%swap3A], %add3A_879 {strides = array<i32>} : memref<512xf32, #tpu.memory_space<vmem>>, vector<16xf32>,
        %get3A_881 = arith.constant 0 : i32
        %get3A_882 = arith.index_cast %get3A_881 : i32 to index
        %get3A_883 = arith.constant 0 : index
        %get3A_884 = tpu.vector_load %arg29[%get3A_882, %get3A_883] {strides = array<i32>} : memref<16x16xf32, #tpu.memory_space<vmem>>, vector<16xf32>,
        %get3A_885 = arith.constant 1 : i32
        %get3A_886 = arith.index_cast %get3A_885 : i32 to index
        %get3A_887 = arith.constant 0 : index
        %get3A_888 = tpu.vector_load %arg29[%get3A_886, %get3A_887] {strides = array<i32>} : memref<16x16xf32, #tpu.memory_space<vmem>>, vector<16xf32>,
        %get3A_889 = arith.constant 2 : i32
        %get3A_890 = arith.index_cast %get3A_889 : i32 to index
        %get3A_891 = arith.constant 0 : index
        %get3A_892 = tpu.vector_load %arg29[%get3A_890, %get3A_891] {strides = array<i32>} : memref<16x16xf32, #tpu.memory_space<vmem>>, vector<16xf32>,
        %get3A_893 = arith.constant 3 : i32
        %get3A_894 = arith.index_cast %get3A_893 : i32 to index
        %get3A_895 = arith.constant 0 : index
        %get3A_896 = tpu.vector_load %arg29[%get3A_894, %get3A_895] {strides = array<i32>} : memref<16x16xf32, #tpu.memory_space<vmem>>, vector<16xf32>,
        %get3A_897 = arith.constant 4 : i32
        %get3A_898 = arith.index_cast %get3A_897 : i32 to index
        %get3A_899 = arith.constant 0 : index
        %get3A_900 = tpu.vector_load %arg29[%get3A_898, %get3A_899] {strides = array<i32>} : memref<16x16xf32, #tpu.memory_space<vmem>>, vector<16xf32>,
        %get3A_901 = arith.constant 5 : i32
        %get3A_902 = arith.index_cast %get3A_901 : i32 to index
        %get3A_903 = arith.constant 0 : index
        %get3A_904 = tpu.vector_load %arg29[%get3A_902, %get3A_903] {strides = array<i32>} : memref<16x16xf32, #tpu.memory_space<vmem>>, vector<16xf32>,
        %get3A_905 = arith.constant 6 : i32
        %get3A_906 = arith.index_cast %get3A_905 : i32 to index
        %get3A_907 = arith.constant 0 : index
        %get3A_908 = tpu.vector_load %arg29[%get3A_906, %get3A_907] {strides = array<i32>} : memref<16x16xf32, #tpu.memory_space<vmem>>, vector<16xf32>,
        %get3A_909 = arith.constant 7 : i32
        %get3A_910 = arith.index_cast %get3A_909 : i32 to index
        %get3A_911 = arith.constant 0 : index
        %get3A_912 = tpu.vector_load %arg29[%get3A_910, %get3A_911] {strides = array<i32>} : memref<16x16xf32, #tpu.memory_space<vmem>>, vector<16xf32>,
        %get3A_913 = arith.constant 8 : i32
        %get3A_914 = arith.index_cast %get3A_913 : i32 to index
        %get3A_915 = arith.constant 0 : index
        %get3A_916 = tpu.vector_load %arg29[%get3A_914, %get3A_915] {strides = array<i32>} : memref<16x16xf32, #tpu.memory_space<vmem>>, vector<16xf32>,
        %get3A_917 = arith.constant 9 : i32
        %get3A_918 = arith.index_cast %get3A_917 : i32 to index
        %get3A_919 = arith.constant 0 : index
        %get3A_920 = tpu.vector_load %arg29[%get3A_918, %get3A_919] {strides = array<i32>} : memref<16x16xf32, #tpu.memory_space<vmem>>, vector<16xf32>,
        %get3A_921 = arith.constant 10 : i32
        %get3A_922 = arith.index_cast %get3A_921 : i32 to index
        %get3A_923 = arith.constant 0 : index
        %get3A_924 = tpu.vector_load %arg29[%get3A_922, %get3A_923] {strides = array<i32>} : memref<16x16xf32, #tpu.memory_space<vmem>>, vector<16xf32>,
        %get3A_925 = arith.constant 11 : i32
        %get3A_926 = arith.index_cast %get3A_925 : i32 to index
        %get3A_927 = arith.constant 0 : index
        %get3A_928 = tpu.vector_load %arg29[%get3A_926, %get3A_927] {strides = array<i32>} : memref<16x16xf32, #tpu.memory_space<vmem>>, vector<16xf32>,
        %get3A_929 = arith.constant 12 : i32
        %get3A_930 = arith.index_cast %get3A_929 : i32 to index
        %get3A_931 = arith.constant 0 : index
        %get3A_932 = tpu.vector_load %arg29[%get3A_930, %get3A_931] {strides = array<i32>} : memref<16x16xf32, #tpu.memory_space<vmem>>, vector<16xf32>,
        %get3A_933 = arith.constant 13 : i32
        %get3A_934 = arith.index_cast %get3A_933 : i32 to index
        %get3A_935 = arith.constant 0 : index
        %get3A_936 = tpu.vector_load %arg29[%get3A_934, %get3A_935] {strides = array<i32>} : memref<16x16xf32, #tpu.memory_space<vmem>>, vector<16xf32>,
        %get3A_937 = arith.constant 14 : i32
        %get3A_938 = arith.index_cast %get3A_937 : i32 to index
        %get3A_939 = arith.constant 0 : index
        %get3A_940 = tpu.vector_load %arg29[%get3A_938, %get3A_939] {strides = array<i32>} : memref<16x16xf32, #tpu.memory_space<vmem>>, vector<16xf32>,
        %get3A_941 = arith.constant 15 : i32
        %get3A_942 = arith.index_cast %get3A_941 : i32 to index
        %get3A_943 = arith.constant 0 : index
        %get3A_944 = tpu.vector_load %arg29[%get3A_942, %get3A_943] {strides = array<i32>} : memref<16x16xf32, #tpu.memory_space<vmem>>, vector<16xf32>,
        %add3A_945 = arith.addf %get3A_884, %get3A_888 : vector<16xf32>
        %add3A_946 = arith.addf %get3A_892, %get3A_896 : vector<16xf32>
        %add3A_947 = arith.addf %get3A_900, %get3A_904 : vector<16xf32>
        %add3A_948 = arith.addf %get3A_908, %get3A_912 : vector<16xf32>
        %add3A_949 = arith.addf %get3A_916, %get3A_920 : vector<16xf32>
        %add3A_950 = arith.addf %get3A_924, %get3A_928 : vector<16xf32>
        %add3A_951 = arith.addf %get3A_932, %get3A_936 : vector<16xf32>
        %add3A_952 = arith.addf %get3A_940, %get3A_944 : vector<16xf32>
        %add3A_953 = arith.addf %add3A_945, %add3A_946 : vector<16xf32>
        %add3A_954 = arith.addf %add3A_947, %add3A_948 : vector<16xf32>
        %add3A_955 = arith.addf %add3A_949, %add3A_950 : vector<16xf32>
        %add3A_956 = arith.addf %add3A_951, %add3A_952 : vector<16xf32>
        %add3A_957 = arith.addf %add3A_953, %add3A_954 : vector<16xf32>
        %add3A_958 = arith.addf %add3A_955, %add3A_956 : vector<16xf32>
        %add3A_959 = arith.addf %add3A_957, %add3A_958 : vector<16xf32>
        %swap3A_960 = arith.index_cast %sub3A_800 : i32 to index
        %swap3A_961 = tpu.vector_load %arg32[%swap3A_960] {strides = array<i32>} : memref<512xf32, #tpu.memory_space<vmem>>, vector<16xf32>,
        tpu.vector_store %arg32[%swap3A_960], %add3A_959 {strides = array<i32>} : memref<512xf32, #tpu.memory_space<vmem>>, vector<16xf32>,
        %get3A_962 = arith.constant 0 : i32
        %get3A_963 = arith.index_cast %get3A_962 : i32 to index
        %get3A_964 = arith.constant 0 : index
        %get3A_965 = tpu.vector_load %arg30[%get3A_963, %get3A_964] {strides = array<i32>} : memref<16x16xf32, #tpu.memory_space<vmem>>, vector<16xf32>,
        %get3A_966 = arith.constant 1 : i32
        %get3A_967 = arith.index_cast %get3A_966 : i32 to index
        %get3A_968 = arith.constant 0 : index
        %get3A_969 = tpu.vector_load %arg30[%get3A_967, %get3A_968] {strides = array<i32>} : memref<16x16xf32, #tpu.memory_space<vmem>>, vector<16xf32>,
        %get3A_970 = arith.constant 2 : i32
        %get3A_971 = arith.index_cast %get3A_970 : i32 to index
        %get3A_972 = arith.constant 0 : index
        %get3A_973 = tpu.vector_load %arg30[%get3A_971, %get3A_972] {strides = array<i32>} : memref<16x16xf32, #tpu.memory_space<vmem>>, vector<16xf32>,
        %get3A_974 = arith.constant 3 : i32
        %get3A_975 = arith.index_cast %get3A_974 : i32 to index
        %get3A_976 = arith.constant 0 : index
        %get3A_977 = tpu.vector_load %arg30[%get3A_975, %get3A_976] {strides = array<i32>} : memref<16x16xf32, #tpu.memory_space<vmem>>, vector<16xf32>,
        %get3A_978 = arith.constant 4 : i32
        %get3A_979 = arith.index_cast %get3A_978 : i32 to index
        %get3A_980 = arith.constant 0 : index
        %get3A_981 = tpu.vector_load %arg30[%get3A_979, %get3A_980] {strides = array<i32>} : memref<16x16xf32, #tpu.memory_space<vmem>>, vector<16xf32>,
        %get3A_982 = arith.constant 5 : i32
        %get3A_983 = arith.index_cast %get3A_982 : i32 to index
        %get3A_984 = arith.constant 0 : index
        %get3A_985 = tpu.vector_load %arg30[%get3A_983, %get3A_984] {strides = array<i32>} : memref<16x16xf32, #tpu.memory_space<vmem>>, vector<16xf32>,
        %get3A_986 = arith.constant 6 : i32
        %get3A_987 = arith.index_cast %get3A_986 : i32 to index
        %get3A_988 = arith.constant 0 : index
        %get3A_989 = tpu.vector_load %arg30[%get3A_987, %get3A_988] {strides = array<i32>} : memref<16x16xf32, #tpu.memory_space<vmem>>, vector<16xf32>,
        %get3A_990 = arith.constant 7 : i32
        %get3A_991 = arith.index_cast %get3A_990 : i32 to index
        %get3A_992 = arith.constant 0 : index
        %get3A_993 = tpu.vector_load %arg30[%get3A_991, %get3A_992] {strides = array<i32>} : memref<16x16xf32, #tpu.memory_space<vmem>>, vector<16xf32>,
        %get3A_994 = arith.constant 8 : i32
        %get3A_995 = arith.index_cast %get3A_994 : i32 to index
        %get3A_996 = arith.constant 0 : index
        %get3A_997 = tpu.vector_load %arg30[%get3A_995, %get3A_996] {strides = array<i32>} : memref<16x16xf32, #tpu.memory_space<vmem>>, vector<16xf32>,
        %get3A_998 = arith.constant 9 : i32
        %get3A_999 = arith.index_cast %get3A_998 : i32 to index
        %get3A_1000 = arith.constant 0 : index
        %get3A_1001 = tpu.vector_load %arg30[%get3A_999, %get3A_1000] {strides = array<i32>} : memref<16x16xf32, #tpu.memory_space<vmem>>, vector<16xf32>,
        %get3A_1002 = arith.constant 10 : i32
        %get3A_1003 = arith.index_cast %get3A_1002 : i32 to index
        %get3A_1004 = arith.constant 0 : index
        %get3A_1005 = tpu.vector_load %arg30[%get3A_1003, %get3A_1004] {strides = array<i32>} : memref<16x16xf32, #tpu.memory_space<vmem>>, vector<16xf32>,
        %get3A_1006 = arith.constant 11 : i32
        %get3A_1007 = arith.index_cast %get3A_1006 : i32 to index
        %get3A_1008 = arith.constant 0 : index
        %get3A_1009 = tpu.vector_load %arg30[%get3A_1007, %get3A_1008] {strides = array<i32>} : memref<16x16xf32, #tpu.memory_space<vmem>>, vector<16xf32>,
        %get3A_1010 = arith.constant 12 : i32
        %get3A_1011 = arith.index_cast %get3A_1010 : i32 to index
        %get3A_1012 = arith.constant 0 : index
        %get3A_1013 = tpu.vector_load %arg30[%get3A_1011, %get3A_1012] {strides = array<i32>} : memref<16x16xf32, #tpu.memory_space<vmem>>, vector<16xf32>,
        %get3A_1014 = arith.constant 13 : i32
        %get3A_1015 = arith.index_cast %get3A_1014 : i32 to index
        %get3A_1016 = arith.constant 0 : index
        %get3A_1017 = tpu.vector_load %arg30[%get3A_1015, %get3A_1016] {strides = array<i32>} : memref<16x16xf32, #tpu.memory_space<vmem>>, vector<16xf32>,
        %get3A_1018 = arith.constant 14 : i32
        %get3A_1019 = arith.index_cast %get3A_1018 : i32 to index
        %get3A_1020 = arith.constant 0 : index
        %get3A_1021 = tpu.vector_load %arg30[%get3A_1019, %get3A_1020] {strides = array<i32>} : memref<16x16xf32, #tpu.memory_space<vmem>>, vector<16xf32>,
        %get3A_1022 = arith.constant 15 : i32
        %get3A_1023 = arith.index_cast %get3A_1022 : i32 to index
        %get3A_1024 = arith.constant 0 : index
        %get3A_1025 = tpu.vector_load %arg30[%get3A_1023, %get3A_1024] {strides = array<i32>} : memref<16x16xf32, #tpu.memory_space<vmem>>, vector<16xf32>,
        %add3A_1026 = arith.addf %get3A_965, %get3A_969 : vector<16xf32>
        %add3A_1027 = arith.addf %get3A_973, %get3A_977 : vector<16xf32>
        %add3A_1028 = arith.addf %get3A_981, %get3A_985 : vector<16xf32>
        %add3A_1029 = arith.addf %get3A_989, %get3A_993 : vector<16xf32>
        %add3A_1030 = arith.addf %get3A_997, %get3A_1001 : vector<16xf32>
        %add3A_1031 = arith.addf %get3A_1005, %get3A_1009 : vector<16xf32>
        %add3A_1032 = arith.addf %get3A_1013, %get3A_1017 : vector<16xf32>
        %add3A_1033 = arith.addf %get3A_1021, %get3A_1025 : vector<16xf32>
        %add3A_1034 = arith.addf %add3A_1026, %add3A_1027 : vector<16xf32>
        %add3A_1035 = arith.addf %add3A_1028, %add3A_1029 : vector<16xf32>
        %add3A_1036 = arith.addf %add3A_1030, %add3A_1031 : vector<16xf32>
        %add3A_1037 = arith.addf %add3A_1032, %add3A_1033 : vector<16xf32>
        %add3A_1038 = arith.addf %add3A_1034, %add3A_1035 : vector<16xf32>
        %add3A_1039 = arith.addf %add3A_1036, %add3A_1037 : vector<16xf32>
        %add3A_1040 = arith.addf %add3A_1038, %add3A_1039 : vector<16xf32>
        %swap3A_1041 = arith.index_cast %sub3A_800 : i32 to index
        %swap3A_1042 = tpu.vector_load %arg33[%swap3A_1041] {strides = array<i32>} : memref<512xf32, #tpu.memory_space<vmem>>, vector<16xf32>,
        tpu.vector_store %arg33[%swap3A_1041], %add3A_1040 {strides = array<i32>} : memref<512xf32, #tpu.memory_space<vmem>>, vector<16xf32>,
      } else {
      }
      %scan3A_796 = arith.constant 0 : i32
      scf.yield %scan3A_796 : i32
    }
    %scan3A_418 = arith.constant 128 : i32
    %dma_wait3A_419 = arith.constant 0 : i32
    %dma_wait3A_420 = arith.constant 3 : i32
    %dma_wait3A_421 = arith.constant 0 : i32
    %dma_wait3A_422 = tpu.memref_slice %arg13[%dma_wait3A_419, %dma_wait3A_420, %dma_wait3A_421] : memref<7x4x128xi32, #tpu.memory_space<vmem>> -> memref<1x1x128xi32, #tpu.memory_space<vmem>>
    %dma_wait3A_423 = tpu.memref_squeeze %dma_wait3A_422 : memref<1x1x128xi32, #tpu.memory_space<vmem>> -> memref<128xi32, #tpu.memory_space<vmem>>
    %dma_wait3A_424 = arith.constant 0 : i32
    %dma_wait3A_425 = arith.constant 0 : i32
    %dma_wait3A_426 = tpu.memref_slice %arg2[%dma_wait3A_424, %dma_wait3A_425] : memref<114688x64xf32, #tpu.memory_space<hbm>> -> memref<114688x64xf32, #tpu.memory_space<hbm>>
    tpu.wait_indirect_dma semaphore(%arg41 : memref<!tpu.dma_semaphore, #tpu.memory_space<semaphore_mem>>) src(%dma_wait3A_426 : memref<114688x64xf32, #tpu.memory_space<hbm>>) dst(%arg21 : memref<128x64xf32, #tpu.memory_space<vmem>>)
    %dma_wait3A_427 = arith.constant 1 : i32
    %dma_wait3A_428 = arith.constant 3 : i32
    %dma_wait3A_429 = arith.constant 0 : i32
    %dma_wait3A_430 = tpu.memref_slice %arg13[%dma_wait3A_427, %dma_wait3A_428, %dma_wait3A_429] : memref<7x4x128xi32, #tpu.memory_space<vmem>> -> memref<1x1x128xi32, #tpu.memory_space<vmem>>
    %dma_wait3A_431 = tpu.memref_squeeze %dma_wait3A_430 : memref<1x1x128xi32, #tpu.memory_space<vmem>> -> memref<128xi32, #tpu.memory_space<vmem>>
    %dma_wait3A_432 = arith.constant 0 : i32
    %dma_wait3A_433 = arith.constant 0 : i32
    %dma_wait3A_434 = tpu.memref_slice %arg2[%dma_wait3A_432, %dma_wait3A_433] : memref<114688x64xf32, #tpu.memory_space<hbm>> -> memref<114688x64xf32, #tpu.memory_space<hbm>>
    tpu.wait_indirect_dma semaphore(%arg42 : memref<!tpu.dma_semaphore, #tpu.memory_space<semaphore_mem>>) src(%dma_wait3A_434 : memref<114688x64xf32, #tpu.memory_space<hbm>>) dst(%arg22 : memref<128x64xf32, #tpu.memory_space<vmem>>)
    %dma_wait3A_435 = arith.constant 2 : i32
    %dma_wait3A_436 = arith.constant 3 : i32
    %dma_wait3A_437 = arith.constant 0 : i32
    %dma_wait3A_438 = tpu.memref_slice %arg13[%dma_wait3A_435, %dma_wait3A_436, %dma_wait3A_437] : memref<7x4x128xi32, #tpu.memory_space<vmem>> -> memref<1x1x128xi32, #tpu.memory_space<vmem>>
    %dma_wait3A_439 = tpu.memref_squeeze %dma_wait3A_438 : memref<1x1x128xi32, #tpu.memory_space<vmem>> -> memref<128xi32, #tpu.memory_space<vmem>>
    %dma_wait3A_440 = arith.constant 0 : i32
    %dma_wait3A_441 = arith.constant 0 : i32
    %dma_wait3A_442 = tpu.memref_slice %arg2[%dma_wait3A_440, %dma_wait3A_441] : memref<114688x64xf32, #tpu.memory_space<hbm>> -> memref<114688x64xf32, #tpu.memory_space<hbm>>
    tpu.wait_indirect_dma semaphore(%arg43 : memref<!tpu.dma_semaphore, #tpu.memory_space<semaphore_mem>>) src(%dma_wait3A_442 : memref<114688x64xf32, #tpu.memory_space<hbm>>) dst(%arg23 : memref<128x64xf32, #tpu.memory_space<vmem>>)
    %dma_wait3A_443 = arith.constant 3 : i32
    %dma_wait3A_444 = arith.constant 3 : i32
    %dma_wait3A_445 = arith.constant 0 : i32
    %dma_wait3A_446 = tpu.memref_slice %arg13[%dma_wait3A_443, %dma_wait3A_444, %dma_wait3A_445] : memref<7x4x128xi32, #tpu.memory_space<vmem>> -> memref<1x1x128xi32, #tpu.memory_space<vmem>>
    %dma_wait3A_447 = tpu.memref_squeeze %dma_wait3A_446 : memref<1x1x128xi32, #tpu.memory_space<vmem>> -> memref<128xi32, #tpu.memory_space<vmem>>
    %dma_wait3A_448 = arith.constant 0 : i32
    %dma_wait3A_449 = arith.constant 0 : i32
    %dma_wait3A_450 = tpu.memref_slice %arg2[%dma_wait3A_448, %dma_wait3A_449] : memref<114688x64xf32, #tpu.memory_space<hbm>> -> memref<114688x64xf32, #tpu.memory_space<hbm>>
    tpu.wait_indirect_dma semaphore(%arg44 : memref<!tpu.dma_semaphore, #tpu.memory_space<semaphore_mem>>) src(%dma_wait3A_450 : memref<114688x64xf32, #tpu.memory_space<hbm>>) dst(%arg24 : memref<128x64xf32, #tpu.memory_space<vmem>>)
    %dma_wait3A_451 = arith.constant 4 : i32
    %dma_wait3A_452 = arith.constant 3 : i32
    %dma_wait3A_453 = arith.constant 0 : i32
    %dma_wait3A_454 = tpu.memref_slice %arg13[%dma_wait3A_451, %dma_wait3A_452, %dma_wait3A_453] : memref<7x4x128xi32, #tpu.memory_space<vmem>> -> memref<1x1x128xi32, #tpu.memory_space<vmem>>
    %dma_wait3A_455 = tpu.memref_squeeze %dma_wait3A_454 : memref<1x1x128xi32, #tpu.memory_space<vmem>> -> memref<128xi32, #tpu.memory_space<vmem>>
    %dma_wait3A_456 = arith.constant 0 : i32
    %dma_wait3A_457 = arith.constant 0 : i32
    %dma_wait3A_458 = tpu.memref_slice %arg2[%dma_wait3A_456, %dma_wait3A_457] : memref<114688x64xf32, #tpu.memory_space<hbm>> -> memref<114688x64xf32, #tpu.memory_space<hbm>>
    tpu.wait_indirect_dma semaphore(%arg45 : memref<!tpu.dma_semaphore, #tpu.memory_space<semaphore_mem>>) src(%dma_wait3A_458 : memref<114688x64xf32, #tpu.memory_space<hbm>>) dst(%arg25 : memref<128x64xf32, #tpu.memory_space<vmem>>)
    %dma_wait3A_459 = arith.constant 5 : i32
    %dma_wait3A_460 = arith.constant 3 : i32
    %dma_wait3A_461 = arith.constant 0 : i32
    %dma_wait3A_462 = tpu.memref_slice %arg13[%dma_wait3A_459, %dma_wait3A_460, %dma_wait3A_461] : memref<7x4x128xi32, #tpu.memory_space<vmem>> -> memref<1x1x128xi32, #tpu.memory_space<vmem>>
    %dma_wait3A_463 = tpu.memref_squeeze %dma_wait3A_462 : memref<1x1x128xi32, #tpu.memory_space<vmem>> -> memref<128xi32, #tpu.memory_space<vmem>>
    %dma_wait3A_464 = arith.constant 0 : i32
    %dma_wait3A_465 = arith.constant 0 : i32
    %dma_wait3A_466 = tpu.memref_slice %arg2[%dma_wait3A_464, %dma_wait3A_465] : memref<114688x64xf32, #tpu.memory_space<hbm>> -> memref<114688x64xf32, #tpu.memory_space<hbm>>
    tpu.wait_indirect_dma semaphore(%arg46 : memref<!tpu.dma_semaphore, #tpu.memory_space<semaphore_mem>>) src(%dma_wait3A_466 : memref<114688x64xf32, #tpu.memory_space<hbm>>) dst(%arg26 : memref<128x64xf32, #tpu.memory_space<vmem>>)
    %dma_wait3A_467 = arith.constant 6 : i32
    %dma_wait3A_468 = arith.constant 3 : i32
    %dma_wait3A_469 = arith.constant 0 : i32
    %dma_wait3A_470 = tpu.memref_slice %arg13[%dma_wait3A_467, %dma_wait3A_468, %dma_wait3A_469] : memref<7x4x128xi32, #tpu.memory_space<vmem>> -> memref<1x1x128xi32, #tpu.memory_space<vmem>>
    %dma_wait3A_471 = tpu.memref_squeeze %dma_wait3A_470 : memref<1x1x128xi32, #tpu.memory_space<vmem>> -> memref<128xi32, #tpu.memory_space<vmem>>
    %dma_wait3A_472 = arith.constant 0 : i32
    %dma_wait3A_473 = arith.constant 0 : i32
    %dma_wait3A_474 = tpu.memref_slice %arg2[%dma_wait3A_472, %dma_wait3A_473] : memref<114688x64xf32, #tpu.memory_space<hbm>> -> memref<114688x64xf32, #tpu.memory_space<hbm>>
    tpu.wait_indirect_dma semaphore(%arg47 : memref<!tpu.dma_semaphore, #tpu.memory_space<semaphore_mem>>) src(%dma_wait3A_474 : memref<114688x64xf32, #tpu.memory_space<hbm>>) dst(%arg27 : memref<128x64xf32, #tpu.memory_space<vmem>>)
    %scan3A_475 = arith.constant 0 : i32
    %scan3A_476 = arith.constant 0 : i32
    %scan3A_477 = arith.constant 128 : i32
    %scan3A_478 = arith.addi %scan3A_476, %scan3A_477 : i32
    %scan3A_479 = arith.constant 2 : i32
    %scan3A_480 = scf.for %scan3A_482 = %scan3A_476 to %scan3A_478 step %scan3A_479 iter_args(%scan3A_483 = %scan3A_475) -> (i32)  : i32 {
      %broadcast_in_dim3A = arith.constant 0.000000e+00 : f32
      %broadcast_in_dim3A_484 = vector.broadcast %broadcast_in_dim3A : f32 to vector<16xf32>
      %broadcast_in_dim3A_485 = arith.constant 0.000000e+00 : f32
      %broadcast_in_dim3A_486 = vector.broadcast %broadcast_in_dim3A_485 : f32 to vector<16xf32>
      %broadcast_in_dim3A_487 = arith.constant 0.000000e+00 : f32
      %broadcast_in_dim3A_488 = vector.broadcast %broadcast_in_dim3A_487 : f32 to vector<16xf32>
      %get3A = arith.index_cast %scan3A_482 : i32 to index
      %get3A_489 = arith.constant 0 : index
      %get3A_490 = tpu.vector_load %arg21[%get3A, %get3A_489] {strides = array<i32>} : memref<128x64xf32, #tpu.memory_space<vmem>>, vector<16xf32>,
      %get3A_491 = arith.index_cast %scan3A_482 : i32 to index
      %get3A_492 = arith.constant 0 : index
      %get3A_493 = tpu.vector_load %arg22[%get3A_491, %get3A_492] {strides = array<i32>} : memref<128x64xf32, #tpu.memory_space<vmem>>, vector<16xf32>,
      %get3A_494 = arith.index_cast %scan3A_482 : i32 to index
      %get3A_495 = arith.constant 0 : index
      %get3A_496 = tpu.vector_load %arg23[%get3A_494, %get3A_495] {strides = array<i32>} : memref<128x64xf32, #tpu.memory_space<vmem>>, vector<16xf32>,
      %sub3A = arith.subf %get3A_493, %get3A_496 : vector<16xf32>
      %mul3A_497 = arith.mulf %get3A_490, %sub3A : vector<16xf32>
      %add3A_498 = arith.addf %broadcast_in_dim3A_484, %mul3A_497 : vector<16xf32>
      %get3A_499 = arith.index_cast %scan3A_482 : i32 to index
      %get3A_500 = arith.constant 0 : index
      %get3A_501 = tpu.vector_load %arg24[%get3A_499, %get3A_500] {strides = array<i32>} : memref<128x64xf32, #tpu.memory_space<vmem>>, vector<16xf32>,
      %sub3A_502 = arith.subf %get3A_493, %get3A_501 : vector<16xf32>
      %get3A_503 = arith.index_cast %scan3A_482 : i32 to index
      %get3A_504 = arith.constant 0 : index
      %get3A_505 = tpu.vector_load %arg25[%get3A_503, %get3A_504] {strides = array<i32>} : memref<128x64xf32, #tpu.memory_space<vmem>>, vector<16xf32>,
      %sub3A_506 = arith.subf %get3A_493, %get3A_505 : vector<16xf32>
      %mul3A_507 = arith.mulf %sub3A_502, %sub3A_502 : vector<16xf32>
      %mul3A_508 = arith.mulf %sub3A_506, %sub3A_506 : vector<16xf32>
      %sub3A_509 = arith.subf %mul3A_507, %mul3A_508 : vector<16xf32>
      %add3A_510 = arith.addf %broadcast_in_dim3A_486, %sub3A_509 : vector<16xf32>
      %get3A_511 = arith.index_cast %scan3A_482 : i32 to index
      %get3A_512 = arith.constant 0 : index
      %get3A_513 = tpu.vector_load %arg26[%get3A_511, %get3A_512] {strides = array<i32>} : memref<128x64xf32, #tpu.memory_space<vmem>>, vector<16xf32>,
      %sub3A_514 = arith.subf %get3A_490, %get3A_513 : vector<16xf32>
      %get3A_515 = arith.index_cast %scan3A_482 : i32 to index
      %get3A_516 = arith.constant 0 : index
      %get3A_517 = tpu.vector_load %arg27[%get3A_515, %get3A_516] {strides = array<i32>} : memref<128x64xf32, #tpu.memory_space<vmem>>, vector<16xf32>,
      %sub3A_518 = arith.subf %get3A_490, %get3A_517 : vector<16xf32>
      %mul3A_519 = arith.mulf %sub3A_514, %sub3A_514 : vector<16xf32>
      %mul3A_520 = arith.mulf %sub3A_518, %sub3A_518 : vector<16xf32>
      %sub3A_521 = arith.subf %mul3A_519, %mul3A_520 : vector<16xf32>
      %add3A_522 = arith.addf %broadcast_in_dim3A_488, %sub3A_521 : vector<16xf32>
      %get3A_523 = arith.index_cast %scan3A_482 : i32 to index
      %get3A_524 = arith.constant 16 : index
      %get3A_525 = tpu.vector_load %arg21[%get3A_523, %get3A_524] {strides = array<i32>} : memref<128x64xf32, #tpu.memory_space<vmem>>, vector<16xf32>,
      %get3A_526 = arith.index_cast %scan3A_482 : i32 to index
      %get3A_527 = arith.constant 16 : index
      %get3A_528 = tpu.vector_load %arg22[%get3A_526, %get3A_527] {strides = array<i32>} : memref<128x64xf32, #tpu.memory_space<vmem>>, vector<16xf32>,
      %get3A_529 = arith.index_cast %scan3A_482 : i32 to index
      %get3A_530 = arith.constant 16 : index
      %get3A_531 = tpu.vector_load %arg23[%get3A_529, %get3A_530] {strides = array<i32>} : memref<128x64xf32, #tpu.memory_space<vmem>>, vector<16xf32>,
      %sub3A_532 = arith.subf %get3A_528, %get3A_531 : vector<16xf32>
      %mul3A_533 = arith.mulf %get3A_525, %sub3A_532 : vector<16xf32>
      %add3A_534 = arith.addf %add3A_498, %mul3A_533 : vector<16xf32>
      %get3A_535 = arith.index_cast %scan3A_482 : i32 to index
      %get3A_536 = arith.constant 16 : index
      %get3A_537 = tpu.vector_load %arg24[%get3A_535, %get3A_536] {strides = array<i32>} : memref<128x64xf32, #tpu.memory_space<vmem>>, vector<16xf32>,
      %sub3A_538 = arith.subf %get3A_528, %get3A_537 : vector<16xf32>
      %get3A_539 = arith.index_cast %scan3A_482 : i32 to index
      %get3A_540 = arith.constant 16 : index
      %get3A_541 = tpu.vector_load %arg25[%get3A_539, %get3A_540] {strides = array<i32>} : memref<128x64xf32, #tpu.memory_space<vmem>>, vector<16xf32>,
      %sub3A_542 = arith.subf %get3A_528, %get3A_541 : vector<16xf32>
      %mul3A_543 = arith.mulf %sub3A_538, %sub3A_538 : vector<16xf32>
      %mul3A_544 = arith.mulf %sub3A_542, %sub3A_542 : vector<16xf32>
      %sub3A_545 = arith.subf %mul3A_543, %mul3A_544 : vector<16xf32>
      %add3A_546 = arith.addf %add3A_510, %sub3A_545 : vector<16xf32>
      %get3A_547 = arith.index_cast %scan3A_482 : i32 to index
      %get3A_548 = arith.constant 16 : index
      %get3A_549 = tpu.vector_load %arg26[%get3A_547, %get3A_548] {strides = array<i32>} : memref<128x64xf32, #tpu.memory_space<vmem>>, vector<16xf32>,
      %sub3A_550 = arith.subf %get3A_525, %get3A_549 : vector<16xf32>
      %get3A_551 = arith.index_cast %scan3A_482 : i32 to index
      %get3A_552 = arith.constant 16 : index
      %get3A_553 = tpu.vector_load %arg27[%get3A_551, %get3A_552] {strides = array<i32>} : memref<128x64xf32, #tpu.memory_space<vmem>>, vector<16xf32>,
      %sub3A_554 = arith.subf %get3A_525, %get3A_553 : vector<16xf32>
      %mul3A_555 = arith.mulf %sub3A_550, %sub3A_550 : vector<16xf32>
      %mul3A_556 = arith.mulf %sub3A_554, %sub3A_554 : vector<16xf32>
      %sub3A_557 = arith.subf %mul3A_555, %mul3A_556 : vector<16xf32>
      %add3A_558 = arith.addf %add3A_522, %sub3A_557 : vector<16xf32>
      %get3A_559 = arith.index_cast %scan3A_482 : i32 to index
      %get3A_560 = arith.constant 32 : index
      %get3A_561 = tpu.vector_load %arg21[%get3A_559, %get3A_560] {strides = array<i32>} : memref<128x64xf32, #tpu.memory_space<vmem>>, vector<16xf32>,
      %get3A_562 = arith.index_cast %scan3A_482 : i32 to index
      %get3A_563 = arith.constant 32 : index
      %get3A_564 = tpu.vector_load %arg22[%get3A_562, %get3A_563] {strides = array<i32>} : memref<128x64xf32, #tpu.memory_space<vmem>>, vector<16xf32>,
      %get3A_565 = arith.index_cast %scan3A_482 : i32 to index
      %get3A_566 = arith.constant 32 : index
      %get3A_567 = tpu.vector_load %arg23[%get3A_565, %get3A_566] {strides = array<i32>} : memref<128x64xf32, #tpu.memory_space<vmem>>, vector<16xf32>,
      %sub3A_568 = arith.subf %get3A_564, %get3A_567 : vector<16xf32>
      %mul3A_569 = arith.mulf %get3A_561, %sub3A_568 : vector<16xf32>
      %add3A_570 = arith.addf %add3A_534, %mul3A_569 : vector<16xf32>
      %get3A_571 = arith.index_cast %scan3A_482 : i32 to index
      %get3A_572 = arith.constant 32 : index
      %get3A_573 = tpu.vector_load %arg24[%get3A_571, %get3A_572] {strides = array<i32>} : memref<128x64xf32, #tpu.memory_space<vmem>>, vector<16xf32>,
      %sub3A_574 = arith.subf %get3A_564, %get3A_573 : vector<16xf32>
      %get3A_575 = arith.index_cast %scan3A_482 : i32 to index
      %get3A_576 = arith.constant 32 : index
      %get3A_577 = tpu.vector_load %arg25[%get3A_575, %get3A_576] {strides = array<i32>} : memref<128x64xf32, #tpu.memory_space<vmem>>, vector<16xf32>,
      %sub3A_578 = arith.subf %get3A_564, %get3A_577 : vector<16xf32>
      %mul3A_579 = arith.mulf %sub3A_574, %sub3A_574 : vector<16xf32>
      %mul3A_580 = arith.mulf %sub3A_578, %sub3A_578 : vector<16xf32>
      %sub3A_581 = arith.subf %mul3A_579, %mul3A_580 : vector<16xf32>
      %add3A_582 = arith.addf %add3A_546, %sub3A_581 : vector<16xf32>
      %get3A_583 = arith.index_cast %scan3A_482 : i32 to index
      %get3A_584 = arith.constant 32 : index
      %get3A_585 = tpu.vector_load %arg26[%get3A_583, %get3A_584] {strides = array<i32>} : memref<128x64xf32, #tpu.memory_space<vmem>>, vector<16xf32>,
      %sub3A_586 = arith.subf %get3A_561, %get3A_585 : vector<16xf32>
      %get3A_587 = arith.index_cast %scan3A_482 : i32 to index
      %get3A_588 = arith.constant 32 : index
      %get3A_589 = tpu.vector_load %arg27[%get3A_587, %get3A_588] {strides = array<i32>} : memref<128x64xf32, #tpu.memory_space<vmem>>, vector<16xf32>,
      %sub3A_590 = arith.subf %get3A_561, %get3A_589 : vector<16xf32>
      %mul3A_591 = arith.mulf %sub3A_586, %sub3A_586 : vector<16xf32>
      %mul3A_592 = arith.mulf %sub3A_590, %sub3A_590 : vector<16xf32>
      %sub3A_593 = arith.subf %mul3A_591, %mul3A_592 : vector<16xf32>
      %add3A_594 = arith.addf %add3A_558, %sub3A_593 : vector<16xf32>
      %get3A_595 = arith.index_cast %scan3A_482 : i32 to index
      %get3A_596 = arith.constant 48 : index
      %get3A_597 = tpu.vector_load %arg21[%get3A_595, %get3A_596] {strides = array<i32>} : memref<128x64xf32, #tpu.memory_space<vmem>>, vector<16xf32>,
      %get3A_598 = arith.index_cast %scan3A_482 : i32 to index
      %get3A_599 = arith.constant 48 : index
      %get3A_600 = tpu.vector_load %arg22[%get3A_598, %get3A_599] {strides = array<i32>} : memref<128x64xf32, #tpu.memory_space<vmem>>, vector<16xf32>,
      %get3A_601 = arith.index_cast %scan3A_482 : i32 to index
      %get3A_602 = arith.constant 48 : index
      %get3A_603 = tpu.vector_load %arg23[%get3A_601, %get3A_602] {strides = array<i32>} : memref<128x64xf32, #tpu.memory_space<vmem>>, vector<16xf32>,
      %sub3A_604 = arith.subf %get3A_600, %get3A_603 : vector<16xf32>
      %mul3A_605 = arith.mulf %get3A_597, %sub3A_604 : vector<16xf32>
      %add3A_606 = arith.addf %add3A_570, %mul3A_605 : vector<16xf32>
      %get3A_607 = arith.index_cast %scan3A_482 : i32 to index
      %get3A_608 = arith.constant 48 : index
      %get3A_609 = tpu.vector_load %arg24[%get3A_607, %get3A_608] {strides = array<i32>} : memref<128x64xf32, #tpu.memory_space<vmem>>, vector<16xf32>,
      %sub3A_610 = arith.subf %get3A_600, %get3A_609 : vector<16xf32>
      %get3A_611 = arith.index_cast %scan3A_482 : i32 to index
      %get3A_612 = arith.constant 48 : index
      %get3A_613 = tpu.vector_load %arg25[%get3A_611, %get3A_612] {strides = array<i32>} : memref<128x64xf32, #tpu.memory_space<vmem>>, vector<16xf32>,
      %sub3A_614 = arith.subf %get3A_600, %get3A_613 : vector<16xf32>
      %mul3A_615 = arith.mulf %sub3A_610, %sub3A_610 : vector<16xf32>
      %mul3A_616 = arith.mulf %sub3A_614, %sub3A_614 : vector<16xf32>
      %sub3A_617 = arith.subf %mul3A_615, %mul3A_616 : vector<16xf32>
      %add3A_618 = arith.addf %add3A_582, %sub3A_617 : vector<16xf32>
      %get3A_619 = arith.index_cast %scan3A_482 : i32 to index
      %get3A_620 = arith.constant 48 : index
      %get3A_621 = tpu.vector_load %arg26[%get3A_619, %get3A_620] {strides = array<i32>} : memref<128x64xf32, #tpu.memory_space<vmem>>, vector<16xf32>,
      %sub3A_622 = arith.subf %get3A_597, %get3A_621 : vector<16xf32>
      %get3A_623 = arith.index_cast %scan3A_482 : i32 to index
      %get3A_624 = arith.constant 48 : index
      %get3A_625 = tpu.vector_load %arg27[%get3A_623, %get3A_624] {strides = array<i32>} : memref<128x64xf32, #tpu.memory_space<vmem>>, vector<16xf32>,
      %sub3A_626 = arith.subf %get3A_597, %get3A_625 : vector<16xf32>
      %mul3A_627 = arith.mulf %sub3A_622, %sub3A_622 : vector<16xf32>
      %mul3A_628 = arith.mulf %sub3A_626, %sub3A_626 : vector<16xf32>
      %sub3A_629 = arith.subf %mul3A_627, %mul3A_628 : vector<16xf32>
      %add3A_630 = arith.addf %add3A_594, %sub3A_629 : vector<16xf32>
      %and3A = arith.constant 15 : i32
      %and3A_631 = arith.andi %scan3A_482, %and3A : i32
      %broadcast_in_dim3A_632 = vector.broadcast %and3A_631 : i32 to vector<16xi32>
      tpu.vector_store_idx %arg28[%iota3A, %broadcast_in_dim3A_632], %add3A_606 : memref<16x16xf32, #tpu.memory_space<vmem>>[vector<16xi32>, vector<16xi32>], vector<16xf32>,
      tpu.vector_store_idx %arg29[%iota3A, %broadcast_in_dim3A_632], %add3A_618 : memref<16x16xf32, #tpu.memory_space<vmem>>[vector<16xi32>, vector<16xi32>], vector<16xf32>,
      tpu.vector_store_idx %arg30[%iota3A, %broadcast_in_dim3A_632], %add3A_630 : memref<16x16xf32, #tpu.memory_space<vmem>>[vector<16xi32>, vector<16xi32>], vector<16xf32>,
      %eq3A = arith.constant 15 : i32
      %eq3A_633 = arith.cmpi eq, %and3A_631, %eq3A : i32
      %convert_element_type3A = arith.extui %eq3A_633 : i1 to i32
      %cond3A = arith.constant 0 : i32
      %cond3A_634 = arith.cmpi ne, %convert_element_type3A, %cond3A : i32
      scf.if %cond3A_634 {
        %add3A_797 = arith.constant 384 : i32
        %add3A_798 = arith.addi %add3A_797, %scan3A_482 : i32
        %sub3A_799 = arith.constant 15 : i32
        %sub3A_800 = arith.subi %add3A_798, %sub3A_799 : i32
        %get3A_801 = arith.constant 0 : i32
        %get3A_802 = arith.index_cast %get3A_801 : i32 to index
        %get3A_803 = arith.constant 0 : index
        %get3A_804 = tpu.vector_load %arg28[%get3A_802, %get3A_803] {strides = array<i32>} : memref<16x16xf32, #tpu.memory_space<vmem>>, vector<16xf32>,
        %get3A_805 = arith.constant 1 : i32
        %get3A_806 = arith.index_cast %get3A_805 : i32 to index
        %get3A_807 = arith.constant 0 : index
        %get3A_808 = tpu.vector_load %arg28[%get3A_806, %get3A_807] {strides = array<i32>} : memref<16x16xf32, #tpu.memory_space<vmem>>, vector<16xf32>,
        %get3A_809 = arith.constant 2 : i32
        %get3A_810 = arith.index_cast %get3A_809 : i32 to index
        %get3A_811 = arith.constant 0 : index
        %get3A_812 = tpu.vector_load %arg28[%get3A_810, %get3A_811] {strides = array<i32>} : memref<16x16xf32, #tpu.memory_space<vmem>>, vector<16xf32>,
        %get3A_813 = arith.constant 3 : i32
        %get3A_814 = arith.index_cast %get3A_813 : i32 to index
        %get3A_815 = arith.constant 0 : index
        %get3A_816 = tpu.vector_load %arg28[%get3A_814, %get3A_815] {strides = array<i32>} : memref<16x16xf32, #tpu.memory_space<vmem>>, vector<16xf32>,
        %get3A_817 = arith.constant 4 : i32
        %get3A_818 = arith.index_cast %get3A_817 : i32 to index
        %get3A_819 = arith.constant 0 : index
        %get3A_820 = tpu.vector_load %arg28[%get3A_818, %get3A_819] {strides = array<i32>} : memref<16x16xf32, #tpu.memory_space<vmem>>, vector<16xf32>,
        %get3A_821 = arith.constant 5 : i32
        %get3A_822 = arith.index_cast %get3A_821 : i32 to index
        %get3A_823 = arith.constant 0 : index
        %get3A_824 = tpu.vector_load %arg28[%get3A_822, %get3A_823] {strides = array<i32>} : memref<16x16xf32, #tpu.memory_space<vmem>>, vector<16xf32>,
        %get3A_825 = arith.constant 6 : i32
        %get3A_826 = arith.index_cast %get3A_825 : i32 to index
        %get3A_827 = arith.constant 0 : index
        %get3A_828 = tpu.vector_load %arg28[%get3A_826, %get3A_827] {strides = array<i32>} : memref<16x16xf32, #tpu.memory_space<vmem>>, vector<16xf32>,
        %get3A_829 = arith.constant 7 : i32
        %get3A_830 = arith.index_cast %get3A_829 : i32 to index
        %get3A_831 = arith.constant 0 : index
        %get3A_832 = tpu.vector_load %arg28[%get3A_830, %get3A_831] {strides = array<i32>} : memref<16x16xf32, #tpu.memory_space<vmem>>, vector<16xf32>,
        %get3A_833 = arith.constant 8 : i32
        %get3A_834 = arith.index_cast %get3A_833 : i32 to index
        %get3A_835 = arith.constant 0 : index
        %get3A_836 = tpu.vector_load %arg28[%get3A_834, %get3A_835] {strides = array<i32>} : memref<16x16xf32, #tpu.memory_space<vmem>>, vector<16xf32>,
        %get3A_837 = arith.constant 9 : i32
        %get3A_838 = arith.index_cast %get3A_837 : i32 to index
        %get3A_839 = arith.constant 0 : index
        %get3A_840 = tpu.vector_load %arg28[%get3A_838, %get3A_839] {strides = array<i32>} : memref<16x16xf32, #tpu.memory_space<vmem>>, vector<16xf32>,
        %get3A_841 = arith.constant 10 : i32
        %get3A_842 = arith.index_cast %get3A_841 : i32 to index
        %get3A_843 = arith.constant 0 : index
        %get3A_844 = tpu.vector_load %arg28[%get3A_842, %get3A_843] {strides = array<i32>} : memref<16x16xf32, #tpu.memory_space<vmem>>, vector<16xf32>,
        %get3A_845 = arith.constant 11 : i32
        %get3A_846 = arith.index_cast %get3A_845 : i32 to index
        %get3A_847 = arith.constant 0 : index
        %get3A_848 = tpu.vector_load %arg28[%get3A_846, %get3A_847] {strides = array<i32>} : memref<16x16xf32, #tpu.memory_space<vmem>>, vector<16xf32>,
        %get3A_849 = arith.constant 12 : i32
        %get3A_850 = arith.index_cast %get3A_849 : i32 to index
        %get3A_851 = arith.constant 0 : index
        %get3A_852 = tpu.vector_load %arg28[%get3A_850, %get3A_851] {strides = array<i32>} : memref<16x16xf32, #tpu.memory_space<vmem>>, vector<16xf32>,
        %get3A_853 = arith.constant 13 : i32
        %get3A_854 = arith.index_cast %get3A_853 : i32 to index
        %get3A_855 = arith.constant 0 : index
        %get3A_856 = tpu.vector_load %arg28[%get3A_854, %get3A_855] {strides = array<i32>} : memref<16x16xf32, #tpu.memory_space<vmem>>, vector<16xf32>,
        %get3A_857 = arith.constant 14 : i32
        %get3A_858 = arith.index_cast %get3A_857 : i32 to index
        %get3A_859 = arith.constant 0 : index
        %get3A_860 = tpu.vector_load %arg28[%get3A_858, %get3A_859] {strides = array<i32>} : memref<16x16xf32, #tpu.memory_space<vmem>>, vector<16xf32>,
        %get3A_861 = arith.constant 15 : i32
        %get3A_862 = arith.index_cast %get3A_861 : i32 to index
        %get3A_863 = arith.constant 0 : index
        %get3A_864 = tpu.vector_load %arg28[%get3A_862, %get3A_863] {strides = array<i32>} : memref<16x16xf32, #tpu.memory_space<vmem>>, vector<16xf32>,
        %add3A_865 = arith.addf %get3A_804, %get3A_808 : vector<16xf32>
        %add3A_866 = arith.addf %get3A_812, %get3A_816 : vector<16xf32>
        %add3A_867 = arith.addf %get3A_820, %get3A_824 : vector<16xf32>
        %add3A_868 = arith.addf %get3A_828, %get3A_832 : vector<16xf32>
        %add3A_869 = arith.addf %get3A_836, %get3A_840 : vector<16xf32>
        %add3A_870 = arith.addf %get3A_844, %get3A_848 : vector<16xf32>
        %add3A_871 = arith.addf %get3A_852, %get3A_856 : vector<16xf32>
        %add3A_872 = arith.addf %get3A_860, %get3A_864 : vector<16xf32>
        %add3A_873 = arith.addf %add3A_865, %add3A_866 : vector<16xf32>
        %add3A_874 = arith.addf %add3A_867, %add3A_868 : vector<16xf32>
        %add3A_875 = arith.addf %add3A_869, %add3A_870 : vector<16xf32>
        %add3A_876 = arith.addf %add3A_871, %add3A_872 : vector<16xf32>
        %add3A_877 = arith.addf %add3A_873, %add3A_874 : vector<16xf32>
        %add3A_878 = arith.addf %add3A_875, %add3A_876 : vector<16xf32>
        %add3A_879 = arith.addf %add3A_877, %add3A_878 : vector<16xf32>
        %swap3A = arith.index_cast %sub3A_800 : i32 to index
        %swap3A_880 = tpu.vector_load %arg31[%swap3A] {strides = array<i32>} : memref<512xf32, #tpu.memory_space<vmem>>, vector<16xf32>,
        tpu.vector_store %arg31[%swap3A], %add3A_879 {strides = array<i32>} : memref<512xf32, #tpu.memory_space<vmem>>, vector<16xf32>,
        %get3A_881 = arith.constant 0 : i32
        %get3A_882 = arith.index_cast %get3A_881 : i32 to index
        %get3A_883 = arith.constant 0 : index
        %get3A_884 = tpu.vector_load %arg29[%get3A_882, %get3A_883] {strides = array<i32>} : memref<16x16xf32, #tpu.memory_space<vmem>>, vector<16xf32>,
        %get3A_885 = arith.constant 1 : i32
        %get3A_886 = arith.index_cast %get3A_885 : i32 to index
        %get3A_887 = arith.constant 0 : index
        %get3A_888 = tpu.vector_load %arg29[%get3A_886, %get3A_887] {strides = array<i32>} : memref<16x16xf32, #tpu.memory_space<vmem>>, vector<16xf32>,
        %get3A_889 = arith.constant 2 : i32
        %get3A_890 = arith.index_cast %get3A_889 : i32 to index
        %get3A_891 = arith.constant 0 : index
        %get3A_892 = tpu.vector_load %arg29[%get3A_890, %get3A_891] {strides = array<i32>} : memref<16x16xf32, #tpu.memory_space<vmem>>, vector<16xf32>,
        %get3A_893 = arith.constant 3 : i32
        %get3A_894 = arith.index_cast %get3A_893 : i32 to index
        %get3A_895 = arith.constant 0 : index
        %get3A_896 = tpu.vector_load %arg29[%get3A_894, %get3A_895] {strides = array<i32>} : memref<16x16xf32, #tpu.memory_space<vmem>>, vector<16xf32>,
        %get3A_897 = arith.constant 4 : i32
        %get3A_898 = arith.index_cast %get3A_897 : i32 to index
        %get3A_899 = arith.constant 0 : index
        %get3A_900 = tpu.vector_load %arg29[%get3A_898, %get3A_899] {strides = array<i32>} : memref<16x16xf32, #tpu.memory_space<vmem>>, vector<16xf32>,
        %get3A_901 = arith.constant 5 : i32
        %get3A_902 = arith.index_cast %get3A_901 : i32 to index
        %get3A_903 = arith.constant 0 : index
        %get3A_904 = tpu.vector_load %arg29[%get3A_902, %get3A_903] {strides = array<i32>} : memref<16x16xf32, #tpu.memory_space<vmem>>, vector<16xf32>,
        %get3A_905 = arith.constant 6 : i32
        %get3A_906 = arith.index_cast %get3A_905 : i32 to index
        %get3A_907 = arith.constant 0 : index
        %get3A_908 = tpu.vector_load %arg29[%get3A_906, %get3A_907] {strides = array<i32>} : memref<16x16xf32, #tpu.memory_space<vmem>>, vector<16xf32>,
        %get3A_909 = arith.constant 7 : i32
        %get3A_910 = arith.index_cast %get3A_909 : i32 to index
        %get3A_911 = arith.constant 0 : index
        %get3A_912 = tpu.vector_load %arg29[%get3A_910, %get3A_911] {strides = array<i32>} : memref<16x16xf32, #tpu.memory_space<vmem>>, vector<16xf32>,
        %get3A_913 = arith.constant 8 : i32
        %get3A_914 = arith.index_cast %get3A_913 : i32 to index
        %get3A_915 = arith.constant 0 : index
        %get3A_916 = tpu.vector_load %arg29[%get3A_914, %get3A_915] {strides = array<i32>} : memref<16x16xf32, #tpu.memory_space<vmem>>, vector<16xf32>,
        %get3A_917 = arith.constant 9 : i32
        %get3A_918 = arith.index_cast %get3A_917 : i32 to index
        %get3A_919 = arith.constant 0 : index
        %get3A_920 = tpu.vector_load %arg29[%get3A_918, %get3A_919] {strides = array<i32>} : memref<16x16xf32, #tpu.memory_space<vmem>>, vector<16xf32>,
        %get3A_921 = arith.constant 10 : i32
        %get3A_922 = arith.index_cast %get3A_921 : i32 to index
        %get3A_923 = arith.constant 0 : index
        %get3A_924 = tpu.vector_load %arg29[%get3A_922, %get3A_923] {strides = array<i32>} : memref<16x16xf32, #tpu.memory_space<vmem>>, vector<16xf32>,
        %get3A_925 = arith.constant 11 : i32
        %get3A_926 = arith.index_cast %get3A_925 : i32 to index
        %get3A_927 = arith.constant 0 : index
        %get3A_928 = tpu.vector_load %arg29[%get3A_926, %get3A_927] {strides = array<i32>} : memref<16x16xf32, #tpu.memory_space<vmem>>, vector<16xf32>,
        %get3A_929 = arith.constant 12 : i32
        %get3A_930 = arith.index_cast %get3A_929 : i32 to index
        %get3A_931 = arith.constant 0 : index
        %get3A_932 = tpu.vector_load %arg29[%get3A_930, %get3A_931] {strides = array<i32>} : memref<16x16xf32, #tpu.memory_space<vmem>>, vector<16xf32>,
        %get3A_933 = arith.constant 13 : i32
        %get3A_934 = arith.index_cast %get3A_933 : i32 to index
        %get3A_935 = arith.constant 0 : index
        %get3A_936 = tpu.vector_load %arg29[%get3A_934, %get3A_935] {strides = array<i32>} : memref<16x16xf32, #tpu.memory_space<vmem>>, vector<16xf32>,
        %get3A_937 = arith.constant 14 : i32
        %get3A_938 = arith.index_cast %get3A_937 : i32 to index
        %get3A_939 = arith.constant 0 : index
        %get3A_940 = tpu.vector_load %arg29[%get3A_938, %get3A_939] {strides = array<i32>} : memref<16x16xf32, #tpu.memory_space<vmem>>, vector<16xf32>,
        %get3A_941 = arith.constant 15 : i32
        %get3A_942 = arith.index_cast %get3A_941 : i32 to index
        %get3A_943 = arith.constant 0 : index
        %get3A_944 = tpu.vector_load %arg29[%get3A_942, %get3A_943] {strides = array<i32>} : memref<16x16xf32, #tpu.memory_space<vmem>>, vector<16xf32>,
        %add3A_945 = arith.addf %get3A_884, %get3A_888 : vector<16xf32>
        %add3A_946 = arith.addf %get3A_892, %get3A_896 : vector<16xf32>
        %add3A_947 = arith.addf %get3A_900, %get3A_904 : vector<16xf32>
        %add3A_948 = arith.addf %get3A_908, %get3A_912 : vector<16xf32>
        %add3A_949 = arith.addf %get3A_916, %get3A_920 : vector<16xf32>
        %add3A_950 = arith.addf %get3A_924, %get3A_928 : vector<16xf32>
        %add3A_951 = arith.addf %get3A_932, %get3A_936 : vector<16xf32>
        %add3A_952 = arith.addf %get3A_940, %get3A_944 : vector<16xf32>
        %add3A_953 = arith.addf %add3A_945, %add3A_946 : vector<16xf32>
        %add3A_954 = arith.addf %add3A_947, %add3A_948 : vector<16xf32>
        %add3A_955 = arith.addf %add3A_949, %add3A_950 : vector<16xf32>
        %add3A_956 = arith.addf %add3A_951, %add3A_952 : vector<16xf32>
        %add3A_957 = arith.addf %add3A_953, %add3A_954 : vector<16xf32>
        %add3A_958 = arith.addf %add3A_955, %add3A_956 : vector<16xf32>
        %add3A_959 = arith.addf %add3A_957, %add3A_958 : vector<16xf32>
        %swap3A_960 = arith.index_cast %sub3A_800 : i32 to index
        %swap3A_961 = tpu.vector_load %arg32[%swap3A_960] {strides = array<i32>} : memref<512xf32, #tpu.memory_space<vmem>>, vector<16xf32>,
        tpu.vector_store %arg32[%swap3A_960], %add3A_959 {strides = array<i32>} : memref<512xf32, #tpu.memory_space<vmem>>, vector<16xf32>,
        %get3A_962 = arith.constant 0 : i32
        %get3A_963 = arith.index_cast %get3A_962 : i32 to index
        %get3A_964 = arith.constant 0 : index
        %get3A_965 = tpu.vector_load %arg30[%get3A_963, %get3A_964] {strides = array<i32>} : memref<16x16xf32, #tpu.memory_space<vmem>>, vector<16xf32>,
        %get3A_966 = arith.constant 1 : i32
        %get3A_967 = arith.index_cast %get3A_966 : i32 to index
        %get3A_968 = arith.constant 0 : index
        %get3A_969 = tpu.vector_load %arg30[%get3A_967, %get3A_968] {strides = array<i32>} : memref<16x16xf32, #tpu.memory_space<vmem>>, vector<16xf32>,
        %get3A_970 = arith.constant 2 : i32
        %get3A_971 = arith.index_cast %get3A_970 : i32 to index
        %get3A_972 = arith.constant 0 : index
        %get3A_973 = tpu.vector_load %arg30[%get3A_971, %get3A_972] {strides = array<i32>} : memref<16x16xf32, #tpu.memory_space<vmem>>, vector<16xf32>,
        %get3A_974 = arith.constant 3 : i32
        %get3A_975 = arith.index_cast %get3A_974 : i32 to index
        %get3A_976 = arith.constant 0 : index
        %get3A_977 = tpu.vector_load %arg30[%get3A_975, %get3A_976] {strides = array<i32>} : memref<16x16xf32, #tpu.memory_space<vmem>>, vector<16xf32>,
        %get3A_978 = arith.constant 4 : i32
        %get3A_979 = arith.index_cast %get3A_978 : i32 to index
        %get3A_980 = arith.constant 0 : index
        %get3A_981 = tpu.vector_load %arg30[%get3A_979, %get3A_980] {strides = array<i32>} : memref<16x16xf32, #tpu.memory_space<vmem>>, vector<16xf32>,
        %get3A_982 = arith.constant 5 : i32
        %get3A_983 = arith.index_cast %get3A_982 : i32 to index
        %get3A_984 = arith.constant 0 : index
        %get3A_985 = tpu.vector_load %arg30[%get3A_983, %get3A_984] {strides = array<i32>} : memref<16x16xf32, #tpu.memory_space<vmem>>, vector<16xf32>,
        %get3A_986 = arith.constant 6 : i32
        %get3A_987 = arith.index_cast %get3A_986 : i32 to index
        %get3A_988 = arith.constant 0 : index
        %get3A_989 = tpu.vector_load %arg30[%get3A_987, %get3A_988] {strides = array<i32>} : memref<16x16xf32, #tpu.memory_space<vmem>>, vector<16xf32>,
        %get3A_990 = arith.constant 7 : i32
        %get3A_991 = arith.index_cast %get3A_990 : i32 to index
        %get3A_992 = arith.constant 0 : index
        %get3A_993 = tpu.vector_load %arg30[%get3A_991, %get3A_992] {strides = array<i32>} : memref<16x16xf32, #tpu.memory_space<vmem>>, vector<16xf32>,
        %get3A_994 = arith.constant 8 : i32
        %get3A_995 = arith.index_cast %get3A_994 : i32 to index
        %get3A_996 = arith.constant 0 : index
        %get3A_997 = tpu.vector_load %arg30[%get3A_995, %get3A_996] {strides = array<i32>} : memref<16x16xf32, #tpu.memory_space<vmem>>, vector<16xf32>,
        %get3A_998 = arith.constant 9 : i32
        %get3A_999 = arith.index_cast %get3A_998 : i32 to index
        %get3A_1000 = arith.constant 0 : index
        %get3A_1001 = tpu.vector_load %arg30[%get3A_999, %get3A_1000] {strides = array<i32>} : memref<16x16xf32, #tpu.memory_space<vmem>>, vector<16xf32>,
        %get3A_1002 = arith.constant 10 : i32
        %get3A_1003 = arith.index_cast %get3A_1002 : i32 to index
        %get3A_1004 = arith.constant 0 : index
        %get3A_1005 = tpu.vector_load %arg30[%get3A_1003, %get3A_1004] {strides = array<i32>} : memref<16x16xf32, #tpu.memory_space<vmem>>, vector<16xf32>,
        %get3A_1006 = arith.constant 11 : i32
        %get3A_1007 = arith.index_cast %get3A_1006 : i32 to index
        %get3A_1008 = arith.constant 0 : index
        %get3A_1009 = tpu.vector_load %arg30[%get3A_1007, %get3A_1008] {strides = array<i32>} : memref<16x16xf32, #tpu.memory_space<vmem>>, vector<16xf32>,
        %get3A_1010 = arith.constant 12 : i32
        %get3A_1011 = arith.index_cast %get3A_1010 : i32 to index
        %get3A_1012 = arith.constant 0 : index
        %get3A_1013 = tpu.vector_load %arg30[%get3A_1011, %get3A_1012] {strides = array<i32>} : memref<16x16xf32, #tpu.memory_space<vmem>>, vector<16xf32>,
        %get3A_1014 = arith.constant 13 : i32
        %get3A_1015 = arith.index_cast %get3A_1014 : i32 to index
        %get3A_1016 = arith.constant 0 : index
        %get3A_1017 = tpu.vector_load %arg30[%get3A_1015, %get3A_1016] {strides = array<i32>} : memref<16x16xf32, #tpu.memory_space<vmem>>, vector<16xf32>,
        %get3A_1018 = arith.constant 14 : i32
        %get3A_1019 = arith.index_cast %get3A_1018 : i32 to index
        %get3A_1020 = arith.constant 0 : index
        %get3A_1021 = tpu.vector_load %arg30[%get3A_1019, %get3A_1020] {strides = array<i32>} : memref<16x16xf32, #tpu.memory_space<vmem>>, vector<16xf32>,
        %get3A_1022 = arith.constant 15 : i32
        %get3A_1023 = arith.index_cast %get3A_1022 : i32 to index
        %get3A_1024 = arith.constant 0 : index
        %get3A_1025 = tpu.vector_load %arg30[%get3A_1023, %get3A_1024] {strides = array<i32>} : memref<16x16xf32, #tpu.memory_space<vmem>>, vector<16xf32>,
        %add3A_1026 = arith.addf %get3A_965, %get3A_969 : vector<16xf32>
        %add3A_1027 = arith.addf %get3A_973, %get3A_977 : vector<16xf32>
        %add3A_1028 = arith.addf %get3A_981, %get3A_985 : vector<16xf32>
        %add3A_1029 = arith.addf %get3A_989, %get3A_993 : vector<16xf32>
        %add3A_1030 = arith.addf %get3A_997, %get3A_1001 : vector<16xf32>
        %add3A_1031 = arith.addf %get3A_1005, %get3A_1009 : vector<16xf32>
        %add3A_1032 = arith.addf %get3A_1013, %get3A_1017 : vector<16xf32>
        %add3A_1033 = arith.addf %get3A_1021, %get3A_1025 : vector<16xf32>
        %add3A_1034 = arith.addf %add3A_1026, %add3A_1027 : vector<16xf32>
        %add3A_1035 = arith.addf %add3A_1028, %add3A_1029 : vector<16xf32>
        %add3A_1036 = arith.addf %add3A_1030, %add3A_1031 : vector<16xf32>
        %add3A_1037 = arith.addf %add3A_1032, %add3A_1033 : vector<16xf32>
        %add3A_1038 = arith.addf %add3A_1034, %add3A_1035 : vector<16xf32>
        %add3A_1039 = arith.addf %add3A_1036, %add3A_1037 : vector<16xf32>
        %add3A_1040 = arith.addf %add3A_1038, %add3A_1039 : vector<16xf32>
        %swap3A_1041 = arith.index_cast %sub3A_800 : i32 to index
        %swap3A_1042 = tpu.vector_load %arg33[%swap3A_1041] {strides = array<i32>} : memref<512xf32, #tpu.memory_space<vmem>>, vector<16xf32>,
        tpu.vector_store %arg33[%swap3A_1041], %add3A_1040 {strides = array<i32>} : memref<512xf32, #tpu.memory_space<vmem>>, vector<16xf32>,
      } else {
      }
      %scan3A_635 = arith.constant 0 : i32
      %scan3A_636 = arith.constant 1 : i32
      %scan3A_637 = arith.addi %scan3A_482, %scan3A_636 : i32
      %broadcast_in_dim3A_638 = arith.constant 0.000000e+00 : f32
      %broadcast_in_dim3A_639 = vector.broadcast %broadcast_in_dim3A_638 : f32 to vector<16xf32>
      %broadcast_in_dim3A_640 = arith.constant 0.000000e+00 : f32
      %broadcast_in_dim3A_641 = vector.broadcast %broadcast_in_dim3A_640 : f32 to vector<16xf32>
      %broadcast_in_dim3A_642 = arith.constant 0.000000e+00 : f32
      %broadcast_in_dim3A_643 = vector.broadcast %broadcast_in_dim3A_642 : f32 to vector<16xf32>
      %get3A_644 = arith.index_cast %scan3A_637 : i32 to index
      %get3A_645 = arith.constant 0 : index
      %get3A_646 = tpu.vector_load %arg21[%get3A_644, %get3A_645] {strides = array<i32>} : memref<128x64xf32, #tpu.memory_space<vmem>>, vector<16xf32>,
      %get3A_647 = arith.index_cast %scan3A_637 : i32 to index
      %get3A_648 = arith.constant 0 : index
      %get3A_649 = tpu.vector_load %arg22[%get3A_647, %get3A_648] {strides = array<i32>} : memref<128x64xf32, #tpu.memory_space<vmem>>, vector<16xf32>,
      %get3A_650 = arith.index_cast %scan3A_637 : i32 to index
      %get3A_651 = arith.constant 0 : index
      %get3A_652 = tpu.vector_load %arg23[%get3A_650, %get3A_651] {strides = array<i32>} : memref<128x64xf32, #tpu.memory_space<vmem>>, vector<16xf32>,
      %sub3A_653 = arith.subf %get3A_649, %get3A_652 : vector<16xf32>
      %mul3A_654 = arith.mulf %get3A_646, %sub3A_653 : vector<16xf32>
      %add3A_655 = arith.addf %broadcast_in_dim3A_639, %mul3A_654 : vector<16xf32>
      %get3A_656 = arith.index_cast %scan3A_637 : i32 to index
      %get3A_657 = arith.constant 0 : index
      %get3A_658 = tpu.vector_load %arg24[%get3A_656, %get3A_657] {strides = array<i32>} : memref<128x64xf32, #tpu.memory_space<vmem>>, vector<16xf32>,
      %sub3A_659 = arith.subf %get3A_649, %get3A_658 : vector<16xf32>
      %get3A_660 = arith.index_cast %scan3A_637 : i32 to index
      %get3A_661 = arith.constant 0 : index
      %get3A_662 = tpu.vector_load %arg25[%get3A_660, %get3A_661] {strides = array<i32>} : memref<128x64xf32, #tpu.memory_space<vmem>>, vector<16xf32>,
      %sub3A_663 = arith.subf %get3A_649, %get3A_662 : vector<16xf32>
      %mul3A_664 = arith.mulf %sub3A_659, %sub3A_659 : vector<16xf32>
      %mul3A_665 = arith.mulf %sub3A_663, %sub3A_663 : vector<16xf32>
      %sub3A_666 = arith.subf %mul3A_664, %mul3A_665 : vector<16xf32>
      %add3A_667 = arith.addf %broadcast_in_dim3A_641, %sub3A_666 : vector<16xf32>
      %get3A_668 = arith.index_cast %scan3A_637 : i32 to index
      %get3A_669 = arith.constant 0 : index
      %get3A_670 = tpu.vector_load %arg26[%get3A_668, %get3A_669] {strides = array<i32>} : memref<128x64xf32, #tpu.memory_space<vmem>>, vector<16xf32>,
      %sub3A_671 = arith.subf %get3A_646, %get3A_670 : vector<16xf32>
      %get3A_672 = arith.index_cast %scan3A_637 : i32 to index
      %get3A_673 = arith.constant 0 : index
      %get3A_674 = tpu.vector_load %arg27[%get3A_672, %get3A_673] {strides = array<i32>} : memref<128x64xf32, #tpu.memory_space<vmem>>, vector<16xf32>,
      %sub3A_675 = arith.subf %get3A_646, %get3A_674 : vector<16xf32>
      %mul3A_676 = arith.mulf %sub3A_671, %sub3A_671 : vector<16xf32>
      %mul3A_677 = arith.mulf %sub3A_675, %sub3A_675 : vector<16xf32>
      %sub3A_678 = arith.subf %mul3A_676, %mul3A_677 : vector<16xf32>
      %add3A_679 = arith.addf %broadcast_in_dim3A_643, %sub3A_678 : vector<16xf32>
      %get3A_680 = arith.index_cast %scan3A_637 : i32 to index
      %get3A_681 = arith.constant 16 : index
      %get3A_682 = tpu.vector_load %arg21[%get3A_680, %get3A_681] {strides = array<i32>} : memref<128x64xf32, #tpu.memory_space<vmem>>, vector<16xf32>,
      %get3A_683 = arith.index_cast %scan3A_637 : i32 to index
      %get3A_684 = arith.constant 16 : index
      %get3A_685 = tpu.vector_load %arg22[%get3A_683, %get3A_684] {strides = array<i32>} : memref<128x64xf32, #tpu.memory_space<vmem>>, vector<16xf32>,
      %get3A_686 = arith.index_cast %scan3A_637 : i32 to index
      %get3A_687 = arith.constant 16 : index
      %get3A_688 = tpu.vector_load %arg23[%get3A_686, %get3A_687] {strides = array<i32>} : memref<128x64xf32, #tpu.memory_space<vmem>>, vector<16xf32>,
      %sub3A_689 = arith.subf %get3A_685, %get3A_688 : vector<16xf32>
      %mul3A_690 = arith.mulf %get3A_682, %sub3A_689 : vector<16xf32>
      %add3A_691 = arith.addf %add3A_655, %mul3A_690 : vector<16xf32>
      %get3A_692 = arith.index_cast %scan3A_637 : i32 to index
      %get3A_693 = arith.constant 16 : index
      %get3A_694 = tpu.vector_load %arg24[%get3A_692, %get3A_693] {strides = array<i32>} : memref<128x64xf32, #tpu.memory_space<vmem>>, vector<16xf32>,
      %sub3A_695 = arith.subf %get3A_685, %get3A_694 : vector<16xf32>
      %get3A_696 = arith.index_cast %scan3A_637 : i32 to index
      %get3A_697 = arith.constant 16 : index
      %get3A_698 = tpu.vector_load %arg25[%get3A_696, %get3A_697] {strides = array<i32>} : memref<128x64xf32, #tpu.memory_space<vmem>>, vector<16xf32>,
      %sub3A_699 = arith.subf %get3A_685, %get3A_698 : vector<16xf32>
      %mul3A_700 = arith.mulf %sub3A_695, %sub3A_695 : vector<16xf32>
      %mul3A_701 = arith.mulf %sub3A_699, %sub3A_699 : vector<16xf32>
      %sub3A_702 = arith.subf %mul3A_700, %mul3A_701 : vector<16xf32>
      %add3A_703 = arith.addf %add3A_667, %sub3A_702 : vector<16xf32>
      %get3A_704 = arith.index_cast %scan3A_637 : i32 to index
      %get3A_705 = arith.constant 16 : index
      %get3A_706 = tpu.vector_load %arg26[%get3A_704, %get3A_705] {strides = array<i32>} : memref<128x64xf32, #tpu.memory_space<vmem>>, vector<16xf32>,
      %sub3A_707 = arith.subf %get3A_682, %get3A_706 : vector<16xf32>
      %get3A_708 = arith.index_cast %scan3A_637 : i32 to index
      %get3A_709 = arith.constant 16 : index
      %get3A_710 = tpu.vector_load %arg27[%get3A_708, %get3A_709] {strides = array<i32>} : memref<128x64xf32, #tpu.memory_space<vmem>>, vector<16xf32>,
      %sub3A_711 = arith.subf %get3A_682, %get3A_710 : vector<16xf32>
      %mul3A_712 = arith.mulf %sub3A_707, %sub3A_707 : vector<16xf32>
      %mul3A_713 = arith.mulf %sub3A_711, %sub3A_711 : vector<16xf32>
      %sub3A_714 = arith.subf %mul3A_712, %mul3A_713 : vector<16xf32>
      %add3A_715 = arith.addf %add3A_679, %sub3A_714 : vector<16xf32>
      %get3A_716 = arith.index_cast %scan3A_637 : i32 to index
      %get3A_717 = arith.constant 32 : index
      %get3A_718 = tpu.vector_load %arg21[%get3A_716, %get3A_717] {strides = array<i32>} : memref<128x64xf32, #tpu.memory_space<vmem>>, vector<16xf32>,
      %get3A_719 = arith.index_cast %scan3A_637 : i32 to index
      %get3A_720 = arith.constant 32 : index
      %get3A_721 = tpu.vector_load %arg22[%get3A_719, %get3A_720] {strides = array<i32>} : memref<128x64xf32, #tpu.memory_space<vmem>>, vector<16xf32>,
      %get3A_722 = arith.index_cast %scan3A_637 : i32 to index
      %get3A_723 = arith.constant 32 : index
      %get3A_724 = tpu.vector_load %arg23[%get3A_722, %get3A_723] {strides = array<i32>} : memref<128x64xf32, #tpu.memory_space<vmem>>, vector<16xf32>,
      %sub3A_725 = arith.subf %get3A_721, %get3A_724 : vector<16xf32>
      %mul3A_726 = arith.mulf %get3A_718, %sub3A_725 : vector<16xf32>
      %add3A_727 = arith.addf %add3A_691, %mul3A_726 : vector<16xf32>
      %get3A_728 = arith.index_cast %scan3A_637 : i32 to index
      %get3A_729 = arith.constant 32 : index
      %get3A_730 = tpu.vector_load %arg24[%get3A_728, %get3A_729] {strides = array<i32>} : memref<128x64xf32, #tpu.memory_space<vmem>>, vector<16xf32>,
      %sub3A_731 = arith.subf %get3A_721, %get3A_730 : vector<16xf32>
      %get3A_732 = arith.index_cast %scan3A_637 : i32 to index
      %get3A_733 = arith.constant 32 : index
      %get3A_734 = tpu.vector_load %arg25[%get3A_732, %get3A_733] {strides = array<i32>} : memref<128x64xf32, #tpu.memory_space<vmem>>, vector<16xf32>,
      %sub3A_735 = arith.subf %get3A_721, %get3A_734 : vector<16xf32>
      %mul3A_736 = arith.mulf %sub3A_731, %sub3A_731 : vector<16xf32>
      %mul3A_737 = arith.mulf %sub3A_735, %sub3A_735 : vector<16xf32>
      %sub3A_738 = arith.subf %mul3A_736, %mul3A_737 : vector<16xf32>
      %add3A_739 = arith.addf %add3A_703, %sub3A_738 : vector<16xf32>
      %get3A_740 = arith.index_cast %scan3A_637 : i32 to index
      %get3A_741 = arith.constant 32 : index
      %get3A_742 = tpu.vector_load %arg26[%get3A_740, %get3A_741] {strides = array<i32>} : memref<128x64xf32, #tpu.memory_space<vmem>>, vector<16xf32>,
      %sub3A_743 = arith.subf %get3A_718, %get3A_742 : vector<16xf32>
      %get3A_744 = arith.index_cast %scan3A_637 : i32 to index
      %get3A_745 = arith.constant 32 : index
      %get3A_746 = tpu.vector_load %arg27[%get3A_744, %get3A_745] {strides = array<i32>} : memref<128x64xf32, #tpu.memory_space<vmem>>, vector<16xf32>,
      %sub3A_747 = arith.subf %get3A_718, %get3A_746 : vector<16xf32>
      %mul3A_748 = arith.mulf %sub3A_743, %sub3A_743 : vector<16xf32>
      %mul3A_749 = arith.mulf %sub3A_747, %sub3A_747 : vector<16xf32>
      %sub3A_750 = arith.subf %mul3A_748, %mul3A_749 : vector<16xf32>
      %add3A_751 = arith.addf %add3A_715, %sub3A_750 : vector<16xf32>
      %get3A_752 = arith.index_cast %scan3A_637 : i32 to index
      %get3A_753 = arith.constant 48 : index
      %get3A_754 = tpu.vector_load %arg21[%get3A_752, %get3A_753] {strides = array<i32>} : memref<128x64xf32, #tpu.memory_space<vmem>>, vector<16xf32>,
      %get3A_755 = arith.index_cast %scan3A_637 : i32 to index
      %get3A_756 = arith.constant 48 : index
      %get3A_757 = tpu.vector_load %arg22[%get3A_755, %get3A_756] {strides = array<i32>} : memref<128x64xf32, #tpu.memory_space<vmem>>, vector<16xf32>,
      %get3A_758 = arith.index_cast %scan3A_637 : i32 to index
      %get3A_759 = arith.constant 48 : index
      %get3A_760 = tpu.vector_load %arg23[%get3A_758, %get3A_759] {strides = array<i32>} : memref<128x64xf32, #tpu.memory_space<vmem>>, vector<16xf32>,
      %sub3A_761 = arith.subf %get3A_757, %get3A_760 : vector<16xf32>
      %mul3A_762 = arith.mulf %get3A_754, %sub3A_761 : vector<16xf32>
      %add3A_763 = arith.addf %add3A_727, %mul3A_762 : vector<16xf32>
      %get3A_764 = arith.index_cast %scan3A_637 : i32 to index
      %get3A_765 = arith.constant 48 : index
      %get3A_766 = tpu.vector_load %arg24[%get3A_764, %get3A_765] {strides = array<i32>} : memref<128x64xf32, #tpu.memory_space<vmem>>, vector<16xf32>,
      %sub3A_767 = arith.subf %get3A_757, %get3A_766 : vector<16xf32>
      %get3A_768 = arith.index_cast %scan3A_637 : i32 to index
      %get3A_769 = arith.constant 48 : index
      %get3A_770 = tpu.vector_load %arg25[%get3A_768, %get3A_769] {strides = array<i32>} : memref<128x64xf32, #tpu.memory_space<vmem>>, vector<16xf32>,
      %sub3A_771 = arith.subf %get3A_757, %get3A_770 : vector<16xf32>
      %mul3A_772 = arith.mulf %sub3A_767, %sub3A_767 : vector<16xf32>
      %mul3A_773 = arith.mulf %sub3A_771, %sub3A_771 : vector<16xf32>
      %sub3A_774 = arith.subf %mul3A_772, %mul3A_773 : vector<16xf32>
      %add3A_775 = arith.addf %add3A_739, %sub3A_774 : vector<16xf32>
      %get3A_776 = arith.index_cast %scan3A_637 : i32 to index
      %get3A_777 = arith.constant 48 : index
      %get3A_778 = tpu.vector_load %arg26[%get3A_776, %get3A_777] {strides = array<i32>} : memref<128x64xf32, #tpu.memory_space<vmem>>, vector<16xf32>,
      %sub3A_779 = arith.subf %get3A_754, %get3A_778 : vector<16xf32>
      %get3A_780 = arith.index_cast %scan3A_637 : i32 to index
      %get3A_781 = arith.constant 48 : index
      %get3A_782 = tpu.vector_load %arg27[%get3A_780, %get3A_781] {strides = array<i32>} : memref<128x64xf32, #tpu.memory_space<vmem>>, vector<16xf32>,
      %sub3A_783 = arith.subf %get3A_754, %get3A_782 : vector<16xf32>
      %mul3A_784 = arith.mulf %sub3A_779, %sub3A_779 : vector<16xf32>
      %mul3A_785 = arith.mulf %sub3A_783, %sub3A_783 : vector<16xf32>
      %sub3A_786 = arith.subf %mul3A_784, %mul3A_785 : vector<16xf32>
      %add3A_787 = arith.addf %add3A_751, %sub3A_786 : vector<16xf32>
      %and3A_788 = arith.constant 15 : i32
      %and3A_789 = arith.andi %scan3A_637, %and3A_788 : i32
      %broadcast_in_dim3A_790 = vector.broadcast %and3A_789 : i32 to vector<16xi32>
      tpu.vector_store_idx %arg28[%iota3A, %broadcast_in_dim3A_790], %add3A_763 : memref<16x16xf32, #tpu.memory_space<vmem>>[vector<16xi32>, vector<16xi32>], vector<16xf32>,
      tpu.vector_store_idx %arg29[%iota3A, %broadcast_in_dim3A_790], %add3A_775 : memref<16x16xf32, #tpu.memory_space<vmem>>[vector<16xi32>, vector<16xi32>], vector<16xf32>,
      tpu.vector_store_idx %arg30[%iota3A, %broadcast_in_dim3A_790], %add3A_787 : memref<16x16xf32, #tpu.memory_space<vmem>>[vector<16xi32>, vector<16xi32>], vector<16xf32>,
      %eq3A_791 = arith.constant 15 : i32
      %eq3A_792 = arith.cmpi eq, %and3A_789, %eq3A_791 : i32
      %convert_element_type3A_793 = arith.extui %eq3A_792 : i1 to i32
      %cond3A_794 = arith.constant 0 : i32
      %cond3A_795 = arith.cmpi ne, %convert_element_type3A_793, %cond3A_794 : i32
      scf.if %cond3A_795 {
        %add3A_797 = arith.constant 384 : i32
        %add3A_798 = arith.addi %add3A_797, %scan3A_637 : i32
        %sub3A_799 = arith.constant 15 : i32
        %sub3A_800 = arith.subi %add3A_798, %sub3A_799 : i32
        %get3A_801 = arith.constant 0 : i32
        %get3A_802 = arith.index_cast %get3A_801 : i32 to index
        %get3A_803 = arith.constant 0 : index
        %get3A_804 = tpu.vector_load %arg28[%get3A_802, %get3A_803] {strides = array<i32>} : memref<16x16xf32, #tpu.memory_space<vmem>>, vector<16xf32>,
        %get3A_805 = arith.constant 1 : i32
        %get3A_806 = arith.index_cast %get3A_805 : i32 to index
        %get3A_807 = arith.constant 0 : index
        %get3A_808 = tpu.vector_load %arg28[%get3A_806, %get3A_807] {strides = array<i32>} : memref<16x16xf32, #tpu.memory_space<vmem>>, vector<16xf32>,
        %get3A_809 = arith.constant 2 : i32
        %get3A_810 = arith.index_cast %get3A_809 : i32 to index
        %get3A_811 = arith.constant 0 : index
        %get3A_812 = tpu.vector_load %arg28[%get3A_810, %get3A_811] {strides = array<i32>} : memref<16x16xf32, #tpu.memory_space<vmem>>, vector<16xf32>,
        %get3A_813 = arith.constant 3 : i32
        %get3A_814 = arith.index_cast %get3A_813 : i32 to index
        %get3A_815 = arith.constant 0 : index
        %get3A_816 = tpu.vector_load %arg28[%get3A_814, %get3A_815] {strides = array<i32>} : memref<16x16xf32, #tpu.memory_space<vmem>>, vector<16xf32>,
        %get3A_817 = arith.constant 4 : i32
        %get3A_818 = arith.index_cast %get3A_817 : i32 to index
        %get3A_819 = arith.constant 0 : index
        %get3A_820 = tpu.vector_load %arg28[%get3A_818, %get3A_819] {strides = array<i32>} : memref<16x16xf32, #tpu.memory_space<vmem>>, vector<16xf32>,
        %get3A_821 = arith.constant 5 : i32
        %get3A_822 = arith.index_cast %get3A_821 : i32 to index
        %get3A_823 = arith.constant 0 : index
        %get3A_824 = tpu.vector_load %arg28[%get3A_822, %get3A_823] {strides = array<i32>} : memref<16x16xf32, #tpu.memory_space<vmem>>, vector<16xf32>,
        %get3A_825 = arith.constant 6 : i32
        %get3A_826 = arith.index_cast %get3A_825 : i32 to index
        %get3A_827 = arith.constant 0 : index
        %get3A_828 = tpu.vector_load %arg28[%get3A_826, %get3A_827] {strides = array<i32>} : memref<16x16xf32, #tpu.memory_space<vmem>>, vector<16xf32>,
        %get3A_829 = arith.constant 7 : i32
        %get3A_830 = arith.index_cast %get3A_829 : i32 to index
        %get3A_831 = arith.constant 0 : index
        %get3A_832 = tpu.vector_load %arg28[%get3A_830, %get3A_831] {strides = array<i32>} : memref<16x16xf32, #tpu.memory_space<vmem>>, vector<16xf32>,
        %get3A_833 = arith.constant 8 : i32
        %get3A_834 = arith.index_cast %get3A_833 : i32 to index
        %get3A_835 = arith.constant 0 : index
        %get3A_836 = tpu.vector_load %arg28[%get3A_834, %get3A_835] {strides = array<i32>} : memref<16x16xf32, #tpu.memory_space<vmem>>, vector<16xf32>,
        %get3A_837 = arith.constant 9 : i32
        %get3A_838 = arith.index_cast %get3A_837 : i32 to index
        %get3A_839 = arith.constant 0 : index
        %get3A_840 = tpu.vector_load %arg28[%get3A_838, %get3A_839] {strides = array<i32>} : memref<16x16xf32, #tpu.memory_space<vmem>>, vector<16xf32>,
        %get3A_841 = arith.constant 10 : i32
        %get3A_842 = arith.index_cast %get3A_841 : i32 to index
        %get3A_843 = arith.constant 0 : index
        %get3A_844 = tpu.vector_load %arg28[%get3A_842, %get3A_843] {strides = array<i32>} : memref<16x16xf32, #tpu.memory_space<vmem>>, vector<16xf32>,
        %get3A_845 = arith.constant 11 : i32
        %get3A_846 = arith.index_cast %get3A_845 : i32 to index
        %get3A_847 = arith.constant 0 : index
        %get3A_848 = tpu.vector_load %arg28[%get3A_846, %get3A_847] {strides = array<i32>} : memref<16x16xf32, #tpu.memory_space<vmem>>, vector<16xf32>,
        %get3A_849 = arith.constant 12 : i32
        %get3A_850 = arith.index_cast %get3A_849 : i32 to index
        %get3A_851 = arith.constant 0 : index
        %get3A_852 = tpu.vector_load %arg28[%get3A_850, %get3A_851] {strides = array<i32>} : memref<16x16xf32, #tpu.memory_space<vmem>>, vector<16xf32>,
        %get3A_853 = arith.constant 13 : i32
        %get3A_854 = arith.index_cast %get3A_853 : i32 to index
        %get3A_855 = arith.constant 0 : index
        %get3A_856 = tpu.vector_load %arg28[%get3A_854, %get3A_855] {strides = array<i32>} : memref<16x16xf32, #tpu.memory_space<vmem>>, vector<16xf32>,
        %get3A_857 = arith.constant 14 : i32
        %get3A_858 = arith.index_cast %get3A_857 : i32 to index
        %get3A_859 = arith.constant 0 : index
        %get3A_860 = tpu.vector_load %arg28[%get3A_858, %get3A_859] {strides = array<i32>} : memref<16x16xf32, #tpu.memory_space<vmem>>, vector<16xf32>,
        %get3A_861 = arith.constant 15 : i32
        %get3A_862 = arith.index_cast %get3A_861 : i32 to index
        %get3A_863 = arith.constant 0 : index
        %get3A_864 = tpu.vector_load %arg28[%get3A_862, %get3A_863] {strides = array<i32>} : memref<16x16xf32, #tpu.memory_space<vmem>>, vector<16xf32>,
        %add3A_865 = arith.addf %get3A_804, %get3A_808 : vector<16xf32>
        %add3A_866 = arith.addf %get3A_812, %get3A_816 : vector<16xf32>
        %add3A_867 = arith.addf %get3A_820, %get3A_824 : vector<16xf32>
        %add3A_868 = arith.addf %get3A_828, %get3A_832 : vector<16xf32>
        %add3A_869 = arith.addf %get3A_836, %get3A_840 : vector<16xf32>
        %add3A_870 = arith.addf %get3A_844, %get3A_848 : vector<16xf32>
        %add3A_871 = arith.addf %get3A_852, %get3A_856 : vector<16xf32>
        %add3A_872 = arith.addf %get3A_860, %get3A_864 : vector<16xf32>
        %add3A_873 = arith.addf %add3A_865, %add3A_866 : vector<16xf32>
        %add3A_874 = arith.addf %add3A_867, %add3A_868 : vector<16xf32>
        %add3A_875 = arith.addf %add3A_869, %add3A_870 : vector<16xf32>
        %add3A_876 = arith.addf %add3A_871, %add3A_872 : vector<16xf32>
        %add3A_877 = arith.addf %add3A_873, %add3A_874 : vector<16xf32>
        %add3A_878 = arith.addf %add3A_875, %add3A_876 : vector<16xf32>
        %add3A_879 = arith.addf %add3A_877, %add3A_878 : vector<16xf32>
        %swap3A = arith.index_cast %sub3A_800 : i32 to index
        %swap3A_880 = tpu.vector_load %arg31[%swap3A] {strides = array<i32>} : memref<512xf32, #tpu.memory_space<vmem>>, vector<16xf32>,
        tpu.vector_store %arg31[%swap3A], %add3A_879 {strides = array<i32>} : memref<512xf32, #tpu.memory_space<vmem>>, vector<16xf32>,
        %get3A_881 = arith.constant 0 : i32
        %get3A_882 = arith.index_cast %get3A_881 : i32 to index
        %get3A_883 = arith.constant 0 : index
        %get3A_884 = tpu.vector_load %arg29[%get3A_882, %get3A_883] {strides = array<i32>} : memref<16x16xf32, #tpu.memory_space<vmem>>, vector<16xf32>,
        %get3A_885 = arith.constant 1 : i32
        %get3A_886 = arith.index_cast %get3A_885 : i32 to index
        %get3A_887 = arith.constant 0 : index
        %get3A_888 = tpu.vector_load %arg29[%get3A_886, %get3A_887] {strides = array<i32>} : memref<16x16xf32, #tpu.memory_space<vmem>>, vector<16xf32>,
        %get3A_889 = arith.constant 2 : i32
        %get3A_890 = arith.index_cast %get3A_889 : i32 to index
        %get3A_891 = arith.constant 0 : index
        %get3A_892 = tpu.vector_load %arg29[%get3A_890, %get3A_891] {strides = array<i32>} : memref<16x16xf32, #tpu.memory_space<vmem>>, vector<16xf32>,
        %get3A_893 = arith.constant 3 : i32
        %get3A_894 = arith.index_cast %get3A_893 : i32 to index
        %get3A_895 = arith.constant 0 : index
        %get3A_896 = tpu.vector_load %arg29[%get3A_894, %get3A_895] {strides = array<i32>} : memref<16x16xf32, #tpu.memory_space<vmem>>, vector<16xf32>,
        %get3A_897 = arith.constant 4 : i32
        %get3A_898 = arith.index_cast %get3A_897 : i32 to index
        %get3A_899 = arith.constant 0 : index
        %get3A_900 = tpu.vector_load %arg29[%get3A_898, %get3A_899] {strides = array<i32>} : memref<16x16xf32, #tpu.memory_space<vmem>>, vector<16xf32>,
        %get3A_901 = arith.constant 5 : i32
        %get3A_902 = arith.index_cast %get3A_901 : i32 to index
        %get3A_903 = arith.constant 0 : index
        %get3A_904 = tpu.vector_load %arg29[%get3A_902, %get3A_903] {strides = array<i32>} : memref<16x16xf32, #tpu.memory_space<vmem>>, vector<16xf32>,
        %get3A_905 = arith.constant 6 : i32
        %get3A_906 = arith.index_cast %get3A_905 : i32 to index
        %get3A_907 = arith.constant 0 : index
        %get3A_908 = tpu.vector_load %arg29[%get3A_906, %get3A_907] {strides = array<i32>} : memref<16x16xf32, #tpu.memory_space<vmem>>, vector<16xf32>,
        %get3A_909 = arith.constant 7 : i32
        %get3A_910 = arith.index_cast %get3A_909 : i32 to index
        %get3A_911 = arith.constant 0 : index
        %get3A_912 = tpu.vector_load %arg29[%get3A_910, %get3A_911] {strides = array<i32>} : memref<16x16xf32, #tpu.memory_space<vmem>>, vector<16xf32>,
        %get3A_913 = arith.constant 8 : i32
        %get3A_914 = arith.index_cast %get3A_913 : i32 to index
        %get3A_915 = arith.constant 0 : index
        %get3A_916 = tpu.vector_load %arg29[%get3A_914, %get3A_915] {strides = array<i32>} : memref<16x16xf32, #tpu.memory_space<vmem>>, vector<16xf32>,
        %get3A_917 = arith.constant 9 : i32
        %get3A_918 = arith.index_cast %get3A_917 : i32 to index
        %get3A_919 = arith.constant 0 : index
        %get3A_920 = tpu.vector_load %arg29[%get3A_918, %get3A_919] {strides = array<i32>} : memref<16x16xf32, #tpu.memory_space<vmem>>, vector<16xf32>,
        %get3A_921 = arith.constant 10 : i32
        %get3A_922 = arith.index_cast %get3A_921 : i32 to index
        %get3A_923 = arith.constant 0 : index
        %get3A_924 = tpu.vector_load %arg29[%get3A_922, %get3A_923] {strides = array<i32>} : memref<16x16xf32, #tpu.memory_space<vmem>>, vector<16xf32>,
        %get3A_925 = arith.constant 11 : i32
        %get3A_926 = arith.index_cast %get3A_925 : i32 to index
        %get3A_927 = arith.constant 0 : index
        %get3A_928 = tpu.vector_load %arg29[%get3A_926, %get3A_927] {strides = array<i32>} : memref<16x16xf32, #tpu.memory_space<vmem>>, vector<16xf32>,
        %get3A_929 = arith.constant 12 : i32
        %get3A_930 = arith.index_cast %get3A_929 : i32 to index
        %get3A_931 = arith.constant 0 : index
        %get3A_932 = tpu.vector_load %arg29[%get3A_930, %get3A_931] {strides = array<i32>} : memref<16x16xf32, #tpu.memory_space<vmem>>, vector<16xf32>,
        %get3A_933 = arith.constant 13 : i32
        %get3A_934 = arith.index_cast %get3A_933 : i32 to index
        %get3A_935 = arith.constant 0 : index
        %get3A_936 = tpu.vector_load %arg29[%get3A_934, %get3A_935] {strides = array<i32>} : memref<16x16xf32, #tpu.memory_space<vmem>>, vector<16xf32>,
        %get3A_937 = arith.constant 14 : i32
        %get3A_938 = arith.index_cast %get3A_937 : i32 to index
        %get3A_939 = arith.constant 0 : index
        %get3A_940 = tpu.vector_load %arg29[%get3A_938, %get3A_939] {strides = array<i32>} : memref<16x16xf32, #tpu.memory_space<vmem>>, vector<16xf32>,
        %get3A_941 = arith.constant 15 : i32
        %get3A_942 = arith.index_cast %get3A_941 : i32 to index
        %get3A_943 = arith.constant 0 : index
        %get3A_944 = tpu.vector_load %arg29[%get3A_942, %get3A_943] {strides = array<i32>} : memref<16x16xf32, #tpu.memory_space<vmem>>, vector<16xf32>,
        %add3A_945 = arith.addf %get3A_884, %get3A_888 : vector<16xf32>
        %add3A_946 = arith.addf %get3A_892, %get3A_896 : vector<16xf32>
        %add3A_947 = arith.addf %get3A_900, %get3A_904 : vector<16xf32>
        %add3A_948 = arith.addf %get3A_908, %get3A_912 : vector<16xf32>
        %add3A_949 = arith.addf %get3A_916, %get3A_920 : vector<16xf32>
        %add3A_950 = arith.addf %get3A_924, %get3A_928 : vector<16xf32>
        %add3A_951 = arith.addf %get3A_932, %get3A_936 : vector<16xf32>
        %add3A_952 = arith.addf %get3A_940, %get3A_944 : vector<16xf32>
        %add3A_953 = arith.addf %add3A_945, %add3A_946 : vector<16xf32>
        %add3A_954 = arith.addf %add3A_947, %add3A_948 : vector<16xf32>
        %add3A_955 = arith.addf %add3A_949, %add3A_950 : vector<16xf32>
        %add3A_956 = arith.addf %add3A_951, %add3A_952 : vector<16xf32>
        %add3A_957 = arith.addf %add3A_953, %add3A_954 : vector<16xf32>
        %add3A_958 = arith.addf %add3A_955, %add3A_956 : vector<16xf32>
        %add3A_959 = arith.addf %add3A_957, %add3A_958 : vector<16xf32>
        %swap3A_960 = arith.index_cast %sub3A_800 : i32 to index
        %swap3A_961 = tpu.vector_load %arg32[%swap3A_960] {strides = array<i32>} : memref<512xf32, #tpu.memory_space<vmem>>, vector<16xf32>,
        tpu.vector_store %arg32[%swap3A_960], %add3A_959 {strides = array<i32>} : memref<512xf32, #tpu.memory_space<vmem>>, vector<16xf32>,
        %get3A_962 = arith.constant 0 : i32
        %get3A_963 = arith.index_cast %get3A_962 : i32 to index
        %get3A_964 = arith.constant 0 : index
        %get3A_965 = tpu.vector_load %arg30[%get3A_963, %get3A_964] {strides = array<i32>} : memref<16x16xf32, #tpu.memory_space<vmem>>, vector<16xf32>,
        %get3A_966 = arith.constant 1 : i32
        %get3A_967 = arith.index_cast %get3A_966 : i32 to index
        %get3A_968 = arith.constant 0 : index
        %get3A_969 = tpu.vector_load %arg30[%get3A_967, %get3A_968] {strides = array<i32>} : memref<16x16xf32, #tpu.memory_space<vmem>>, vector<16xf32>,
        %get3A_970 = arith.constant 2 : i32
        %get3A_971 = arith.index_cast %get3A_970 : i32 to index
        %get3A_972 = arith.constant 0 : index
        %get3A_973 = tpu.vector_load %arg30[%get3A_971, %get3A_972] {strides = array<i32>} : memref<16x16xf32, #tpu.memory_space<vmem>>, vector<16xf32>,
        %get3A_974 = arith.constant 3 : i32
        %get3A_975 = arith.index_cast %get3A_974 : i32 to index
        %get3A_976 = arith.constant 0 : index
        %get3A_977 = tpu.vector_load %arg30[%get3A_975, %get3A_976] {strides = array<i32>} : memref<16x16xf32, #tpu.memory_space<vmem>>, vector<16xf32>,
        %get3A_978 = arith.constant 4 : i32
        %get3A_979 = arith.index_cast %get3A_978 : i32 to index
        %get3A_980 = arith.constant 0 : index
        %get3A_981 = tpu.vector_load %arg30[%get3A_979, %get3A_980] {strides = array<i32>} : memref<16x16xf32, #tpu.memory_space<vmem>>, vector<16xf32>,
        %get3A_982 = arith.constant 5 : i32
        %get3A_983 = arith.index_cast %get3A_982 : i32 to index
        %get3A_984 = arith.constant 0 : index
        %get3A_985 = tpu.vector_load %arg30[%get3A_983, %get3A_984] {strides = array<i32>} : memref<16x16xf32, #tpu.memory_space<vmem>>, vector<16xf32>,
        %get3A_986 = arith.constant 6 : i32
        %get3A_987 = arith.index_cast %get3A_986 : i32 to index
        %get3A_988 = arith.constant 0 : index
        %get3A_989 = tpu.vector_load %arg30[%get3A_987, %get3A_988] {strides = array<i32>} : memref<16x16xf32, #tpu.memory_space<vmem>>, vector<16xf32>,
        %get3A_990 = arith.constant 7 : i32
        %get3A_991 = arith.index_cast %get3A_990 : i32 to index
        %get3A_992 = arith.constant 0 : index
        %get3A_993 = tpu.vector_load %arg30[%get3A_991, %get3A_992] {strides = array<i32>} : memref<16x16xf32, #tpu.memory_space<vmem>>, vector<16xf32>,
        %get3A_994 = arith.constant 8 : i32
        %get3A_995 = arith.index_cast %get3A_994 : i32 to index
        %get3A_996 = arith.constant 0 : index
        %get3A_997 = tpu.vector_load %arg30[%get3A_995, %get3A_996] {strides = array<i32>} : memref<16x16xf32, #tpu.memory_space<vmem>>, vector<16xf32>,
        %get3A_998 = arith.constant 9 : i32
        %get3A_999 = arith.index_cast %get3A_998 : i32 to index
        %get3A_1000 = arith.constant 0 : index
        %get3A_1001 = tpu.vector_load %arg30[%get3A_999, %get3A_1000] {strides = array<i32>} : memref<16x16xf32, #tpu.memory_space<vmem>>, vector<16xf32>,
        %get3A_1002 = arith.constant 10 : i32
        %get3A_1003 = arith.index_cast %get3A_1002 : i32 to index
        %get3A_1004 = arith.constant 0 : index
        %get3A_1005 = tpu.vector_load %arg30[%get3A_1003, %get3A_1004] {strides = array<i32>} : memref<16x16xf32, #tpu.memory_space<vmem>>, vector<16xf32>,
        %get3A_1006 = arith.constant 11 : i32
        %get3A_1007 = arith.index_cast %get3A_1006 : i32 to index
        %get3A_1008 = arith.constant 0 : index
        %get3A_1009 = tpu.vector_load %arg30[%get3A_1007, %get3A_1008] {strides = array<i32>} : memref<16x16xf32, #tpu.memory_space<vmem>>, vector<16xf32>,
        %get3A_1010 = arith.constant 12 : i32
        %get3A_1011 = arith.index_cast %get3A_1010 : i32 to index
        %get3A_1012 = arith.constant 0 : index
        %get3A_1013 = tpu.vector_load %arg30[%get3A_1011, %get3A_1012] {strides = array<i32>} : memref<16x16xf32, #tpu.memory_space<vmem>>, vector<16xf32>,
        %get3A_1014 = arith.constant 13 : i32
        %get3A_1015 = arith.index_cast %get3A_1014 : i32 to index
        %get3A_1016 = arith.constant 0 : index
        %get3A_1017 = tpu.vector_load %arg30[%get3A_1015, %get3A_1016] {strides = array<i32>} : memref<16x16xf32, #tpu.memory_space<vmem>>, vector<16xf32>,
        %get3A_1018 = arith.constant 14 : i32
        %get3A_1019 = arith.index_cast %get3A_1018 : i32 to index
        %get3A_1020 = arith.constant 0 : index
        %get3A_1021 = tpu.vector_load %arg30[%get3A_1019, %get3A_1020] {strides = array<i32>} : memref<16x16xf32, #tpu.memory_space<vmem>>, vector<16xf32>,
        %get3A_1022 = arith.constant 15 : i32
        %get3A_1023 = arith.index_cast %get3A_1022 : i32 to index
        %get3A_1024 = arith.constant 0 : index
        %get3A_1025 = tpu.vector_load %arg30[%get3A_1023, %get3A_1024] {strides = array<i32>} : memref<16x16xf32, #tpu.memory_space<vmem>>, vector<16xf32>,
        %add3A_1026 = arith.addf %get3A_965, %get3A_969 : vector<16xf32>
        %add3A_1027 = arith.addf %get3A_973, %get3A_977 : vector<16xf32>
        %add3A_1028 = arith.addf %get3A_981, %get3A_985 : vector<16xf32>
        %add3A_1029 = arith.addf %get3A_989, %get3A_993 : vector<16xf32>
        %add3A_1030 = arith.addf %get3A_997, %get3A_1001 : vector<16xf32>
        %add3A_1031 = arith.addf %get3A_1005, %get3A_1009 : vector<16xf32>
        %add3A_1032 = arith.addf %get3A_1013, %get3A_1017 : vector<16xf32>
        %add3A_1033 = arith.addf %get3A_1021, %get3A_1025 : vector<16xf32>
        %add3A_1034 = arith.addf %add3A_1026, %add3A_1027 : vector<16xf32>
        %add3A_1035 = arith.addf %add3A_1028, %add3A_1029 : vector<16xf32>
        %add3A_1036 = arith.addf %add3A_1030, %add3A_1031 : vector<16xf32>
        %add3A_1037 = arith.addf %add3A_1032, %add3A_1033 : vector<16xf32>
        %add3A_1038 = arith.addf %add3A_1034, %add3A_1035 : vector<16xf32>
        %add3A_1039 = arith.addf %add3A_1036, %add3A_1037 : vector<16xf32>
        %add3A_1040 = arith.addf %add3A_1038, %add3A_1039 : vector<16xf32>
        %swap3A_1041 = arith.index_cast %sub3A_800 : i32 to index
        %swap3A_1042 = tpu.vector_load %arg33[%swap3A_1041] {strides = array<i32>} : memref<512xf32, #tpu.memory_space<vmem>>, vector<16xf32>,
        tpu.vector_store %arg33[%swap3A_1041], %add3A_1040 {strides = array<i32>} : memref<512xf32, #tpu.memory_space<vmem>>, vector<16xf32>,
      } else {
      }
      %scan3A_796 = arith.constant 0 : i32
      scf.yield %scan3A_796 : i32
    }
    %scan3A_481 = arith.constant 128 : i32
    "tpu.region"() ({
      %run_scoped3A_482 = tpu.sem_alloc : memref<!tpu.dma_semaphore, #tpu.memory_space<semaphore_mem>>
      %dma_start3A_483 = tpu.memref_slice %arg10[%mul3A_2] : memref<16384xf32, #tpu.memory_space<hbm>> -> memref<512xf32, #tpu.memory_space<hbm>>
      %dma_start3A_484 = tpu.memref_slice %arg10[%mul3A_2] : memref<16384xf32, #tpu.memory_space<hbm>> -> memref<512xf32, #tpu.memory_space<hbm>>
      tpu.enqueue_dma source(%arg31 : memref<512xf32, #tpu.memory_space<vmem>>) target(%dma_start3A_484 : memref<512xf32, #tpu.memory_space<hbm>>) target_semaphore(%run_scoped3A_482 : memref<!tpu.dma_semaphore, #tpu.memory_space<semaphore_mem>>)
      %dma_wait3A_485 = tpu.memref_slice %arg10[%mul3A_2] : memref<16384xf32, #tpu.memory_space<hbm>> -> memref<512xf32, #tpu.memory_space<hbm>>
      %dma_wait3A_486 = tpu.memref_slice %arg10[%mul3A_2] : memref<16384xf32, #tpu.memory_space<hbm>> -> memref<512xf32, #tpu.memory_space<hbm>>
      tpu.wait_dma2 semaphore(%run_scoped3A_482 : memref<!tpu.dma_semaphore, #tpu.memory_space<semaphore_mem>>) src(%arg31 : memref<512xf32, #tpu.memory_space<vmem>>) dst(%dma_wait3A_486 : memref<512xf32, #tpu.memory_space<hbm>>)
      tpu.yield
    }) : () -> ()
    "tpu.region"() ({
      %run_scoped3A_482 = tpu.sem_alloc : memref<!tpu.dma_semaphore, #tpu.memory_space<semaphore_mem>>
      %dma_start3A_483 = tpu.memref_slice %arg11[%mul3A_2] : memref<16384xf32, #tpu.memory_space<hbm>> -> memref<512xf32, #tpu.memory_space<hbm>>
      %dma_start3A_484 = tpu.memref_slice %arg11[%mul3A_2] : memref<16384xf32, #tpu.memory_space<hbm>> -> memref<512xf32, #tpu.memory_space<hbm>>
      tpu.enqueue_dma source(%arg32 : memref<512xf32, #tpu.memory_space<vmem>>) target(%dma_start3A_484 : memref<512xf32, #tpu.memory_space<hbm>>) target_semaphore(%run_scoped3A_482 : memref<!tpu.dma_semaphore, #tpu.memory_space<semaphore_mem>>)
      %dma_wait3A_485 = tpu.memref_slice %arg11[%mul3A_2] : memref<16384xf32, #tpu.memory_space<hbm>> -> memref<512xf32, #tpu.memory_space<hbm>>
      %dma_wait3A_486 = tpu.memref_slice %arg11[%mul3A_2] : memref<16384xf32, #tpu.memory_space<hbm>> -> memref<512xf32, #tpu.memory_space<hbm>>
      tpu.wait_dma2 semaphore(%run_scoped3A_482 : memref<!tpu.dma_semaphore, #tpu.memory_space<semaphore_mem>>) src(%arg32 : memref<512xf32, #tpu.memory_space<vmem>>) dst(%dma_wait3A_486 : memref<512xf32, #tpu.memory_space<hbm>>)
      tpu.yield
    }) : () -> ()
    "tpu.region"() ({
      %run_scoped3A_482 = tpu.sem_alloc : memref<!tpu.dma_semaphore, #tpu.memory_space<semaphore_mem>>
      %dma_start3A_483 = tpu.memref_slice %arg12[%mul3A_2] : memref<16384xf32, #tpu.memory_space<hbm>> -> memref<512xf32, #tpu.memory_space<hbm>>
      %dma_start3A_484 = tpu.memref_slice %arg12[%mul3A_2] : memref<16384xf32, #tpu.memory_space<hbm>> -> memref<512xf32, #tpu.memory_space<hbm>>
      tpu.enqueue_dma source(%arg33 : memref<512xf32, #tpu.memory_space<vmem>>) target(%dma_start3A_484 : memref<512xf32, #tpu.memory_space<hbm>>) target_semaphore(%run_scoped3A_482 : memref<!tpu.dma_semaphore, #tpu.memory_space<semaphore_mem>>)
      %dma_wait3A_485 = tpu.memref_slice %arg12[%mul3A_2] : memref<16384xf32, #tpu.memory_space<hbm>> -> memref<512xf32, #tpu.memory_space<hbm>>
      %dma_wait3A_486 = tpu.memref_slice %arg12[%mul3A_2] : memref<16384xf32, #tpu.memory_space<hbm>> -> memref<512xf32, #tpu.memory_space<hbm>>
      tpu.wait_dma2 semaphore(%run_scoped3A_482 : memref<!tpu.dma_semaphore, #tpu.memory_space<semaphore_mem>>) src(%arg33 : memref<512xf32, #tpu.memory_space<vmem>>) dst(%dma_wait3A_486 : memref<512xf32, #tpu.memory_space<hbm>>)
      tpu.yield
    }) : () -> ()
    return
  }
}

module attributes {stable_mosaic.version = 14 : i64} {
  func.func @_final_body(%arg0: memref<16384xf32, #tpu.memory_space<vmem>>, %arg1: memref<16384xf32, #tpu.memory_space<vmem>>, %arg2: memref<16384xf32, #tpu.memory_space<vmem>>, %arg3: memref<16384xf32, #tpu.memory_space<vmem>>, %arg4: memref<16384xf32, #tpu.memory_space<vmem>>, %arg5: memref<1x1xf32, #tpu.memory_space<smem>>, %arg6: memref<1x1xf32, #tpu.memory_space<smem>>) attributes {dimension_semantics = [], scalar_prefetch = 0 : i64, scratch_operands = 0 : i64, tpu.core_type = #tpu.core_type<tc>} {
    %get3A = arith.constant 0 : index
    %get3A_0 = vector.load %arg0[%get3A] : memref<16384xf32, #tpu.memory_space<vmem>>, vector<16384xf32>
    %min3A = arith.constant 0.000000e+00 : f32
    %min3A_1 = vector.broadcast %min3A : f32 to vector<16384xf32>
    %min3A_2 = arith.minimumf %get3A_0, %min3A_1 : vector<16384xf32>
    %abs3A = math.absf %get3A_0 : vector<16384xf32>
    %neg3A = arith.constant 0.000000e+00 : f32
    %neg3A_3 = vector.broadcast %neg3A : f32 to vector<16384xf32>
    %neg3A_4 = arith.subf %neg3A_3, %abs3A : vector<16384xf32>
    %exp3A = math.exp %neg3A_4 : vector<16384xf32>
    %log1p3A = math.log1p %exp3A : vector<16384xf32>
    %sub3A = arith.subf %min3A_2, %log1p3A : vector<16384xf32>
    %reduce_sum3A = vector.shape_cast %sub3A : vector<16384xf32> to vector<1x16384xf32>
    %reduce_sum3A_5 = arith.constant dense<0.000000e+00> : vector<1xf32>
    %reduce_sum3A_6 = vector.multi_reduction <add>, %reduce_sum3A, %reduce_sum3A_5 [1] : vector<1x16384xf32> to vector<1xf32>
    %reduce_sum3A_7 = vector.shape_cast %reduce_sum3A_6 : vector<1xf32> to vector<1x1xf32>
    %reduce_sum3A_8 = vector.extract %reduce_sum3A_7[0, 0] : f32 from vector<1x1xf32>
    %neg3A_9 = arith.constant 0.000000e+00 : f32
    %neg3A_10 = arith.subf %neg3A_9, %reduce_sum3A_8 : f32
    %get3A_11 = arith.constant 0 : index
    %get3A_12 = vector.load %arg1[%get3A_11] : memref<16384xf32, #tpu.memory_space<vmem>>, vector<16384xf32>
    %get3A_13 = arith.constant 0 : index
    %get3A_14 = vector.load %arg3[%get3A_13] : memref<16384xf32, #tpu.memory_space<vmem>>, vector<16384xf32>
    %mul3A = arith.mulf %get3A_12, %get3A_14 : vector<16384xf32>
    %min3A_15 = arith.constant 0.000000e+00 : f32
    %min3A_16 = vector.broadcast %min3A_15 : f32 to vector<16384xf32>
    %min3A_17 = arith.minimumf %mul3A, %min3A_16 : vector<16384xf32>
    %abs3A_18 = math.absf %mul3A : vector<16384xf32>
    %neg3A_19 = arith.constant 0.000000e+00 : f32
    %neg3A_20 = vector.broadcast %neg3A_19 : f32 to vector<16384xf32>
    %neg3A_21 = arith.subf %neg3A_20, %abs3A_18 : vector<16384xf32>
    %exp3A_22 = math.exp %neg3A_21 : vector<16384xf32>
    %log1p3A_23 = math.log1p %exp3A_22 : vector<16384xf32>
    %sub3A_24 = arith.subf %min3A_17, %log1p3A_23 : vector<16384xf32>
    %reduce_sum3A_25 = vector.shape_cast %sub3A_24 : vector<16384xf32> to vector<1x16384xf32>
    %reduce_sum3A_26 = arith.constant dense<0.000000e+00> : vector<1xf32>
    %reduce_sum3A_27 = vector.multi_reduction <add>, %reduce_sum3A_25, %reduce_sum3A_26 [1] : vector<1x16384xf32> to vector<1xf32>
    %reduce_sum3A_28 = vector.shape_cast %reduce_sum3A_27 : vector<1xf32> to vector<1x1xf32>
    %reduce_sum3A_29 = vector.extract %reduce_sum3A_28[0, 0] : f32 from vector<1x1xf32>
    %neg3A_30 = arith.constant 0.000000e+00 : f32
    %neg3A_31 = arith.subf %neg3A_30, %reduce_sum3A_29 : f32
    %get3A_32 = arith.constant 0 : index
    %get3A_33 = vector.load %arg2[%get3A_32] : memref<16384xf32, #tpu.memory_space<vmem>>, vector<16384xf32>
    %get3A_34 = arith.constant 0 : index
    %get3A_35 = vector.load %arg4[%get3A_34] : memref<16384xf32, #tpu.memory_space<vmem>>, vector<16384xf32>
    %mul3A_36 = arith.mulf %get3A_33, %get3A_35 : vector<16384xf32>
    %min3A_37 = arith.constant 0.000000e+00 : f32
    %min3A_38 = vector.broadcast %min3A_37 : f32 to vector<16384xf32>
    %min3A_39 = arith.minimumf %mul3A_36, %min3A_38 : vector<16384xf32>
    %abs3A_40 = math.absf %mul3A_36 : vector<16384xf32>
    %neg3A_41 = arith.constant 0.000000e+00 : f32
    %neg3A_42 = vector.broadcast %neg3A_41 : f32 to vector<16384xf32>
    %neg3A_43 = arith.subf %neg3A_42, %abs3A_40 : vector<16384xf32>
    %exp3A_44 = math.exp %neg3A_43 : vector<16384xf32>
    %log1p3A_45 = math.log1p %exp3A_44 : vector<16384xf32>
    %sub3A_46 = arith.subf %min3A_39, %log1p3A_45 : vector<16384xf32>
    %reduce_sum3A_47 = vector.shape_cast %sub3A_46 : vector<16384xf32> to vector<1x16384xf32>
    %reduce_sum3A_48 = arith.constant dense<0.000000e+00> : vector<1xf32>
    %reduce_sum3A_49 = vector.multi_reduction <add>, %reduce_sum3A_47, %reduce_sum3A_48 [1] : vector<1x16384xf32> to vector<1xf32>
    %reduce_sum3A_50 = vector.shape_cast %reduce_sum3A_49 : vector<1xf32> to vector<1x1xf32>
    %reduce_sum3A_51 = vector.extract %reduce_sum3A_50[0, 0] : f32 from vector<1x1xf32>
    %sub3A_52 = arith.subf %neg3A_31, %reduce_sum3A_51 : f32
    %mul3A_53 = arith.constant 1.000000e-03 : f32
    %mul3A_54 = arith.mulf %mul3A_53, %sub3A_52 : f32
    %add3A = arith.addf %neg3A_10, %mul3A_54 : f32
    %get3A_55 = arith.constant 0 : index
    %get3A_56 = arith.constant 0 : index
    %get3A_57 = memref.load %arg5[%get3A_55, %get3A_56] : memref<1x1xf32, #tpu.memory_space<smem>>
    %add3A_58 = arith.addf %add3A, %get3A_57 : f32
    %swap3A = arith.constant 0 : index
    %swap3A_59 = arith.constant 0 : index
    %swap3A_60 = memref.load %arg6[%swap3A, %swap3A_59] : memref<1x1xf32, #tpu.memory_space<smem>>
    memref.store %add3A_58, %arg6[%swap3A, %swap3A_59] : memref<1x1xf32, #tpu.memory_space<smem>>
    return
  }
}

module attributes {stable_mosaic.version = 14 : i64} {
  func.func @_prep_body(%arg0: i32, %arg1: memref<64x16384xf32, #tpu.memory_space<vmem>>, %arg2: memref<64x16384xf32, #tpu.memory_space<vmem>>, %arg3: memref<8192x128xf32, #tpu.memory_space<vmem>>, %arg4: memref<1x1xf32, #tpu.memory_space<smem>>) attributes {dimension_semantics = [#tpu.dimension_semantics<arbitrary>], iteration_bounds = array<i64: 7>, scalar_prefetch = 0 : i64, scratch_operands = 0 : i64, tpu.core_type = #tpu.core_type<tc>, window_params = [{transform_indices = @transform_0, window_bounds = array<i64: 64, 16384>}, {transform_indices = @transform_1, window_bounds = array<i64: 64, 16384>}, {transform_indices = @transform_2, window_bounds = array<i64: 8192, 128>}, {transform_indices = @transform_3, window_bounds = array<i64: 1, 1>}]} {
    %eq3A = arith.constant 0 : i32
    %eq3A_0 = arith.cmpi eq, %arg0, %eq3A : i32
    %convert_element_type3A = arith.extui %eq3A_0 : i1 to i32
    %cond3A = arith.constant 0 : i32
    %cond3A_1 = arith.cmpi ne, %convert_element_type3A, %cond3A : i32
    scf.if %cond3A_1 {
      %swap3A_30 = arith.constant 0.000000e+00 : f32
      %swap3A_31 = arith.constant 0 : index
      %swap3A_32 = arith.constant 0 : index
      %swap3A_33 = memref.load %arg4[%swap3A_31, %swap3A_32] : memref<1x1xf32, #tpu.memory_space<smem>>
      memref.store %swap3A_30, %arg4[%swap3A_31, %swap3A_32] : memref<1x1xf32, #tpu.memory_space<smem>>
    } else {
    }
    %get3A = arith.constant 0 : index
    %get3A_2 = arith.constant 0 : index
    %get3A_3 = vector.load %arg1[%get3A, %get3A_2] : memref<64x16384xf32, #tpu.memory_space<vmem>>, vector<64x16384xf32>
    %get3A_4 = arith.constant 0 : index
    %get3A_5 = arith.constant 0 : index
    %get3A_6 = vector.load %arg2[%get3A_4, %get3A_5] : memref<64x16384xf32, #tpu.memory_space<vmem>>, vector<64x16384xf32>
    %sub3A = arith.subf %get3A_3, %get3A_6 : vector<64x16384xf32>
    %iota3A = tpu.iota {dimensions = array<i32: 1>} : vector<64x16384xi32>
    %mul3A = arith.constant 16384 : i32
    %mul3A_7 = arith.muli %arg0, %mul3A : i32
    %sub3A_8 = arith.constant 100000 : i32
    %sub3A_9 = arith.subi %sub3A_8, %mul3A_7 : i32
    %lt3A = vector.broadcast %sub3A_9 : i32 to vector<64x16384xi32>
    %lt3A_10 = arith.cmpi slt, %iota3A, %lt3A : vector<64x16384xi32>
    %jit3A = arith.constant 0.000000e+00 : f32
    %broadcast_in_dim3A = vector.broadcast %jit3A : f32 to vector<64x16384xf32>
    %select_n3A = arith.select %lt3A_10, %sub3A, %broadcast_in_dim3A : vector<64x16384xi1>, vector<64x16384xf32>
    %get3A_11 = arith.constant 0 : index
    %get3A_12 = arith.constant 0 : index
    %get3A_13 = memref.load %arg4[%get3A_11, %get3A_12] : memref<1x1xf32, #tpu.memory_space<smem>>
    %mul3A_14 = arith.mulf %select_n3A, %select_n3A : vector<64x16384xf32>
    %reduce_sum3A = vector.shape_cast %mul3A_14 : vector<64x16384xf32> to vector<1x64x16384xf32>
    %reduce_sum3A_15 = arith.constant dense<0.000000e+00> : vector<1xf32>
    %reduce_sum3A_16 = vector.multi_reduction <add>, %reduce_sum3A, %reduce_sum3A_15 [1, 2] : vector<1x64x16384xf32> to vector<1xf32>
    %reduce_sum3A_17 = vector.shape_cast %reduce_sum3A_16 : vector<1xf32> to vector<1x1x1xf32>
    %reduce_sum3A_18 = vector.extract %reduce_sum3A_17[0, 0, 0] : f32 from vector<1x1x1xf32>
    %mul3A_19 = arith.constant 5.000000e-04 : f32
    %mul3A_20 = arith.mulf %mul3A_19, %reduce_sum3A_18 : f32
    %add3A = arith.addf %get3A_13, %mul3A_20 : f32
    %swap3A = arith.constant 0 : index
    %swap3A_21 = arith.constant 0 : index
    %swap3A_22 = memref.load %arg4[%swap3A, %swap3A_21] : memref<1x1xf32, #tpu.memory_space<smem>>
    memref.store %add3A, %arg4[%swap3A, %swap3A_21] : memref<1x1xf32, #tpu.memory_space<smem>>
    %transpose3A = tpu.transpose %get3A_3, [1, 0] : vector<64x16384xf32> -> vector<16384x64xf32>
    %slice3A = vector.extract_strided_slice %transpose3A {offsets = [0, 0], sizes = [8192, 64], strides = [1, 1]} : vector<16384x64xf32> to vector<8192x64xf32>
    %swap3A_23 = arith.constant 0 : index
    %swap3A_24 = arith.constant 0 : index
    %swap3A_25 = vector.load %arg3[%swap3A_23, %swap3A_24] : memref<8192x128xf32, #tpu.memory_space<vmem>>, vector<8192x64xf32>
    tpu.vector_store %arg3[%swap3A_23, %swap3A_24], %slice3A {strides = array<i32>} : memref<8192x128xf32, #tpu.memory_space<vmem>>, vector<8192x64xf32>,
    %slice3A_26 = vector.extract_strided_slice %transpose3A {offsets = [8192, 0], sizes = [8192, 64], strides = [1, 1]} : vector<16384x64xf32> to vector<8192x64xf32>
    %swap3A_27 = arith.constant 0 : index
    %swap3A_28 = arith.constant 64 : index
    %swap3A_29 = vector.load %arg3[%swap3A_27, %swap3A_28] : memref<8192x128xf32, #tpu.memory_space<vmem>>, vector<8192x64xf32>
    tpu.vector_store %arg3[%swap3A_27, %swap3A_28], %slice3A_26 {strides = array<i32>} : memref<8192x128xf32, #tpu.memory_space<vmem>>, vector<8192x64xf32>,
    return
  }
  func.func @transform_0(%arg0: i32) -> (i32, i32) {
    %c0_i32 = arith.constant 0 : i32
    %c0_i32_0 = arith.constant 0 : i32
    return %c0_i32, %arg0 : i32, i32
  }
  func.func @transform_1(%arg0: i32) -> (i32, i32) {
    %c0_i32 = arith.constant 0 : i32
    %c0_i32_0 = arith.constant 0 : i32
    return %c0_i32, %arg0 : i32, i32
  }
  func.func @transform_2(%arg0: i32) -> (i32, i32) {
    %c0_i32 = arith.constant 0 : i32
    %c0_i32_0 = arith.constant 0 : i32
    return %arg0, %c0_i32 : i32, i32
  }
  func.func @transform_3(%arg0: i32) -> (i32, i32) {
    %c0_i32 = arith.constant 0 : i32
    %c0_i32_0 = arith.constant 0 : i32
    %c0_i32_1 = arith.constant 0 : i32
    return %c0_i32, %c0_i32_0 : i32, i32
  }
}

</mosaic_0001>

<sc_bundles>
// kernel: kernel.5.cloned.1.call-start
scs
__scs_entry_jumppad:
0x0: {  	(pc) =	sbr.rel $0x88, $3  }
0x1: {  	(tag) =	ssettag $0x0;
	lr =	simm.s32 $0x1  }
0x2: {  	[smem:$0x3F9E] =	sst lr;
	_ =	strace $0xD0000000  }
0x3: {  	_ = 	snop  }
0x4: {  	_ = 	snop  }
0x5: {  	_ = 	snop  }
0x6: {  	_ = 	snop  }
0x7: {  	_ = 	snop  }
__scs_overlays_trampoline_lowered:
0x8: {  	[smem:$0x3FAD] =	sst s0  }
0x9: {  	[smem:$0x3FAE] =	sst s1  }
0xa: {  	[smem:$0x3FAF] =	sst s2  }
0xb: {  	[smem:$0x3FB0] =	sst s3  }
0xc: {  	[smem:$0x3FB1] =	sst s4  }
0xd: {  	[smem:$0x3FB2] =	sst s5  }
0xe: {  	[smem:$0x3FB3] =	sst s6  }
0xf: {  	[smem:$0x3FB4] =	sst s7  }
0x10: {  	[smem:$0x3FB5] =	sst s8  }
0x11: {  	[smem:$0x3FB6] =	sst s9;
	s0 =	simm.s32 @!p0 $0x0  }
0x12: {  	s1 =	sld [smem:$0x3F9C];
	s0 =	simm.s32 @p0 $0x1  }
0x13: {  	[smem:$0x3FB7] =	sst s0;
	s0 =	simm.s32 @!p1 $0x0  }
0x14: {  	s2 =	sld [smem:$0x3F9B];
	s0 =	simm.s32 @p1 $0x1  }
0x15: {  	[smem:$0x3FB8] =	sst s0;
	s0 =	simm.s32 @!p2 $0x0  }
0x16: {  	s3 =	sld [smem:$0x3FDB];
	s0 =	simm.s32 @p2 $0x1  }
0x17: {  	s4 =	simm.s32 $0x1BF5;
	[smem:$0x3FBA] =	sst s0  }
0x18: {  	s0 =	sld [smem:$0x3F9D];
	_ =	swait.ge [sflag:s4], $0x0  }
0x19: {  	s7 =	sld [smem:$0x3F9E]  }
0x1a: {  	s8 =	sadd.s32 $0xFFFFE003, lr  }
0x1b: {  	s9 =	sadd.s32 $0xFFFFFEF7, lr;
	s5 =	simm.s32 $0xFFFFFFFF;
	p2 =	slt.u32 s8, $0xFFFFF086  }
0x1c: {  	p1 =	slt.u32 s9, $0xF7A;
	s5 =	simm.s32 @!p2 $0x0  }
0x1d: {  	s5 =	simm.s32 @p1 $0x1;
	p0 =	seq.s32 s7, s2  }
0x1e: {  	s7 =	smul.u32 @!p0 $0xF7A, s2;
	p2 =	seq.s32 @!p0 s5, $0x0  }
0x1f: {  	s9 =	smul.u32 $0xF7A, s1;
	s8 =	simm.s32 @!p0 $0x1BF5;
	p2 =	por !p2, p0  }
0x20: {  	[sflag:s8] =	ssyncset.s32 @!p0 $0xFFFFF086;
	s6 =	sadd.s32 @!p0 s3, s7;
	s7 =	simm.s32 @!p0 $0x108  }
0x21: {  	s3 =	sadd.s32 s3, s9;
	s6 =	sadd.s32 @!p0 $0x88, s6;
	s7 =	simm.s32 @p2 $0x1082  }
0x22: {  	[simem:s7], [sflag:s8] =	dma.local @!p0 [hbm:s6], $0xF7A  }
0x23: {  	s9 =	sor.u32 $0xD0000000, s2;
	s6 =	simm.s32 $0x108;
	_ =	swait.ge @!p0 [sflag:s8], $0x0  }
0x24: {  	s3 =	sadd.s32 $0x88, s3;
	s6 =	simm.s32 @!p1 $0x1082;
	[sflag:s4] =	ssyncset.s32 $0xFFFFF086  }
0x25: {  	[simem:s6], [sflag:s4] =	dma.local [hbm:s3], $0xF7A  }
0x26: {  	[smem:$0x3F9E] =	sst s1;
	(tag) =	ssettag s2;
	_ =	strace s9  }
0x27: {  	s1 =	sld [smem:$0x3FAE]  }
0x28: {  	s2 =	sld [smem:$0x3FAF]  }
0x29: {  	s4 =	sld [smem:$0x3FB1]  }
0x2a: {  	p0 =	seq.s32 s5, $0x0;
	s5 =	sld [smem:$0x3FB2]  }
0x2b: {  	s6 =	sld [smem:$0x3FB3]  }
0x2c: {  	s7 =	sld [smem:$0x3FB4]  }
0x2d: {  	s3 =	simm.s32 $0x108;
	s8 =	sld [smem:$0x3FB5]  }
0x2e: {  	s3 =	simm.s32 @!p0 $0x1082;
	s9 =	sld [smem:$0x3FB6]  }
0x2f: {  	lr =	sadd.s32 s0, s3;
	s0 =	sld [smem:$0x3FAD]  }
0x30: {  	s3 =	sld [smem:$0x3FB0]  }
0x31: {  	[smem:$0x3FB9] =	sst s10  }
0x32: {  	s10 =	sld [smem:$0x3FB7];
	_ =	sdelay $0x3  }
0x33: {  	p0 =	seq.s32 s10, $0x1;
	s10 =	sld [smem:$0x3FB9];
	_ =	sdelay $0x3  }
0x34: {  	[smem:$0x3FB9] =	sst s10  }
0x35: {  	s10 =	sld [smem:$0x3FB8];
	_ =	sdelay $0x3  }
0x36: {  	p1 =	seq.s32 s10, $0x1;
	s10 =	sld [smem:$0x3FB9];
	_ =	sdelay $0x3  }
0x37: {  	[smem:$0x3FB9] =	sst s10  }
0x38: {  	s10 =	sld [smem:$0x3FBA]  }
0x39: {  	_ = 	snop;
	(pc) =	sbr.ind lr, $3  }
0x3a: {  	_ = 	snop  }
0x3b: {  	_ = 	snop  }
0x3c: {  	p2 =	seq.s32 s10, $0x1;
	s10 =	sld [smem:$0x3FB9]  }
0x3d: {  	_ =	shalt  }
0x3e: {  	_ =	shalt  }
0x3f: {  	_ =	shalt  }
0x40: {  	_ =	shalt  }
0x41: {  	_ =	shalt  }
0x42: {  	_ =	shalt  }
0x43: {  	_ =	shalt  }
0x44: {  	_ =	shalt  }
0x45: {  	_ =	shalt  }
0x46: {  	_ =	shalt  }
0x47: {  	_ =	shalt  }
0x48: {  	_ =	shalt  }
0x49: {  	_ =	shalt  }
0x4a: {  	_ =	shalt  }
0x4b: {  	_ =	shalt  }
0x4c: {  	_ =	shalt  }
0x4d: {  	_ =	shalt  }
0x4e: {  	_ =	shalt  }
0x4f: {  	_ =	shalt  }
0x50: {  	_ =	shalt  }
0x51: {  	_ =	shalt  }
0x52: {  	_ =	shalt  }
0x53: {  	_ =	shalt  }
0x54: {  	_ =	shalt  }
0x55: {  	_ =	shalt  }
0x56: {  	_ =	shalt  }
0x57: {  	_ =	shalt  }
0x58: {  	_ =	shalt  }
0x59: {  	_ =	shalt  }
0x5a: {  	_ =	shalt  }
0x5b: {  	_ =	shalt  }
0x5c: {  	_ =	shalt  }
0x5d: {  	_ =	shalt  }
0x5e: {  	_ =	shalt  }
0x5f: {  	_ =	shalt  }
0x60: {  	_ =	shalt  }
0x61: {  	_ =	shalt  }
0x62: {  	_ =	shalt  }
0x63: {  	_ =	shalt  }
0x64: {  	_ =	shalt  }
0x65: {  	_ =	shalt  }
0x66: {  	_ =	shalt  }
0x67: {  	_ =	shalt  }
0x68: {  	_ =	shalt  }
0x69: {  	_ =	shalt  }
0x6a: {  	_ =	shalt  }
0x6b: {  	_ =	shalt  }
0x6c: {  	_ =	shalt  }
0x6d: {  	_ =	shalt  }
0x6e: {  	_ =	shalt  }
0x6f: {  	_ =	shalt  }
0x70: {  	_ =	shalt  }
0x71: {  	_ =	shalt  }
0x72: {  	_ =	shalt  }
0x73: {  	_ =	shalt  }
0x74: {  	_ =	shalt  }
0x75: {  	_ =	shalt  }
0x76: {  	_ =	shalt  }
0x77: {  	_ =	shalt  }
0x78: {  	_ =	shalt  }
0x79: {  	_ =	shalt  }
0x7a: {  	_ =	shalt  }
0x7b: {  	_ =	shalt  }
0x7c: {  	_ =	shalt  }
0x7d: {  	_ =	shalt  }
0x7e: {  	_ =	shalt  }
0x7f: {  	_ =	shalt  }
0x80: {  	_ =	shalt  }
0x81: {  	_ =	shalt  }
0x82: {  	_ =	shalt  }
0x83: {  	_ =	shalt  }
0x84: {  	_ =	shalt  }
0x85: {  	_ =	shalt  }
0x86: {  	_ =	shalt  }
0x87: {  	_ =	shalt  }
.Lfunc_end0:
.L_simem_size_0:
called_computation_lowered:
.L_overlay_start_0:
0x88: {  	s2 =	sld [smem:$0x3FD9]  }
0x89: {  	s3 =	sld [smem:$0x3FFE];
	_ =	sdelay $0x1  }
0x8a: {  	s1 =	srdreg.scid  }
0x8b: {  	s0 =	sand.u32 $0x1, s1  }
0x8c: {  	s16 =	sshll.u32 s0, $0xA;
	s2 =	sadd.s32 s3, s2  }
0x8d: {  	s2 =	sadd.s32 s2, s16  }
0x8e: {  	[smem:$0x3FC5] =	sst s2  }
0x8f: {  	_ = 	snop  }
0x90: {  	(tm) =	ssettm $0x1  }
0x91: {  	s17 =	sld [smem:$0x3FFB];
	_ =	sdelay $0x3  }
0x92: {  	_ =	strace s17  }
0x93: {  	s2 =	sld [smem:$0x3FFC];
	_ =	sdelay $0x3  }
0x94: {  	_ =	strace s2  }
0x95: {  	s2 =	sld [smem:$0x3FFD];
	_ =	sdelay $0x3  }
0x96: {  	_ =	strace s2  }
0x97: {  	_ =	strace $0x8FFFFFFF  }
0x98: {  	s18 =	sld [smem:$0x3FDB];
	_ =	sdelay $0x1  }
0x99: {  	s19 =	simm.s32 $_scs_section_size  }
0x9a: {  	s4 =	simm.s32 $_size__tile_overlayer_lowered;
	s5 =	simm.s32 $_tile_overlayer_lowered  }
0x9b: {  	s22 =	simm.s32 $0x1BFF;
	s21 =	sshll.u32 s5, $0x1;
	s2 =	sadd.s32 s19, s18  }
0x9c: {  	s6 =	simm.s32 $0x0;
	s20 =	sshll.u32 s4, $0x1;
	s4 =	sadd.s32 s21, s2  }
0x9d: {  	[timem:s6], [sflag:s22] =	dma.local [hbm:s4], s20  }
0x9e: {  	_ =	swait.ge [sflag:s22], s20  }
0x9f: {  	s3 =	ssub.s32 $0x0, s20;
	[sflag:s22] =	ssyncset.done $0x0  }
0xa0: {  	[sflag:s22] =	ssyncadd.s32 s3;
	_ =	sdelay $0x1  }
0xa1: {  	s23 =	simm.s32 $0x1B8B  }
0xa2: {  	_ =	swait.ge [sflag:s23], $0x1  }
0xa3: {  	[sflag:s23] =	ssyncset.done $0x0  }
0xa4: {  	s25 =	simm.s32 $0x1B8E;
	s24 =	sld [smem:$0x3FFE];
	[sflag:s23] =	ssyncadd.s32 $0xFFFFFFFF  }
0xa5: {  	s26 =	simm.s32 $execute0_lowered;
	[smem:$0x3FD2] =	sst s25  }
0xa6: {  	s4 =	sshll.u32 s26, $0x1;
	_ =	strace $0x80000046;
	[dreg:$0x1] =	wrdreg $0xFFFFFFFF  }
0xa7: {  	s28 =	simm.s32 $_size_execute0_lowered;
	s2 =	sadd.s32 s2, s4;
	[dreg:$0x0] =	wrdreg $0x0  }
0xa8: {  	s4 =	sshll.u32 s28, $0x1;
	[dreg:$0x2] =	wrdreg s2  }
0xa9: {  	[dreg:$0x3] =	wrdreg s4  }
0xaa: {  	[dreg:$0x4] =	wrdreg $0xC0  }
0xab: {  	_ =	task [dreg:s6], $0x5FFFF  }
0xac: {  	[dreg:$0x1] =	wrdreg $0xFFFFFFFF  }
0xad: {  	[dreg:$0x0] =	wrdreg $0x60  }
0xae: {  	[dreg:$0x2] =	wrdreg s24  }
0xaf: {  	[dreg:$0x3] =	wrdreg $0x9  }
0xb0: {  	_ =	task.clear_ibuf [dreg:s6], $0x4FFFF;
	_ =	strace $0x90000046  }
0xb1: {  	s29 =	simm.s32 $0x9;
	_ =	strace $0x80000048  }
0xb2: {  	_ =	swait.ge [sflag:s29], $0x1  }
0xb3: {  	[sflag:s29] =	ssyncadd.s32 $0xFFFFFFFF  }
0xb4: {  	_ =	strace $0x90000048  }
0xb5: {  	_ =	sfence  }
0xb6: {  	s30 =	sld [smem:$0x0];
	_ =	sdelay $0x2  }
0xb7: {  	s31 =	sshll.u32 s1, $0xD;
	s1 =	sshrl.u32 s1, $0x2  }
0xb8: {  	s3 =	sand.u32 $0x4000, s31;
	s1 =	sadd.s32 s1, s30  }
0xb9: {  	s0 =	sor.u32 s3, s0;
	s1 =	sshll.u32 s1, $0x11  }
0xba: {  	s0 =	sor.u32 s1, s0  }
0xbb: {  	s0 =	sadd.s32 $0x8F2B, s0  }
0xbc: {  	[sflag:s0] =	ssyncadd.remote.s32 $0x1  }
0xbd: {  	_ =	sfence.sel $0xFFFF  }
0xbe: {  	[dreg:$0x0] =	wrdreg $0xFFFFFFFF;
	(pc) =	sbr.abs _section_cstart, $3  }
0xbf: {  	[dreg:$0x1] =	wrdreg $0xFFFFFFFF  }
0xc0: {  	_ =	task.clear_ibuf [dreg:s6], $0x2FFFF;
	_ =	strace $0x9FFFFFFF  }
0xc1: {  	(tm) =	ssettm $0x7FFFFFFF  }
tec
execute0_lowered:
.L_overlay_start_1:
0x0: {  	(tag) =	ssettag $0x1  }
0x1: {  	s0 =	rddreg [dreg:$0x0];
	s1 =	srdreg.scid  }
0x2: {  	s2 =	simm.s32 $0x0;
	s3 =	stileid.u32;
	s15 =	simm.s32 $0xF  }
0x3: {  	s31 =	simm.s32 $0x1;
	s28 =	simm.s32 $0x1CE00;
	s5 =	simm.s32 $0x1CF00  }
0x4: {  	s29 =	simm.s32 $0x1D000;
	s6 =	simm.s32 $0x8;
	s1 =	sand.u32 $0x1, s1  }
0x5: {  	s30 =	simm.s32 $0x9;
	s3 =	sshll.u32 s3, $0x7;
	s4 =	sshll.u32 s1, $0x6  }
0x6: {  	s7 =	simm.s32 $0xA;
	s8 =	simm.s32 $0xB;
	s4 =	sor.u32 s4, s3  }
0x7: {  	s9 =	simm.s32 $0xC;
	s3 =	sadd.s32 $0x4A00, s0;
	s0 =	sadd.s32 s4, s0  }
0x8: {  	s10 =	simm.s32 $0xD;
	[smem:$0x7FF] =	sst s2;
	s17 =	sadd.s32 $0x4200, s0  }
0x9: {  	_ =	strace $0x80000047;
	s18 =	sadd.s32 $0x3A00, s0;
	[dreg:$0x2] =	wrdreg s17  }
0xa: {  	s11 =	simm.s32 $0xE;
	s19 =	sadd.s32 $0x3200, s0;
	[dreg:$0x3] =	wrdreg s18  }
0xb: {  	s12 =	simm.s32 $0x0;
	s20 =	sadd.s32 $0x2A00, s0;
	[dreg:$0x4] =	wrdreg s19  }
0xc: {  	s1 =	ssub.s32 $0x2, s1;
	s21 =	sadd.s32 $0x2200, s0;
	[dreg:$0x5] =	wrdreg s20  }
0xd: {  	s16 =	sshrl.u32 s1, $0x1;
	s22 =	sadd.s32 $0x1A00, s0;
	[dreg:$0x6] =	wrdreg s21  }
0xe: {  	s1 =	ssub.s32 s1, s16;
	s23 =	sadd.s32 $0x1200, s0;
	[dreg:$0x7] =	wrdreg s22  }
0xf: {  	s16 =	simm.s32 $0x4;
	s24 =	sadd.s32 $0xE4C00, s0;
	[dreg:$0x8] =	wrdreg s23  }
.Ltmp0:
0x10: {  	s25 =	sadd.s32 $0xE5400, s0;
	[dreg:$0x9] =	wrdreg s24;
	(pc) =	sbr.rel .LBB2_1-.Ltmp0, $4  }
0x11: {  	s4 =	simm.s32 $0x1AE00;
	s0 =	sadd.s32 $0xE5C00, s0;
	[dreg:$0xa] =	wrdreg s25  }
0x12: {  	s26 =	smax.u32 s1, $0x1;
	s1 =	simm.s32 $0x3;
	[dreg:$0xb] =	wrdreg s0  }
0x13: {  	v0 =	vlaneseq.u32;
	[dreg:$0xc] =	wrdreg s26;
	s22 =	simm.s32 $0x80;
	s0 =	simm.s32 $0x2  }
0x14: {  	v0 =	vmul.u32 $0x10, v0;
	s17 =	simm.s32 $0x5;
	s18 =	simm.s32 $0x6;
	s19 =	simm.s32 $0x7  }
.LBB2_17:
0x15: {  	s13 =	rddreg [dreg:$0x9];
	s14 =	simm.s32 $0x1D100  }
0x16: {  	[hbm4b:s13+s2] =	stream.linear.scatter [tilespmem:s14], [sflag:$0xF], $0x200, $0x38;
	[tilespmem:$0x1D700] =	vst v63  }
0x17: {  	_ =	swait.ge [sflag:s15], $0x200  }
0x18: {  	[sflag:s15] =	ssyncset.done $0x0  }
0x19: {  	s23 =	simm.s32 $0x1D300;
	s21 =	rddreg [dreg:$0xa];
	[sflag:s15] =	ssyncadd.s32 $0xFFFFFE00  }
0x1a: {  	[hbm4b:s21+s2] =	stream.linear.scatter [tilespmem:s23], [sflag:$0xF], $0x200, $0x38;
	[tilespmem:$0x1D700] =	vst v63  }
0x1b: {  	_ =	swait.ge [sflag:s15], $0x200  }
0x1c: {  	[sflag:s15] =	ssyncset.done $0x0  }
0x1d: {  	s25 =	simm.s32 $0x1D500;
	s24 =	rddreg [dreg:$0xb];
	[sflag:s15] =	ssyncadd.s32 $0xFFFFFE00  }
0x1e: {  	[hbm4b:s24+s2] =	stream.linear.scatter [tilespmem:s25], [sflag:$0xF], $0x200, $0x38;
	[tilespmem:$0x1D700] =	vst v63  }
0x1f: {  	_ =	swait.ge [sflag:s15], $0x200  }
0x20: {  	s12 =	sadd.s32 $0x1, s12;
	s26 =	rddreg [dreg:$0xc]  }
0x21: {  	p0 =	sne.s32 s12, s26  }
.Ltmp1:
0x22: {  	_ = 	snop;
	(pc) =	sbr.rel @!p0 .LBB2_18-.Ltmp1, $3  }
0x23: {  	_ =	sdelay $0x1  }
0x24: {  	[sflag:s15] =	ssyncset.done $0x0  }
0x25: {  	[sflag:s15] =	ssyncadd.s32 $0xFFFFFE00  }
.LBB2_1:
0x26: {  	s13 =	rddreg [dreg:$0x2]  }
0x27: {  	[tilespmem:s2], [sflag:$0xF] =	stream.linear.gather [hbm4b:s13+s2], $0x200, $0x38;
	[tilespmem:$0x1D700] =	vst v63  }
0x28: {  	_ =	swait.ge [sflag:s15], $0x200  }
0x29: {  	[sflag:s15] =	ssyncset.done $0x0  }
0x2a: {  	s14 =	simm.s32 $0x200;
	s21 =	rddreg [dreg:$0x3];
	[sflag:s15] =	ssyncadd.s32 $0xFFFFFE00  }
0x2b: {  	[tilespmem:s14], [sflag:$0xF] =	stream.linear.gather [hbm4b:s21+s2], $0x200, $0x38;
	[tilespmem:$0x1D700] =	vst v63  }
0x2c: {  	_ =	swait.ge [sflag:s15], $0x200  }
0x2d: {  	[sflag:s15] =	ssyncset.done $0x0  }
0x2e: {  	s20 =	simm.s32 $0x400;
	s23 =	rddreg [dreg:$0x4];
	[sflag:s15] =	ssyncadd.s32 $0xFFFFFE00  }
0x2f: {  	[tilespmem:s20], [sflag:$0xF] =	stream.linear.gather [hbm4b:s23+s2], $0x200, $0x38;
	[tilespmem:$0x1D700] =	vst v63  }
0x30: {  	_ =	swait.ge [sflag:s15], $0x200  }
0x31: {  	[sflag:s15] =	ssyncset.done $0x0  }
0x32: {  	s21 =	simm.s32 $0x600;
	s24 =	rddreg [dreg:$0x5];
	[sflag:s15] =	ssyncadd.s32 $0xFFFFFE00  }
0x33: {  	[tilespmem:s21], [sflag:$0xF] =	stream.linear.gather [hbm4b:s24+s2], $0x200, $0x38;
	[tilespmem:$0x1D700] =	vst v63  }
0x34: {  	_ =	swait.ge [sflag:s15], $0x200  }
0x35: {  	[sflag:s15] =	ssyncset.done $0x0  }
0x36: {  	s23 =	simm.s32 $0x800;
	s25 =	rddreg [dreg:$0x6];
	[sflag:s15] =	ssyncadd.s32 $0xFFFFFE00  }
0x37: {  	[tilespmem:s23], [sflag:$0xF] =	stream.linear.gather [hbm4b:s25+s2], $0x200, $0x38;
	[tilespmem:$0x1D700] =	vst v63  }
0x38: {  	_ =	swait.ge [sflag:s15], $0x200  }
0x39: {  	[sflag:s15] =	ssyncset.done $0x0  }
0x3a: {  	s24 =	simm.s32 $0xA00;
	s26 =	rddreg [dreg:$0x7];
	[sflag:s15] =	ssyncadd.s32 $0xFFFFFE00  }
0x3b: {  	[tilespmem:s24], [sflag:$0xF] =	stream.linear.gather [hbm4b:s26+s2], $0x200, $0x38;
	[tilespmem:$0x1D700] =	vst v63  }
0x3c: {  	_ =	swait.ge [sflag:s15], $0x200  }
0x3d: {  	[sflag:s15] =	ssyncset.done $0x0  }
0x3e: {  	s25 =	simm.s32 $0xC00;
	s13 =	rddreg [dreg:$0x8];
	[sflag:s15] =	ssyncadd.s32 $0xFFFFFE00  }
0x3f: {  	[tilespmem:s25], [sflag:$0xF] =	stream.linear.gather [hbm4b:s13+s2], $0x200, $0x38;
	[tilespmem:$0x1D700] =	vst v63  }
0x40: {  	_ =	swait.ge [sflag:s15], $0x200  }
0x41: {  	[sflag:s15] =	ssyncset.done $0x0  }
0x42: {  	s13 =	simm.s32 $0xE00;
	[sflag:s15] =	ssyncadd.s32 $0xFFFFFE00  }
0x43: {  	[tilespmem:s13], [sflag:$0x1] =	stream.indirect.gather [hbm4b:s3+s22], $0x40, s2, s22, $0xb8;
	[tilespmem:$0x1D700] =	vst v63  }
0x44: {  	s13 =	simm.s32 $0x2E00  }
0x45: {  	[tilespmem:s13], [sflag:$0x2] =	stream.indirect.gather [hbm4b:s3+s22], $0x40, s14, s22, $0xb8;
	[tilespmem:$0x1D700] =	vst v63  }
0x46: {  	s14 =	simm.s32 $0x4E00  }
0x47: {  	[tilespmem:s14], [sflag:$0x3] =	stream.indirect.gather [hbm4b:s3+s22], $0x40, s20, s22, $0xb8;
	[tilespmem:$0x1D700] =	vst v63  }
0x48: {  	s14 =	simm.s32 $0x6E00  }
0x49: {  	[tilespmem:s14], [sflag:$0x4] =	stream.indirect.gather [hbm4b:s3+s22], $0x40, s21, s22, $0xb8;
	[tilespmem:$0x1D700] =	vst v63  }
0x4a: {  	s20 =	simm.s32 $0x8E00  }
0x4b: {  	[tilespmem:s20], [sflag:$0x5] =	stream.indirect.gather [hbm4b:s3+s22], $0x40, s23, s22, $0xb8;
	[tilespmem:$0x1D700] =	vst v63  }
0x4c: {  	s21 =	simm.s32 $0xAE00  }
0x4d: {  	[tilespmem:s21], [sflag:$0x6] =	stream.indirect.gather [hbm4b:s3+s22], $0x40, s24, s22, $0xb8;
	[tilespmem:$0x1D700] =	vst v63  }
0x4e: {  	s26 =	simm.s32 $0xCE00  }
0x4f: {  	[tilespmem:s26], [sflag:$0x7] =	stream.indirect.gather [hbm4b:s3+s22], $0x40, s25, s22, $0xb8;
	[tilespmem:$0x1D700] =	vst v63  }
0x50: {  	_ =	swait.ge [sflag:s31], $0x2000  }
0x51: {  	[sflag:s31] =	ssyncset.done $0x0  }
0x52: {  	[sflag:s31] =	ssyncadd.s32 $0xFFFFE000  }
0x53: {  	_ =	swait.ge [sflag:s0], $0x2000  }
0x54: {  	[sflag:s0] =	ssyncset.done $0x0  }
0x55: {  	[sflag:s0] =	ssyncadd.s32 $0xFFFFE000  }
0x56: {  	_ =	swait.ge [sflag:s1], $0x2000  }
0x57: {  	[sflag:s1] =	ssyncset.done $0x0  }
0x58: {  	[sflag:s1] =	ssyncadd.s32 $0xFFFFE000  }
0x59: {  	_ =	swait.ge [sflag:s16], $0x2000  }
0x5a: {  	[sflag:s16] =	ssyncset.done $0x0  }
0x5b: {  	[sflag:s16] =	ssyncadd.s32 $0xFFFFE000  }
0x5c: {  	_ =	swait.ge [sflag:s17], $0x2000  }
0x5d: {  	[sflag:s17] =	ssyncset.done $0x0  }
0x5e: {  	[sflag:s17] =	ssyncadd.s32 $0xFFFFE000  }
0x5f: {  	_ =	swait.ge [sflag:s18], $0x2000  }
0x60: {  	[sflag:s18] =	ssyncset.done $0x0  }
0x61: {  	[sflag:s18] =	ssyncadd.s32 $0xFFFFE000  }
0x62: {  	_ =	swait.ge [sflag:s19], $0x2000  }
0x63: {  	[sflag:s19] =	ssyncset.done $0x0  }
0x64: {  	s26 =	simm.s32 $0xEE00;
	[sflag:s19] =	ssyncadd.s32 $0xFFFFE000  }
0x65: {  	[tilespmem:s26], [sflag:$0x8] =	stream.indirect.gather [hbm4b:s3+s22], $0x40, s22, s22, $0xb8;
	[tilespmem:$0x1D700] =	vst v63  }
0x66: {  	s23 =	simm.s32 $0x280;
	s24 =	simm.s32 $0x10E00  }
0x67: {  	[tilespmem:s24], [sflag:$0x9] =	stream.indirect.gather [hbm4b:s3+s22], $0x40, s23, s22, $0xb8;
	[tilespmem:$0x1D700] =	vst v63  }
0x68: {  	s20 =	simm.s32 $0x480;
	s21 =	simm.s32 $0x12E00  }
0x69: {  	[tilespmem:s21], [sflag:$0xA] =	stream.indirect.gather [hbm4b:s3+s22], $0x40, s20, s22, $0xb8;
	[tilespmem:$0x1D700] =	vst v63  }
0x6a: {  	s23 =	simm.s32 $0x680;
	s24 =	simm.s32 $0x14E00  }
0x6b: {  	[tilespmem:s24], [sflag:$0xB] =	stream.indirect.gather [hbm4b:s3+s22], $0x40, s23, s22, $0xb8;
	[tilespmem:$0x1D700] =	vst v63  }
0x6c: {  	s13 =	simm.s32 $0x1D0F2;
	s14 =	simm.s32 $0x880;
	s20 =	simm.s32 $0x16E00  }
0x6d: {  	[tilespmem:s20], [sflag:$0xC] =	stream.indirect.gather [hbm4b:s3+s22], $0x40, s14, s22, $0xb8;
	[tilespmem:$0x1D700] =	vst v63  }
.Ltmp2:
0x6e: {  	s25 =	simm.s32 $0xCE00;
	s21 =	simm.s32 $0xA80;
	(pc) =	sbr.rel .LBB2_2-.Ltmp2, $4  }
0x6f: {  	s23 =	simm.s32 $0x18E00;
	s24 =	simm.s32 $0xC80;
	s14 =	simm.s32 $0x1D2F2  }
0x70: {  	[tilespmem:s23], [sflag:$0xD] =	stream.indirect.gather [hbm4b:s3+s22], $0x40, s21, s22, $0xb8;
	[tilespmem:$0x1D700] =	vst v63  }
0x71: {  	s20 =	simm.s32 $0x1D4F2;
	s21 =	simm.s32 $0x0;
	s23 =	simm.s32 $0x0  }
0x72: {  	[tilespmem:s4], [sflag:$0xE] =	stream.indirect.gather [hbm4b:s3+s22], $0x40, s24, s22, $0xb8;
	[tilespmem:$0x1D700] =	vst v63  }
.LBB2_4:
0x73: {  	p0 =	slt.u32 s23, $0x7E  }
.Ltmp3:
0x74: {  	_ = 	snop;
	(pc) =	sbr.rel @!p0 .LBB2_5-.Ltmp3, $3  }
0x75: {  	_ =	sdelay $0x1  }
0x76: {  	s24 =	sadd.s32 $0x2, s23;
	s13 =	sadd.s32 $0x2, s13;
	s14 =	sadd.s32 $0x2, s14  }
0x77: {  	s20 =	sadd.s32 $0x2, s20;
	s21 =	sadd.s32 $0x200, s21;
	s23 =	smov.u32 s24  }
.LBB2_2:
0x78: {  	s24 =	sshra.s32 s21, $0x2  }
0x79: {  	v1 =	vld [tilespmem:s24+$0xE00]  }
0x7a: {  	v2 =	vld [tilespmem:s24+$0x2E00]  }
0x7b: {  	v3 =	vld [tilespmem:s24+$0x4E00]  }
0x7c: {  	v4 =	vld [tilespmem:s24+$0x6E00]  }
0x7d: {  	v5 =	vld [tilespmem:s24+$0x8E00]  }
0x7e: {  	v6 =	vld [tilespmem:s24+$0xAE00]  }
0x7f: {  	v8 =	vld [tilespmem:s24+$0xE10]  }
0x80: {  	v9 =	vld [tilespmem:s24+$0x2E10]  }
0x81: {  	v10 =	vld [tilespmem:s24+$0x4E10]  }
0x82: {  	v11 =	vld [tilespmem:s24+$0x6E10]  }
0x83: {  	v12 =	vld [tilespmem:s24+$0x8E10]  }
0x84: {  	v13 =	vld [tilespmem:s24+$0xAE10]  }
0x85: {  	v15 =	vld [tilespmem:s24+$0xE20]  }
0x86: {  	v16 =	vld [tilespmem:s24+$0x2E20]  }
0x87: {  	v47 =	vld [tilespmem:s24+$0x4E20]  }
0x88: {  	v17 =	vld [tilespmem:s24+$0x8E20]  }
0x89: {  	v49 =	vld [tilespmem:s24+$0xAE20]  }
0x8a: {  	v52 =	vld [tilespmem:s24+$0xE30]  }
0x8b: {  	v54 =	vld [tilespmem:s24+$0x2E30]  }
0x8c: {  	v55 =	vld [tilespmem:s24+$0x4E30];
	v3 =	vsub.f32 v2, v3  }
0x8d: {  	v58 =	vld [tilespmem:s24+$0x8E30];
	v4 =	vsub.f32 v2, v4;
	v2 =	vsub.f32 v2, v5  }
0x8e: {  	v59 =	vld [tilespmem:s24+$0xAE30];
	v46 =	vsub.f32 v1, v6;
	v10 =	vsub.f32 v9, v10  }
0x8f: {  	v7 =	vld [tilespmem:s24+$0xCE00];
	v11 =	vsub.f32 v9, v11;
	v9 =	vsub.f32 v9, v12  }
0x90: {  	v14 =	vld [tilespmem:s24+$0xCE10];
	v13 =	vsub.f32 v8, v13;
	v6 =	vsub.f32 v16, v47  }
0x91: {  	v48 =	vld [tilespmem:s24+$0x6E20];
	v57 =	vsub.f32 v16, v17;
	v12 =	vsub.f32 v15, v49  }
0x92: {  	v18 =	vmov s23;
	v50 =	vld [tilespmem:s24+$0xCE20];
	v19 =	vsub.f32 v54, v55;
	v20 =	vsub.f32 v54, v58  }
0x93: {  	v21 =	vsub.f32 v52, v59;
	v3 =	vmul.f32 v3, v1;
	v4 =	vmul.f32 v4, v4  }
0x94: {  	v1 =	vsub.f32 v1, v7;
	v2 =	vmul.f32 v2, v2;
	v5 =	vmul.f32 v46, v46  }
0x95: {  	v10 =	vmul.f32 v10, v8;
	v8 =	vsub.f32 v8, v14;
	v51 =	vmul.f32 v11, v11  }
0x96: {  	v9 =	vmul.f32 v9, v9;
	v53 =	vmul.f32 v13, v13;
	v7 =	vsub.f32 v16, v48  }
0x97: {  	v6 =	vmul.f32 v6, v15;
	v14 =	vsub.f32 v15, v50;
	v61 =	vmul.f32 v57, v57  }
0x98: {  	v56 =	vld [tilespmem:s24+$0x6E30];
	v63 =	vmul.f32 v12, v12;
	v22 =	vmul.f32 v21, v21;
	v3 =	vadd.f32 $0.0e+00, v3  }
0x99: {  	v62 =	vld [tilespmem:s24+$0xCE30];
	v1 =	vmul.f32 v1, v1;
	v2 =	vsub.f32 v4, v2;
	v8 =	vmul.f32 v8, v8  }
0x9a: {  	v4 =	vsub.f32 v51, v9;
	v60 =	vmul.f32 v7, v7;
	v3 =	vadd.f32 v10, v3  }
0x9b: {  	v17 =	vmul.f32 v14, v14;
	v1 =	vsub.f32 v5, v1;
	v5 =	vsub.f32 v53, v8  }
0x9c: {  	v2 =	vadd.f32 v4, v2;
	v3 =	vadd.f32 v6, v3;
	v6 =	vand.u32 $0xE, v18  }
0x9d: {  	v4 =	vsub.f32 v60, v61;
	v8 =	vsub.f32 v54, v56;
	v6 =	vbroadcast v6, $0x0  }
0x9e: {  	v9 =	vmul.f32 v20, v20;
	v10 =	vsub.f32 v52, v62;
	v1 =	vadd.f32 v5, v1  }
0x9f: {  	v5 =	vsub.f32 v63, v17;
	v8 =	vmul.f32 v8, v8;
	v6 =	vor.u32 v0, v6  }
0xa0: {  	v7 =	vmul.f32 v19, v52;
	v2 =	vadd.f32 v4, v2;
	v10 =	vmul.f32 v10, v10  }
0xa1: {  	v1 =	vadd.f32 v5, v1;
	v23 =	vsub.f32 v8, v9  }
0xa2: {  	v3 =	vadd.f32 v7, v3;
	v4 =	vsub.f32 v22, v10  }
0xa3: {  	v2 =	vadd.f32 v23, v2  }
0xa4: {  	v1 =	vadd.f32 v4, v1;
	[tilespmem:v6+s28+$0x0] =	vst.idx.msk $0xffff, v3  }
0xa5: {  	[tilespmem:v6+s5+$0x0] =	vst.idx.msk $0xffff, v2  }
0xa6: {  	[tilespmem:v6+s29+$0x0] =	vst.idx.msk $0xffff, v1  }
0xa7: {  	v1 =	vld [tilespmem:s24+$0xE40]  }
0xa8: {  	v2 =	vld [tilespmem:s24+$0x2E40]  }
0xa9: {  	v3 =	vld [tilespmem:s24+$0x4E40]  }
0xaa: {  	v24 =	vld [tilespmem:s24+$0x6E40]  }
0xab: {  	v25 =	vld [tilespmem:s24+$0x8E40]  }
0xac: {  	v6 =	vld [tilespmem:s24+$0xAE40]  }
0xad: {  	v26 =	vld [tilespmem:s24+$0xCE40]  }
0xae: {  	v27 =	vld [tilespmem:s24+$0xE50]  }
0xaf: {  	v28 =	vld [tilespmem:s24+$0x2E50]  }
0xb0: {  	v29 =	vld [tilespmem:s24+$0x4E50]  }
0xb1: {  	v30 =	vld [tilespmem:s24+$0x6E50]  }
0xb2: {  	v31 =	vld [tilespmem:s24+$0x8E50]  }
0xb3: {  	v32 =	vld [tilespmem:s24+$0xAE50]  }
0xb4: {  	v33 =	vld [tilespmem:s24+$0xCE50]  }
0xb5: {  	v34 =	vld [tilespmem:s24+$0xE60]  }
0xb6: {  	v35 =	vld [tilespmem:s24+$0x2E60]  }
0xb7: {  	v37 =	vld [tilespmem:s24+$0x4E60]  }
0xb8: {  	v38 =	vld [tilespmem:s24+$0x6E60]  }
0xb9: {  	v39 =	vld [tilespmem:s24+$0x8E60]  }
0xba: {  	v40 =	vld [tilespmem:s24+$0xAE60]  }
0xbb: {  	v41 =	vld [tilespmem:s24+$0xCE60]  }
0xbc: {  	v43 =	vld [tilespmem:s24+$0xE70]  }
0xbd: {  	v45 =	vld [tilespmem:s24+$0x2E70]  }
0xbe: {  	v46 =	vld [tilespmem:s24+$0x4E70];
	v3 =	vsub.f32 v2, v3  }
0xbf: {  	v47 =	vld [tilespmem:s24+$0x6E70];
	v4 =	vsub.f32 v2, v24;
	v2 =	vsub.f32 v2, v25  }
0xc0: {  	v49 =	vld [tilespmem:s24+$0x8E70];
	v36 =	vsub.f32 v1, v6;
	v10 =	vsub.f32 v28, v29  }
0xc1: {  	v50 =	vld [tilespmem:s24+$0xAE70];
	v11 =	vsub.f32 v28, v30;
	v9 =	vsub.f32 v28, v31  }
0xc2: {  	v53 =	vld [tilespmem:s24+$0xCE70];
	s24 =	sadd.s32 $0x1, s23;
	v13 =	vsub.f32 v27, v32;
	v8 =	vsub.f32 v27, v33  }
0xc3: {  	s24 =	sand.u32 $0xF, s24;
	v6 =	vsub.f32 v35, v37;
	v7 =	vsub.f32 v35, v38  }
0xc4: {  	v60 =	vor.u32 s24, v0;
	v48 =	vsub.f32 v35, v39;
	v12 =	vsub.f32 v34, v40  }
0xc5: {  	v14 =	vsub.f32 v34, v41;
	v3 =	vmul.f32 v3, v1;
	v4 =	vmul.f32 v4, v4  }
0xc6: {  	v56 =	vsub.f32 v45, v46;
	v2 =	vmul.f32 v2, v2;
	v5 =	vmul.f32 v36, v36  }
0xc7: {  	v57 =	vsub.f32 v45, v47;
	v10 =	vmul.f32 v10, v27;
	v42 =	vmul.f32 v11, v11  }
0xc8: {  	v1 =	vsub.f32 v1, v26;
	v9 =	vmul.f32 v9, v9;
	v44 =	vmul.f32 v13, v13  }
0xc9: {  	v58 =	vsub.f32 v45, v49;
	v8 =	vmul.f32 v8, v8;
	v6 =	vmul.f32 v6, v34  }
0xca: {  	v59 =	vsub.f32 v43, v50;
	v51 =	vmul.f32 v7, v7;
	v1 =	vmul.f32 v1, v1  }
0xcb: {  	v52 =	vmul.f32 v48, v48;
	v3 =	vadd.f32 $0.0e+00, v3;
	v2 =	vsub.f32 v4, v2  }
0xcc: {  	v54 =	vmul.f32 v12, v12;
	v4 =	vsub.f32 v42, v9;
	v1 =	vsub.f32 v5, v1  }
0xcd: {  	v55 =	vmul.f32 v14, v14;
	v3 =	vadd.f32 v10, v3;
	v5 =	vsub.f32 v44, v8  }
0xce: {  	v7 =	vmul.f32 v57, v57;
	v2 =	vadd.f32 v4, v2;
	v4 =	vsub.f32 v51, v52  }
0xcf: {  	v61 =	vmul.f32 v59, v59;
	v10 =	vsub.f32 v43, v53;
	v1 =	vadd.f32 v5, v1  }
0xd0: {  	v8 =	vmul.f32 v58, v58;
	v3 =	vadd.f32 v6, v3;
	v5 =	vsub.f32 v54, v55  }
0xd1: {  	v6 =	vmul.f32 v56, v43;
	v2 =	vadd.f32 v4, v2;
	v62 =	vmul.f32 v10, v10  }
0xd2: {  	p0 =	sne.s32 s24, $0xF;
	v63 =	vsub.f32 v7, v8;
	v1 =	vadd.f32 v5, v1  }
.Ltmp4:
0xd3: {  	v3 =	vadd.f32 v6, v3;
	v4 =	vsub.f32 v61, v62;
	(pc) =	sbr.rel @p0 .LBB2_4-.Ltmp4, $4  }
0xd4: {  	v2 =	vadd.f32 v63, v2  }
0xd5: {  	v1 =	vadd.f32 v4, v1;
	[tilespmem:v60+s28+$0x0] =	vst.idx.msk $0xffff, v3  }
0xd6: {  	[tilespmem:v60+s5+$0x0] =	vst.idx.msk $0xffff, v2  }
0xd7: {  	[tilespmem:v60+s29+$0x0] =	vst.idx.msk $0xffff, v1  }
0xd8: {  	v1 =	vld [tilespmem:$0x1CE00]  }
0xd9: {  	v2 =	vld [tilespmem:$0x1CE10]  }
0xda: {  	v3 =	vld [tilespmem:$0x1CE20]  }
0xdb: {  	v4 =	vld [tilespmem:$0x1CE30]  }
0xdc: {  	v5 =	vld [tilespmem:$0x1CE40]  }
0xdd: {  	v6 =	vld [tilespmem:$0x1CE50]  }
0xde: {  	v7 =	vld [tilespmem:$0x1CE60]  }
0xdf: {  	v8 =	vld [tilespmem:$0x1CE70]  }
0xe0: {  	v9 =	vld [tilespmem:$0x1CE80]  }
0xe1: {  	v10 =	vld [tilespmem:$0x1CE90]  }
0xe2: {  	v11 =	vld [tilespmem:$0x1CEA0]  }
0xe3: {  	v12 =	vld [tilespmem:$0x1CEB0]  }
0xe4: {  	v13 =	vld [tilespmem:$0x1CEC0]  }
0xe5: {  	v14 =	vld [tilespmem:$0x1CED0]  }
0xe6: {  	v15 =	vld [tilespmem:$0x1CEE0]  }
0xe7: {  	v16 =	vld [tilespmem:$0x1CEF0];
	_ =	sdelay $0x1  }
0xe8: {  	v1 =	vadd.f32 v2, v1;
	v2 =	vadd.f32 v4, v3  }
0xe9: {  	v3 =	vadd.f32 v6, v5;
	v20 =	vadd.f32 v8, v7  }
0xea: {  	v21 =	vadd.f32 v10, v9;
	v22 =	vadd.f32 v12, v11  }
0xeb: {  	v23 =	vadd.f32 v14, v13;
	v24 =	vadd.f32 v16, v15  }
0xec: {  	v1 =	vadd.f32 v2, v1;
	v2 =	vadd.f32 v20, v3  }
0xed: {  	v3 =	vadd.f32 v22, v21;
	v25 =	vadd.f32 v24, v23;
	_ =	sdelay $0x1  }
0xee: {  	v1 =	vadd.f32 v2, v1;
	v2 =	vadd.f32 v25, v3;
	_ =	sdelay $0x1  }
0xef: {  	v1 =	vadd.f32 v2, v1;
	_ =	sdelay $0x1  }
0xf0: {  	[tilespmem:s13+$0x0] =	vst v1  }
0xf1: {  	v1 =	vld [tilespmem:$0x1CF00]  }
0xf2: {  	v2 =	vld [tilespmem:$0x1CF10]  }
0xf3: {  	v3 =	vld [tilespmem:$0x1CF20]  }
0xf4: {  	v26 =	vld [tilespmem:$0x1CF30]  }
0xf5: {  	v27 =	vld [tilespmem:$0x1CF40]  }
0xf6: {  	v28 =	vld [tilespmem:$0x1CF50]  }
0xf7: {  	v29 =	vld [tilespmem:$0x1CF60]  }
0xf8: {  	v30 =	vld [tilespmem:$0x1CF70]  }
0xf9: {  	v31 =	vld [tilespmem:$0x1CF80]  }
0xfa: {  	v32 =	vld [tilespmem:$0x1CF90]  }
0xfb: {  	v33 =	vld [tilespmem:$0x1CFA0]  }
0xfc: {  	v34 =	vld [tilespmem:$0x1CFB0]  }
0xfd: {  	v35 =	vld [tilespmem:$0x1CFC0]  }
0xfe: {  	v36 =	vld [tilespmem:$0x1CFD0]  }
0xff: {  	v37 =	vld [tilespmem:$0x1CFE0]  }
0x100: {  	v38 =	vld [tilespmem:$0x1CFF0];
	_ =	sdelay $0x1  }
0x101: {  	v1 =	vadd.f32 v2, v1;
	v2 =	vadd.f32 v26, v3  }
0x102: {  	v3 =	vadd.f32 v28, v27;
	v39 =	vadd.f32 v30, v29  }
0x103: {  	v40 =	vadd.f32 v32, v31;
	v41 =	vadd.f32 v34, v33  }
0x104: {  	v42 =	vadd.f32 v36, v35;
	v43 =	vadd.f32 v38, v37  }
0x105: {  	v1 =	vadd.f32 v2, v1;
	v2 =	vadd.f32 v39, v3  }
0x106: {  	v3 =	vadd.f32 v41, v40;
	v44 =	vadd.f32 v43, v42;
	_ =	sdelay $0x1  }
0x107: {  	v1 =	vadd.f32 v2, v1;
	v2 =	vadd.f32 v44, v3;
	_ =	sdelay $0x1  }
0x108: {  	v1 =	vadd.f32 v2, v1;
	_ =	sdelay $0x1  }
0x109: {  	[tilespmem:s14+$0x0] =	vst v1  }
0x10a: {  	v1 =	vld [tilespmem:$0x1D000]  }
0x10b: {  	v2 =	vld [tilespmem:$0x1D010]  }
0x10c: {  	v3 =	vld [tilespmem:$0x1D020]  }
0x10d: {  	v45 =	vld [tilespmem:$0x1D030]  }
0x10e: {  	v46 =	vld [tilespmem:$0x1D040]  }
0x10f: {  	v47 =	vld [tilespmem:$0x1D050]  }
0x110: {  	v48 =	vld [tilespmem:$0x1D060]  }
0x111: {  	v49 =	vld [tilespmem:$0x1D070]  }
0x112: {  	v50 =	vld [tilespmem:$0x1D080]  }
0x113: {  	v51 =	vld [tilespmem:$0x1D090]  }
0x114: {  	v52 =	vld [tilespmem:$0x1D0A0]  }
0x115: {  	v53 =	vld [tilespmem:$0x1D0B0]  }
0x116: {  	v54 =	vld [tilespmem:$0x1D0C0]  }
0x117: {  	v55 =	vld [tilespmem:$0x1D0D0]  }
0x118: {  	v56 =	vld [tilespmem:$0x1D0E0]  }
0x119: {  	v57 =	vld [tilespmem:$0x1D0F0];
	_ =	sdelay $0x1  }
0x11a: {  	v1 =	vadd.f32 v2, v1;
	v2 =	vadd.f32 v45, v3  }
0x11b: {  	v3 =	vadd.f32 v47, v46;
	v58 =	vadd.f32 v49, v48  }
0x11c: {  	v59 =	vadd.f32 v51, v50;
	v60 =	vadd.f32 v53, v52  }
0x11d: {  	v61 =	vadd.f32 v55, v54;
	v62 =	vadd.f32 v57, v56  }
0x11e: {  	v1 =	vadd.f32 v2, v1;
	v2 =	vadd.f32 v58, v3  }
0x11f: {  	v3 =	vadd.f32 v60, v59;
	v63 =	vadd.f32 v62, v61;
	_ =	sdelay $0x1  }
.Ltmp5:
0x120: {  	v1 =	vadd.f32 v2, v1;
	v2 =	vadd.f32 v63, v3;
	(pc) =	sbr.rel .LBB2_4-.Ltmp5, $3  }
0x121: {  	_ = 	snop  }
0x122: {  	v1 =	vadd.f32 v2, v1;
	_ =	sdelay $0x1  }
0x123: {  	[tilespmem:s20+$0x0] =	vst v1  }
.LBB2_5:
0x124: {  	_ =	swait.ge [sflag:s6], $0x2000  }
0x125: {  	[sflag:s6] =	ssyncset.done $0x0  }
0x126: {  	[sflag:s6] =	ssyncadd.s32 $0xFFFFE000  }
0x127: {  	_ =	swait.ge [sflag:s30], $0x2000  }
0x128: {  	[sflag:s30] =	ssyncset.done $0x0  }
0x129: {  	[sflag:s30] =	ssyncadd.s32 $0xFFFFE000  }
0x12a: {  	_ =	swait.ge [sflag:s7], $0x2000  }
0x12b: {  	[sflag:s7] =	ssyncset.done $0x0  }
0x12c: {  	[sflag:s7] =	ssyncadd.s32 $0xFFFFE000  }
0x12d: {  	_ =	swait.ge [sflag:s8], $0x2000  }
0x12e: {  	[sflag:s8] =	ssyncset.done $0x0  }
0x12f: {  	[sflag:s8] =	ssyncadd.s32 $0xFFFFE000  }
0x130: {  	_ =	swait.ge [sflag:s9], $0x2000  }
0x131: {  	[sflag:s9] =	ssyncset.done $0x0  }
0x132: {  	[sflag:s9] =	ssyncadd.s32 $0xFFFFE000  }
0x133: {  	_ =	swait.ge [sflag:s10], $0x2000  }
0x134: {  	[sflag:s10] =	ssyncset.done $0x0  }
0x135: {  	[sflag:s10] =	ssyncadd.s32 $0xFFFFE000  }
0x136: {  	_ =	swait.ge [sflag:s11], $0x2000  }
0x137: {  	[sflag:s11] =	ssyncset.done $0x0  }
0x138: {  	s13 =	simm.s32 $0xE00;
	s14 =	simm.s32 $0x100;
	[sflag:s11] =	ssyncadd.s32 $0xFFFFE000  }
0x139: {  	[tilespmem:s13], [sflag:$0x1] =	stream.indirect.gather [hbm4b:s3+s22], $0x40, s14, s22, $0xb8;
	[tilespmem:$0x1D700] =	vst v63  }
0x13a: {  	s23 =	simm.s32 $0x2E00;
	s24 =	simm.s32 $0x300  }
0x13b: {  	[tilespmem:s23], [sflag:$0x2] =	stream.indirect.gather [hbm4b:s3+s22], $0x40, s24, s22, $0xb8;
	[tilespmem:$0x1D700] =	vst v63  }
0x13c: {  	s20 =	simm.s32 $0x4E00;
	s21 =	simm.s32 $0x500  }
0x13d: {  	[tilespmem:s20], [sflag:$0x3] =	stream.indirect.gather [hbm4b:s3+s22], $0x40, s21, s22, $0xb8;
	[tilespmem:$0x1D700] =	vst v63  }
0x13e: {  	s23 =	simm.s32 $0x6E00;
	s24 =	simm.s32 $0x700  }
0x13f: {  	[tilespmem:s23], [sflag:$0x4] =	stream.indirect.gather [hbm4b:s3+s22], $0x40, s24, s22, $0xb8;
	[tilespmem:$0x1D700] =	vst v63  }
0x140: {  	s14 =	simm.s32 $0x8E00;
	s20 =	simm.s32 $0x900  }
0x141: {  	[tilespmem:s14], [sflag:$0x5] =	stream.indirect.gather [hbm4b:s3+s22], $0x40, s20, s22, $0xb8;
	[tilespmem:$0x1D700] =	vst v63  }
.Ltmp6:
0x142: {  	s13 =	simm.s32 $0x1D172;
	s21 =	simm.s32 $0xAE00;
	(pc) =	sbr.rel .LBB2_6-.Ltmp6, $4  }
0x143: {  	s23 =	simm.s32 $0xB00;
	s24 =	simm.s32 $0xD00;
	s14 =	simm.s32 $0x1D372  }
0x144: {  	[tilespmem:s21], [sflag:$0x6] =	stream.indirect.gather [hbm4b:s3+s22], $0x40, s23, s22, $0xb8;
	[tilespmem:$0x1D700] =	vst v63  }
0x145: {  	s20 =	simm.s32 $0x1D572;
	s23 =	simm.s32 $0x0;
	s21 =	simm.s32 $0x0  }
0x146: {  	[tilespmem:s25], [sflag:$0x7] =	stream.indirect.gather [hbm4b:s3+s22], $0x40, s24, s22, $0xb8;
	[tilespmem:$0x1D700] =	vst v63  }
.LBB2_8:
0x147: {  	p0 =	slt.u32 s23, $0x7E  }
.Ltmp7:
0x148: {  	_ = 	snop;
	(pc) =	sbr.rel @!p0 .LBB2_9-.Ltmp7, $3  }
0x149: {  	_ =	sdelay $0x1  }
0x14a: {  	s24 =	sadd.s32 $0x2, s23;
	s13 =	sadd.s32 $0x2, s13;
	s14 =	sadd.s32 $0x2, s14  }
0x14b: {  	s20 =	sadd.s32 $0x2, s20;
	s21 =	sadd.s32 $0x200, s21;
	s23 =	smov.u32 s24  }
.LBB2_6:
0x14c: {  	s24 =	sshra.s32 s21, $0x2  }
0x14d: {  	v1 =	vld [tilespmem:s24+$0xEE00]  }
0x14e: {  	v2 =	vld [tilespmem:s24+$0x10E00]  }
0x14f: {  	v3 =	vld [tilespmem:s24+$0x12E00]  }
0x150: {  	v4 =	vld [tilespmem:s24+$0x14E00]  }
0x151: {  	v5 =	vld [tilespmem:s24+$0x16E00]  }
0x152: {  	v6 =	vld [tilespmem:s24+$0x18E00]  }
0x153: {  	v8 =	vld [tilespmem:s24+$0xEE10]  }
0x154: {  	v9 =	vld [tilespmem:s24+$0x10E10]  }
0x155: {  	v10 =	vld [tilespmem:s24+$0x12E10]  }
0x156: {  	v11 =	vld [tilespmem:s24+$0x14E10]  }
0x157: {  	v12 =	vld [tilespmem:s24+$0x16E10]  }
0x158: {  	v13 =	vld [tilespmem:s24+$0x18E10]  }
0x159: {  	v15 =	vld [tilespmem:s24+$0xEE20]  }
0x15a: {  	v16 =	vld [tilespmem:s24+$0x10E20]  }
0x15b: {  	v47 =	vld [tilespmem:s24+$0x12E20]  }
0x15c: {  	v17 =	vld [tilespmem:s24+$0x16E20]  }
0x15d: {  	v49 =	vld [tilespmem:s24+$0x18E20]  }
0x15e: {  	v52 =	vld [tilespmem:s24+$0xEE30]  }
0x15f: {  	v54 =	vld [tilespmem:s24+$0x10E30]  }
0x160: {  	v55 =	vld [tilespmem:s24+$0x12E30];
	v3 =	vsub.f32 v2, v3  }
0x161: {  	v58 =	vld [tilespmem:s24+$0x16E30];
	v4 =	vsub.f32 v2, v4;
	v2 =	vsub.f32 v2, v5  }
0x162: {  	v59 =	vld [tilespmem:s24+$0x18E30];
	v46 =	vsub.f32 v1, v6;
	v10 =	vsub.f32 v9, v10  }
0x163: {  	v7 =	vld [tilespmem:s24+$0x1AE00];
	v11 =	vsub.f32 v9, v11;
	v9 =	vsub.f32 v9, v12  }
0x164: {  	v14 =	vld [tilespmem:s24+$0x1AE10];
	v13 =	vsub.f32 v8, v13;
	v6 =	vsub.f32 v16, v47  }
0x165: {  	v48 =	vld [tilespmem:s24+$0x14E20];
	v57 =	vsub.f32 v16, v17;
	v12 =	vsub.f32 v15, v49  }
0x166: {  	v18 =	vmov s23;
	v50 =	vld [tilespmem:s24+$0x1AE20];
	v19 =	vsub.f32 v54, v55;
	v20 =	vsub.f32 v54, v58  }
0x167: {  	v21 =	vsub.f32 v52, v59;
	v3 =	vmul.f32 v3, v1;
	v4 =	vmul.f32 v4, v4  }
0x168: {  	v1 =	vsub.f32 v1, v7;
	v2 =	vmul.f32 v2, v2;
	v5 =	vmul.f32 v46, v46  }
0x169: {  	v10 =	vmul.f32 v10, v8;
	v8 =	vsub.f32 v8, v14;
	v51 =	vmul.f32 v11, v11  }
0x16a: {  	v9 =	vmul.f32 v9, v9;
	v53 =	vmul.f32 v13, v13;
	v7 =	vsub.f32 v16, v48  }
0x16b: {  	v6 =	vmul.f32 v6, v15;
	v14 =	vsub.f32 v15, v50;
	v61 =	vmul.f32 v57, v57  }
0x16c: {  	v56 =	vld [tilespmem:s24+$0x14E30];
	v63 =	vmul.f32 v12, v12;
	v22 =	vmul.f32 v21, v21;
	v3 =	vadd.f32 $0.0e+00, v3  }
0x16d: {  	v62 =	vld [tilespmem:s24+$0x1AE30];
	v1 =	vmul.f32 v1, v1;
	v2 =	vsub.f32 v4, v2;
	v8 =	vmul.f32 v8, v8  }
0x16e: {  	v4 =	vsub.f32 v51, v9;
	v60 =	vmul.f32 v7, v7;
	v3 =	vadd.f32 v10, v3  }
0x16f: {  	v17 =	vmul.f32 v14, v14;
	v1 =	vsub.f32 v5, v1;
	v5 =	vsub.f32 v53, v8  }
0x170: {  	v2 =	vadd.f32 v4, v2;
	v3 =	vadd.f32 v6, v3;
	v6 =	vand.u32 $0xE, v18  }
0x171: {  	v4 =	vsub.f32 v60, v61;
	v8 =	vsub.f32 v54, v56;
	v6 =	vbroadcast v6, $0x0  }
0x172: {  	v9 =	vmul.f32 v20, v20;
	v10 =	vsub.f32 v52, v62;
	v1 =	vadd.f32 v5, v1  }
0x173: {  	v5 =	vsub.f32 v63, v17;
	v8 =	vmul.f32 v8, v8;
	v6 =	vor.u32 v0, v6  }
0x174: {  	v7 =	vmul.f32 v19, v52;
	v2 =	vadd.f32 v4, v2;
	v10 =	vmul.f32 v10, v10  }
0x175: {  	v1 =	vadd.f32 v5, v1;
	v23 =	vsub.f32 v8, v9  }
0x176: {  	v3 =	vadd.f32 v7, v3;
	v4 =	vsub.f32 v22, v10  }
0x177: {  	v2 =	vadd.f32 v23, v2  }
0x178: {  	v1 =	vadd.f32 v4, v1;
	[tilespmem:v6+s28+$0x0] =	vst.idx.msk $0xffff, v3  }
0x179: {  	[tilespmem:v6+s5+$0x0] =	vst.idx.msk $0xffff, v2  }
0x17a: {  	[tilespmem:v6+s29+$0x0] =	vst.idx.msk $0xffff, v1  }
0x17b: {  	v1 =	vld [tilespmem:s24+$0xEE40]  }
0x17c: {  	v2 =	vld [tilespmem:s24+$0x10E40]  }
0x17d: {  	v3 =	vld [tilespmem:s24+$0x12E40]  }
0x17e: {  	v24 =	vld [tilespmem:s24+$0x14E40]  }
0x17f: {  	v25 =	vld [tilespmem:s24+$0x16E40]  }
0x180: {  	v6 =	vld [tilespmem:s24+$0x18E40]  }
0x181: {  	v26 =	vld [tilespmem:s24+$0x1AE40]  }
0x182: {  	v27 =	vld [tilespmem:s24+$0xEE50]  }
0x183: {  	v28 =	vld [tilespmem:s24+$0x10E50]  }
0x184: {  	v29 =	vld [tilespmem:s24+$0x12E50]  }
0x185: {  	v30 =	vld [tilespmem:s24+$0x14E50]  }
0x186: {  	v31 =	vld [tilespmem:s24+$0x16E50]  }
0x187: {  	v32 =	vld [tilespmem:s24+$0x18E50]  }
0x188: {  	v33 =	vld [tilespmem:s24+$0x1AE50]  }
0x189: {  	v34 =	vld [tilespmem:s24+$0xEE60]  }
0x18a: {  	v35 =	vld [tilespmem:s24+$0x10E60]  }
0x18b: {  	v37 =	vld [tilespmem:s24+$0x12E60]  }
0x18c: {  	v38 =	vld [tilespmem:s24+$0x14E60]  }
0x18d: {  	v39 =	vld [tilespmem:s24+$0x16E60]  }
0x18e: {  	v40 =	vld [tilespmem:s24+$0x18E60]  }
0x18f: {  	v41 =	vld [tilespmem:s24+$0x1AE60]  }
0x190: {  	v43 =	vld [tilespmem:s24+$0xEE70]  }
0x191: {  	v45 =	vld [tilespmem:s24+$0x10E70];
	v3 =	vsub.f32 v2, v3  }
0x192: {  	v46 =	vld [tilespmem:s24+$0x12E70];
	v4 =	vsub.f32 v2, v24;
	v2 =	vsub.f32 v2, v25  }
0x193: {  	v47 =	vld [tilespmem:s24+$0x14E70];
	v36 =	vsub.f32 v1, v6;
	v10 =	vsub.f32 v28, v29  }
0x194: {  	v49 =	vld [tilespmem:s24+$0x16E70];
	v11 =	vsub.f32 v28, v30;
	v9 =	vsub.f32 v28, v31  }
0x195: {  	s25 =	sadd.s32 $0x1, s23;
	v50 =	vld [tilespmem:s24+$0x18E70];
	v13 =	vsub.f32 v27, v32;
	v8 =	vsub.f32 v27, v33  }
0x196: {  	v53 =	vld [tilespmem:s24+$0x1AE70];
	s24 =	sand.u32 $0xF, s25;
	v6 =	vsub.f32 v35, v37;
	v7 =	vsub.f32 v35, v38  }
0x197: {  	v60 =	vor.u32 s24, v0;
	v48 =	vsub.f32 v35, v39;
	v12 =	vsub.f32 v34, v40  }
0x198: {  	v14 =	vsub.f32 v34, v41;
	v3 =	vmul.f32 v3, v1;
	v4 =	vmul.f32 v4, v4  }
0x199: {  	v56 =	vsub.f32 v45, v46;
	v2 =	vmul.f32 v2, v2;
	v5 =	vmul.f32 v36, v36  }
0x19a: {  	v57 =	vsub.f32 v45, v47;
	v10 =	vmul.f32 v10, v27;
	v42 =	vmul.f32 v11, v11  }
0x19b: {  	v1 =	vsub.f32 v1, v26;
	v9 =	vmul.f32 v9, v9;
	v44 =	vmul.f32 v13, v13  }
0x19c: {  	v58 =	vsub.f32 v45, v49;
	v8 =	vmul.f32 v8, v8;
	v6 =	vmul.f32 v6, v34  }
0x19d: {  	v59 =	vsub.f32 v43, v50;
	v51 =	vmul.f32 v7, v7;
	v1 =	vmul.f32 v1, v1  }
0x19e: {  	v52 =	vmul.f32 v48, v48;
	v3 =	vadd.f32 $0.0e+00, v3;
	v2 =	vsub.f32 v4, v2  }
0x19f: {  	v54 =	vmul.f32 v12, v12;
	v4 =	vsub.f32 v42, v9;
	v1 =	vsub.f32 v5, v1  }
0x1a0: {  	v55 =	vmul.f32 v14, v14;
	v3 =	vadd.f32 v10, v3;
	v5 =	vsub.f32 v44, v8  }
0x1a1: {  	v7 =	vmul.f32 v57, v57;
	v2 =	vadd.f32 v4, v2;
	v4 =	vsub.f32 v51, v52  }
0x1a2: {  	v61 =	vmul.f32 v59, v59;
	v10 =	vsub.f32 v43, v53;
	v1 =	vadd.f32 v5, v1  }
0x1a3: {  	v8 =	vmul.f32 v58, v58;
	v3 =	vadd.f32 v6, v3;
	v5 =	vsub.f32 v54, v55  }
0x1a4: {  	v6 =	vmul.f32 v56, v43;
	v2 =	vadd.f32 v4, v2;
	v62 =	vmul.f32 v10, v10  }
0x1a5: {  	p0 =	sne.s32 s24, $0xF;
	v63 =	vsub.f32 v7, v8;
	v1 =	vadd.f32 v5, v1  }
.Ltmp8:
0x1a6: {  	v3 =	vadd.f32 v6, v3;
	v4 =	vsub.f32 v61, v62;
	(pc) =	sbr.rel @p0 .LBB2_8-.Ltmp8, $4  }
0x1a7: {  	v2 =	vadd.f32 v63, v2  }
0x1a8: {  	v1 =	vadd.f32 v4, v1;
	[tilespmem:v60+s28+$0x0] =	vst.idx.msk $0xffff, v3  }
0x1a9: {  	[tilespmem:v60+s5+$0x0] =	vst.idx.msk $0xffff, v2  }
0x1aa: {  	[tilespmem:v60+s29+$0x0] =	vst.idx.msk $0xffff, v1  }
0x1ab: {  	v1 =	vld [tilespmem:$0x1CE00]  }
0x1ac: {  	v2 =	vld [tilespmem:$0x1CE10]  }
0x1ad: {  	v3 =	vld [tilespmem:$0x1CE20]  }
0x1ae: {  	v4 =	vld [tilespmem:$0x1CE30]  }
0x1af: {  	v5 =	vld [tilespmem:$0x1CE40]  }
0x1b0: {  	v6 =	vld [tilespmem:$0x1CE50]  }
0x1b1: {  	v7 =	vld [tilespmem:$0x1CE60]  }
0x1b2: {  	v8 =	vld [tilespmem:$0x1CE70]  }
0x1b3: {  	v9 =	vld [tilespmem:$0x1CE80]  }
0x1b4: {  	v10 =	vld [tilespmem:$0x1CE90]  }
0x1b5: {  	v11 =	vld [tilespmem:$0x1CEA0]  }
0x1b6: {  	v12 =	vld [tilespmem:$0x1CEB0]  }
0x1b7: {  	v13 =	vld [tilespmem:$0x1CEC0]  }
0x1b8: {  	v14 =	vld [tilespmem:$0x1CED0]  }
0x1b9: {  	v15 =	vld [tilespmem:$0x1CEE0]  }
0x1ba: {  	v16 =	vld [tilespmem:$0x1CEF0];
	_ =	sdelay $0x1  }
0x1bb: {  	v1 =	vadd.f32 v2, v1;
	v2 =	vadd.f32 v4, v3  }
0x1bc: {  	v3 =	vadd.f32 v6, v5;
	v20 =	vadd.f32 v8, v7  }
0x1bd: {  	v21 =	vadd.f32 v10, v9;
	v22 =	vadd.f32 v12, v11  }
0x1be: {  	v23 =	vadd.f32 v14, v13;
	v24 =	vadd.f32 v16, v15  }
0x1bf: {  	v1 =	vadd.f32 v2, v1;
	v2 =	vadd.f32 v20, v3  }
0x1c0: {  	v3 =	vadd.f32 v22, v21;
	v25 =	vadd.f32 v24, v23;
	_ =	sdelay $0x1  }
0x1c1: {  	v1 =	vadd.f32 v2, v1;
	v2 =	vadd.f32 v25, v3;
	_ =	sdelay $0x1  }
0x1c2: {  	v1 =	vadd.f32 v2, v1;
	_ =	sdelay $0x1  }
0x1c3: {  	[tilespmem:s13+$0x0] =	vst v1  }
0x1c4: {  	v1 =	vld [tilespmem:$0x1CF00]  }
0x1c5: {  	v2 =	vld [tilespmem:$0x1CF10]  }
0x1c6: {  	v3 =	vld [tilespmem:$0x1CF20]  }
0x1c7: {  	v26 =	vld [tilespmem:$0x1CF30]  }
0x1c8: {  	v27 =	vld [tilespmem:$0x1CF40]  }
0x1c9: {  	v28 =	vld [tilespmem:$0x1CF50]  }
0x1ca: {  	v29 =	vld [tilespmem:$0x1CF60]  }
0x1cb: {  	v30 =	vld [tilespmem:$0x1CF70]  }
0x1cc: {  	v31 =	vld [tilespmem:$0x1CF80]  }
0x1cd: {  	v32 =	vld [tilespmem:$0x1CF90]  }
0x1ce: {  	v33 =	vld [tilespmem:$0x1CFA0]  }
0x1cf: {  	v34 =	vld [tilespmem:$0x1CFB0]  }
0x1d0: {  	v35 =	vld [tilespmem:$0x1CFC0]  }
0x1d1: {  	v36 =	vld [tilespmem:$0x1CFD0]  }
0x1d2: {  	v37 =	vld [tilespmem:$0x1CFE0]  }
0x1d3: {  	v38 =	vld [tilespmem:$0x1CFF0];
	_ =	sdelay $0x1  }
0x1d4: {  	v1 =	vadd.f32 v2, v1;
	v2 =	vadd.f32 v26, v3  }
0x1d5: {  	v3 =	vadd.f32 v28, v27;
	v39 =	vadd.f32 v30, v29  }
0x1d6: {  	v40 =	vadd.f32 v32, v31;
	v41 =	vadd.f32 v34, v33  }
0x1d7: {  	v42 =	vadd.f32 v36, v35;
	v43 =	vadd.f32 v38, v37  }
0x1d8: {  	v1 =	vadd.f32 v2, v1;
	v2 =	vadd.f32 v39, v3  }
0x1d9: {  	v3 =	vadd.f32 v41, v40;
	v44 =	vadd.f32 v43, v42;
	_ =	sdelay $0x1  }
0x1da: {  	v1 =	vadd.f32 v2, v1;
	v2 =	vadd.f32 v44, v3;
	_ =	sdelay $0x1  }
0x1db: {  	v1 =	vadd.f32 v2, v1;
	_ =	sdelay $0x1  }
0x1dc: {  	[tilespmem:s14+$0x0] =	vst v1  }
0x1dd: {  	v1 =	vld [tilespmem:$0x1D000]  }
0x1de: {  	v2 =	vld [tilespmem:$0x1D010]  }
0x1df: {  	v3 =	vld [tilespmem:$0x1D020]  }
0x1e0: {  	v45 =	vld [tilespmem:$0x1D030]  }
0x1e1: {  	v46 =	vld [tilespmem:$0x1D040]  }
0x1e2: {  	v47 =	vld [tilespmem:$0x1D050]  }
0x1e3: {  	v48 =	vld [tilespmem:$0x1D060]  }
0x1e4: {  	v49 =	vld [tilespmem:$0x1D070]  }
0x1e5: {  	v50 =	vld [tilespmem:$0x1D080]  }
0x1e6: {  	v51 =	vld [tilespmem:$0x1D090]  }
0x1e7: {  	v52 =	vld [tilespmem:$0x1D0A0]  }
0x1e8: {  	v53 =	vld [tilespmem:$0x1D0B0]  }
0x1e9: {  	v54 =	vld [tilespmem:$0x1D0C0]  }
0x1ea: {  	v55 =	vld [tilespmem:$0x1D0D0]  }
0x1eb: {  	v56 =	vld [tilespmem:$0x1D0E0]  }
0x1ec: {  	v57 =	vld [tilespmem:$0x1D0F0];
	_ =	sdelay $0x1  }
0x1ed: {  	v1 =	vadd.f32 v2, v1;
	v2 =	vadd.f32 v45, v3  }
0x1ee: {  	v3 =	vadd.f32 v47, v46;
	v58 =	vadd.f32 v49, v48  }
0x1ef: {  	v59 =	vadd.f32 v51, v50;
	v60 =	vadd.f32 v53, v52  }
0x1f0: {  	v61 =	vadd.f32 v55, v54;
	v62 =	vadd.f32 v57, v56  }
0x1f1: {  	v1 =	vadd.f32 v2, v1;
	v2 =	vadd.f32 v58, v3  }
0x1f2: {  	v3 =	vadd.f32 v60, v59;
	v63 =	vadd.f32 v62, v61;
	_ =	sdelay $0x1  }
.Ltmp9:
0x1f3: {  	v1 =	vadd.f32 v2, v1;
	v2 =	vadd.f32 v63, v3;
	(pc) =	sbr.rel .LBB2_8-.Ltmp9, $3  }
0x1f4: {  	_ = 	snop  }
0x1f5: {  	v1 =	vadd.f32 v2, v1;
	_ =	sdelay $0x1  }
0x1f6: {  	[tilespmem:s20+$0x0] =	vst v1  }
.LBB2_9:
0x1f7: {  	_ =	swait.ge [sflag:s31], $0x2000  }
0x1f8: {  	[sflag:s31] =	ssyncset.done $0x0  }
0x1f9: {  	[sflag:s31] =	ssyncadd.s32 $0xFFFFE000  }
0x1fa: {  	_ =	swait.ge [sflag:s0], $0x2000  }
0x1fb: {  	[sflag:s0] =	ssyncset.done $0x0  }
0x1fc: {  	[sflag:s0] =	ssyncadd.s32 $0xFFFFE000  }
0x1fd: {  	_ =	swait.ge [sflag:s1], $0x2000  }
0x1fe: {  	[sflag:s1] =	ssyncset.done $0x0  }
0x1ff: {  	[sflag:s1] =	ssyncadd.s32 $0xFFFFE000  }
0x200: {  	_ =	swait.ge [sflag:s16], $0x2000  }
0x201: {  	[sflag:s16] =	ssyncset.done $0x0  }
0x202: {  	[sflag:s16] =	ssyncadd.s32 $0xFFFFE000  }
0x203: {  	_ =	swait.ge [sflag:s17], $0x2000  }
0x204: {  	[sflag:s17] =	ssyncset.done $0x0  }
0x205: {  	[sflag:s17] =	ssyncadd.s32 $0xFFFFE000  }
0x206: {  	_ =	swait.ge [sflag:s18], $0x2000  }
0x207: {  	[sflag:s18] =	ssyncset.done $0x0  }
0x208: {  	[sflag:s18] =	ssyncadd.s32 $0xFFFFE000  }
0x209: {  	_ =	swait.ge [sflag:s19], $0x2000  }
0x20a: {  	[sflag:s19] =	ssyncset.done $0x0  }
0x20b: {  	s13 =	simm.s32 $0x180;
	[sflag:s19] =	ssyncadd.s32 $0xFFFFE000  }
0x20c: {  	[tilespmem:s26], [sflag:$0x8] =	stream.indirect.gather [hbm4b:s3+s22], $0x40, s13, s22, $0xb8;
	[tilespmem:$0x1D700] =	vst v63  }
0x20d: {  	s24 =	simm.s32 $0x10E00;
	s14 =	simm.s32 $0x380  }
0x20e: {  	[tilespmem:s24], [sflag:$0x9] =	stream.indirect.gather [hbm4b:s3+s22], $0x40, s14, s22, $0xb8;
	[tilespmem:$0x1D700] =	vst v63  }
0x20f: {  	s25 =	simm.s32 $0x12E00;
	s26 =	simm.s32 $0x580  }
0x210: {  	[tilespmem:s25], [sflag:$0xA] =	stream.indirect.gather [hbm4b:s3+s22], $0x40, s26, s22, $0xb8;
	[tilespmem:$0x1D700] =	vst v63  }
0x211: {  	s20 =	simm.s32 $0x780;
	s14 =	simm.s32 $0x14E00  }
0x212: {  	[tilespmem:s14], [sflag:$0xB] =	stream.indirect.gather [hbm4b:s3+s22], $0x40, s20, s22, $0xb8;
	[tilespmem:$0x1D700] =	vst v63  }
0x213: {  	s21 =	simm.s32 $0x16E00;
	s23 =	simm.s32 $0x980  }
0x214: {  	[tilespmem:s21], [sflag:$0xC] =	stream.indirect.gather [hbm4b:s3+s22], $0x40, s23, s22, $0xb8;
	[tilespmem:$0x1D700] =	vst v63  }
.Ltmp10:
0x215: {  	s13 =	simm.s32 $0x1D1F2;
	s24 =	simm.s32 $0x18E00;
	(pc) =	sbr.rel .LBB2_10-.Ltmp10, $4  }
0x216: {  	s25 =	simm.s32 $0xB80;
	s26 =	simm.s32 $0xD80;
	s14 =	simm.s32 $0x1D3F2  }
0x217: {  	[tilespmem:s24], [sflag:$0xD] =	stream.indirect.gather [hbm4b:s3+s22], $0x40, s25, s22, $0xb8;
	[tilespmem:$0x1D700] =	vst v63  }
0x218: {  	s20 =	simm.s32 $0x1D5F2;
	s23 =	simm.s32 $0x0;
	s21 =	simm.s32 $0x0  }
0x219: {  	[tilespmem:s4], [sflag:$0xE] =	stream.indirect.gather [hbm4b:s3+s22], $0x40, s26, s22, $0xb8;
	[tilespmem:$0x1D700] =	vst v63  }
.LBB2_12:
0x21a: {  	p0 =	slt.u32 s23, $0x7E  }
.Ltmp11:
0x21b: {  	_ = 	snop;
	(pc) =	sbr.rel @!p0 .LBB2_13-.Ltmp11, $3  }
0x21c: {  	_ =	sdelay $0x1  }
0x21d: {  	s24 =	sadd.s32 $0x2, s23;
	s13 =	sadd.s32 $0x2, s13;
	s14 =	sadd.s32 $0x2, s14  }
0x21e: {  	s20 =	sadd.s32 $0x2, s20;
	s21 =	sadd.s32 $0x200, s21;
	s23 =	smov.u32 s24  }
.LBB2_10:
0x21f: {  	s24 =	sshra.s32 s21, $0x2  }
0x220: {  	v1 =	vld [tilespmem:s24+$0xE00]  }
0x221: {  	v2 =	vld [tilespmem:s24+$0x2E00]  }
0x222: {  	v3 =	vld [tilespmem:s24+$0x4E00]  }
0x223: {  	v4 =	vld [tilespmem:s24+$0x6E00]  }
0x224: {  	v5 =	vld [tilespmem:s24+$0x8E00]  }
0x225: {  	v6 =	vld [tilespmem:s24+$0xAE00]  }
0x226: {  	v8 =	vld [tilespmem:s24+$0xE10]  }
0x227: {  	v9 =	vld [tilespmem:s24+$0x2E10]  }
0x228: {  	v10 =	vld [tilespmem:s24+$0x4E10]  }
0x229: {  	v11 =	vld [tilespmem:s24+$0x6E10]  }
0x22a: {  	v12 =	vld [tilespmem:s24+$0x8E10]  }
0x22b: {  	v13 =	vld [tilespmem:s24+$0xAE10]  }
0x22c: {  	v15 =	vld [tilespmem:s24+$0xE20]  }
0x22d: {  	v16 =	vld [tilespmem:s24+$0x2E20]  }
0x22e: {  	v47 =	vld [tilespmem:s24+$0x4E20]  }
0x22f: {  	v17 =	vld [tilespmem:s24+$0x8E20]  }
0x230: {  	v49 =	vld [tilespmem:s24+$0xAE20]  }
0x231: {  	v52 =	vld [tilespmem:s24+$0xE30]  }
0x232: {  	v54 =	vld [tilespmem:s24+$0x2E30]  }
0x233: {  	v55 =	vld [tilespmem:s24+$0x4E30];
	v3 =	vsub.f32 v2, v3  }
0x234: {  	v58 =	vld [tilespmem:s24+$0x8E30];
	v4 =	vsub.f32 v2, v4;
	v2 =	vsub.f32 v2, v5  }
0x235: {  	v59 =	vld [tilespmem:s24+$0xAE30];
	v46 =	vsub.f32 v1, v6;
	v10 =	vsub.f32 v9, v10  }
0x236: {  	v7 =	vld [tilespmem:s24+$0xCE00];
	v11 =	vsub.f32 v9, v11;
	v9 =	vsub.f32 v9, v12  }
0x237: {  	v14 =	vld [tilespmem:s24+$0xCE10];
	v13 =	vsub.f32 v8, v13;
	v6 =	vsub.f32 v16, v47  }
0x238: {  	v48 =	vld [tilespmem:s24+$0x6E20];
	v57 =	vsub.f32 v16, v17;
	v12 =	vsub.f32 v15, v49  }
0x239: {  	v18 =	vmov s23;
	v50 =	vld [tilespmem:s24+$0xCE20];
	v19 =	vsub.f32 v54, v55;
	v20 =	vsub.f32 v54, v58  }
0x23a: {  	v21 =	vsub.f32 v52, v59;
	v3 =	vmul.f32 v3, v1;
	v4 =	vmul.f32 v4, v4  }
0x23b: {  	v1 =	vsub.f32 v1, v7;
	v2 =	vmul.f32 v2, v2;
	v5 =	vmul.f32 v46, v46  }
0x23c: {  	v10 =	vmul.f32 v10, v8;
	v8 =	vsub.f32 v8, v14;
	v51 =	vmul.f32 v11, v11  }
0x23d: {  	v9 =	vmul.f32 v9, v9;
	v53 =	vmul.f32 v13, v13;
	v7 =	vsub.f32 v16, v48  }
0x23e: {  	v6 =	vmul.f32 v6, v15;
	v14 =	vsub.f32 v15, v50;
	v61 =	vmul.f32 v57, v57  }
0x23f: {  	v56 =	vld [tilespmem:s24+$0x6E30];
	v63 =	vmul.f32 v12, v12;
	v22 =	vmul.f32 v21, v21;
	v3 =	vadd.f32 $0.0e+00, v3  }
0x240: {  	v62 =	vld [tilespmem:s24+$0xCE30];
	v1 =	vmul.f32 v1, v1;
	v2 =	vsub.f32 v4, v2;
	v8 =	vmul.f32 v8, v8  }
0x241: {  	v4 =	vsub.f32 v51, v9;
	v60 =	vmul.f32 v7, v7;
	v3 =	vadd.f32 v10, v3  }
0x242: {  	v17 =	vmul.f32 v14, v14;
	v1 =	vsub.f32 v5, v1;
	v5 =	vsub.f32 v53, v8  }
0x243: {  	v2 =	vadd.f32 v4, v2;
	v3 =	vadd.f32 v6, v3;
	v6 =	vand.u32 $0xE, v18  }
0x244: {  	v4 =	vsub.f32 v60, v61;
	v8 =	vsub.f32 v54, v56;
	v6 =	vbroadcast v6, $0x0  }
0x245: {  	v9 =	vmul.f32 v20, v20;
	v10 =	vsub.f32 v52, v62;
	v1 =	vadd.f32 v5, v1  }
0x246: {  	v5 =	vsub.f32 v63, v17;
	v8 =	vmul.f32 v8, v8;
	v6 =	vor.u32 v0, v6  }
0x247: {  	v7 =	vmul.f32 v19, v52;
	v2 =	vadd.f32 v4, v2;
	v10 =	vmul.f32 v10, v10  }
0x248: {  	v1 =	vadd.f32 v5, v1;
	v23 =	vsub.f32 v8, v9  }
0x249: {  	v3 =	vadd.f32 v7, v3;
	v4 =	vsub.f32 v22, v10  }
0x24a: {  	v2 =	vadd.f32 v23, v2  }
0x24b: {  	v1 =	vadd.f32 v4, v1;
	[tilespmem:v6+s28+$0x0] =	vst.idx.msk $0xffff, v3  }
0x24c: {  	[tilespmem:v6+s5+$0x0] =	vst.idx.msk $0xffff, v2  }
0x24d: {  	[tilespmem:v6+s29+$0x0] =	vst.idx.msk $0xffff, v1  }
0x24e: {  	v1 =	vld [tilespmem:s24+$0xE40]  }
0x24f: {  	v2 =	vld [tilespmem:s24+$0x2E40]  }
0x250: {  	v3 =	vld [tilespmem:s24+$0x4E40]  }
0x251: {  	v24 =	vld [tilespmem:s24+$0x6E40]  }
0x252: {  	v25 =	vld [tilespmem:s24+$0x8E40]  }
0x253: {  	v6 =	vld [tilespmem:s24+$0xAE40]  }
0x254: {  	v26 =	vld [tilespmem:s24+$0xCE40]  }
0x255: {  	v27 =	vld [tilespmem:s24+$0xE50]  }
0x256: {  	v28 =	vld [tilespmem:s24+$0x2E50]  }
0x257: {  	v29 =	vld [tilespmem:s24+$0x4E50]  }
0x258: {  	v30 =	vld [tilespmem:s24+$0x6E50]  }
0x259: {  	v31 =	vld [tilespmem:s24+$0x8E50]  }
0x25a: {  	v32 =	vld [tilespmem:s24+$0xAE50]  }
0x25b: {  	v33 =	vld [tilespmem:s24+$0xCE50]  }
0x25c: {  	v34 =	vld [tilespmem:s24+$0xE60]  }
0x25d: {  	v35 =	vld [tilespmem:s24+$0x2E60]  }
0x25e: {  	v37 =	vld [tilespmem:s24+$0x4E60]  }
0x25f: {  	v38 =	vld [tilespmem:s24+$0x6E60]  }
0x260: {  	v39 =	vld [tilespmem:s24+$0x8E60]  }
0x261: {  	v40 =	vld [tilespmem:s24+$0xAE60]  }
0x262: {  	v41 =	vld [tilespmem:s24+$0xCE60]  }
0x263: {  	v43 =	vld [tilespmem:s24+$0xE70]  }
0x264: {  	v45 =	vld [tilespmem:s24+$0x2E70];
	v3 =	vsub.f32 v2, v3  }
0x265: {  	v46 =	vld [tilespmem:s24+$0x4E70];
	v4 =	vsub.f32 v2, v24;
	v2 =	vsub.f32 v2, v25  }
0x266: {  	v47 =	vld [tilespmem:s24+$0x6E70];
	v36 =	vsub.f32 v1, v6;
	v10 =	vsub.f32 v28, v29  }
0x267: {  	v49 =	vld [tilespmem:s24+$0x8E70];
	v11 =	vsub.f32 v28, v30;
	v9 =	vsub.f32 v28, v31  }
0x268: {  	s26 =	sadd.s32 $0x1, s23;
	v50 =	vld [tilespmem:s24+$0xAE70];
	v13 =	vsub.f32 v27, v32;
	v8 =	vsub.f32 v27, v33  }
0x269: {  	v53 =	vld [tilespmem:s24+$0xCE70];
	s24 =	sand.u32 $0xF, s26;
	v6 =	vsub.f32 v35, v37;
	v7 =	vsub.f32 v35, v38  }
0x26a: {  	v60 =	vor.u32 s24, v0;
	v48 =	vsub.f32 v35, v39;
	v12 =	vsub.f32 v34, v40  }
0x26b: {  	v14 =	vsub.f32 v34, v41;
	v3 =	vmul.f32 v3, v1;
	v4 =	vmul.f32 v4, v4  }
0x26c: {  	v56 =	vsub.f32 v45, v46;
	v2 =	vmul.f32 v2, v2;
	v5 =	vmul.f32 v36, v36  }
0x26d: {  	v57 =	vsub.f32 v45, v47;
	v10 =	vmul.f32 v10, v27;
	v42 =	vmul.f32 v11, v11  }
0x26e: {  	v1 =	vsub.f32 v1, v26;
	v9 =	vmul.f32 v9, v9;
	v44 =	vmul.f32 v13, v13  }
0x26f: {  	v58 =	vsub.f32 v45, v49;
	v8 =	vmul.f32 v8, v8;
	v6 =	vmul.f32 v6, v34  }
0x270: {  	v59 =	vsub.f32 v43, v50;
	v51 =	vmul.f32 v7, v7;
	v1 =	vmul.f32 v1, v1  }
0x271: {  	v52 =	vmul.f32 v48, v48;
	v3 =	vadd.f32 $0.0e+00, v3;
	v2 =	vsub.f32 v4, v2  }
0x272: {  	v54 =	vmul.f32 v12, v12;
	v4 =	vsub.f32 v42, v9;
	v1 =	vsub.f32 v5, v1  }
0x273: {  	v55 =	vmul.f32 v14, v14;
	v3 =	vadd.f32 v10, v3;
	v5 =	vsub.f32 v44, v8  }
0x274: {  	v7 =	vmul.f32 v57, v57;
	v2 =	vadd.f32 v4, v2;
	v4 =	vsub.f32 v51, v52  }
0x275: {  	v61 =	vmul.f32 v59, v59;
	v10 =	vsub.f32 v43, v53;
	v1 =	vadd.f32 v5, v1  }
0x276: {  	v8 =	vmul.f32 v58, v58;
	v3 =	vadd.f32 v6, v3;
	v5 =	vsub.f32 v54, v55  }
0x277: {  	v6 =	vmul.f32 v56, v43;
	v2 =	vadd.f32 v4, v2;
	v62 =	vmul.f32 v10, v10  }
0x278: {  	p0 =	sne.s32 s24, $0xF;
	v63 =	vsub.f32 v7, v8;
	v1 =	vadd.f32 v5, v1  }
.Ltmp12:
0x279: {  	v3 =	vadd.f32 v6, v3;
	v4 =	vsub.f32 v61, v62;
	(pc) =	sbr.rel @p0 .LBB2_12-.Ltmp12, $4  }
0x27a: {  	v2 =	vadd.f32 v63, v2  }
0x27b: {  	v1 =	vadd.f32 v4, v1;
	[tilespmem:v60+s28+$0x0] =	vst.idx.msk $0xffff, v3  }
0x27c: {  	[tilespmem:v60+s5+$0x0] =	vst.idx.msk $0xffff, v2  }
0x27d: {  	[tilespmem:v60+s29+$0x0] =	vst.idx.msk $0xffff, v1  }
0x27e: {  	v1 =	vld [tilespmem:$0x1CE00]  }
0x27f: {  	v2 =	vld [tilespmem:$0x1CE10]  }
0x280: {  	v3 =	vld [tilespmem:$0x1CE20]  }
0x281: {  	v4 =	vld [tilespmem:$0x1CE30]  }
0x282: {  	v5 =	vld [tilespmem:$0x1CE40]  }
0x283: {  	v6 =	vld [tilespmem:$0x1CE50]  }
0x284: {  	v7 =	vld [tilespmem:$0x1CE60]  }
0x285: {  	v8 =	vld [tilespmem:$0x1CE70]  }
0x286: {  	v9 =	vld [tilespmem:$0x1CE80]  }
0x287: {  	v10 =	vld [tilespmem:$0x1CE90]  }
0x288: {  	v11 =	vld [tilespmem:$0x1CEA0]  }
0x289: {  	v12 =	vld [tilespmem:$0x1CEB0]  }
0x28a: {  	v13 =	vld [tilespmem:$0x1CEC0]  }
0x28b: {  	v14 =	vld [tilespmem:$0x1CED0]  }
0x28c: {  	v15 =	vld [tilespmem:$0x1CEE0]  }
0x28d: {  	v16 =	vld [tilespmem:$0x1CEF0];
	_ =	sdelay $0x1  }
0x28e: {  	v1 =	vadd.f32 v2, v1;
	v2 =	vadd.f32 v4, v3  }
0x28f: {  	v3 =	vadd.f32 v6, v5;
	v20 =	vadd.f32 v8, v7  }
0x290: {  	v21 =	vadd.f32 v10, v9;
	v22 =	vadd.f32 v12, v11  }
0x291: {  	v23 =	vadd.f32 v14, v13;
	v24 =	vadd.f32 v16, v15  }
0x292: {  	v1 =	vadd.f32 v2, v1;
	v2 =	vadd.f32 v20, v3  }
0x293: {  	v3 =	vadd.f32 v22, v21;
	v25 =	vadd.f32 v24, v23;
	_ =	sdelay $0x1  }
0x294: {  	v1 =	vadd.f32 v2, v1;
	v2 =	vadd.f32 v25, v3;
	_ =	sdelay $0x1  }
0x295: {  	v1 =	vadd.f32 v2, v1;
	_ =	sdelay $0x1  }
0x296: {  	[tilespmem:s13+$0x0] =	vst v1  }
0x297: {  	v1 =	vld [tilespmem:$0x1CF00]  }
0x298: {  	v2 =	vld [tilespmem:$0x1CF10]  }
0x299: {  	v3 =	vld [tilespmem:$0x1CF20]  }
0x29a: {  	v26 =	vld [tilespmem:$0x1CF30]  }
0x29b: {  	v27 =	vld [tilespmem:$0x1CF40]  }
0x29c: {  	v28 =	vld [tilespmem:$0x1CF50]  }
0x29d: {  	v29 =	vld [tilespmem:$0x1CF60]  }
0x29e: {  	v30 =	vld [tilespmem:$0x1CF70]  }
0x29f: {  	v31 =	vld [tilespmem:$0x1CF80]  }
0x2a0: {  	v32 =	vld [tilespmem:$0x1CF90]  }
0x2a1: {  	v33 =	vld [tilespmem:$0x1CFA0]  }
0x2a2: {  	v34 =	vld [tilespmem:$0x1CFB0]  }
0x2a3: {  	v35 =	vld [tilespmem:$0x1CFC0]  }
0x2a4: {  	v36 =	vld [tilespmem:$0x1CFD0]  }
0x2a5: {  	v37 =	vld [tilespmem:$0x1CFE0]  }
0x2a6: {  	v38 =	vld [tilespmem:$0x1CFF0];
	_ =	sdelay $0x1  }
0x2a7: {  	v1 =	vadd.f32 v2, v1;
	v2 =	vadd.f32 v26, v3  }
0x2a8: {  	v3 =	vadd.f32 v28, v27;
	v39 =	vadd.f32 v30, v29  }
0x2a9: {  	v40 =	vadd.f32 v32, v31;
	v41 =	vadd.f32 v34, v33  }
0x2aa: {  	v42 =	vadd.f32 v36, v35;
	v43 =	vadd.f32 v38, v37  }
0x2ab: {  	v1 =	vadd.f32 v2, v1;
	v2 =	vadd.f32 v39, v3  }
0x2ac: {  	v3 =	vadd.f32 v41, v40;
	v44 =	vadd.f32 v43, v42;
	_ =	sdelay $0x1  }
0x2ad: {  	v1 =	vadd.f32 v2, v1;
	v2 =	vadd.f32 v44, v3;
	_ =	sdelay $0x1  }
0x2ae: {  	v1 =	vadd.f32 v2, v1;
	_ =	sdelay $0x1  }
0x2af: {  	[tilespmem:s14+$0x0] =	vst v1  }
0x2b0: {  	v1 =	vld [tilespmem:$0x1D000]  }
0x2b1: {  	v2 =	vld [tilespmem:$0x1D010]  }
0x2b2: {  	v3 =	vld [tilespmem:$0x1D020]  }
0x2b3: {  	v45 =	vld [tilespmem:$0x1D030]  }
0x2b4: {  	v46 =	vld [tilespmem:$0x1D040]  }
0x2b5: {  	v47 =	vld [tilespmem:$0x1D050]  }
0x2b6: {  	v48 =	vld [tilespmem:$0x1D060]  }
0x2b7: {  	v49 =	vld [tilespmem:$0x1D070]  }
0x2b8: {  	v50 =	vld [tilespmem:$0x1D080]  }
0x2b9: {  	v51 =	vld [tilespmem:$0x1D090]  }
0x2ba: {  	v52 =	vld [tilespmem:$0x1D0A0]  }
0x2bb: {  	v53 =	vld [tilespmem:$0x1D0B0]  }
0x2bc: {  	v54 =	vld [tilespmem:$0x1D0C0]  }
0x2bd: {  	v55 =	vld [tilespmem:$0x1D0D0]  }
0x2be: {  	v56 =	vld [tilespmem:$0x1D0E0]  }
0x2bf: {  	v57 =	vld [tilespmem:$0x1D0F0];
	_ =	sdelay $0x1  }
0x2c0: {  	v1 =	vadd.f32 v2, v1;
	v2 =	vadd.f32 v45, v3  }
0x2c1: {  	v3 =	vadd.f32 v47, v46;
	v58 =	vadd.f32 v49, v48  }
0x2c2: {  	v59 =	vadd.f32 v51, v50;
	v60 =	vadd.f32 v53, v52  }
0x2c3: {  	v61 =	vadd.f32 v55, v54;
	v62 =	vadd.f32 v57, v56  }
0x2c4: {  	v1 =	vadd.f32 v2, v1;
	v2 =	vadd.f32 v58, v3  }
0x2c5: {  	v3 =	vadd.f32 v60, v59;
	v63 =	vadd.f32 v62, v61;
	_ =	sdelay $0x1  }
.Ltmp13:
0x2c6: {  	v1 =	vadd.f32 v2, v1;
	v2 =	vadd.f32 v63, v3;
	(pc) =	sbr.rel .LBB2_12-.Ltmp13, $3  }
0x2c7: {  	_ = 	snop  }
0x2c8: {  	v1 =	vadd.f32 v2, v1;
	_ =	sdelay $0x1  }
0x2c9: {  	[tilespmem:s20+$0x0] =	vst v1  }
.LBB2_13:
0x2ca: {  	_ =	swait.ge [sflag:s6], $0x2000  }
0x2cb: {  	[sflag:s6] =	ssyncset.done $0x0  }
0x2cc: {  	[sflag:s6] =	ssyncadd.s32 $0xFFFFE000  }
0x2cd: {  	_ =	swait.ge [sflag:s30], $0x2000  }
0x2ce: {  	[sflag:s30] =	ssyncset.done $0x0  }
0x2cf: {  	[sflag:s30] =	ssyncadd.s32 $0xFFFFE000  }
0x2d0: {  	_ =	swait.ge [sflag:s7], $0x2000  }
0x2d1: {  	[sflag:s7] =	ssyncset.done $0x0  }
0x2d2: {  	[sflag:s7] =	ssyncadd.s32 $0xFFFFE000  }
0x2d3: {  	_ =	swait.ge [sflag:s8], $0x2000  }
0x2d4: {  	[sflag:s8] =	ssyncset.done $0x0  }
0x2d5: {  	[sflag:s8] =	ssyncadd.s32 $0xFFFFE000  }
0x2d6: {  	_ =	swait.ge [sflag:s9], $0x2000  }
0x2d7: {  	[sflag:s9] =	ssyncset.done $0x0  }
0x2d8: {  	[sflag:s9] =	ssyncadd.s32 $0xFFFFE000  }
0x2d9: {  	_ =	swait.ge [sflag:s10], $0x2000  }
.Ltmp14:
0x2da: {  	[sflag:s10] =	ssyncset.done $0x0;
	(pc) =	sbr.rel .LBB2_14-.Ltmp14, $4  }
0x2db: {  	[sflag:s10] =	ssyncadd.s32 $0xFFFFE000  }
0x2dc: {  	s13 =	simm.s32 $0x1D272;
	_ =	swait.ge [sflag:s11], $0x2000  }
0x2dd: {  	s14 =	simm.s32 $0x1D472;
	s20 =	simm.s32 $0x1D672;
	[sflag:s11] =	ssyncset.done $0x0  }
0x2de: {  	s23 =	simm.s32 $0x0;
	s21 =	simm.s32 $0x0;
	[sflag:s11] =	ssyncadd.s32 $0xFFFFE000  }
.LBB2_16:
0x2df: {  	p0 =	slt.u32 s23, $0x7E  }
.Ltmp15:
0x2e0: {  	_ = 	snop;
	(pc) =	sbr.rel @!p0 .LBB2_17-.Ltmp15, $3  }
0x2e1: {  	_ =	sdelay $0x1  }
0x2e2: {  	s24 =	sadd.s32 $0x2, s23;
	s13 =	sadd.s32 $0x2, s13;
	s14 =	sadd.s32 $0x2, s14  }
0x2e3: {  	s20 =	sadd.s32 $0x2, s20;
	s21 =	sadd.s32 $0x200, s21;
	s23 =	smov.u32 s24  }
.LBB2_14:
0x2e4: {  	s24 =	sshra.s32 s21, $0x2  }
0x2e5: {  	v1 =	vld [tilespmem:s24+$0xEE00]  }
0x2e6: {  	v2 =	vld [tilespmem:s24+$0x10E00]  }
0x2e7: {  	v3 =	vld [tilespmem:s24+$0x12E00]  }
0x2e8: {  	v4 =	vld [tilespmem:s24+$0x14E00]  }
0x2e9: {  	v5 =	vld [tilespmem:s24+$0x16E00]  }
0x2ea: {  	v6 =	vld [tilespmem:s24+$0x18E00]  }
0x2eb: {  	v8 =	vld [tilespmem:s24+$0xEE10]  }
0x2ec: {  	v9 =	vld [tilespmem:s24+$0x10E10]  }
0x2ed: {  	v10 =	vld [tilespmem:s24+$0x12E10]  }
0x2ee: {  	v11 =	vld [tilespmem:s24+$0x14E10]  }
0x2ef: {  	v12 =	vld [tilespmem:s24+$0x16E10]  }
0x2f0: {  	v13 =	vld [tilespmem:s24+$0x18E10]  }
0x2f1: {  	v15 =	vld [tilespmem:s24+$0xEE20]  }
0x2f2: {  	v16 =	vld [tilespmem:s24+$0x10E20]  }
0x2f3: {  	v47 =	vld [tilespmem:s24+$0x12E20]  }
0x2f4: {  	v17 =	vld [tilespmem:s24+$0x16E20]  }
0x2f5: {  	v49 =	vld [tilespmem:s24+$0x18E20]  }
0x2f6: {  	v52 =	vld [tilespmem:s24+$0xEE30]  }
0x2f7: {  	v54 =	vld [tilespmem:s24+$0x10E30]  }
0x2f8: {  	v55 =	vld [tilespmem:s24+$0x12E30];
	v3 =	vsub.f32 v2, v3  }
0x2f9: {  	v58 =	vld [tilespmem:s24+$0x16E30];
	v4 =	vsub.f32 v2, v4;
	v2 =	vsub.f32 v2, v5  }
0x2fa: {  	v59 =	vld [tilespmem:s24+$0x18E30];
	v46 =	vsub.f32 v1, v6;
	v10 =	vsub.f32 v9, v10  }
0x2fb: {  	v7 =	vld [tilespmem:s24+$0x1AE00];
	v11 =	vsub.f32 v9, v11;
	v9 =	vsub.f32 v9, v12  }
0x2fc: {  	v14 =	vld [tilespmem:s24+$0x1AE10];
	v13 =	vsub.f32 v8, v13;
	v6 =	vsub.f32 v16, v47  }
0x2fd: {  	v48 =	vld [tilespmem:s24+$0x14E20];
	v57 =	vsub.f32 v16, v17;
	v12 =	vsub.f32 v15, v49  }
0x2fe: {  	v18 =	vmov s23;
	v50 =	vld [tilespmem:s24+$0x1AE20];
	v19 =	vsub.f32 v54, v55;
	v20 =	vsub.f32 v54, v58  }
0x2ff: {  	v21 =	vsub.f32 v52, v59;
	v3 =	vmul.f32 v3, v1;
	v4 =	vmul.f32 v4, v4  }
0x300: {  	v1 =	vsub.f32 v1, v7;
	v2 =	vmul.f32 v2, v2;
	v5 =	vmul.f32 v46, v46  }
0x301: {  	v10 =	vmul.f32 v10, v8;
	v8 =	vsub.f32 v8, v14;
	v51 =	vmul.f32 v11, v11  }
0x302: {  	v9 =	vmul.f32 v9, v9;
	v53 =	vmul.f32 v13, v13;
	v7 =	vsub.f32 v16, v48  }
0x303: {  	v6 =	vmul.f32 v6, v15;
	v14 =	vsub.f32 v15, v50;
	v61 =	vmul.f32 v57, v57  }
0x304: {  	v56 =	vld [tilespmem:s24+$0x14E30];
	v63 =	vmul.f32 v12, v12;
	v22 =	vmul.f32 v21, v21;
	v3 =	vadd.f32 $0.0e+00, v3  }
0x305: {  	v62 =	vld [tilespmem:s24+$0x1AE30];
	v1 =	vmul.f32 v1, v1;
	v2 =	vsub.f32 v4, v2;
	v8 =	vmul.f32 v8, v8  }
0x306: {  	v4 =	vsub.f32 v51, v9;
	v60 =	vmul.f32 v7, v7;
	v3 =	vadd.f32 v10, v3  }
0x307: {  	v17 =	vmul.f32 v14, v14;
	v1 =	vsub.f32 v5, v1;
	v5 =	vsub.f32 v53, v8  }
0x308: {  	v2 =	vadd.f32 v4, v2;
	v3 =	vadd.f32 v6, v3;
	v6 =	vand.u32 $0xE, v18  }
0x309: {  	v4 =	vsub.f32 v60, v61;
	v8 =	vsub.f32 v54, v56;
	v6 =	vbroadcast v6, $0x0  }
0x30a: {  	v9 =	vmul.f32 v20, v20;
	v10 =	vsub.f32 v52, v62;
	v1 =	vadd.f32 v5, v1  }
0x30b: {  	v5 =	vsub.f32 v63, v17;
	v8 =	vmul.f32 v8, v8;
	v6 =	vor.u32 v0, v6  }
0x30c: {  	v7 =	vmul.f32 v19, v52;
	v2 =	vadd.f32 v4, v2;
	v10 =	vmul.f32 v10, v10  }
0x30d: {  	v1 =	vadd.f32 v5, v1;
	v23 =	vsub.f32 v8, v9  }
0x30e: {  	v3 =	vadd.f32 v7, v3;
	v4 =	vsub.f32 v22, v10  }
0x30f: {  	v2 =	vadd.f32 v23, v2  }
0x310: {  	v1 =	vadd.f32 v4, v1;
	[tilespmem:v6+s28+$0x0] =	vst.idx.msk $0xffff, v3  }
0x311: {  	[tilespmem:v6+s5+$0x0] =	vst.idx.msk $0xffff, v2  }
0x312: {  	[tilespmem:v6+s29+$0x0] =	vst.idx.msk $0xffff, v1  }
0x313: {  	v1 =	vld [tilespmem:s24+$0xEE40]  }
0x314: {  	v2 =	vld [tilespmem:s24+$0x10E40]  }
0x315: {  	v3 =	vld [tilespmem:s24+$0x12E40]  }
0x316: {  	v24 =	vld [tilespmem:s24+$0x14E40]  }
0x317: {  	v25 =	vld [tilespmem:s24+$0x16E40]  }
0x318: {  	v6 =	vld [tilespmem:s24+$0x18E40]  }
0x319: {  	v26 =	vld [tilespmem:s24+$0x1AE40]  }
0x31a: {  	v27 =	vld [tilespmem:s24+$0xEE50]  }
0x31b: {  	v28 =	vld [tilespmem:s24+$0x10E50]  }
0x31c: {  	v29 =	vld [tilespmem:s24+$0x12E50]  }
0x31d: {  	v30 =	vld [tilespmem:s24+$0x14E50]  }
0x31e: {  	v31 =	vld [tilespmem:s24+$0x16E50]  }
0x31f: {  	v32 =	vld [tilespmem:s24+$0x18E50]  }
0x320: {  	v33 =	vld [tilespmem:s24+$0x1AE50]  }
0x321: {  	v34 =	vld [tilespmem:s24+$0xEE60]  }
0x322: {  	v35 =	vld [tilespmem:s24+$0x10E60]  }
0x323: {  	v37 =	vld [tilespmem:s24+$0x12E60]  }
0x324: {  	v38 =	vld [tilespmem:s24+$0x14E60]  }
0x325: {  	v39 =	vld [tilespmem:s24+$0x16E60]  }
0x326: {  	v40 =	vld [tilespmem:s24+$0x18E60]  }
0x327: {  	v41 =	vld [tilespmem:s24+$0x1AE60]  }
0x328: {  	v43 =	vld [tilespmem:s24+$0xEE70]  }
0x329: {  	v45 =	vld [tilespmem:s24+$0x10E70];
	v3 =	vsub.f32 v2, v3  }
0x32a: {  	v46 =	vld [tilespmem:s24+$0x12E70];
	v4 =	vsub.f32 v2, v24;
	v2 =	vsub.f32 v2, v25  }
0x32b: {  	v47 =	vld [tilespmem:s24+$0x14E70];
	v36 =	vsub.f32 v1, v6;
	v10 =	vsub.f32 v28, v29  }
0x32c: {  	v49 =	vld [tilespmem:s24+$0x16E70];
	v11 =	vsub.f32 v28, v30;
	v9 =	vsub.f32 v28, v31  }
0x32d: {  	s26 =	sadd.s32 $0x1, s23;
	v50 =	vld [tilespmem:s24+$0x18E70];
	v13 =	vsub.f32 v27, v32;
	v8 =	vsub.f32 v27, v33  }
0x32e: {  	v53 =	vld [tilespmem:s24+$0x1AE70];
	s24 =	sand.u32 $0xF, s26;
	v6 =	vsub.f32 v35, v37;
	v7 =	vsub.f32 v35, v38  }
0x32f: {  	v60 =	vor.u32 s24, v0;
	v48 =	vsub.f32 v35, v39;
	v12 =	vsub.f32 v34, v40  }
0x330: {  	v14 =	vsub.f32 v34, v41;
	v3 =	vmul.f32 v3, v1;
	v4 =	vmul.f32 v4, v4  }
0x331: {  	v56 =	vsub.f32 v45, v46;
	v2 =	vmul.f32 v2, v2;
	v5 =	vmul.f32 v36, v36  }
0x332: {  	v57 =	vsub.f32 v45, v47;
	v10 =	vmul.f32 v10, v27;
	v42 =	vmul.f32 v11, v11  }
0x333: {  	v1 =	vsub.f32 v1, v26;
	v9 =	vmul.f32 v9, v9;
	v44 =	vmul.f32 v13, v13  }
0x334: {  	v58 =	vsub.f32 v45, v49;
	v8 =	vmul.f32 v8, v8;
	v6 =	vmul.f32 v6, v34  }
0x335: {  	v59 =	vsub.f32 v43, v50;
	v51 =	vmul.f32 v7, v7;
	v1 =	vmul.f32 v1, v1  }
0x336: {  	v52 =	vmul.f32 v48, v48;
	v3 =	vadd.f32 $0.0e+00, v3;
	v2 =	vsub.f32 v4, v2  }
0x337: {  	v54 =	vmul.f32 v12, v12;
	v4 =	vsub.f32 v42, v9;
	v1 =	vsub.f32 v5, v1  }
0x338: {  	v55 =	vmul.f32 v14, v14;
	v3 =	vadd.f32 v10, v3;
	v5 =	vsub.f32 v44, v8  }
0x339: {  	v7 =	vmul.f32 v57, v57;
	v2 =	vadd.f32 v4, v2;
	v4 =	vsub.f32 v51, v52  }
0x33a: {  	v61 =	vmul.f32 v59, v59;
	v10 =	vsub.f32 v43, v53;
	v1 =	vadd.f32 v5, v1  }
0x33b: {  	v8 =	vmul.f32 v58, v58;
	v3 =	vadd.f32 v6, v3;
	v5 =	vsub.f32 v54, v55  }
0x33c: {  	v6 =	vmul.f32 v56, v43;
	v2 =	vadd.f32 v4, v2;
	v62 =	vmul.f32 v10, v10  }
0x33d: {  	p0 =	sne.s32 s24, $0xF;
	v63 =	vsub.f32 v7, v8;
	v1 =	vadd.f32 v5, v1  }
.Ltmp16:
0x33e: {  	v3 =	vadd.f32 v6, v3;
	v4 =	vsub.f32 v61, v62;
	(pc) =	sbr.rel @p0 .LBB2_16-.Ltmp16, $4  }
0x33f: {  	v2 =	vadd.f32 v63, v2  }
0x340: {  	v1 =	vadd.f32 v4, v1;
	[tilespmem:v60+s28+$0x0] =	vst.idx.msk $0xffff, v3  }
0x341: {  	[tilespmem:v60+s5+$0x0] =	vst.idx.msk $0xffff, v2  }
0x342: {  	[tilespmem:v60+s29+$0x0] =	vst.idx.msk $0xffff, v1  }
0x343: {  	v1 =	vld [tilespmem:$0x1CE00]  }
0x344: {  	v2 =	vld [tilespmem:$0x1CE10]  }
0x345: {  	v3 =	vld [tilespmem:$0x1CE20]  }
0x346: {  	v4 =	vld [tilespmem:$0x1CE30]  }
0x347: {  	v5 =	vld [tilespmem:$0x1CE40]  }
0x348: {  	v6 =	vld [tilespmem:$0x1CE50]  }
0x349: {  	v7 =	vld [tilespmem:$0x1CE60]  }
0x34a: {  	v8 =	vld [tilespmem:$0x1CE70]  }
0x34b: {  	v9 =	vld [tilespmem:$0x1CE80]  }
0x34c: {  	v10 =	vld [tilespmem:$0x1CE90]  }
0x34d: {  	v11 =	vld [tilespmem:$0x1CEA0]  }
0x34e: {  	v12 =	vld [tilespmem:$0x1CEB0]  }
0x34f: {  	v13 =	vld [tilespmem:$0x1CEC0]  }
0x350: {  	v14 =	vld [tilespmem:$0x1CED0]  }
0x351: {  	v15 =	vld [tilespmem:$0x1CEE0]  }
0x352: {  	v16 =	vld [tilespmem:$0x1CEF0];
	_ =	sdelay $0x1  }
0x353: {  	v1 =	vadd.f32 v2, v1;
	v2 =	vadd.f32 v4, v3  }
0x354: {  	v3 =	vadd.f32 v6, v5;
	v20 =	vadd.f32 v8, v7  }
0x355: {  	v21 =	vadd.f32 v10, v9;
	v22 =	vadd.f32 v12, v11  }
0x356: {  	v23 =	vadd.f32 v14, v13;
	v24 =	vadd.f32 v16, v15  }
0x357: {  	v1 =	vadd.f32 v2, v1;
	v2 =	vadd.f32 v20, v3  }
0x358: {  	v3 =	vadd.f32 v22, v21;
	v25 =	vadd.f32 v24, v23;
	_ =	sdelay $0x1  }
0x359: {  	v1 =	vadd.f32 v2, v1;
	v2 =	vadd.f32 v25, v3;
	_ =	sdelay $0x1  }
0x35a: {  	v1 =	vadd.f32 v2, v1;
	_ =	sdelay $0x1  }
0x35b: {  	[tilespmem:s13+$0x0] =	vst v1  }
0x35c: {  	v1 =	vld [tilespmem:$0x1CF00]  }
0x35d: {  	v2 =	vld [tilespmem:$0x1CF10]  }
0x35e: {  	v3 =	vld [tilespmem:$0x1CF20]  }
0x35f: {  	v26 =	vld [tilespmem:$0x1CF30]  }
0x360: {  	v27 =	vld [tilespmem:$0x1CF40]  }
0x361: {  	v28 =	vld [tilespmem:$0x1CF50]  }
0x362: {  	v29 =	vld [tilespmem:$0x1CF60]  }
0x363: {  	v30 =	vld [tilespmem:$0x1CF70]  }
0x364: {  	v31 =	vld [tilespmem:$0x1CF80]  }
0x365: {  	v32 =	vld [tilespmem:$0x1CF90]  }
0x366: {  	v33 =	vld [tilespmem:$0x1CFA0]  }
0x367: {  	v34 =	vld [tilespmem:$0x1CFB0]  }
0x368: {  	v35 =	vld [tilespmem:$0x1CFC0]  }
0x369: {  	v36 =	vld [tilespmem:$0x1CFD0]  }
0x36a: {  	v37 =	vld [tilespmem:$0x1CFE0]  }
0x36b: {  	v38 =	vld [tilespmem:$0x1CFF0];
	_ =	sdelay $0x1  }
0x36c: {  	v1 =	vadd.f32 v2, v1;
	v2 =	vadd.f32 v26, v3  }
0x36d: {  	v3 =	vadd.f32 v28, v27;
	v39 =	vadd.f32 v30, v29  }
0x36e: {  	v40 =	vadd.f32 v32, v31;
	v41 =	vadd.f32 v34, v33  }
0x36f: {  	v42 =	vadd.f32 v36, v35;
	v43 =	vadd.f32 v38, v37  }
0x370: {  	v1 =	vadd.f32 v2, v1;
	v2 =	vadd.f32 v39, v3  }
0x371: {  	v3 =	vadd.f32 v41, v40;
	v44 =	vadd.f32 v43, v42;
	_ =	sdelay $0x1  }
0x372: {  	v1 =	vadd.f32 v2, v1;
	v2 =	vadd.f32 v44, v3;
	_ =	sdelay $0x1  }
0x373: {  	v1 =	vadd.f32 v2, v1;
	_ =	sdelay $0x1  }
0x374: {  	[tilespmem:s14+$0x0] =	vst v1  }
0x375: {  	v1 =	vld [tilespmem:$0x1D000]  }
0x376: {  	v2 =	vld [tilespmem:$0x1D010]  }
0x377: {  	v3 =	vld [tilespmem:$0x1D020]  }
0x378: {  	v45 =	vld [tilespmem:$0x1D030]  }
0x379: {  	v46 =	vld [tilespmem:$0x1D040]  }
0x37a: {  	v47 =	vld [tilespmem:$0x1D050]  }
0x37b: {  	v48 =	vld [tilespmem:$0x1D060]  }
0x37c: {  	v49 =	vld [tilespmem:$0x1D070]  }
0x37d: {  	v50 =	vld [tilespmem:$0x1D080]  }
0x37e: {  	v51 =	vld [tilespmem:$0x1D090]  }
0x37f: {  	v52 =	vld [tilespmem:$0x1D0A0]  }
0x380: {  	v53 =	vld [tilespmem:$0x1D0B0]  }
0x381: {  	v54 =	vld [tilespmem:$0x1D0C0]  }
0x382: {  	v55 =	vld [tilespmem:$0x1D0D0]  }
0x383: {  	v56 =	vld [tilespmem:$0x1D0E0]  }
0x384: {  	v57 =	vld [tilespmem:$0x1D0F0];
	_ =	sdelay $0x1  }
0x385: {  	v1 =	vadd.f32 v2, v1;
	v2 =	vadd.f32 v45, v3  }
0x386: {  	v3 =	vadd.f32 v47, v46;
	v58 =	vadd.f32 v49, v48  }
0x387: {  	v59 =	vadd.f32 v51, v50;
	v60 =	vadd.f32 v53, v52  }
0x388: {  	v61 =	vadd.f32 v55, v54;
	v62 =	vadd.f32 v57, v56  }
0x389: {  	v1 =	vadd.f32 v2, v1;
	v2 =	vadd.f32 v58, v3  }
0x38a: {  	v3 =	vadd.f32 v60, v59;
	v63 =	vadd.f32 v62, v61;
	_ =	sdelay $0x1  }
.Ltmp17:
0x38b: {  	v1 =	vadd.f32 v2, v1;
	v2 =	vadd.f32 v63, v3;
	(pc) =	sbr.rel .LBB2_16-.Ltmp17, $3  }
0x38c: {  	_ = 	snop  }
0x38d: {  	v1 =	vadd.f32 v2, v1;
	_ =	sdelay $0x1  }
0x38e: {  	[tilespmem:s20+$0x0] =	vst v1  }
.LBB2_18:
0x38f: {  	_ =	sfence.sel $0x180000  }
0x390: {  	[bflag:$0x0] =	sbarrier.arrive $0xFFFF  }
0x391: {  	_ =	strace $0x90000047  }
0x392: {  	s0 =	stileid.u32;
	[bflag:$0x2] =	sbarrier.arrive $0xFFFF  }
0x393: {  	p0 =	sne.s32 s0, $0x0;
	s0 =	rddreg [dreg:$0x1]  }
0x394: {  	s0 =	sadd.s32 @!p0 $0x100000, s0  }
0x395: {  	[sflag:s0] =	ssyncadd.tile.s32 @!p0 $0x1;
	_ =	shalt  }
.Lfunc_end2:
_tile_overlayer_lowered:
.L_overlay_start_2:
0x396: {  	(tag) =	ssettag $0x2  }
0x397: {  	s0 =	rddreg [dreg:$0x0];
	s2 =	stileid.u32  }
0x398: {  	s1 =	rddreg [dreg:$0x1];
	p0 =	sne.s32 s2, $0x0  }
0x399: {  	s3 =	rddreg [dreg:$0x2];
	[bflag:$0x3] =	sbarrier.arrive $0xFFFF;
	s2 =	simm.s32 @!p0 $0x1C0F  }
0x39a: {  	[timem:s3], [sflag:s2] =	dma.local @!p0 [hbm:s0], s1  }
0x39b: {  	s0 =	simm.s32 @!p0 $0xF  }
0x39c: {  	_ =	swait.ge @!p0 [sflag:s0], s1  }
0x39d: {  	s1 =	ssub.s32 @!p0 $0x0, s1;
	[sflag:s0] =	ssyncset.done @!p0 $0x0  }
0x39e: {  	[sflag:s0] =	ssyncadd.s32 @!p0 s1  }
0x39f: {  	[bflag:$0x3] =	sbarrier.arrive $0xFFFF  }
0x3a0: {  	_ =	shalt  }

</sc_bundles>
